<compile_context>
chip_gen: v7x
topology: tpu7x:2x2x1
jax: 0.10.2.dev20260603
libtpu: 0.0.44.dev20260713+nightly
codegen_flags: <defaults>
</compile_context>

<pallas_src>
import functools

import jax
import jax.numpy as jnp
from jax import lax
from jax.experimental import pallas as pl
from jax.experimental.pallas import tpu as pltpu
from jax.experimental.pallas import tpu_sc as plsc

_CHUNK = 16
_RING = 7
_LANES = 16


def _sc_body(total_rows, rows_per_batch, n_workers,
             emb_ref, anchor_ref, out_ref, bufs, anchor_v,
             load_sems, store_sems, anchor_sem):
    rows_per_w = total_rows // n_workers
    n = rows_per_w // _CHUNK
    D = anchor_v.shape[-1]

    wid = lax.axis_index("s") * 2 + lax.axis_index("c")
    base = wid * rows_per_w
    owns_anchor = (base % rows_per_batch) == 0

    acp = pltpu.make_async_copy(anchor_ref, anchor_v, anchor_sem)
    acp.start()
    loads = {}
    stores = {}
    for i in range(min(_RING, n)):
        loads[i] = pltpu.make_async_copy(
            emb_ref.at[pl.ds(base + i * _CHUNK, _CHUNK), :],
            bufs.at[i % _RING],
            load_sems.at[i % _RING],
        )
        loads[i].start()
    acp.wait()
    for i in range(n):
        loads[i].wait()
        if i == 0:
            @pl.when(owns_anchor)
            def _():
                for t in range(D // _LANES):
                    bufs[0, 0, pl.ds(t * _LANES, _LANES)] = (
                        anchor_v[0, pl.ds(t * _LANES, _LANES)]
                    )
        stores[i] = pltpu.make_async_copy(
            bufs.at[i % _RING],
            out_ref.at[pl.ds(base + i * _CHUNK, _CHUNK), :],
            store_sems.at[i % _RING],
        )
        stores[i].start()
        nxt = i + _RING
        if nxt < n:
            stores[i].wait()
            loads[nxt] = pltpu.make_async_copy(
                emb_ref.at[pl.ds(base + nxt * _CHUNK, _CHUNK), :],
                bufs.at[nxt % _RING],
                load_sems.at[nxt % _RING],
            )
            loads[nxt].start()
    for i in range(max(0, n - _RING), n):
        stores[i].wait()


def kernel(token_embeddings, style_anchor):
    B, S, D = token_embeddings.shape
    info = plsc.get_sparse_core_info()
    n_workers = info.num_cores * info.num_subcores
    flat = token_embeddings.reshape(B * S, D)
    mesh = plsc.VectorSubcoreMesh(core_axis_name="c", subcore_axis_name="s")
    fn = pl.kernel(
        functools.partial(_sc_body, B * S, S, n_workers),
        mesh=mesh,
        out_type=jax.ShapeDtypeStruct(flat.shape, flat.dtype),
        scratch_types=[
            pltpu.VMEM((_RING, _CHUNK, D), flat.dtype),
            pltpu.VMEM((1, D), flat.dtype),
            pltpu.SemaphoreType.DMA((_RING,)),
            pltpu.SemaphoreType.DMA((_RING,)),
            pltpu.SemaphoreType.DMA,
        ],
    )
    out = fn(flat, style_anchor)
    return out.reshape(B, S, D)

# --- scband reference (transcript-rebuilt; emitter-appended) ---
"""Pipeline reference for scband-direct-style-anchor-31791347925493 (READ-ONLY COPY).

The authoritative reference and input builder live on the scoring server;
editing this copy changes nothing except your own understanding.
"""

import jax, jax.numpy as jnp
import numpy as np


def setup_inputs(seed: int = 0) -> dict:
    key = jax.random.key(seed)
    k1, k2 = jax.random.split(key)
    token_embeddings = jax.random.normal(k1, (4, 4096, 1024), dtype=jnp.float32)
    # learned parameter: style anchor, init as randn * 0.02 like the torch module
    style_anchor = jax.random.normal(k2, (1, 1024), dtype=jnp.float32) * 0.02
    return {"token_embeddings": token_embeddings, "style_anchor": style_anchor}


def reference(token_embeddings, style_anchor):
    # torch: token_embeddings[:, 0] = self.style_anchor  (in-place scatter-overwrite)
    # jax functional equivalent: .at[:, 0, :].set with broadcasting [1, D] -> [B, D]
    out = token_embeddings.at[:, 0, :].set(style_anchor)
    return out

if __name__ == "__main__":
    import jax
    _d = setup_inputs()
    print(jax.jit(kernel)(*tuple(_d.values())))

</pallas_src>

<mosaic_0001>
#map = affine_map<(d0, d1) -> (0, 0)>
module attributes {stable_mosaic.version = 14 : i64} {
  func.func @_sc_body(%arg0: i32, %arg1: i32, %arg2: memref<16384x1024xf32, #tpu.memory_space<hbm>>, %arg3: memref<1x1024xf32, #tpu.memory_space<hbm>>, %arg4: memref<16384x1024xf32, #tpu.memory_space<hbm>>, %arg5: memref<7x16x1024xf32, #tpu.memory_space<vmem>>, %arg6: memref<1x1024xf32, #tpu.memory_space<vmem>>, %arg7: memref<7x!tpu.dma_semaphore, #tpu.memory_space<semaphore_mem>>, %arg8: memref<7x!tpu.dma_semaphore, #tpu.memory_space<semaphore_mem>>, %arg9: memref<!tpu.dma_semaphore, #tpu.memory_space<semaphore_mem>>) attributes {dimension_semantics = [#tpu.dimension_semantics<core_parallel>, #tpu.dimension_semantics<subcore_parallel>], iteration_bounds = array<i64: 2, 16>, scalar_prefetch = 0 : i64, scratch_operands = 5 : i64, tpu.core_type = #tpu.core_type<sc_vector_subcore>, window_params = [{transform_indices = #map}, {transform_indices = #map}, {transform_indices = #map}]} {
    %mul3A = arith.constant 2 : i32
    %mul3A_0 = arith.muli %arg1, %mul3A : i32
    %add3A = arith.addi %mul3A_0, %arg0 : i32
    %mul3A_1 = arith.constant 512 : i32
    %mul3A_2 = arith.muli %add3A, %mul3A_1 : i32
    %jit3A = arith.constant 4096 : i32
    %eq3A = arith.constant 0 : i32
    %eq3A_3 = arith.cmpi eq, %jit3A, %eq3A : i32
    %jit3A_4 = arith.constant 1 : i32
    %select_n3A = arith.select %eq3A_3, %jit3A_4, %jit3A : i32
    %rem3A = arith.remsi %mul3A_2, %select_n3A : i32
    %ne3A = arith.constant 0 : i32
    %ne3A_5 = arith.cmpi ne, %rem3A, %ne3A : i32
    %lt3A = arith.constant 0 : i32
    %lt3A_6 = arith.cmpi slt, %rem3A, %lt3A : i32
    %lt3A_7 = arith.constant 0 : i32
    %lt3A_8 = arith.cmpi slt, %select_n3A, %lt3A_7 : i32
    %ne3A_9 = arith.xori %lt3A_6, %lt3A_8 : i1
    %and3A = arith.andi %ne3A_9, %ne3A_5 : i1
    %add3A_10 = arith.addi %rem3A, %select_n3A : i32
    %select_n3A_11 = arith.select %and3A, %add3A_10, %rem3A : i32
    %eq3A_12 = arith.constant 0 : i32
    %eq3A_13 = arith.cmpi eq, %select_n3A_11, %eq3A_12 : i32
    tpu.enqueue_dma source(%arg3 : memref<1x1024xf32, #tpu.memory_space<hbm>>) target(%arg6 : memref<1x1024xf32, #tpu.memory_space<vmem>>) target_semaphore(%arg9 : memref<!tpu.dma_semaphore, #tpu.memory_space<semaphore_mem>>)
    %add3A_14 = arith.constant 0 : i32
    %add3A_15 = arith.addi %mul3A_2, %add3A_14 : i32
    %dma_start3A = arith.constant 0 : i32
    %dma_start3A_16 = arith.constant 0 : i32
    %dma_start3A_17 = arith.constant 0 : i32
    %dma_start3A_18 = arith.constant 0 : i32
    %dma_start3A_19 = tpu.memref_slice %arg5[%dma_start3A, %dma_start3A_17, %dma_start3A_18] : memref<7x16x1024xf32, #tpu.memory_space<vmem>> -> memref<1x16x1024xf32, #tpu.memory_space<vmem>>
    %dma_start3A_20 = tpu.memref_squeeze %dma_start3A_19 : memref<1x16x1024xf32, #tpu.memory_space<vmem>> -> memref<16x1024xf32, #tpu.memory_space<vmem>>
    %dma_start3A_21 = arith.constant 0 : i32
    %dma_start3A_22 = tpu.memref_slice %arg2[%add3A_15, %dma_start3A_21] : memref<16384x1024xf32, #tpu.memory_space<hbm>> -> memref<16x1024xf32, #tpu.memory_space<hbm>>
    %dma_start3A_23 = tpu.memref_slice %arg7[%dma_start3A_16] : memref<7x!tpu.dma_semaphore, #tpu.memory_space<semaphore_mem>> -> memref<1x!tpu.dma_semaphore, #tpu.memory_space<semaphore_mem>>
    %dma_start3A_24 = tpu.memref_squeeze %dma_start3A_23 : memref<1x!tpu.dma_semaphore, #tpu.memory_space<semaphore_mem>> -> memref<!tpu.dma_semaphore, #tpu.memory_space<semaphore_mem>>
    %dma_start3A_25 = arith.constant 0 : i32
    %dma_start3A_26 = arith.constant 0 : i32
    %dma_start3A_27 = tpu.memref_slice %arg5[%dma_start3A, %dma_start3A_25, %dma_start3A_26] : memref<7x16x1024xf32, #tpu.memory_space<vmem>> -> memref<1x16x1024xf32, #tpu.memory_space<vmem>>
    %dma_start3A_28 = tpu.memref_squeeze %dma_start3A_27 : memref<1x16x1024xf32, #tpu.memory_space<vmem>> -> memref<16x1024xf32, #tpu.memory_space<vmem>>
    %dma_start3A_29 = arith.constant 0 : i32
    %dma_start3A_30 = tpu.memref_slice %arg2[%add3A_15, %dma_start3A_29] : memref<16384x1024xf32, #tpu.memory_space<hbm>> -> memref<16x1024xf32, #tpu.memory_space<hbm>>
    tpu.enqueue_dma source(%dma_start3A_30 : memref<16x1024xf32, #tpu.memory_space<hbm>>) target(%dma_start3A_28 : memref<16x1024xf32, #tpu.memory_space<vmem>>) target_semaphore(%dma_start3A_24 : memref<!tpu.dma_semaphore, #tpu.memory_space<semaphore_mem>>)
    %add3A_31 = arith.constant 16 : i32
    %add3A_32 = arith.addi %mul3A_2, %add3A_31 : i32
    %dma_start3A_33 = arith.constant 1 : i32
    %dma_start3A_34 = arith.constant 1 : i32
    %dma_start3A_35 = arith.constant 0 : i32
    %dma_start3A_36 = arith.constant 0 : i32
    %dma_start3A_37 = tpu.memref_slice %arg5[%dma_start3A_33, %dma_start3A_35, %dma_start3A_36] : memref<7x16x1024xf32, #tpu.memory_space<vmem>> -> memref<1x16x1024xf32, #tpu.memory_space<vmem>>
    %dma_start3A_38 = tpu.memref_squeeze %dma_start3A_37 : memref<1x16x1024xf32, #tpu.memory_space<vmem>> -> memref<16x1024xf32, #tpu.memory_space<vmem>>
    %dma_start3A_39 = arith.constant 0 : i32
    %dma_start3A_40 = tpu.memref_slice %arg2[%add3A_32, %dma_start3A_39] : memref<16384x1024xf32, #tpu.memory_space<hbm>> -> memref<16x1024xf32, #tpu.memory_space<hbm>>
    %dma_start3A_41 = tpu.memref_slice %arg7[%dma_start3A_34] : memref<7x!tpu.dma_semaphore, #tpu.memory_space<semaphore_mem>> -> memref<1x!tpu.dma_semaphore, #tpu.memory_space<semaphore_mem>>
    %dma_start3A_42 = tpu.memref_squeeze %dma_start3A_41 : memref<1x!tpu.dma_semaphore, #tpu.memory_space<semaphore_mem>> -> memref<!tpu.dma_semaphore, #tpu.memory_space<semaphore_mem>>
    %dma_start3A_43 = arith.constant 0 : i32
    %dma_start3A_44 = arith.constant 0 : i32
    %dma_start3A_45 = tpu.memref_slice %arg5[%dma_start3A_33, %dma_start3A_43, %dma_start3A_44] : memref<7x16x1024xf32, #tpu.memory_space<vmem>> -> memref<1x16x1024xf32, #tpu.memory_space<vmem>>
    %dma_start3A_46 = tpu.memref_squeeze %dma_start3A_45 : memref<1x16x1024xf32, #tpu.memory_space<vmem>> -> memref<16x1024xf32, #tpu.memory_space<vmem>>
    %dma_start3A_47 = arith.constant 0 : i32
    %dma_start3A_48 = tpu.memref_slice %arg2[%add3A_32, %dma_start3A_47] : memref<16384x1024xf32, #tpu.memory_space<hbm>> -> memref<16x1024xf32, #tpu.memory_space<hbm>>
    tpu.enqueue_dma source(%dma_start3A_48 : memref<16x1024xf32, #tpu.memory_space<hbm>>) target(%dma_start3A_46 : memref<16x1024xf32, #tpu.memory_space<vmem>>) target_semaphore(%dma_start3A_42 : memref<!tpu.dma_semaphore, #tpu.memory_space<semaphore_mem>>)
    %add3A_49 = arith.constant 32 : i32
    %add3A_50 = arith.addi %mul3A_2, %add3A_49 : i32
    %dma_start3A_51 = arith.constant 2 : i32
    %dma_start3A_52 = arith.constant 2 : i32
    %dma_start3A_53 = arith.constant 0 : i32
    %dma_start3A_54 = arith.constant 0 : i32
    %dma_start3A_55 = tpu.memref_slice %arg5[%dma_start3A_51, %dma_start3A_53, %dma_start3A_54] : memref<7x16x1024xf32, #tpu.memory_space<vmem>> -> memref<1x16x1024xf32, #tpu.memory_space<vmem>>
    %dma_start3A_56 = tpu.memref_squeeze %dma_start3A_55 : memref<1x16x1024xf32, #tpu.memory_space<vmem>> -> memref<16x1024xf32, #tpu.memory_space<vmem>>
    %dma_start3A_57 = arith.constant 0 : i32
    %dma_start3A_58 = tpu.memref_slice %arg2[%add3A_50, %dma_start3A_57] : memref<16384x1024xf32, #tpu.memory_space<hbm>> -> memref<16x1024xf32, #tpu.memory_space<hbm>>
    %dma_start3A_59 = tpu.memref_slice %arg7[%dma_start3A_52] : memref<7x!tpu.dma_semaphore, #tpu.memory_space<semaphore_mem>> -> memref<1x!tpu.dma_semaphore, #tpu.memory_space<semaphore_mem>>
    %dma_start3A_60 = tpu.memref_squeeze %dma_start3A_59 : memref<1x!tpu.dma_semaphore, #tpu.memory_space<semaphore_mem>> -> memref<!tpu.dma_semaphore, #tpu.memory_space<semaphore_mem>>
    %dma_start3A_61 = arith.constant 0 : i32
    %dma_start3A_62 = arith.constant 0 : i32
    %dma_start3A_63 = tpu.memref_slice %arg5[%dma_start3A_51, %dma_start3A_61, %dma_start3A_62] : memref<7x16x1024xf32, #tpu.memory_space<vmem>> -> memref<1x16x1024xf32, #tpu.memory_space<vmem>>
    %dma_start3A_64 = tpu.memref_squeeze %dma_start3A_63 : memref<1x16x1024xf32, #tpu.memory_space<vmem>> -> memref<16x1024xf32, #tpu.memory_space<vmem>>
    %dma_start3A_65 = arith.constant 0 : i32
    %dma_start3A_66 = tpu.memref_slice %arg2[%add3A_50, %dma_start3A_65] : memref<16384x1024xf32, #tpu.memory_space<hbm>> -> memref<16x1024xf32, #tpu.memory_space<hbm>>
    tpu.enqueue_dma source(%dma_start3A_66 : memref<16x1024xf32, #tpu.memory_space<hbm>>) target(%dma_start3A_64 : memref<16x1024xf32, #tpu.memory_space<vmem>>) target_semaphore(%dma_start3A_60 : memref<!tpu.dma_semaphore, #tpu.memory_space<semaphore_mem>>)
    %add3A_67 = arith.constant 48 : i32
    %add3A_68 = arith.addi %mul3A_2, %add3A_67 : i32
    %dma_start3A_69 = arith.constant 3 : i32
    %dma_start3A_70 = arith.constant 3 : i32
    %dma_start3A_71 = arith.constant 0 : i32
    %dma_start3A_72 = arith.constant 0 : i32
    %dma_start3A_73 = tpu.memref_slice %arg5[%dma_start3A_69, %dma_start3A_71, %dma_start3A_72] : memref<7x16x1024xf32, #tpu.memory_space<vmem>> -> memref<1x16x1024xf32, #tpu.memory_space<vmem>>
    %dma_start3A_74 = tpu.memref_squeeze %dma_start3A_73 : memref<1x16x1024xf32, #tpu.memory_space<vmem>> -> memref<16x1024xf32, #tpu.memory_space<vmem>>
    %dma_start3A_75 = arith.constant 0 : i32
    %dma_start3A_76 = tpu.memref_slice %arg2[%add3A_68, %dma_start3A_75] : memref<16384x1024xf32, #tpu.memory_space<hbm>> -> memref<16x1024xf32, #tpu.memory_space<hbm>>
    %dma_start3A_77 = tpu.memref_slice %arg7[%dma_start3A_70] : memref<7x!tpu.dma_semaphore, #tpu.memory_space<semaphore_mem>> -> memref<1x!tpu.dma_semaphore, #tpu.memory_space<semaphore_mem>>
    %dma_start3A_78 = tpu.memref_squeeze %dma_start3A_77 : memref<1x!tpu.dma_semaphore, #tpu.memory_space<semaphore_mem>> -> memref<!tpu.dma_semaphore, #tpu.memory_space<semaphore_mem>>
    %dma_start3A_79 = arith.constant 0 : i32
    %dma_start3A_80 = arith.constant 0 : i32
    %dma_start3A_81 = tpu.memref_slice %arg5[%dma_start3A_69, %dma_start3A_79, %dma_start3A_80] : memref<7x16x1024xf32, #tpu.memory_space<vmem>> -> memref<1x16x1024xf32, #tpu.memory_space<vmem>>
    %dma_start3A_82 = tpu.memref_squeeze %dma_start3A_81 : memref<1x16x1024xf32, #tpu.memory_space<vmem>> -> memref<16x1024xf32, #tpu.memory_space<vmem>>
    %dma_start3A_83 = arith.constant 0 : i32
    %dma_start3A_84 = tpu.memref_slice %arg2[%add3A_68, %dma_start3A_83] : memref<16384x1024xf32, #tpu.memory_space<hbm>> -> memref<16x1024xf32, #tpu.memory_space<hbm>>
    tpu.enqueue_dma source(%dma_start3A_84 : memref<16x1024xf32, #tpu.memory_space<hbm>>) target(%dma_start3A_82 : memref<16x1024xf32, #tpu.memory_space<vmem>>) target_semaphore(%dma_start3A_78 : memref<!tpu.dma_semaphore, #tpu.memory_space<semaphore_mem>>)
    %add3A_85 = arith.constant 64 : i32
    %add3A_86 = arith.addi %mul3A_2, %add3A_85 : i32
    %dma_start3A_87 = arith.constant 4 : i32
    %dma_start3A_88 = arith.constant 4 : i32
    %dma_start3A_89 = arith.constant 0 : i32
    %dma_start3A_90 = arith.constant 0 : i32
    %dma_start3A_91 = tpu.memref_slice %arg5[%dma_start3A_87, %dma_start3A_89, %dma_start3A_90] : memref<7x16x1024xf32, #tpu.memory_space<vmem>> -> memref<1x16x1024xf32, #tpu.memory_space<vmem>>
    %dma_start3A_92 = tpu.memref_squeeze %dma_start3A_91 : memref<1x16x1024xf32, #tpu.memory_space<vmem>> -> memref<16x1024xf32, #tpu.memory_space<vmem>>
    %dma_start3A_93 = arith.constant 0 : i32
    %dma_start3A_94 = tpu.memref_slice %arg2[%add3A_86, %dma_start3A_93] : memref<16384x1024xf32, #tpu.memory_space<hbm>> -> memref<16x1024xf32, #tpu.memory_space<hbm>>
    %dma_start3A_95 = tpu.memref_slice %arg7[%dma_start3A_88] : memref<7x!tpu.dma_semaphore, #tpu.memory_space<semaphore_mem>> -> memref<1x!tpu.dma_semaphore, #tpu.memory_space<semaphore_mem>>
    %dma_start3A_96 = tpu.memref_squeeze %dma_start3A_95 : memref<1x!tpu.dma_semaphore, #tpu.memory_space<semaphore_mem>> -> memref<!tpu.dma_semaphore, #tpu.memory_space<semaphore_mem>>
    %dma_start3A_97 = arith.constant 0 : i32
    %dma_start3A_98 = arith.constant 0 : i32
    %dma_start3A_99 = tpu.memref_slice %arg5[%dma_start3A_87, %dma_start3A_97, %dma_start3A_98] : memref<7x16x1024xf32, #tpu.memory_space<vmem>> -> memref<1x16x1024xf32, #tpu.memory_space<vmem>>
    %dma_start3A_100 = tpu.memref_squeeze %dma_start3A_99 : memref<1x16x1024xf32, #tpu.memory_space<vmem>> -> memref<16x1024xf32, #tpu.memory_space<vmem>>
    %dma_start3A_101 = arith.constant 0 : i32
    %dma_start3A_102 = tpu.memref_slice %arg2[%add3A_86, %dma_start3A_101] : memref<16384x1024xf32, #tpu.memory_space<hbm>> -> memref<16x1024xf32, #tpu.memory_space<hbm>>
    tpu.enqueue_dma source(%dma_start3A_102 : memref<16x1024xf32, #tpu.memory_space<hbm>>) target(%dma_start3A_100 : memref<16x1024xf32, #tpu.memory_space<vmem>>) target_semaphore(%dma_start3A_96 : memref<!tpu.dma_semaphore, #tpu.memory_space<semaphore_mem>>)
    %add3A_103 = arith.constant 80 : i32
    %add3A_104 = arith.addi %mul3A_2, %add3A_103 : i32
    %dma_start3A_105 = arith.constant 5 : i32
    %dma_start3A_106 = arith.constant 5 : i32
    %dma_start3A_107 = arith.constant 0 : i32
    %dma_start3A_108 = arith.constant 0 : i32
    %dma_start3A_109 = tpu.memref_slice %arg5[%dma_start3A_105, %dma_start3A_107, %dma_start3A_108] : memref<7x16x1024xf32, #tpu.memory_space<vmem>> -> memref<1x16x1024xf32, #tpu.memory_space<vmem>>
    %dma_start3A_110 = tpu.memref_squeeze %dma_start3A_109 : memref<1x16x1024xf32, #tpu.memory_space<vmem>> -> memref<16x1024xf32, #tpu.memory_space<vmem>>
    %dma_start3A_111 = arith.constant 0 : i32
    %dma_start3A_112 = tpu.memref_slice %arg2[%add3A_104, %dma_start3A_111] : memref<16384x1024xf32, #tpu.memory_space<hbm>> -> memref<16x1024xf32, #tpu.memory_space<hbm>>
    %dma_start3A_113 = tpu.memref_slice %arg7[%dma_start3A_106] : memref<7x!tpu.dma_semaphore, #tpu.memory_space<semaphore_mem>> -> memref<1x!tpu.dma_semaphore, #tpu.memory_space<semaphore_mem>>
    %dma_start3A_114 = tpu.memref_squeeze %dma_start3A_113 : memref<1x!tpu.dma_semaphore, #tpu.memory_space<semaphore_mem>> -> memref<!tpu.dma_semaphore, #tpu.memory_space<semaphore_mem>>
    %dma_start3A_115 = arith.constant 0 : i32
    %dma_start3A_116 = arith.constant 0 : i32
    %dma_start3A_117 = tpu.memref_slice %arg5[%dma_start3A_105, %dma_start3A_115, %dma_start3A_116] : memref<7x16x1024xf32, #tpu.memory_space<vmem>> -> memref<1x16x1024xf32, #tpu.memory_space<vmem>>
    %dma_start3A_118 = tpu.memref_squeeze %dma_start3A_117 : memref<1x16x1024xf32, #tpu.memory_space<vmem>> -> memref<16x1024xf32, #tpu.memory_space<vmem>>
    %dma_start3A_119 = arith.constant 0 : i32
    %dma_start3A_120 = tpu.memref_slice %arg2[%add3A_104, %dma_start3A_119] : memref<16384x1024xf32, #tpu.memory_space<hbm>> -> memref<16x1024xf32, #tpu.memory_space<hbm>>
    tpu.enqueue_dma source(%dma_start3A_120 : memref<16x1024xf32, #tpu.memory_space<hbm>>) target(%dma_start3A_118 : memref<16x1024xf32, #tpu.memory_space<vmem>>) target_semaphore(%dma_start3A_114 : memref<!tpu.dma_semaphore, #tpu.memory_space<semaphore_mem>>)
    %add3A_121 = arith.constant 96 : i32
    %add3A_122 = arith.addi %mul3A_2, %add3A_121 : i32
    %dma_start3A_123 = arith.constant 6 : i32
    %dma_start3A_124 = arith.constant 6 : i32
    %dma_start3A_125 = arith.constant 0 : i32
    %dma_start3A_126 = arith.constant 0 : i32
    %dma_start3A_127 = tpu.memref_slice %arg5[%dma_start3A_123, %dma_start3A_125, %dma_start3A_126] : memref<7x16x1024xf32, #tpu.memory_space<vmem>> -> memref<1x16x1024xf32, #tpu.memory_space<vmem>>
    %dma_start3A_128 = tpu.memref_squeeze %dma_start3A_127 : memref<1x16x1024xf32, #tpu.memory_space<vmem>> -> memref<16x1024xf32, #tpu.memory_space<vmem>>
    %dma_start3A_129 = arith.constant 0 : i32
    %dma_start3A_130 = tpu.memref_slice %arg2[%add3A_122, %dma_start3A_129] : memref<16384x1024xf32, #tpu.memory_space<hbm>> -> memref<16x1024xf32, #tpu.memory_space<hbm>>
    %dma_start3A_131 = tpu.memref_slice %arg7[%dma_start3A_124] : memref<7x!tpu.dma_semaphore, #tpu.memory_space<semaphore_mem>> -> memref<1x!tpu.dma_semaphore, #tpu.memory_space<semaphore_mem>>
    %dma_start3A_132 = tpu.memref_squeeze %dma_start3A_131 : memref<1x!tpu.dma_semaphore, #tpu.memory_space<semaphore_mem>> -> memref<!tpu.dma_semaphore, #tpu.memory_space<semaphore_mem>>
    %dma_start3A_133 = arith.constant 0 : i32
    %dma_start3A_134 = arith.constant 0 : i32
    %dma_start3A_135 = tpu.memref_slice %arg5[%dma_start3A_123, %dma_start3A_133, %dma_start3A_134] : memref<7x16x1024xf32, #tpu.memory_space<vmem>> -> memref<1x16x1024xf32, #tpu.memory_space<vmem>>
    %dma_start3A_136 = tpu.memref_squeeze %dma_start3A_135 : memref<1x16x1024xf32, #tpu.memory_space<vmem>> -> memref<16x1024xf32, #tpu.memory_space<vmem>>
    %dma_start3A_137 = arith.constant 0 : i32
    %dma_start3A_138 = tpu.memref_slice %arg2[%add3A_122, %dma_start3A_137] : memref<16384x1024xf32, #tpu.memory_space<hbm>> -> memref<16x1024xf32, #tpu.memory_space<hbm>>
    tpu.enqueue_dma source(%dma_start3A_138 : memref<16x1024xf32, #tpu.memory_space<hbm>>) target(%dma_start3A_136 : memref<16x1024xf32, #tpu.memory_space<vmem>>) target_semaphore(%dma_start3A_132 : memref<!tpu.dma_semaphore, #tpu.memory_space<semaphore_mem>>)
    tpu.wait_dma2 semaphore(%arg9 : memref<!tpu.dma_semaphore, #tpu.memory_space<semaphore_mem>>) src(%arg3 : memref<1x1024xf32, #tpu.memory_space<hbm>>) dst(%arg6 : memref<1x1024xf32, #tpu.memory_space<vmem>>)
    %dma_wait3A = arith.constant 0 : i32
    %dma_wait3A_139 = arith.constant 0 : i32
    %dma_wait3A_140 = arith.constant 0 : i32
    %dma_wait3A_141 = arith.constant 0 : i32
    %dma_wait3A_142 = tpu.memref_slice %arg5[%dma_wait3A, %dma_wait3A_140, %dma_wait3A_141] : memref<7x16x1024xf32, #tpu.memory_space<vmem>> -> memref<1x16x1024xf32, #tpu.memory_space<vmem>>
    %dma_wait3A_143 = tpu.memref_squeeze %dma_wait3A_142 : memref<1x16x1024xf32, #tpu.memory_space<vmem>> -> memref<16x1024xf32, #tpu.memory_space<vmem>>
    %dma_wait3A_144 = arith.constant 0 : i32
    %dma_wait3A_145 = tpu.memref_slice %arg2[%add3A_15, %dma_wait3A_144] : memref<16384x1024xf32, #tpu.memory_space<hbm>> -> memref<16x1024xf32, #tpu.memory_space<hbm>>
    %dma_wait3A_146 = tpu.memref_slice %arg7[%dma_wait3A_139] : memref<7x!tpu.dma_semaphore, #tpu.memory_space<semaphore_mem>> -> memref<1x!tpu.dma_semaphore, #tpu.memory_space<semaphore_mem>>
    %dma_wait3A_147 = tpu.memref_squeeze %dma_wait3A_146 : memref<1x!tpu.dma_semaphore, #tpu.memory_space<semaphore_mem>> -> memref<!tpu.dma_semaphore, #tpu.memory_space<semaphore_mem>>
    %dma_wait3A_148 = arith.constant 0 : i32
    %dma_wait3A_149 = arith.constant 0 : i32
    %dma_wait3A_150 = tpu.memref_slice %arg5[%dma_wait3A, %dma_wait3A_148, %dma_wait3A_149] : memref<7x16x1024xf32, #tpu.memory_space<vmem>> -> memref<1x16x1024xf32, #tpu.memory_space<vmem>>
    %dma_wait3A_151 = tpu.memref_squeeze %dma_wait3A_150 : memref<1x16x1024xf32, #tpu.memory_space<vmem>> -> memref<16x1024xf32, #tpu.memory_space<vmem>>
    %dma_wait3A_152 = arith.constant 0 : i32
    %dma_wait3A_153 = tpu.memref_slice %arg2[%add3A_15, %dma_wait3A_152] : memref<16384x1024xf32, #tpu.memory_space<hbm>> -> memref<16x1024xf32, #tpu.memory_space<hbm>>
    tpu.wait_dma2 semaphore(%dma_wait3A_147 : memref<!tpu.dma_semaphore, #tpu.memory_space<semaphore_mem>>) src(%dma_wait3A_153 : memref<16x1024xf32, #tpu.memory_space<hbm>>) dst(%dma_wait3A_151 : memref<16x1024xf32, #tpu.memory_space<vmem>>)
    %convert_element_type3A = arith.extui %eq3A_13 : i1 to i32
    %cond3A = arith.constant 0 : i32
    %cond3A_154 = arith.cmpi ne, %convert_element_type3A, %cond3A : i32
    scf.if %cond3A_154 {
      %get3A = arith.constant 0 : i32
      %get3A_2189 = arith.index_cast %get3A : i32 to index
      %get3A_2190 = arith.constant 0 : index
      %get3A_2191 = tpu.vector_load %arg6[%get3A_2189, %get3A_2190] {strides = array<i32>} : memref<1x1024xf32, #tpu.memory_space<vmem>>, vector<1x16xf32>,
      %get3A_2192 = vector.shape_cast %get3A_2191 : vector<1x16xf32> to vector<16xf32>
      %swap3A = arith.constant 0 : i32
      %swap3A_2193 = arith.constant 0 : i32
      %swap3A_2194 = arith.index_cast %swap3A : i32 to index
      %swap3A_2195 = arith.index_cast %swap3A_2193 : i32 to index
      %swap3A_2196 = arith.constant 0 : index
      %swap3A_2197 = tpu.vector_load %arg5[%swap3A_2194, %swap3A_2195, %swap3A_2196] {strides = array<i32>} : memref<7x16x1024xf32, #tpu.memory_space<vmem>>, vector<1x1x16xf32>,
      %swap3A_2198 = vector.shape_cast %swap3A_2197 : vector<1x1x16xf32> to vector<16xf32>
      %swap3A_2199 = vector.shape_cast %get3A_2192 : vector<16xf32> to vector<1x1x16xf32>
      tpu.vector_store %arg5[%swap3A_2194, %swap3A_2195, %swap3A_2196], %swap3A_2199 {strides = array<i32>} : memref<7x16x1024xf32, #tpu.memory_space<vmem>>, vector<1x1x16xf32>,
      %get3A_2200 = arith.constant 0 : i32
      %get3A_2201 = arith.index_cast %get3A_2200 : i32 to index
      %get3A_2202 = arith.constant 16 : index
      %get3A_2203 = tpu.vector_load %arg6[%get3A_2201, %get3A_2202] {strides = array<i32>} : memref<1x1024xf32, #tpu.memory_space<vmem>>, vector<1x16xf32>,
      %get3A_2204 = vector.shape_cast %get3A_2203 : vector<1x16xf32> to vector<16xf32>
      %swap3A_2205 = arith.constant 0 : i32
      %swap3A_2206 = arith.constant 0 : i32
      %swap3A_2207 = arith.index_cast %swap3A_2205 : i32 to index
      %swap3A_2208 = arith.index_cast %swap3A_2206 : i32 to index
      %swap3A_2209 = arith.constant 16 : index
      %swap3A_2210 = tpu.vector_load %arg5[%swap3A_2207, %swap3A_2208, %swap3A_2209] {strides = array<i32>} : memref<7x16x1024xf32, #tpu.memory_space<vmem>>, vector<1x1x16xf32>,
      %swap3A_2211 = vector.shape_cast %swap3A_2210 : vector<1x1x16xf32> to vector<16xf32>
      %swap3A_2212 = vector.shape_cast %get3A_2204 : vector<16xf32> to vector<1x1x16xf32>
      tpu.vector_store %arg5[%swap3A_2207, %swap3A_2208, %swap3A_2209], %swap3A_2212 {strides = array<i32>} : memref<7x16x1024xf32, #tpu.memory_space<vmem>>, vector<1x1x16xf32>,
      %get3A_2213 = arith.constant 0 : i32
      %get3A_2214 = arith.index_cast %get3A_2213 : i32 to index
      %get3A_2215 = arith.constant 32 : index
      %get3A_2216 = tpu.vector_load %arg6[%get3A_2214, %get3A_2215] {strides = array<i32>} : memref<1x1024xf32, #tpu.memory_space<vmem>>, vector<1x16xf32>,
      %get3A_2217 = vector.shape_cast %get3A_2216 : vector<1x16xf32> to vector<16xf32>
      %swap3A_2218 = arith.constant 0 : i32
      %swap3A_2219 = arith.constant 0 : i32
      %swap3A_2220 = arith.index_cast %swap3A_2218 : i32 to index
      %swap3A_2221 = arith.index_cast %swap3A_2219 : i32 to index
      %swap3A_2222 = arith.constant 32 : index
      %swap3A_2223 = tpu.vector_load %arg5[%swap3A_2220, %swap3A_2221, %swap3A_2222] {strides = array<i32>} : memref<7x16x1024xf32, #tpu.memory_space<vmem>>, vector<1x1x16xf32>,
      %swap3A_2224 = vector.shape_cast %swap3A_2223 : vector<1x1x16xf32> to vector<16xf32>
      %swap3A_2225 = vector.shape_cast %get3A_2217 : vector<16xf32> to vector<1x1x16xf32>
      tpu.vector_store %arg5[%swap3A_2220, %swap3A_2221, %swap3A_2222], %swap3A_2225 {strides = array<i32>} : memref<7x16x1024xf32, #tpu.memory_space<vmem>>, vector<1x1x16xf32>,
      %get3A_2226 = arith.constant 0 : i32
      %get3A_2227 = arith.index_cast %get3A_2226 : i32 to index
      %get3A_2228 = arith.constant 48 : index
      %get3A_2229 = tpu.vector_load %arg6[%get3A_2227, %get3A_2228] {strides = array<i32>} : memref<1x1024xf32, #tpu.memory_space<vmem>>, vector<1x16xf32>,
      %get3A_2230 = vector.shape_cast %get3A_2229 : vector<1x16xf32> to vector<16xf32>
      %swap3A_2231 = arith.constant 0 : i32
      %swap3A_2232 = arith.constant 0 : i32
      %swap3A_2233 = arith.index_cast %swap3A_2231 : i32 to index
      %swap3A_2234 = arith.index_cast %swap3A_2232 : i32 to index
      %swap3A_2235 = arith.constant 48 : index
      %swap3A_2236 = tpu.vector_load %arg5[%swap3A_2233, %swap3A_2234, %swap3A_2235] {strides = array<i32>} : memref<7x16x1024xf32, #tpu.memory_space<vmem>>, vector<1x1x16xf32>,
      %swap3A_2237 = vector.shape_cast %swap3A_2236 : vector<1x1x16xf32> to vector<16xf32>
      %swap3A_2238 = vector.shape_cast %get3A_2230 : vector<16xf32> to vector<1x1x16xf32>
      tpu.vector_store %arg5[%swap3A_2233, %swap3A_2234, %swap3A_2235], %swap3A_2238 {strides = array<i32>} : memref<7x16x1024xf32, #tpu.memory_space<vmem>>, vector<1x1x16xf32>,
      %get3A_2239 = arith.constant 0 : i32
      %get3A_2240 = arith.index_cast %get3A_2239 : i32 to index
      %get3A_2241 = arith.constant 64 : index
      %get3A_2242 = tpu.vector_load %arg6[%get3A_2240, %get3A_2241] {strides = array<i32>} : memref<1x1024xf32, #tpu.memory_space<vmem>>, vector<1x16xf32>,
      %get3A_2243 = vector.shape_cast %get3A_2242 : vector<1x16xf32> to vector<16xf32>
      %swap3A_2244 = arith.constant 0 : i32
      %swap3A_2245 = arith.constant 0 : i32
      %swap3A_2246 = arith.index_cast %swap3A_2244 : i32 to index
      %swap3A_2247 = arith.index_cast %swap3A_2245 : i32 to index
      %swap3A_2248 = arith.constant 64 : index
      %swap3A_2249 = tpu.vector_load %arg5[%swap3A_2246, %swap3A_2247, %swap3A_2248] {strides = array<i32>} : memref<7x16x1024xf32, #tpu.memory_space<vmem>>, vector<1x1x16xf32>,
      %swap3A_2250 = vector.shape_cast %swap3A_2249 : vector<1x1x16xf32> to vector<16xf32>
      %swap3A_2251 = vector.shape_cast %get3A_2243 : vector<16xf32> to vector<1x1x16xf32>
      tpu.vector_store %arg5[%swap3A_2246, %swap3A_2247, %swap3A_2248], %swap3A_2251 {strides = array<i32>} : memref<7x16x1024xf32, #tpu.memory_space<vmem>>, vector<1x1x16xf32>,
      %get3A_2252 = arith.constant 0 : i32
      %get3A_2253 = arith.index_cast %get3A_2252 : i32 to index
      %get3A_2254 = arith.constant 80 : index
      %get3A_2255 = tpu.vector_load %arg6[%get3A_2253, %get3A_2254] {strides = array<i32>} : memref<1x1024xf32, #tpu.memory_space<vmem>>, vector<1x16xf32>,
      %get3A_2256 = vector.shape_cast %get3A_2255 : vector<1x16xf32> to vector<16xf32>
      %swap3A_2257 = arith.constant 0 : i32
      %swap3A_2258 = arith.constant 0 : i32
      %swap3A_2259 = arith.index_cast %swap3A_2257 : i32 to index
      %swap3A_2260 = arith.index_cast %swap3A_2258 : i32 to index
      %swap3A_2261 = arith.constant 80 : index
      %swap3A_2262 = tpu.vector_load %arg5[%swap3A_2259, %swap3A_2260, %swap3A_2261] {strides = array<i32>} : memref<7x16x1024xf32, #tpu.memory_space<vmem>>, vector<1x1x16xf32>,
      %swap3A_2263 = vector.shape_cast %swap3A_2262 : vector<1x1x16xf32> to vector<16xf32>
      %swap3A_2264 = vector.shape_cast %get3A_2256 : vector<16xf32> to vector<1x1x16xf32>
      tpu.vector_store %arg5[%swap3A_2259, %swap3A_2260, %swap3A_2261], %swap3A_2264 {strides = array<i32>} : memref<7x16x1024xf32, #tpu.memory_space<vmem>>, vector<1x1x16xf32>,
      %get3A_2265 = arith.constant 0 : i32
      %get3A_2266 = arith.index_cast %get3A_2265 : i32 to index
      %get3A_2267 = arith.constant 96 : index
      %get3A_2268 = tpu.vector_load %arg6[%get3A_2266, %get3A_2267] {strides = array<i32>} : memref<1x1024xf32, #tpu.memory_space<vmem>>, vector<1x16xf32>,
      %get3A_2269 = vector.shape_cast %get3A_2268 : vector<1x16xf32> to vector<16xf32>
      %swap3A_2270 = arith.constant 0 : i32
      %swap3A_2271 = arith.constant 0 : i32
      %swap3A_2272 = arith.index_cast %swap3A_2270 : i32 to index
      %swap3A_2273 = arith.index_cast %swap3A_2271 : i32 to index
      %swap3A_2274 = arith.constant 96 : index
      %swap3A_2275 = tpu.vector_load %arg5[%swap3A_2272, %swap3A_2273, %swap3A_2274] {strides = array<i32>} : memref<7x16x1024xf32, #tpu.memory_space<vmem>>, vector<1x1x16xf32>,
      %swap3A_2276 = vector.shape_cast %swap3A_2275 : vector<1x1x16xf32> to vector<16xf32>
      %swap3A_2277 = vector.shape_cast %get3A_2269 : vector<16xf32> to vector<1x1x16xf32>
      tpu.vector_store %arg5[%swap3A_2272, %swap3A_2273, %swap3A_2274], %swap3A_2277 {strides = array<i32>} : memref<7x16x1024xf32, #tpu.memory_space<vmem>>, vector<1x1x16xf32>,
      %get3A_2278 = arith.constant 0 : i32
      %get3A_2279 = arith.index_cast %get3A_2278 : i32 to index
      %get3A_2280 = arith.constant 112 : index
      %get3A_2281 = tpu.vector_load %arg6[%get3A_2279, %get3A_2280] {strides = array<i32>} : memref<1x1024xf32, #tpu.memory_space<vmem>>, vector<1x16xf32>,
      %get3A_2282 = vector.shape_cast %get3A_2281 : vector<1x16xf32> to vector<16xf32>
      %swap3A_2283 = arith.constant 0 : i32
      %swap3A_2284 = arith.constant 0 : i32
      %swap3A_2285 = arith.index_cast %swap3A_2283 : i32 to index
      %swap3A_2286 = arith.index_cast %swap3A_2284 : i32 to index
      %swap3A_2287 = arith.constant 112 : index
      %swap3A_2288 = tpu.vector_load %arg5[%swap3A_2285, %swap3A_2286, %swap3A_2287] {strides = array<i32>} : memref<7x16x1024xf32, #tpu.memory_space<vmem>>, vector<1x1x16xf32>,
      %swap3A_2289 = vector.shape_cast %swap3A_2288 : vector<1x1x16xf32> to vector<16xf32>
      %swap3A_2290 = vector.shape_cast %get3A_2282 : vector<16xf32> to vector<1x1x16xf32>
      tpu.vector_store %arg5[%swap3A_2285, %swap3A_2286, %swap3A_2287], %swap3A_2290 {strides = array<i32>} : memref<7x16x1024xf32, #tpu.memory_space<vmem>>, vector<1x1x16xf32>,
      %get3A_2291 = arith.constant 0 : i32
      %get3A_2292 = arith.index_cast %get3A_2291 : i32 to index
      %get3A_2293 = arith.constant 128 : index
      %get3A_2294 = tpu.vector_load %arg6[%get3A_2292, %get3A_2293] {strides = array<i32>} : memref<1x1024xf32, #tpu.memory_space<vmem>>, vector<1x16xf32>,
      %get3A_2295 = vector.shape_cast %get3A_2294 : vector<1x16xf32> to vector<16xf32>
      %swap3A_2296 = arith.constant 0 : i32
      %swap3A_2297 = arith.constant 0 : i32
      %swap3A_2298 = arith.index_cast %swap3A_2296 : i32 to index
      %swap3A_2299 = arith.index_cast %swap3A_2297 : i32 to index
      %swap3A_2300 = arith.constant 128 : index
      %swap3A_2301 = tpu.vector_load %arg5[%swap3A_2298, %swap3A_2299, %swap3A_2300] {strides = array<i32>} : memref<7x16x1024xf32, #tpu.memory_space<vmem>>, vector<1x1x16xf32>,
      %swap3A_2302 = vector.shape_cast %swap3A_2301 : vector<1x1x16xf32> to vector<16xf32>
      %swap3A_2303 = vector.shape_cast %get3A_2295 : vector<16xf32> to vector<1x1x16xf32>
      tpu.vector_store %arg5[%swap3A_2298, %swap3A_2299, %swap3A_2300], %swap3A_2303 {strides = array<i32>} : memref<7x16x1024xf32, #tpu.memory_space<vmem>>, vector<1x1x16xf32>,
      %get3A_2304 = arith.constant 0 : i32
      %get3A_2305 = arith.index_cast %get3A_2304 : i32 to index
      %get3A_2306 = arith.constant 144 : index
      %get3A_2307 = tpu.vector_load %arg6[%get3A_2305, %get3A_2306] {strides = array<i32>} : memref<1x1024xf32, #tpu.memory_space<vmem>>, vector<1x16xf32>,
      %get3A_2308 = vector.shape_cast %get3A_2307 : vector<1x16xf32> to vector<16xf32>
      %swap3A_2309 = arith.constant 0 : i32
      %swap3A_2310 = arith.constant 0 : i32
      %swap3A_2311 = arith.index_cast %swap3A_2309 : i32 to index
      %swap3A_2312 = arith.index_cast %swap3A_2310 : i32 to index
      %swap3A_2313 = arith.constant 144 : index
      %swap3A_2314 = tpu.vector_load %arg5[%swap3A_2311, %swap3A_2312, %swap3A_2313] {strides = array<i32>} : memref<7x16x1024xf32, #tpu.memory_space<vmem>>, vector<1x1x16xf32>,
      %swap3A_2315 = vector.shape_cast %swap3A_2314 : vector<1x1x16xf32> to vector<16xf32>
      %swap3A_2316 = vector.shape_cast %get3A_2308 : vector<16xf32> to vector<1x1x16xf32>
      tpu.vector_store %arg5[%swap3A_2311, %swap3A_2312, %swap3A_2313], %swap3A_2316 {strides = array<i32>} : memref<7x16x1024xf32, #tpu.memory_space<vmem>>, vector<1x1x16xf32>,
      %get3A_2317 = arith.constant 0 : i32
      %get3A_2318 = arith.index_cast %get3A_2317 : i32 to index
      %get3A_2319 = arith.constant 160 : index
      %get3A_2320 = tpu.vector_load %arg6[%get3A_2318, %get3A_2319] {strides = array<i32>} : memref<1x1024xf32, #tpu.memory_space<vmem>>, vector<1x16xf32>,
      %get3A_2321 = vector.shape_cast %get3A_2320 : vector<1x16xf32> to vector<16xf32>
      %swap3A_2322 = arith.constant 0 : i32
      %swap3A_2323 = arith.constant 0 : i32
      %swap3A_2324 = arith.index_cast %swap3A_2322 : i32 to index
      %swap3A_2325 = arith.index_cast %swap3A_2323 : i32 to index
      %swap3A_2326 = arith.constant 160 : index
      %swap3A_2327 = tpu.vector_load %arg5[%swap3A_2324, %swap3A_2325, %swap3A_2326] {strides = array<i32>} : memref<7x16x1024xf32, #tpu.memory_space<vmem>>, vector<1x1x16xf32>,
      %swap3A_2328 = vector.shape_cast %swap3A_2327 : vector<1x1x16xf32> to vector<16xf32>
      %swap3A_2329 = vector.shape_cast %get3A_2321 : vector<16xf32> to vector<1x1x16xf32>
      tpu.vector_store %arg5[%swap3A_2324, %swap3A_2325, %swap3A_2326], %swap3A_2329 {strides = array<i32>} : memref<7x16x1024xf32, #tpu.memory_space<vmem>>, vector<1x1x16xf32>,
      %get3A_2330 = arith.constant 0 : i32
      %get3A_2331 = arith.index_cast %get3A_2330 : i32 to index
      %get3A_2332 = arith.constant 176 : index
      %get3A_2333 = tpu.vector_load %arg6[%get3A_2331, %get3A_2332] {strides = array<i32>} : memref<1x1024xf32, #tpu.memory_space<vmem>>, vector<1x16xf32>,
      %get3A_2334 = vector.shape_cast %get3A_2333 : vector<1x16xf32> to vector<16xf32>
      %swap3A_2335 = arith.constant 0 : i32
      %swap3A_2336 = arith.constant 0 : i32
      %swap3A_2337 = arith.index_cast %swap3A_2335 : i32 to index
      %swap3A_2338 = arith.index_cast %swap3A_2336 : i32 to index
      %swap3A_2339 = arith.constant 176 : index
      %swap3A_2340 = tpu.vector_load %arg5[%swap3A_2337, %swap3A_2338, %swap3A_2339] {strides = array<i32>} : memref<7x16x1024xf32, #tpu.memory_space<vmem>>, vector<1x1x16xf32>,
      %swap3A_2341 = vector.shape_cast %swap3A_2340 : vector<1x1x16xf32> to vector<16xf32>
      %swap3A_2342 = vector.shape_cast %get3A_2334 : vector<16xf32> to vector<1x1x16xf32>
      tpu.vector_store %arg5[%swap3A_2337, %swap3A_2338, %swap3A_2339], %swap3A_2342 {strides = array<i32>} : memref<7x16x1024xf32, #tpu.memory_space<vmem>>, vector<1x1x16xf32>,
      %get3A_2343 = arith.constant 0 : i32
      %get3A_2344 = arith.index_cast %get3A_2343 : i32 to index
      %get3A_2345 = arith.constant 192 : index
      %get3A_2346 = tpu.vector_load %arg6[%get3A_2344, %get3A_2345] {strides = array<i32>} : memref<1x1024xf32, #tpu.memory_space<vmem>>, vector<1x16xf32>,
      %get3A_2347 = vector.shape_cast %get3A_2346 : vector<1x16xf32> to vector<16xf32>
      %swap3A_2348 = arith.constant 0 : i32
      %swap3A_2349 = arith.constant 0 : i32
      %swap3A_2350 = arith.index_cast %swap3A_2348 : i32 to index
      %swap3A_2351 = arith.index_cast %swap3A_2349 : i32 to index
      %swap3A_2352 = arith.constant 192 : index
      %swap3A_2353 = tpu.vector_load %arg5[%swap3A_2350, %swap3A_2351, %swap3A_2352] {strides = array<i32>} : memref<7x16x1024xf32, #tpu.memory_space<vmem>>, vector<1x1x16xf32>,
      %swap3A_2354 = vector.shape_cast %swap3A_2353 : vector<1x1x16xf32> to vector<16xf32>
      %swap3A_2355 = vector.shape_cast %get3A_2347 : vector<16xf32> to vector<1x1x16xf32>
      tpu.vector_store %arg5[%swap3A_2350, %swap3A_2351, %swap3A_2352], %swap3A_2355 {strides = array<i32>} : memref<7x16x1024xf32, #tpu.memory_space<vmem>>, vector<1x1x16xf32>,
      %get3A_2356 = arith.constant 0 : i32
      %get3A_2357 = arith.index_cast %get3A_2356 : i32 to index
      %get3A_2358 = arith.constant 208 : index
      %get3A_2359 = tpu.vector_load %arg6[%get3A_2357, %get3A_2358] {strides = array<i32>} : memref<1x1024xf32, #tpu.memory_space<vmem>>, vector<1x16xf32>,
      %get3A_2360 = vector.shape_cast %get3A_2359 : vector<1x16xf32> to vector<16xf32>
      %swap3A_2361 = arith.constant 0 : i32
      %swap3A_2362 = arith.constant 0 : i32
      %swap3A_2363 = arith.index_cast %swap3A_2361 : i32 to index
      %swap3A_2364 = arith.index_cast %swap3A_2362 : i32 to index
      %swap3A_2365 = arith.constant 208 : index
      %swap3A_2366 = tpu.vector_load %arg5[%swap3A_2363, %swap3A_2364, %swap3A_2365] {strides = array<i32>} : memref<7x16x1024xf32, #tpu.memory_space<vmem>>, vector<1x1x16xf32>,
      %swap3A_2367 = vector.shape_cast %swap3A_2366 : vector<1x1x16xf32> to vector<16xf32>
      %swap3A_2368 = vector.shape_cast %get3A_2360 : vector<16xf32> to vector<1x1x16xf32>
      tpu.vector_store %arg5[%swap3A_2363, %swap3A_2364, %swap3A_2365], %swap3A_2368 {strides = array<i32>} : memref<7x16x1024xf32, #tpu.memory_space<vmem>>, vector<1x1x16xf32>,
      %get3A_2369 = arith.constant 0 : i32
      %get3A_2370 = arith.index_cast %get3A_2369 : i32 to index
      %get3A_2371 = arith.constant 224 : index
      %get3A_2372 = tpu.vector_load %arg6[%get3A_2370, %get3A_2371] {strides = array<i32>} : memref<1x1024xf32, #tpu.memory_space<vmem>>, vector<1x16xf32>,
      %get3A_2373 = vector.shape_cast %get3A_2372 : vector<1x16xf32> to vector<16xf32>
      %swap3A_2374 = arith.constant 0 : i32
      %swap3A_2375 = arith.constant 0 : i32
      %swap3A_2376 = arith.index_cast %swap3A_2374 : i32 to index
      %swap3A_2377 = arith.index_cast %swap3A_2375 : i32 to index
      %swap3A_2378 = arith.constant 224 : index
      %swap3A_2379 = tpu.vector_load %arg5[%swap3A_2376, %swap3A_2377, %swap3A_2378] {strides = array<i32>} : memref<7x16x1024xf32, #tpu.memory_space<vmem>>, vector<1x1x16xf32>,
      %swap3A_2380 = vector.shape_cast %swap3A_2379 : vector<1x1x16xf32> to vector<16xf32>
      %swap3A_2381 = vector.shape_cast %get3A_2373 : vector<16xf32> to vector<1x1x16xf32>
      tpu.vector_store %arg5[%swap3A_2376, %swap3A_2377, %swap3A_2378], %swap3A_2381 {strides = array<i32>} : memref<7x16x1024xf32, #tpu.memory_space<vmem>>, vector<1x1x16xf32>,
      %get3A_2382 = arith.constant 0 : i32
      %get3A_2383 = arith.index_cast %get3A_2382 : i32 to index
      %get3A_2384 = arith.constant 240 : index
      %get3A_2385 = tpu.vector_load %arg6[%get3A_2383, %get3A_2384] {strides = array<i32>} : memref<1x1024xf32, #tpu.memory_space<vmem>>, vector<1x16xf32>,
      %get3A_2386 = vector.shape_cast %get3A_2385 : vector<1x16xf32> to vector<16xf32>
      %swap3A_2387 = arith.constant 0 : i32
      %swap3A_2388 = arith.constant 0 : i32
      %swap3A_2389 = arith.index_cast %swap3A_2387 : i32 to index
      %swap3A_2390 = arith.index_cast %swap3A_2388 : i32 to index
      %swap3A_2391 = arith.constant 240 : index
      %swap3A_2392 = tpu.vector_load %arg5[%swap3A_2389, %swap3A_2390, %swap3A_2391] {strides = array<i32>} : memref<7x16x1024xf32, #tpu.memory_space<vmem>>, vector<1x1x16xf32>,
      %swap3A_2393 = vector.shape_cast %swap3A_2392 : vector<1x1x16xf32> to vector<16xf32>
      %swap3A_2394 = vector.shape_cast %get3A_2386 : vector<16xf32> to vector<1x1x16xf32>
      tpu.vector_store %arg5[%swap3A_2389, %swap3A_2390, %swap3A_2391], %swap3A_2394 {strides = array<i32>} : memref<7x16x1024xf32, #tpu.memory_space<vmem>>, vector<1x1x16xf32>,
      %get3A_2395 = arith.constant 0 : i32
      %get3A_2396 = arith.index_cast %get3A_2395 : i32 to index
      %get3A_2397 = arith.constant 256 : index
      %get3A_2398 = tpu.vector_load %arg6[%get3A_2396, %get3A_2397] {strides = array<i32>} : memref<1x1024xf32, #tpu.memory_space<vmem>>, vector<1x16xf32>,
      %get3A_2399 = vector.shape_cast %get3A_2398 : vector<1x16xf32> to vector<16xf32>
      %swap3A_2400 = arith.constant 0 : i32
      %swap3A_2401 = arith.constant 0 : i32
      %swap3A_2402 = arith.index_cast %swap3A_2400 : i32 to index
      %swap3A_2403 = arith.index_cast %swap3A_2401 : i32 to index
      %swap3A_2404 = arith.constant 256 : index
      %swap3A_2405 = tpu.vector_load %arg5[%swap3A_2402, %swap3A_2403, %swap3A_2404] {strides = array<i32>} : memref<7x16x1024xf32, #tpu.memory_space<vmem>>, vector<1x1x16xf32>,
      %swap3A_2406 = vector.shape_cast %swap3A_2405 : vector<1x1x16xf32> to vector<16xf32>
      %swap3A_2407 = vector.shape_cast %get3A_2399 : vector<16xf32> to vector<1x1x16xf32>
      tpu.vector_store %arg5[%swap3A_2402, %swap3A_2403, %swap3A_2404], %swap3A_2407 {strides = array<i32>} : memref<7x16x1024xf32, #tpu.memory_space<vmem>>, vector<1x1x16xf32>,
      %get3A_2408 = arith.constant 0 : i32
      %get3A_2409 = arith.index_cast %get3A_2408 : i32 to index
      %get3A_2410 = arith.constant 272 : index
      %get3A_2411 = tpu.vector_load %arg6[%get3A_2409, %get3A_2410] {strides = array<i32>} : memref<1x1024xf32, #tpu.memory_space<vmem>>, vector<1x16xf32>,
      %get3A_2412 = vector.shape_cast %get3A_2411 : vector<1x16xf32> to vector<16xf32>
      %swap3A_2413 = arith.constant 0 : i32
      %swap3A_2414 = arith.constant 0 : i32
      %swap3A_2415 = arith.index_cast %swap3A_2413 : i32 to index
      %swap3A_2416 = arith.index_cast %swap3A_2414 : i32 to index
      %swap3A_2417 = arith.constant 272 : index
      %swap3A_2418 = tpu.vector_load %arg5[%swap3A_2415, %swap3A_2416, %swap3A_2417] {strides = array<i32>} : memref<7x16x1024xf32, #tpu.memory_space<vmem>>, vector<1x1x16xf32>,
      %swap3A_2419 = vector.shape_cast %swap3A_2418 : vector<1x1x16xf32> to vector<16xf32>
      %swap3A_2420 = vector.shape_cast %get3A_2412 : vector<16xf32> to vector<1x1x16xf32>
      tpu.vector_store %arg5[%swap3A_2415, %swap3A_2416, %swap3A_2417], %swap3A_2420 {strides = array<i32>} : memref<7x16x1024xf32, #tpu.memory_space<vmem>>, vector<1x1x16xf32>,
      %get3A_2421 = arith.constant 0 : i32
      %get3A_2422 = arith.index_cast %get3A_2421 : i32 to index
      %get3A_2423 = arith.constant 288 : index
      %get3A_2424 = tpu.vector_load %arg6[%get3A_2422, %get3A_2423] {strides = array<i32>} : memref<1x1024xf32, #tpu.memory_space<vmem>>, vector<1x16xf32>,
      %get3A_2425 = vector.shape_cast %get3A_2424 : vector<1x16xf32> to vector<16xf32>
      %swap3A_2426 = arith.constant 0 : i32
      %swap3A_2427 = arith.constant 0 : i32
      %swap3A_2428 = arith.index_cast %swap3A_2426 : i32 to index
      %swap3A_2429 = arith.index_cast %swap3A_2427 : i32 to index
      %swap3A_2430 = arith.constant 288 : index
      %swap3A_2431 = tpu.vector_load %arg5[%swap3A_2428, %swap3A_2429, %swap3A_2430] {strides = array<i32>} : memref<7x16x1024xf32, #tpu.memory_space<vmem>>, vector<1x1x16xf32>,
      %swap3A_2432 = vector.shape_cast %swap3A_2431 : vector<1x1x16xf32> to vector<16xf32>
      %swap3A_2433 = vector.shape_cast %get3A_2425 : vector<16xf32> to vector<1x1x16xf32>
      tpu.vector_store %arg5[%swap3A_2428, %swap3A_2429, %swap3A_2430], %swap3A_2433 {strides = array<i32>} : memref<7x16x1024xf32, #tpu.memory_space<vmem>>, vector<1x1x16xf32>,
      %get3A_2434 = arith.constant 0 : i32
      %get3A_2435 = arith.index_cast %get3A_2434 : i32 to index
      %get3A_2436 = arith.constant 304 : index
      %get3A_2437 = tpu.vector_load %arg6[%get3A_2435, %get3A_2436] {strides = array<i32>} : memref<1x1024xf32, #tpu.memory_space<vmem>>, vector<1x16xf32>,
      %get3A_2438 = vector.shape_cast %get3A_2437 : vector<1x16xf32> to vector<16xf32>
      %swap3A_2439 = arith.constant 0 : i32
      %swap3A_2440 = arith.constant 0 : i32
      %swap3A_2441 = arith.index_cast %swap3A_2439 : i32 to index
      %swap3A_2442 = arith.index_cast %swap3A_2440 : i32 to index
      %swap3A_2443 = arith.constant 304 : index
      %swap3A_2444 = tpu.vector_load %arg5[%swap3A_2441, %swap3A_2442, %swap3A_2443] {strides = array<i32>} : memref<7x16x1024xf32, #tpu.memory_space<vmem>>, vector<1x1x16xf32>,
      %swap3A_2445 = vector.shape_cast %swap3A_2444 : vector<1x1x16xf32> to vector<16xf32>
      %swap3A_2446 = vector.shape_cast %get3A_2438 : vector<16xf32> to vector<1x1x16xf32>
      tpu.vector_store %arg5[%swap3A_2441, %swap3A_2442, %swap3A_2443], %swap3A_2446 {strides = array<i32>} : memref<7x16x1024xf32, #tpu.memory_space<vmem>>, vector<1x1x16xf32>,
      %get3A_2447 = arith.constant 0 : i32
      %get3A_2448 = arith.index_cast %get3A_2447 : i32 to index
      %get3A_2449 = arith.constant 320 : index
      %get3A_2450 = tpu.vector_load %arg6[%get3A_2448, %get3A_2449] {strides = array<i32>} : memref<1x1024xf32, #tpu.memory_space<vmem>>, vector<1x16xf32>,
      %get3A_2451 = vector.shape_cast %get3A_2450 : vector<1x16xf32> to vector<16xf32>
      %swap3A_2452 = arith.constant 0 : i32
      %swap3A_2453 = arith.constant 0 : i32
      %swap3A_2454 = arith.index_cast %swap3A_2452 : i32 to index
      %swap3A_2455 = arith.index_cast %swap3A_2453 : i32 to index
      %swap3A_2456 = arith.constant 320 : index
      %swap3A_2457 = tpu.vector_load %arg5[%swap3A_2454, %swap3A_2455, %swap3A_2456] {strides = array<i32>} : memref<7x16x1024xf32, #tpu.memory_space<vmem>>, vector<1x1x16xf32>,
      %swap3A_2458 = vector.shape_cast %swap3A_2457 : vector<1x1x16xf32> to vector<16xf32>
      %swap3A_2459 = vector.shape_cast %get3A_2451 : vector<16xf32> to vector<1x1x16xf32>
      tpu.vector_store %arg5[%swap3A_2454, %swap3A_2455, %swap3A_2456], %swap3A_2459 {strides = array<i32>} : memref<7x16x1024xf32, #tpu.memory_space<vmem>>, vector<1x1x16xf32>,
      %get3A_2460 = arith.constant 0 : i32
      %get3A_2461 = arith.index_cast %get3A_2460 : i32 to index
      %get3A_2462 = arith.constant 336 : index
      %get3A_2463 = tpu.vector_load %arg6[%get3A_2461, %get3A_2462] {strides = array<i32>} : memref<1x1024xf32, #tpu.memory_space<vmem>>, vector<1x16xf32>,
      %get3A_2464 = vector.shape_cast %get3A_2463 : vector<1x16xf32> to vector<16xf32>
      %swap3A_2465 = arith.constant 0 : i32
      %swap3A_2466 = arith.constant 0 : i32
      %swap3A_2467 = arith.index_cast %swap3A_2465 : i32 to index
      %swap3A_2468 = arith.index_cast %swap3A_2466 : i32 to index
      %swap3A_2469 = arith.constant 336 : index
      %swap3A_2470 = tpu.vector_load %arg5[%swap3A_2467, %swap3A_2468, %swap3A_2469] {strides = array<i32>} : memref<7x16x1024xf32, #tpu.memory_space<vmem>>, vector<1x1x16xf32>,
      %swap3A_2471 = vector.shape_cast %swap3A_2470 : vector<1x1x16xf32> to vector<16xf32>
      %swap3A_2472 = vector.shape_cast %get3A_2464 : vector<16xf32> to vector<1x1x16xf32>
      tpu.vector_store %arg5[%swap3A_2467, %swap3A_2468, %swap3A_2469], %swap3A_2472 {strides = array<i32>} : memref<7x16x1024xf32, #tpu.memory_space<vmem>>, vector<1x1x16xf32>,
      %get3A_2473 = arith.constant 0 : i32
      %get3A_2474 = arith.index_cast %get3A_2473 : i32 to index
      %get3A_2475 = arith.constant 352 : index
      %get3A_2476 = tpu.vector_load %arg6[%get3A_2474, %get3A_2475] {strides = array<i32>} : memref<1x1024xf32, #tpu.memory_space<vmem>>, vector<1x16xf32>,
      %get3A_2477 = vector.shape_cast %get3A_2476 : vector<1x16xf32> to vector<16xf32>
      %swap3A_2478 = arith.constant 0 : i32
      %swap3A_2479 = arith.constant 0 : i32
      %swap3A_2480 = arith.index_cast %swap3A_2478 : i32 to index
      %swap3A_2481 = arith.index_cast %swap3A_2479 : i32 to index
      %swap3A_2482 = arith.constant 352 : index
      %swap3A_2483 = tpu.vector_load %arg5[%swap3A_2480, %swap3A_2481, %swap3A_2482] {strides = array<i32>} : memref<7x16x1024xf32, #tpu.memory_space<vmem>>, vector<1x1x16xf32>,
      %swap3A_2484 = vector.shape_cast %swap3A_2483 : vector<1x1x16xf32> to vector<16xf32>
      %swap3A_2485 = vector.shape_cast %get3A_2477 : vector<16xf32> to vector<1x1x16xf32>
      tpu.vector_store %arg5[%swap3A_2480, %swap3A_2481, %swap3A_2482], %swap3A_2485 {strides = array<i32>} : memref<7x16x1024xf32, #tpu.memory_space<vmem>>, vector<1x1x16xf32>,
      %get3A_2486 = arith.constant 0 : i32
      %get3A_2487 = arith.index_cast %get3A_2486 : i32 to index
      %get3A_2488 = arith.constant 368 : index
      %get3A_2489 = tpu.vector_load %arg6[%get3A_2487, %get3A_2488] {strides = array<i32>} : memref<1x1024xf32, #tpu.memory_space<vmem>>, vector<1x16xf32>,
      %get3A_2490 = vector.shape_cast %get3A_2489 : vector<1x16xf32> to vector<16xf32>
      %swap3A_2491 = arith.constant 0 : i32
      %swap3A_2492 = arith.constant 0 : i32
      %swap3A_2493 = arith.index_cast %swap3A_2491 : i32 to index
      %swap3A_2494 = arith.index_cast %swap3A_2492 : i32 to index
      %swap3A_2495 = arith.constant 368 : index
      %swap3A_2496 = tpu.vector_load %arg5[%swap3A_2493, %swap3A_2494, %swap3A_2495] {strides = array<i32>} : memref<7x16x1024xf32, #tpu.memory_space<vmem>>, vector<1x1x16xf32>,
      %swap3A_2497 = vector.shape_cast %swap3A_2496 : vector<1x1x16xf32> to vector<16xf32>
      %swap3A_2498 = vector.shape_cast %get3A_2490 : vector<16xf32> to vector<1x1x16xf32>
      tpu.vector_store %arg5[%swap3A_2493, %swap3A_2494, %swap3A_2495], %swap3A_2498 {strides = array<i32>} : memref<7x16x1024xf32, #tpu.memory_space<vmem>>, vector<1x1x16xf32>,
      %get3A_2499 = arith.constant 0 : i32
      %get3A_2500 = arith.index_cast %get3A_2499 : i32 to index
      %get3A_2501 = arith.constant 384 : index
      %get3A_2502 = tpu.vector_load %arg6[%get3A_2500, %get3A_2501] {strides = array<i32>} : memref<1x1024xf32, #tpu.memory_space<vmem>>, vector<1x16xf32>,
      %get3A_2503 = vector.shape_cast %get3A_2502 : vector<1x16xf32> to vector<16xf32>
      %swap3A_2504 = arith.constant 0 : i32
      %swap3A_2505 = arith.constant 0 : i32
      %swap3A_2506 = arith.index_cast %swap3A_2504 : i32 to index
      %swap3A_2507 = arith.index_cast %swap3A_2505 : i32 to index
      %swap3A_2508 = arith.constant 384 : index
      %swap3A_2509 = tpu.vector_load %arg5[%swap3A_2506, %swap3A_2507, %swap3A_2508] {strides = array<i32>} : memref<7x16x1024xf32, #tpu.memory_space<vmem>>, vector<1x1x16xf32>,
      %swap3A_2510 = vector.shape_cast %swap3A_2509 : vector<1x1x16xf32> to vector<16xf32>
      %swap3A_2511 = vector.shape_cast %get3A_2503 : vector<16xf32> to vector<1x1x16xf32>
      tpu.vector_store %arg5[%swap3A_2506, %swap3A_2507, %swap3A_2508], %swap3A_2511 {strides = array<i32>} : memref<7x16x1024xf32, #tpu.memory_space<vmem>>, vector<1x1x16xf32>,
      %get3A_2512 = arith.constant 0 : i32
      %get3A_2513 = arith.index_cast %get3A_2512 : i32 to index
      %get3A_2514 = arith.constant 400 : index
      %get3A_2515 = tpu.vector_load %arg6[%get3A_2513, %get3A_2514] {strides = array<i32>} : memref<1x1024xf32, #tpu.memory_space<vmem>>, vector<1x16xf32>,
      %get3A_2516 = vector.shape_cast %get3A_2515 : vector<1x16xf32> to vector<16xf32>
      %swap3A_2517 = arith.constant 0 : i32
      %swap3A_2518 = arith.constant 0 : i32
      %swap3A_2519 = arith.index_cast %swap3A_2517 : i32 to index
      %swap3A_2520 = arith.index_cast %swap3A_2518 : i32 to index
      %swap3A_2521 = arith.constant 400 : index
      %swap3A_2522 = tpu.vector_load %arg5[%swap3A_2519, %swap3A_2520, %swap3A_2521] {strides = array<i32>} : memref<7x16x1024xf32, #tpu.memory_space<vmem>>, vector<1x1x16xf32>,
      %swap3A_2523 = vector.shape_cast %swap3A_2522 : vector<1x1x16xf32> to vector<16xf32>
      %swap3A_2524 = vector.shape_cast %get3A_2516 : vector<16xf32> to vector<1x1x16xf32>
      tpu.vector_store %arg5[%swap3A_2519, %swap3A_2520, %swap3A_2521], %swap3A_2524 {strides = array<i32>} : memref<7x16x1024xf32, #tpu.memory_space<vmem>>, vector<1x1x16xf32>,
      %get3A_2525 = arith.constant 0 : i32
      %get3A_2526 = arith.index_cast %get3A_2525 : i32 to index
      %get3A_2527 = arith.constant 416 : index
      %get3A_2528 = tpu.vector_load %arg6[%get3A_2526, %get3A_2527] {strides = array<i32>} : memref<1x1024xf32, #tpu.memory_space<vmem>>, vector<1x16xf32>,
      %get3A_2529 = vector.shape_cast %get3A_2528 : vector<1x16xf32> to vector<16xf32>
      %swap3A_2530 = arith.constant 0 : i32
      %swap3A_2531 = arith.constant 0 : i32
      %swap3A_2532 = arith.index_cast %swap3A_2530 : i32 to index
      %swap3A_2533 = arith.index_cast %swap3A_2531 : i32 to index
      %swap3A_2534 = arith.constant 416 : index
      %swap3A_2535 = tpu.vector_load %arg5[%swap3A_2532, %swap3A_2533, %swap3A_2534] {strides = array<i32>} : memref<7x16x1024xf32, #tpu.memory_space<vmem>>, vector<1x1x16xf32>,
      %swap3A_2536 = vector.shape_cast %swap3A_2535 : vector<1x1x16xf32> to vector<16xf32>
      %swap3A_2537 = vector.shape_cast %get3A_2529 : vector<16xf32> to vector<1x1x16xf32>
      tpu.vector_store %arg5[%swap3A_2532, %swap3A_2533, %swap3A_2534], %swap3A_2537 {strides = array<i32>} : memref<7x16x1024xf32, #tpu.memory_space<vmem>>, vector<1x1x16xf32>,
      %get3A_2538 = arith.constant 0 : i32
      %get3A_2539 = arith.index_cast %get3A_2538 : i32 to index
      %get3A_2540 = arith.constant 432 : index
      %get3A_2541 = tpu.vector_load %arg6[%get3A_2539, %get3A_2540] {strides = array<i32>} : memref<1x1024xf32, #tpu.memory_space<vmem>>, vector<1x16xf32>,
      %get3A_2542 = vector.shape_cast %get3A_2541 : vector<1x16xf32> to vector<16xf32>
      %swap3A_2543 = arith.constant 0 : i32
      %swap3A_2544 = arith.constant 0 : i32
      %swap3A_2545 = arith.index_cast %swap3A_2543 : i32 to index
      %swap3A_2546 = arith.index_cast %swap3A_2544 : i32 to index
      %swap3A_2547 = arith.constant 432 : index
      %swap3A_2548 = tpu.vector_load %arg5[%swap3A_2545, %swap3A_2546, %swap3A_2547] {strides = array<i32>} : memref<7x16x1024xf32, #tpu.memory_space<vmem>>, vector<1x1x16xf32>,
      %swap3A_2549 = vector.shape_cast %swap3A_2548 : vector<1x1x16xf32> to vector<16xf32>
      %swap3A_2550 = vector.shape_cast %get3A_2542 : vector<16xf32> to vector<1x1x16xf32>
      tpu.vector_store %arg5[%swap3A_2545, %swap3A_2546, %swap3A_2547], %swap3A_2550 {strides = array<i32>} : memref<7x16x1024xf32, #tpu.memory_space<vmem>>, vector<1x1x16xf32>,
      %get3A_2551 = arith.constant 0 : i32
      %get3A_2552 = arith.index_cast %get3A_2551 : i32 to index
      %get3A_2553 = arith.constant 448 : index
      %get3A_2554 = tpu.vector_load %arg6[%get3A_2552, %get3A_2553] {strides = array<i32>} : memref<1x1024xf32, #tpu.memory_space<vmem>>, vector<1x16xf32>,
      %get3A_2555 = vector.shape_cast %get3A_2554 : vector<1x16xf32> to vector<16xf32>
      %swap3A_2556 = arith.constant 0 : i32
      %swap3A_2557 = arith.constant 0 : i32
      %swap3A_2558 = arith.index_cast %swap3A_2556 : i32 to index
      %swap3A_2559 = arith.index_cast %swap3A_2557 : i32 to index
      %swap3A_2560 = arith.constant 448 : index
      %swap3A_2561 = tpu.vector_load %arg5[%swap3A_2558, %swap3A_2559, %swap3A_2560] {strides = array<i32>} : memref<7x16x1024xf32, #tpu.memory_space<vmem>>, vector<1x1x16xf32>,
      %swap3A_2562 = vector.shape_cast %swap3A_2561 : vector<1x1x16xf32> to vector<16xf32>
      %swap3A_2563 = vector.shape_cast %get3A_2555 : vector<16xf32> to vector<1x1x16xf32>
      tpu.vector_store %arg5[%swap3A_2558, %swap3A_2559, %swap3A_2560], %swap3A_2563 {strides = array<i32>} : memref<7x16x1024xf32, #tpu.memory_space<vmem>>, vector<1x1x16xf32>,
      %get3A_2564 = arith.constant 0 : i32
      %get3A_2565 = arith.index_cast %get3A_2564 : i32 to index
      %get3A_2566 = arith.constant 464 : index
      %get3A_2567 = tpu.vector_load %arg6[%get3A_2565, %get3A_2566] {strides = array<i32>} : memref<1x1024xf32, #tpu.memory_space<vmem>>, vector<1x16xf32>,
      %get3A_2568 = vector.shape_cast %get3A_2567 : vector<1x16xf32> to vector<16xf32>
      %swap3A_2569 = arith.constant 0 : i32
      %swap3A_2570 = arith.constant 0 : i32
      %swap3A_2571 = arith.index_cast %swap3A_2569 : i32 to index
      %swap3A_2572 = arith.index_cast %swap3A_2570 : i32 to index
      %swap3A_2573 = arith.constant 464 : index
      %swap3A_2574 = tpu.vector_load %arg5[%swap3A_2571, %swap3A_2572, %swap3A_2573] {strides = array<i32>} : memref<7x16x1024xf32, #tpu.memory_space<vmem>>, vector<1x1x16xf32>,
      %swap3A_2575 = vector.shape_cast %swap3A_2574 : vector<1x1x16xf32> to vector<16xf32>
      %swap3A_2576 = vector.shape_cast %get3A_2568 : vector<16xf32> to vector<1x1x16xf32>
      tpu.vector_store %arg5[%swap3A_2571, %swap3A_2572, %swap3A_2573], %swap3A_2576 {strides = array<i32>} : memref<7x16x1024xf32, #tpu.memory_space<vmem>>, vector<1x1x16xf32>,
      %get3A_2577 = arith.constant 0 : i32
      %get3A_2578 = arith.index_cast %get3A_2577 : i32 to index
      %get3A_2579 = arith.constant 480 : index
      %get3A_2580 = tpu.vector_load %arg6[%get3A_2578, %get3A_2579] {strides = array<i32>} : memref<1x1024xf32, #tpu.memory_space<vmem>>, vector<1x16xf32>,
      %get3A_2581 = vector.shape_cast %get3A_2580 : vector<1x16xf32> to vector<16xf32>
      %swap3A_2582 = arith.constant 0 : i32
      %swap3A_2583 = arith.constant 0 : i32
      %swap3A_2584 = arith.index_cast %swap3A_2582 : i32 to index
      %swap3A_2585 = arith.index_cast %swap3A_2583 : i32 to index
      %swap3A_2586 = arith.constant 480 : index
      %swap3A_2587 = tpu.vector_load %arg5[%swap3A_2584, %swap3A_2585, %swap3A_2586] {strides = array<i32>} : memref<7x16x1024xf32, #tpu.memory_space<vmem>>, vector<1x1x16xf32>,
      %swap3A_2588 = vector.shape_cast %swap3A_2587 : vector<1x1x16xf32> to vector<16xf32>
      %swap3A_2589 = vector.shape_cast %get3A_2581 : vector<16xf32> to vector<1x1x16xf32>
      tpu.vector_store %arg5[%swap3A_2584, %swap3A_2585, %swap3A_2586], %swap3A_2589 {strides = array<i32>} : memref<7x16x1024xf32, #tpu.memory_space<vmem>>, vector<1x1x16xf32>,
      %get3A_2590 = arith.constant 0 : i32
      %get3A_2591 = arith.index_cast %get3A_2590 : i32 to index
      %get3A_2592 = arith.constant 496 : index
      %get3A_2593 = tpu.vector_load %arg6[%get3A_2591, %get3A_2592] {strides = array<i32>} : memref<1x1024xf32, #tpu.memory_space<vmem>>, vector<1x16xf32>,
      %get3A_2594 = vector.shape_cast %get3A_2593 : vector<1x16xf32> to vector<16xf32>
      %swap3A_2595 = arith.constant 0 : i32
      %swap3A_2596 = arith.constant 0 : i32
      %swap3A_2597 = arith.index_cast %swap3A_2595 : i32 to index
      %swap3A_2598 = arith.index_cast %swap3A_2596 : i32 to index
      %swap3A_2599 = arith.constant 496 : index
      %swap3A_2600 = tpu.vector_load %arg5[%swap3A_2597, %swap3A_2598, %swap3A_2599] {strides = array<i32>} : memref<7x16x1024xf32, #tpu.memory_space<vmem>>, vector<1x1x16xf32>,
      %swap3A_2601 = vector.shape_cast %swap3A_2600 : vector<1x1x16xf32> to vector<16xf32>
      %swap3A_2602 = vector.shape_cast %get3A_2594 : vector<16xf32> to vector<1x1x16xf32>
      tpu.vector_store %arg5[%swap3A_2597, %swap3A_2598, %swap3A_2599], %swap3A_2602 {strides = array<i32>} : memref<7x16x1024xf32, #tpu.memory_space<vmem>>, vector<1x1x16xf32>,
      %get3A_2603 = arith.constant 0 : i32
      %get3A_2604 = arith.index_cast %get3A_2603 : i32 to index
      %get3A_2605 = arith.constant 512 : index
      %get3A_2606 = tpu.vector_load %arg6[%get3A_2604, %get3A_2605] {strides = array<i32>} : memref<1x1024xf32, #tpu.memory_space<vmem>>, vector<1x16xf32>,
      %get3A_2607 = vector.shape_cast %get3A_2606 : vector<1x16xf32> to vector<16xf32>
      %swap3A_2608 = arith.constant 0 : i32
      %swap3A_2609 = arith.constant 0 : i32
      %swap3A_2610 = arith.index_cast %swap3A_2608 : i32 to index
      %swap3A_2611 = arith.index_cast %swap3A_2609 : i32 to index
      %swap3A_2612 = arith.constant 512 : index
      %swap3A_2613 = tpu.vector_load %arg5[%swap3A_2610, %swap3A_2611, %swap3A_2612] {strides = array<i32>} : memref<7x16x1024xf32, #tpu.memory_space<vmem>>, vector<1x1x16xf32>,
      %swap3A_2614 = vector.shape_cast %swap3A_2613 : vector<1x1x16xf32> to vector<16xf32>
      %swap3A_2615 = vector.shape_cast %get3A_2607 : vector<16xf32> to vector<1x1x16xf32>
      tpu.vector_store %arg5[%swap3A_2610, %swap3A_2611, %swap3A_2612], %swap3A_2615 {strides = array<i32>} : memref<7x16x1024xf32, #tpu.memory_space<vmem>>, vector<1x1x16xf32>,
      %get3A_2616 = arith.constant 0 : i32
      %get3A_2617 = arith.index_cast %get3A_2616 : i32 to index
      %get3A_2618 = arith.constant 528 : index
      %get3A_2619 = tpu.vector_load %arg6[%get3A_2617, %get3A_2618] {strides = array<i32>} : memref<1x1024xf32, #tpu.memory_space<vmem>>, vector<1x16xf32>,
      %get3A_2620 = vector.shape_cast %get3A_2619 : vector<1x16xf32> to vector<16xf32>
      %swap3A_2621 = arith.constant 0 : i32
      %swap3A_2622 = arith.constant 0 : i32
      %swap3A_2623 = arith.index_cast %swap3A_2621 : i32 to index
      %swap3A_2624 = arith.index_cast %swap3A_2622 : i32 to index
      %swap3A_2625 = arith.constant 528 : index
      %swap3A_2626 = tpu.vector_load %arg5[%swap3A_2623, %swap3A_2624, %swap3A_2625] {strides = array<i32>} : memref<7x16x1024xf32, #tpu.memory_space<vmem>>, vector<1x1x16xf32>,
      %swap3A_2627 = vector.shape_cast %swap3A_2626 : vector<1x1x16xf32> to vector<16xf32>
      %swap3A_2628 = vector.shape_cast %get3A_2620 : vector<16xf32> to vector<1x1x16xf32>
      tpu.vector_store %arg5[%swap3A_2623, %swap3A_2624, %swap3A_2625], %swap3A_2628 {strides = array<i32>} : memref<7x16x1024xf32, #tpu.memory_space<vmem>>, vector<1x1x16xf32>,
      %get3A_2629 = arith.constant 0 : i32
      %get3A_2630 = arith.index_cast %get3A_2629 : i32 to index
      %get3A_2631 = arith.constant 544 : index
      %get3A_2632 = tpu.vector_load %arg6[%get3A_2630, %get3A_2631] {strides = array<i32>} : memref<1x1024xf32, #tpu.memory_space<vmem>>, vector<1x16xf32>,
      %get3A_2633 = vector.shape_cast %get3A_2632 : vector<1x16xf32> to vector<16xf32>
      %swap3A_2634 = arith.constant 0 : i32
      %swap3A_2635 = arith.constant 0 : i32
      %swap3A_2636 = arith.index_cast %swap3A_2634 : i32 to index
      %swap3A_2637 = arith.index_cast %swap3A_2635 : i32 to index
      %swap3A_2638 = arith.constant 544 : index
      %swap3A_2639 = tpu.vector_load %arg5[%swap3A_2636, %swap3A_2637, %swap3A_2638] {strides = array<i32>} : memref<7x16x1024xf32, #tpu.memory_space<vmem>>, vector<1x1x16xf32>,
      %swap3A_2640 = vector.shape_cast %swap3A_2639 : vector<1x1x16xf32> to vector<16xf32>
      %swap3A_2641 = vector.shape_cast %get3A_2633 : vector<16xf32> to vector<1x1x16xf32>
      tpu.vector_store %arg5[%swap3A_2636, %swap3A_2637, %swap3A_2638], %swap3A_2641 {strides = array<i32>} : memref<7x16x1024xf32, #tpu.memory_space<vmem>>, vector<1x1x16xf32>,
      %get3A_2642 = arith.constant 0 : i32
      %get3A_2643 = arith.index_cast %get3A_2642 : i32 to index
      %get3A_2644 = arith.constant 560 : index
      %get3A_2645 = tpu.vector_load %arg6[%get3A_2643, %get3A_2644] {strides = array<i32>} : memref<1x1024xf32, #tpu.memory_space<vmem>>, vector<1x16xf32>,
      %get3A_2646 = vector.shape_cast %get3A_2645 : vector<1x16xf32> to vector<16xf32>
      %swap3A_2647 = arith.constant 0 : i32
      %swap3A_2648 = arith.constant 0 : i32
      %swap3A_2649 = arith.index_cast %swap3A_2647 : i32 to index
      %swap3A_2650 = arith.index_cast %swap3A_2648 : i32 to index
      %swap3A_2651 = arith.constant 560 : index
      %swap3A_2652 = tpu.vector_load %arg5[%swap3A_2649, %swap3A_2650, %swap3A_2651] {strides = array<i32>} : memref<7x16x1024xf32, #tpu.memory_space<vmem>>, vector<1x1x16xf32>,
      %swap3A_2653 = vector.shape_cast %swap3A_2652 : vector<1x1x16xf32> to vector<16xf32>
      %swap3A_2654 = vector.shape_cast %get3A_2646 : vector<16xf32> to vector<1x1x16xf32>
      tpu.vector_store %arg5[%swap3A_2649, %swap3A_2650, %swap3A_2651], %swap3A_2654 {strides = array<i32>} : memref<7x16x1024xf32, #tpu.memory_space<vmem>>, vector<1x1x16xf32>,
      %get3A_2655 = arith.constant 0 : i32
      %get3A_2656 = arith.index_cast %get3A_2655 : i32 to index
      %get3A_2657 = arith.constant 576 : index
      %get3A_2658 = tpu.vector_load %arg6[%get3A_2656, %get3A_2657] {strides = array<i32>} : memref<1x1024xf32, #tpu.memory_space<vmem>>, vector<1x16xf32>,
      %get3A_2659 = vector.shape_cast %get3A_2658 : vector<1x16xf32> to vector<16xf32>
      %swap3A_2660 = arith.constant 0 : i32
      %swap3A_2661 = arith.constant 0 : i32
      %swap3A_2662 = arith.index_cast %swap3A_2660 : i32 to index
      %swap3A_2663 = arith.index_cast %swap3A_2661 : i32 to index
      %swap3A_2664 = arith.constant 576 : index
      %swap3A_2665 = tpu.vector_load %arg5[%swap3A_2662, %swap3A_2663, %swap3A_2664] {strides = array<i32>} : memref<7x16x1024xf32, #tpu.memory_space<vmem>>, vector<1x1x16xf32>,
      %swap3A_2666 = vector.shape_cast %swap3A_2665 : vector<1x1x16xf32> to vector<16xf32>
      %swap3A_2667 = vector.shape_cast %get3A_2659 : vector<16xf32> to vector<1x1x16xf32>
      tpu.vector_store %arg5[%swap3A_2662, %swap3A_2663, %swap3A_2664], %swap3A_2667 {strides = array<i32>} : memref<7x16x1024xf32, #tpu.memory_space<vmem>>, vector<1x1x16xf32>,
      %get3A_2668 = arith.constant 0 : i32
      %get3A_2669 = arith.index_cast %get3A_2668 : i32 to index
      %get3A_2670 = arith.constant 592 : index
      %get3A_2671 = tpu.vector_load %arg6[%get3A_2669, %get3A_2670] {strides = array<i32>} : memref<1x1024xf32, #tpu.memory_space<vmem>>, vector<1x16xf32>,
      %get3A_2672 = vector.shape_cast %get3A_2671 : vector<1x16xf32> to vector<16xf32>
      %swap3A_2673 = arith.constant 0 : i32
      %swap3A_2674 = arith.constant 0 : i32
      %swap3A_2675 = arith.index_cast %swap3A_2673 : i32 to index
      %swap3A_2676 = arith.index_cast %swap3A_2674 : i32 to index
      %swap3A_2677 = arith.constant 592 : index
      %swap3A_2678 = tpu.vector_load %arg5[%swap3A_2675, %swap3A_2676, %swap3A_2677] {strides = array<i32>} : memref<7x16x1024xf32, #tpu.memory_space<vmem>>, vector<1x1x16xf32>,
      %swap3A_2679 = vector.shape_cast %swap3A_2678 : vector<1x1x16xf32> to vector<16xf32>
      %swap3A_2680 = vector.shape_cast %get3A_2672 : vector<16xf32> to vector<1x1x16xf32>
      tpu.vector_store %arg5[%swap3A_2675, %swap3A_2676, %swap3A_2677], %swap3A_2680 {strides = array<i32>} : memref<7x16x1024xf32, #tpu.memory_space<vmem>>, vector<1x1x16xf32>,
      %get3A_2681 = arith.constant 0 : i32
      %get3A_2682 = arith.index_cast %get3A_2681 : i32 to index
      %get3A_2683 = arith.constant 608 : index
      %get3A_2684 = tpu.vector_load %arg6[%get3A_2682, %get3A_2683] {strides = array<i32>} : memref<1x1024xf32, #tpu.memory_space<vmem>>, vector<1x16xf32>,
      %get3A_2685 = vector.shape_cast %get3A_2684 : vector<1x16xf32> to vector<16xf32>
      %swap3A_2686 = arith.constant 0 : i32
      %swap3A_2687 = arith.constant 0 : i32
      %swap3A_2688 = arith.index_cast %swap3A_2686 : i32 to index
      %swap3A_2689 = arith.index_cast %swap3A_2687 : i32 to index
      %swap3A_2690 = arith.constant 608 : index
      %swap3A_2691 = tpu.vector_load %arg5[%swap3A_2688, %swap3A_2689, %swap3A_2690] {strides = array<i32>} : memref<7x16x1024xf32, #tpu.memory_space<vmem>>, vector<1x1x16xf32>,
      %swap3A_2692 = vector.shape_cast %swap3A_2691 : vector<1x1x16xf32> to vector<16xf32>
      %swap3A_2693 = vector.shape_cast %get3A_2685 : vector<16xf32> to vector<1x1x16xf32>
      tpu.vector_store %arg5[%swap3A_2688, %swap3A_2689, %swap3A_2690], %swap3A_2693 {strides = array<i32>} : memref<7x16x1024xf32, #tpu.memory_space<vmem>>, vector<1x1x16xf32>,
      %get3A_2694 = arith.constant 0 : i32
      %get3A_2695 = arith.index_cast %get3A_2694 : i32 to index
      %get3A_2696 = arith.constant 624 : index
      %get3A_2697 = tpu.vector_load %arg6[%get3A_2695, %get3A_2696] {strides = array<i32>} : memref<1x1024xf32, #tpu.memory_space<vmem>>, vector<1x16xf32>,
      %get3A_2698 = vector.shape_cast %get3A_2697 : vector<1x16xf32> to vector<16xf32>
      %swap3A_2699 = arith.constant 0 : i32
      %swap3A_2700 = arith.constant 0 : i32
      %swap3A_2701 = arith.index_cast %swap3A_2699 : i32 to index
      %swap3A_2702 = arith.index_cast %swap3A_2700 : i32 to index
      %swap3A_2703 = arith.constant 624 : index
      %swap3A_2704 = tpu.vector_load %arg5[%swap3A_2701, %swap3A_2702, %swap3A_2703] {strides = array<i32>} : memref<7x16x1024xf32, #tpu.memory_space<vmem>>, vector<1x1x16xf32>,
      %swap3A_2705 = vector.shape_cast %swap3A_2704 : vector<1x1x16xf32> to vector<16xf32>
      %swap3A_2706 = vector.shape_cast %get3A_2698 : vector<16xf32> to vector<1x1x16xf32>
      tpu.vector_store %arg5[%swap3A_2701, %swap3A_2702, %swap3A_2703], %swap3A_2706 {strides = array<i32>} : memref<7x16x1024xf32, #tpu.memory_space<vmem>>, vector<1x1x16xf32>,
      %get3A_2707 = arith.constant 0 : i32
      %get3A_2708 = arith.index_cast %get3A_2707 : i32 to index
      %get3A_2709 = arith.constant 640 : index
      %get3A_2710 = tpu.vector_load %arg6[%get3A_2708, %get3A_2709] {strides = array<i32>} : memref<1x1024xf32, #tpu.memory_space<vmem>>, vector<1x16xf32>,
      %get3A_2711 = vector.shape_cast %get3A_2710 : vector<1x16xf32> to vector<16xf32>
      %swap3A_2712 = arith.constant 0 : i32
      %swap3A_2713 = arith.constant 0 : i32
      %swap3A_2714 = arith.index_cast %swap3A_2712 : i32 to index
      %swap3A_2715 = arith.index_cast %swap3A_2713 : i32 to index
      %swap3A_2716 = arith.constant 640 : index
      %swap3A_2717 = tpu.vector_load %arg5[%swap3A_2714, %swap3A_2715, %swap3A_2716] {strides = array<i32>} : memref<7x16x1024xf32, #tpu.memory_space<vmem>>, vector<1x1x16xf32>,
      %swap3A_2718 = vector.shape_cast %swap3A_2717 : vector<1x1x16xf32> to vector<16xf32>
      %swap3A_2719 = vector.shape_cast %get3A_2711 : vector<16xf32> to vector<1x1x16xf32>
      tpu.vector_store %arg5[%swap3A_2714, %swap3A_2715, %swap3A_2716], %swap3A_2719 {strides = array<i32>} : memref<7x16x1024xf32, #tpu.memory_space<vmem>>, vector<1x1x16xf32>,
      %get3A_2720 = arith.constant 0 : i32
      %get3A_2721 = arith.index_cast %get3A_2720 : i32 to index
      %get3A_2722 = arith.constant 656 : index
      %get3A_2723 = tpu.vector_load %arg6[%get3A_2721, %get3A_2722] {strides = array<i32>} : memref<1x1024xf32, #tpu.memory_space<vmem>>, vector<1x16xf32>,
      %get3A_2724 = vector.shape_cast %get3A_2723 : vector<1x16xf32> to vector<16xf32>
      %swap3A_2725 = arith.constant 0 : i32
      %swap3A_2726 = arith.constant 0 : i32
      %swap3A_2727 = arith.index_cast %swap3A_2725 : i32 to index
      %swap3A_2728 = arith.index_cast %swap3A_2726 : i32 to index
      %swap3A_2729 = arith.constant 656 : index
      %swap3A_2730 = tpu.vector_load %arg5[%swap3A_2727, %swap3A_2728, %swap3A_2729] {strides = array<i32>} : memref<7x16x1024xf32, #tpu.memory_space<vmem>>, vector<1x1x16xf32>,
      %swap3A_2731 = vector.shape_cast %swap3A_2730 : vector<1x1x16xf32> to vector<16xf32>
      %swap3A_2732 = vector.shape_cast %get3A_2724 : vector<16xf32> to vector<1x1x16xf32>
      tpu.vector_store %arg5[%swap3A_2727, %swap3A_2728, %swap3A_2729], %swap3A_2732 {strides = array<i32>} : memref<7x16x1024xf32, #tpu.memory_space<vmem>>, vector<1x1x16xf32>,
      %get3A_2733 = arith.constant 0 : i32
      %get3A_2734 = arith.index_cast %get3A_2733 : i32 to index
      %get3A_2735 = arith.constant 672 : index
      %get3A_2736 = tpu.vector_load %arg6[%get3A_2734, %get3A_2735] {strides = array<i32>} : memref<1x1024xf32, #tpu.memory_space<vmem>>, vector<1x16xf32>,
      %get3A_2737 = vector.shape_cast %get3A_2736 : vector<1x16xf32> to vector<16xf32>
      %swap3A_2738 = arith.constant 0 : i32
      %swap3A_2739 = arith.constant 0 : i32
      %swap3A_2740 = arith.index_cast %swap3A_2738 : i32 to index
      %swap3A_2741 = arith.index_cast %swap3A_2739 : i32 to index
      %swap3A_2742 = arith.constant 672 : index
      %swap3A_2743 = tpu.vector_load %arg5[%swap3A_2740, %swap3A_2741, %swap3A_2742] {strides = array<i32>} : memref<7x16x1024xf32, #tpu.memory_space<vmem>>, vector<1x1x16xf32>,
      %swap3A_2744 = vector.shape_cast %swap3A_2743 : vector<1x1x16xf32> to vector<16xf32>
      %swap3A_2745 = vector.shape_cast %get3A_2737 : vector<16xf32> to vector<1x1x16xf32>
      tpu.vector_store %arg5[%swap3A_2740, %swap3A_2741, %swap3A_2742], %swap3A_2745 {strides = array<i32>} : memref<7x16x1024xf32, #tpu.memory_space<vmem>>, vector<1x1x16xf32>,
      %get3A_2746 = arith.constant 0 : i32
      %get3A_2747 = arith.index_cast %get3A_2746 : i32 to index
      %get3A_2748 = arith.constant 688 : index
      %get3A_2749 = tpu.vector_load %arg6[%get3A_2747, %get3A_2748] {strides = array<i32>} : memref<1x1024xf32, #tpu.memory_space<vmem>>, vector<1x16xf32>,
      %get3A_2750 = vector.shape_cast %get3A_2749 : vector<1x16xf32> to vector<16xf32>
      %swap3A_2751 = arith.constant 0 : i32
      %swap3A_2752 = arith.constant 0 : i32
      %swap3A_2753 = arith.index_cast %swap3A_2751 : i32 to index
      %swap3A_2754 = arith.index_cast %swap3A_2752 : i32 to index
      %swap3A_2755 = arith.constant 688 : index
      %swap3A_2756 = tpu.vector_load %arg5[%swap3A_2753, %swap3A_2754, %swap3A_2755] {strides = array<i32>} : memref<7x16x1024xf32, #tpu.memory_space<vmem>>, vector<1x1x16xf32>,
      %swap3A_2757 = vector.shape_cast %swap3A_2756 : vector<1x1x16xf32> to vector<16xf32>
      %swap3A_2758 = vector.shape_cast %get3A_2750 : vector<16xf32> to vector<1x1x16xf32>
      tpu.vector_store %arg5[%swap3A_2753, %swap3A_2754, %swap3A_2755], %swap3A_2758 {strides = array<i32>} : memref<7x16x1024xf32, #tpu.memory_space<vmem>>, vector<1x1x16xf32>,
      %get3A_2759 = arith.constant 0 : i32
      %get3A_2760 = arith.index_cast %get3A_2759 : i32 to index
      %get3A_2761 = arith.constant 704 : index
      %get3A_2762 = tpu.vector_load %arg6[%get3A_2760, %get3A_2761] {strides = array<i32>} : memref<1x1024xf32, #tpu.memory_space<vmem>>, vector<1x16xf32>,
      %get3A_2763 = vector.shape_cast %get3A_2762 : vector<1x16xf32> to vector<16xf32>
      %swap3A_2764 = arith.constant 0 : i32
      %swap3A_2765 = arith.constant 0 : i32
      %swap3A_2766 = arith.index_cast %swap3A_2764 : i32 to index
      %swap3A_2767 = arith.index_cast %swap3A_2765 : i32 to index
      %swap3A_2768 = arith.constant 704 : index
      %swap3A_2769 = tpu.vector_load %arg5[%swap3A_2766, %swap3A_2767, %swap3A_2768] {strides = array<i32>} : memref<7x16x1024xf32, #tpu.memory_space<vmem>>, vector<1x1x16xf32>,
      %swap3A_2770 = vector.shape_cast %swap3A_2769 : vector<1x1x16xf32> to vector<16xf32>
      %swap3A_2771 = vector.shape_cast %get3A_2763 : vector<16xf32> to vector<1x1x16xf32>
      tpu.vector_store %arg5[%swap3A_2766, %swap3A_2767, %swap3A_2768], %swap3A_2771 {strides = array<i32>} : memref<7x16x1024xf32, #tpu.memory_space<vmem>>, vector<1x1x16xf32>,
      %get3A_2772 = arith.constant 0 : i32
      %get3A_2773 = arith.index_cast %get3A_2772 : i32 to index
      %get3A_2774 = arith.constant 720 : index
      %get3A_2775 = tpu.vector_load %arg6[%get3A_2773, %get3A_2774] {strides = array<i32>} : memref<1x1024xf32, #tpu.memory_space<vmem>>, vector<1x16xf32>,
      %get3A_2776 = vector.shape_cast %get3A_2775 : vector<1x16xf32> to vector<16xf32>
      %swap3A_2777 = arith.constant 0 : i32
      %swap3A_2778 = arith.constant 0 : i32
      %swap3A_2779 = arith.index_cast %swap3A_2777 : i32 to index
      %swap3A_2780 = arith.index_cast %swap3A_2778 : i32 to index
      %swap3A_2781 = arith.constant 720 : index
      %swap3A_2782 = tpu.vector_load %arg5[%swap3A_2779, %swap3A_2780, %swap3A_2781] {strides = array<i32>} : memref<7x16x1024xf32, #tpu.memory_space<vmem>>, vector<1x1x16xf32>,
      %swap3A_2783 = vector.shape_cast %swap3A_2782 : vector<1x1x16xf32> to vector<16xf32>
      %swap3A_2784 = vector.shape_cast %get3A_2776 : vector<16xf32> to vector<1x1x16xf32>
      tpu.vector_store %arg5[%swap3A_2779, %swap3A_2780, %swap3A_2781], %swap3A_2784 {strides = array<i32>} : memref<7x16x1024xf32, #tpu.memory_space<vmem>>, vector<1x1x16xf32>,
      %get3A_2785 = arith.constant 0 : i32
      %get3A_2786 = arith.index_cast %get3A_2785 : i32 to index
      %get3A_2787 = arith.constant 736 : index
      %get3A_2788 = tpu.vector_load %arg6[%get3A_2786, %get3A_2787] {strides = array<i32>} : memref<1x1024xf32, #tpu.memory_space<vmem>>, vector<1x16xf32>,
      %get3A_2789 = vector.shape_cast %get3A_2788 : vector<1x16xf32> to vector<16xf32>
      %swap3A_2790 = arith.constant 0 : i32
      %swap3A_2791 = arith.constant 0 : i32
      %swap3A_2792 = arith.index_cast %swap3A_2790 : i32 to index
      %swap3A_2793 = arith.index_cast %swap3A_2791 : i32 to index
      %swap3A_2794 = arith.constant 736 : index
      %swap3A_2795 = tpu.vector_load %arg5[%swap3A_2792, %swap3A_2793, %swap3A_2794] {strides = array<i32>} : memref<7x16x1024xf32, #tpu.memory_space<vmem>>, vector<1x1x16xf32>,
      %swap3A_2796 = vector.shape_cast %swap3A_2795 : vector<1x1x16xf32> to vector<16xf32>
      %swap3A_2797 = vector.shape_cast %get3A_2789 : vector<16xf32> to vector<1x1x16xf32>
      tpu.vector_store %arg5[%swap3A_2792, %swap3A_2793, %swap3A_2794], %swap3A_2797 {strides = array<i32>} : memref<7x16x1024xf32, #tpu.memory_space<vmem>>, vector<1x1x16xf32>,
      %get3A_2798 = arith.constant 0 : i32
      %get3A_2799 = arith.index_cast %get3A_2798 : i32 to index
      %get3A_2800 = arith.constant 752 : index
      %get3A_2801 = tpu.vector_load %arg6[%get3A_2799, %get3A_2800] {strides = array<i32>} : memref<1x1024xf32, #tpu.memory_space<vmem>>, vector<1x16xf32>,
      %get3A_2802 = vector.shape_cast %get3A_2801 : vector<1x16xf32> to vector<16xf32>
      %swap3A_2803 = arith.constant 0 : i32
      %swap3A_2804 = arith.constant 0 : i32
      %swap3A_2805 = arith.index_cast %swap3A_2803 : i32 to index
      %swap3A_2806 = arith.index_cast %swap3A_2804 : i32 to index
      %swap3A_2807 = arith.constant 752 : index
      %swap3A_2808 = tpu.vector_load %arg5[%swap3A_2805, %swap3A_2806, %swap3A_2807] {strides = array<i32>} : memref<7x16x1024xf32, #tpu.memory_space<vmem>>, vector<1x1x16xf32>,
      %swap3A_2809 = vector.shape_cast %swap3A_2808 : vector<1x1x16xf32> to vector<16xf32>
      %swap3A_2810 = vector.shape_cast %get3A_2802 : vector<16xf32> to vector<1x1x16xf32>
      tpu.vector_store %arg5[%swap3A_2805, %swap3A_2806, %swap3A_2807], %swap3A_2810 {strides = array<i32>} : memref<7x16x1024xf32, #tpu.memory_space<vmem>>, vector<1x1x16xf32>,
      %get3A_2811 = arith.constant 0 : i32
      %get3A_2812 = arith.index_cast %get3A_2811 : i32 to index
      %get3A_2813 = arith.constant 768 : index
      %get3A_2814 = tpu.vector_load %arg6[%get3A_2812, %get3A_2813] {strides = array<i32>} : memref<1x1024xf32, #tpu.memory_space<vmem>>, vector<1x16xf32>,
      %get3A_2815 = vector.shape_cast %get3A_2814 : vector<1x16xf32> to vector<16xf32>
      %swap3A_2816 = arith.constant 0 : i32
      %swap3A_2817 = arith.constant 0 : i32
      %swap3A_2818 = arith.index_cast %swap3A_2816 : i32 to index
      %swap3A_2819 = arith.index_cast %swap3A_2817 : i32 to index
      %swap3A_2820 = arith.constant 768 : index
      %swap3A_2821 = tpu.vector_load %arg5[%swap3A_2818, %swap3A_2819, %swap3A_2820] {strides = array<i32>} : memref<7x16x1024xf32, #tpu.memory_space<vmem>>, vector<1x1x16xf32>,
      %swap3A_2822 = vector.shape_cast %swap3A_2821 : vector<1x1x16xf32> to vector<16xf32>
      %swap3A_2823 = vector.shape_cast %get3A_2815 : vector<16xf32> to vector<1x1x16xf32>
      tpu.vector_store %arg5[%swap3A_2818, %swap3A_2819, %swap3A_2820], %swap3A_2823 {strides = array<i32>} : memref<7x16x1024xf32, #tpu.memory_space<vmem>>, vector<1x1x16xf32>,
      %get3A_2824 = arith.constant 0 : i32
      %get3A_2825 = arith.index_cast %get3A_2824 : i32 to index
      %get3A_2826 = arith.constant 784 : index
      %get3A_2827 = tpu.vector_load %arg6[%get3A_2825, %get3A_2826] {strides = array<i32>} : memref<1x1024xf32, #tpu.memory_space<vmem>>, vector<1x16xf32>,
      %get3A_2828 = vector.shape_cast %get3A_2827 : vector<1x16xf32> to vector<16xf32>
      %swap3A_2829 = arith.constant 0 : i32
      %swap3A_2830 = arith.constant 0 : i32
      %swap3A_2831 = arith.index_cast %swap3A_2829 : i32 to index
      %swap3A_2832 = arith.index_cast %swap3A_2830 : i32 to index
      %swap3A_2833 = arith.constant 784 : index
      %swap3A_2834 = tpu.vector_load %arg5[%swap3A_2831, %swap3A_2832, %swap3A_2833] {strides = array<i32>} : memref<7x16x1024xf32, #tpu.memory_space<vmem>>, vector<1x1x16xf32>,
      %swap3A_2835 = vector.shape_cast %swap3A_2834 : vector<1x1x16xf32> to vector<16xf32>
      %swap3A_2836 = vector.shape_cast %get3A_2828 : vector<16xf32> to vector<1x1x16xf32>
      tpu.vector_store %arg5[%swap3A_2831, %swap3A_2832, %swap3A_2833], %swap3A_2836 {strides = array<i32>} : memref<7x16x1024xf32, #tpu.memory_space<vmem>>, vector<1x1x16xf32>,
      %get3A_2837 = arith.constant 0 : i32
      %get3A_2838 = arith.index_cast %get3A_2837 : i32 to index
      %get3A_2839 = arith.constant 800 : index
      %get3A_2840 = tpu.vector_load %arg6[%get3A_2838, %get3A_2839] {strides = array<i32>} : memref<1x1024xf32, #tpu.memory_space<vmem>>, vector<1x16xf32>,
      %get3A_2841 = vector.shape_cast %get3A_2840 : vector<1x16xf32> to vector<16xf32>
      %swap3A_2842 = arith.constant 0 : i32
      %swap3A_2843 = arith.constant 0 : i32
      %swap3A_2844 = arith.index_cast %swap3A_2842 : i32 to index
      %swap3A_2845 = arith.index_cast %swap3A_2843 : i32 to index
      %swap3A_2846 = arith.constant 800 : index
      %swap3A_2847 = tpu.vector_load %arg5[%swap3A_2844, %swap3A_2845, %swap3A_2846] {strides = array<i32>} : memref<7x16x1024xf32, #tpu.memory_space<vmem>>, vector<1x1x16xf32>,
      %swap3A_2848 = vector.shape_cast %swap3A_2847 : vector<1x1x16xf32> to vector<16xf32>
      %swap3A_2849 = vector.shape_cast %get3A_2841 : vector<16xf32> to vector<1x1x16xf32>
      tpu.vector_store %arg5[%swap3A_2844, %swap3A_2845, %swap3A_2846], %swap3A_2849 {strides = array<i32>} : memref<7x16x1024xf32, #tpu.memory_space<vmem>>, vector<1x1x16xf32>,
      %get3A_2850 = arith.constant 0 : i32
      %get3A_2851 = arith.index_cast %get3A_2850 : i32 to index
      %get3A_2852 = arith.constant 816 : index
      %get3A_2853 = tpu.vector_load %arg6[%get3A_2851, %get3A_2852] {strides = array<i32>} : memref<1x1024xf32, #tpu.memory_space<vmem>>, vector<1x16xf32>,
      %get3A_2854 = vector.shape_cast %get3A_2853 : vector<1x16xf32> to vector<16xf32>
      %swap3A_2855 = arith.constant 0 : i32
      %swap3A_2856 = arith.constant 0 : i32
      %swap3A_2857 = arith.index_cast %swap3A_2855 : i32 to index
      %swap3A_2858 = arith.index_cast %swap3A_2856 : i32 to index
      %swap3A_2859 = arith.constant 816 : index
      %swap3A_2860 = tpu.vector_load %arg5[%swap3A_2857, %swap3A_2858, %swap3A_2859] {strides = array<i32>} : memref<7x16x1024xf32, #tpu.memory_space<vmem>>, vector<1x1x16xf32>,
      %swap3A_2861 = vector.shape_cast %swap3A_2860 : vector<1x1x16xf32> to vector<16xf32>
      %swap3A_2862 = vector.shape_cast %get3A_2854 : vector<16xf32> to vector<1x1x16xf32>
      tpu.vector_store %arg5[%swap3A_2857, %swap3A_2858, %swap3A_2859], %swap3A_2862 {strides = array<i32>} : memref<7x16x1024xf32, #tpu.memory_space<vmem>>, vector<1x1x16xf32>,
      %get3A_2863 = arith.constant 0 : i32
      %get3A_2864 = arith.index_cast %get3A_2863 : i32 to index
      %get3A_2865 = arith.constant 832 : index
      %get3A_2866 = tpu.vector_load %arg6[%get3A_2864, %get3A_2865] {strides = array<i32>} : memref<1x1024xf32, #tpu.memory_space<vmem>>, vector<1x16xf32>,
      %get3A_2867 = vector.shape_cast %get3A_2866 : vector<1x16xf32> to vector<16xf32>
      %swap3A_2868 = arith.constant 0 : i32
      %swap3A_2869 = arith.constant 0 : i32
      %swap3A_2870 = arith.index_cast %swap3A_2868 : i32 to index
      %swap3A_2871 = arith.index_cast %swap3A_2869 : i32 to index
      %swap3A_2872 = arith.constant 832 : index
      %swap3A_2873 = tpu.vector_load %arg5[%swap3A_2870, %swap3A_2871, %swap3A_2872] {strides = array<i32>} : memref<7x16x1024xf32, #tpu.memory_space<vmem>>, vector<1x1x16xf32>,
      %swap3A_2874 = vector.shape_cast %swap3A_2873 : vector<1x1x16xf32> to vector<16xf32>
      %swap3A_2875 = vector.shape_cast %get3A_2867 : vector<16xf32> to vector<1x1x16xf32>
      tpu.vector_store %arg5[%swap3A_2870, %swap3A_2871, %swap3A_2872], %swap3A_2875 {strides = array<i32>} : memref<7x16x1024xf32, #tpu.memory_space<vmem>>, vector<1x1x16xf32>,
      %get3A_2876 = arith.constant 0 : i32
      %get3A_2877 = arith.index_cast %get3A_2876 : i32 to index
      %get3A_2878 = arith.constant 848 : index
      %get3A_2879 = tpu.vector_load %arg6[%get3A_2877, %get3A_2878] {strides = array<i32>} : memref<1x1024xf32, #tpu.memory_space<vmem>>, vector<1x16xf32>,
      %get3A_2880 = vector.shape_cast %get3A_2879 : vector<1x16xf32> to vector<16xf32>
      %swap3A_2881 = arith.constant 0 : i32
      %swap3A_2882 = arith.constant 0 : i32
      %swap3A_2883 = arith.index_cast %swap3A_2881 : i32 to index
      %swap3A_2884 = arith.index_cast %swap3A_2882 : i32 to index
      %swap3A_2885 = arith.constant 848 : index
      %swap3A_2886 = tpu.vector_load %arg5[%swap3A_2883, %swap3A_2884, %swap3A_2885] {strides = array<i32>} : memref<7x16x1024xf32, #tpu.memory_space<vmem>>, vector<1x1x16xf32>,
      %swap3A_2887 = vector.shape_cast %swap3A_2886 : vector<1x1x16xf32> to vector<16xf32>
      %swap3A_2888 = vector.shape_cast %get3A_2880 : vector<16xf32> to vector<1x1x16xf32>
      tpu.vector_store %arg5[%swap3A_2883, %swap3A_2884, %swap3A_2885], %swap3A_2888 {strides = array<i32>} : memref<7x16x1024xf32, #tpu.memory_space<vmem>>, vector<1x1x16xf32>,
      %get3A_2889 = arith.constant 0 : i32
      %get3A_2890 = arith.index_cast %get3A_2889 : i32 to index
      %get3A_2891 = arith.constant 864 : index
      %get3A_2892 = tpu.vector_load %arg6[%get3A_2890, %get3A_2891] {strides = array<i32>} : memref<1x1024xf32, #tpu.memory_space<vmem>>, vector<1x16xf32>,
      %get3A_2893 = vector.shape_cast %get3A_2892 : vector<1x16xf32> to vector<16xf32>
      %swap3A_2894 = arith.constant 0 : i32
      %swap3A_2895 = arith.constant 0 : i32
      %swap3A_2896 = arith.index_cast %swap3A_2894 : i32 to index
      %swap3A_2897 = arith.index_cast %swap3A_2895 : i32 to index
      %swap3A_2898 = arith.constant 864 : index
      %swap3A_2899 = tpu.vector_load %arg5[%swap3A_2896, %swap3A_2897, %swap3A_2898] {strides = array<i32>} : memref<7x16x1024xf32, #tpu.memory_space<vmem>>, vector<1x1x16xf32>,
      %swap3A_2900 = vector.shape_cast %swap3A_2899 : vector<1x1x16xf32> to vector<16xf32>
      %swap3A_2901 = vector.shape_cast %get3A_2893 : vector<16xf32> to vector<1x1x16xf32>
      tpu.vector_store %arg5[%swap3A_2896, %swap3A_2897, %swap3A_2898], %swap3A_2901 {strides = array<i32>} : memref<7x16x1024xf32, #tpu.memory_space<vmem>>, vector<1x1x16xf32>,
      %get3A_2902 = arith.constant 0 : i32
      %get3A_2903 = arith.index_cast %get3A_2902 : i32 to index
      %get3A_2904 = arith.constant 880 : index
      %get3A_2905 = tpu.vector_load %arg6[%get3A_2903, %get3A_2904] {strides = array<i32>} : memref<1x1024xf32, #tpu.memory_space<vmem>>, vector<1x16xf32>,
      %get3A_2906 = vector.shape_cast %get3A_2905 : vector<1x16xf32> to vector<16xf32>
      %swap3A_2907 = arith.constant 0 : i32
      %swap3A_2908 = arith.constant 0 : i32
      %swap3A_2909 = arith.index_cast %swap3A_2907 : i32 to index
      %swap3A_2910 = arith.index_cast %swap3A_2908 : i32 to index
      %swap3A_2911 = arith.constant 880 : index
      %swap3A_2912 = tpu.vector_load %arg5[%swap3A_2909, %swap3A_2910, %swap3A_2911] {strides = array<i32>} : memref<7x16x1024xf32, #tpu.memory_space<vmem>>, vector<1x1x16xf32>,
      %swap3A_2913 = vector.shape_cast %swap3A_2912 : vector<1x1x16xf32> to vector<16xf32>
      %swap3A_2914 = vector.shape_cast %get3A_2906 : vector<16xf32> to vector<1x1x16xf32>
      tpu.vector_store %arg5[%swap3A_2909, %swap3A_2910, %swap3A_2911], %swap3A_2914 {strides = array<i32>} : memref<7x16x1024xf32, #tpu.memory_space<vmem>>, vector<1x1x16xf32>,
      %get3A_2915 = arith.constant 0 : i32
      %get3A_2916 = arith.index_cast %get3A_2915 : i32 to index
      %get3A_2917 = arith.constant 896 : index
      %get3A_2918 = tpu.vector_load %arg6[%get3A_2916, %get3A_2917] {strides = array<i32>} : memref<1x1024xf32, #tpu.memory_space<vmem>>, vector<1x16xf32>,
      %get3A_2919 = vector.shape_cast %get3A_2918 : vector<1x16xf32> to vector<16xf32>
      %swap3A_2920 = arith.constant 0 : i32
      %swap3A_2921 = arith.constant 0 : i32
      %swap3A_2922 = arith.index_cast %swap3A_2920 : i32 to index
      %swap3A_2923 = arith.index_cast %swap3A_2921 : i32 to index
      %swap3A_2924 = arith.constant 896 : index
      %swap3A_2925 = tpu.vector_load %arg5[%swap3A_2922, %swap3A_2923, %swap3A_2924] {strides = array<i32>} : memref<7x16x1024xf32, #tpu.memory_space<vmem>>, vector<1x1x16xf32>,
      %swap3A_2926 = vector.shape_cast %swap3A_2925 : vector<1x1x16xf32> to vector<16xf32>
      %swap3A_2927 = vector.shape_cast %get3A_2919 : vector<16xf32> to vector<1x1x16xf32>
      tpu.vector_store %arg5[%swap3A_2922, %swap3A_2923, %swap3A_2924], %swap3A_2927 {strides = array<i32>} : memref<7x16x1024xf32, #tpu.memory_space<vmem>>, vector<1x1x16xf32>,
      %get3A_2928 = arith.constant 0 : i32
      %get3A_2929 = arith.index_cast %get3A_2928 : i32 to index
      %get3A_2930 = arith.constant 912 : index
      %get3A_2931 = tpu.vector_load %arg6[%get3A_2929, %get3A_2930] {strides = array<i32>} : memref<1x1024xf32, #tpu.memory_space<vmem>>, vector<1x16xf32>,
      %get3A_2932 = vector.shape_cast %get3A_2931 : vector<1x16xf32> to vector<16xf32>
      %swap3A_2933 = arith.constant 0 : i32
      %swap3A_2934 = arith.constant 0 : i32
      %swap3A_2935 = arith.index_cast %swap3A_2933 : i32 to index
      %swap3A_2936 = arith.index_cast %swap3A_2934 : i32 to index
      %swap3A_2937 = arith.constant 912 : index
      %swap3A_2938 = tpu.vector_load %arg5[%swap3A_2935, %swap3A_2936, %swap3A_2937] {strides = array<i32>} : memref<7x16x1024xf32, #tpu.memory_space<vmem>>, vector<1x1x16xf32>,
      %swap3A_2939 = vector.shape_cast %swap3A_2938 : vector<1x1x16xf32> to vector<16xf32>
      %swap3A_2940 = vector.shape_cast %get3A_2932 : vector<16xf32> to vector<1x1x16xf32>
      tpu.vector_store %arg5[%swap3A_2935, %swap3A_2936, %swap3A_2937], %swap3A_2940 {strides = array<i32>} : memref<7x16x1024xf32, #tpu.memory_space<vmem>>, vector<1x1x16xf32>,
      %get3A_2941 = arith.constant 0 : i32
      %get3A_2942 = arith.index_cast %get3A_2941 : i32 to index
      %get3A_2943 = arith.constant 928 : index
      %get3A_2944 = tpu.vector_load %arg6[%get3A_2942, %get3A_2943] {strides = array<i32>} : memref<1x1024xf32, #tpu.memory_space<vmem>>, vector<1x16xf32>,
      %get3A_2945 = vector.shape_cast %get3A_2944 : vector<1x16xf32> to vector<16xf32>
      %swap3A_2946 = arith.constant 0 : i32
      %swap3A_2947 = arith.constant 0 : i32
      %swap3A_2948 = arith.index_cast %swap3A_2946 : i32 to index
      %swap3A_2949 = arith.index_cast %swap3A_2947 : i32 to index
      %swap3A_2950 = arith.constant 928 : index
      %swap3A_2951 = tpu.vector_load %arg5[%swap3A_2948, %swap3A_2949, %swap3A_2950] {strides = array<i32>} : memref<7x16x1024xf32, #tpu.memory_space<vmem>>, vector<1x1x16xf32>,
      %swap3A_2952 = vector.shape_cast %swap3A_2951 : vector<1x1x16xf32> to vector<16xf32>
      %swap3A_2953 = vector.shape_cast %get3A_2945 : vector<16xf32> to vector<1x1x16xf32>
      tpu.vector_store %arg5[%swap3A_2948, %swap3A_2949, %swap3A_2950], %swap3A_2953 {strides = array<i32>} : memref<7x16x1024xf32, #tpu.memory_space<vmem>>, vector<1x1x16xf32>,
      %get3A_2954 = arith.constant 0 : i32
      %get3A_2955 = arith.index_cast %get3A_2954 : i32 to index
      %get3A_2956 = arith.constant 944 : index
      %get3A_2957 = tpu.vector_load %arg6[%get3A_2955, %get3A_2956] {strides = array<i32>} : memref<1x1024xf32, #tpu.memory_space<vmem>>, vector<1x16xf32>,
      %get3A_2958 = vector.shape_cast %get3A_2957 : vector<1x16xf32> to vector<16xf32>
      %swap3A_2959 = arith.constant 0 : i32
      %swap3A_2960 = arith.constant 0 : i32
      %swap3A_2961 = arith.index_cast %swap3A_2959 : i32 to index
      %swap3A_2962 = arith.index_cast %swap3A_2960 : i32 to index
      %swap3A_2963 = arith.constant 944 : index
      %swap3A_2964 = tpu.vector_load %arg5[%swap3A_2961, %swap3A_2962, %swap3A_2963] {strides = array<i32>} : memref<7x16x1024xf32, #tpu.memory_space<vmem>>, vector<1x1x16xf32>,
      %swap3A_2965 = vector.shape_cast %swap3A_2964 : vector<1x1x16xf32> to vector<16xf32>
      %swap3A_2966 = vector.shape_cast %get3A_2958 : vector<16xf32> to vector<1x1x16xf32>
      tpu.vector_store %arg5[%swap3A_2961, %swap3A_2962, %swap3A_2963], %swap3A_2966 {strides = array<i32>} : memref<7x16x1024xf32, #tpu.memory_space<vmem>>, vector<1x1x16xf32>,
      %get3A_2967 = arith.constant 0 : i32
      %get3A_2968 = arith.index_cast %get3A_2967 : i32 to index
      %get3A_2969 = arith.constant 960 : index
      %get3A_2970 = tpu.vector_load %arg6[%get3A_2968, %get3A_2969] {strides = array<i32>} : memref<1x1024xf32, #tpu.memory_space<vmem>>, vector<1x16xf32>,
      %get3A_2971 = vector.shape_cast %get3A_2970 : vector<1x16xf32> to vector<16xf32>
      %swap3A_2972 = arith.constant 0 : i32
      %swap3A_2973 = arith.constant 0 : i32
      %swap3A_2974 = arith.index_cast %swap3A_2972 : i32 to index
      %swap3A_2975 = arith.index_cast %swap3A_2973 : i32 to index
      %swap3A_2976 = arith.constant 960 : index
      %swap3A_2977 = tpu.vector_load %arg5[%swap3A_2974, %swap3A_2975, %swap3A_2976] {strides = array<i32>} : memref<7x16x1024xf32, #tpu.memory_space<vmem>>, vector<1x1x16xf32>,
      %swap3A_2978 = vector.shape_cast %swap3A_2977 : vector<1x1x16xf32> to vector<16xf32>
      %swap3A_2979 = vector.shape_cast %get3A_2971 : vector<16xf32> to vector<1x1x16xf32>
      tpu.vector_store %arg5[%swap3A_2974, %swap3A_2975, %swap3A_2976], %swap3A_2979 {strides = array<i32>} : memref<7x16x1024xf32, #tpu.memory_space<vmem>>, vector<1x1x16xf32>,
      %get3A_2980 = arith.constant 0 : i32
      %get3A_2981 = arith.index_cast %get3A_2980 : i32 to index
      %get3A_2982 = arith.constant 976 : index
      %get3A_2983 = tpu.vector_load %arg6[%get3A_2981, %get3A_2982] {strides = array<i32>} : memref<1x1024xf32, #tpu.memory_space<vmem>>, vector<1x16xf32>,
      %get3A_2984 = vector.shape_cast %get3A_2983 : vector<1x16xf32> to vector<16xf32>
      %swap3A_2985 = arith.constant 0 : i32
      %swap3A_2986 = arith.constant 0 : i32
      %swap3A_2987 = arith.index_cast %swap3A_2985 : i32 to index
      %swap3A_2988 = arith.index_cast %swap3A_2986 : i32 to index
      %swap3A_2989 = arith.constant 976 : index
      %swap3A_2990 = tpu.vector_load %arg5[%swap3A_2987, %swap3A_2988, %swap3A_2989] {strides = array<i32>} : memref<7x16x1024xf32, #tpu.memory_space<vmem>>, vector<1x1x16xf32>,
      %swap3A_2991 = vector.shape_cast %swap3A_2990 : vector<1x1x16xf32> to vector<16xf32>
      %swap3A_2992 = vector.shape_cast %get3A_2984 : vector<16xf32> to vector<1x1x16xf32>
      tpu.vector_store %arg5[%swap3A_2987, %swap3A_2988, %swap3A_2989], %swap3A_2992 {strides = array<i32>} : memref<7x16x1024xf32, #tpu.memory_space<vmem>>, vector<1x1x16xf32>,
      %get3A_2993 = arith.constant 0 : i32
      %get3A_2994 = arith.index_cast %get3A_2993 : i32 to index
      %get3A_2995 = arith.constant 992 : index
      %get3A_2996 = tpu.vector_load %arg6[%get3A_2994, %get3A_2995] {strides = array<i32>} : memref<1x1024xf32, #tpu.memory_space<vmem>>, vector<1x16xf32>,
      %get3A_2997 = vector.shape_cast %get3A_2996 : vector<1x16xf32> to vector<16xf32>
      %swap3A_2998 = arith.constant 0 : i32
      %swap3A_2999 = arith.constant 0 : i32
      %swap3A_3000 = arith.index_cast %swap3A_2998 : i32 to index
      %swap3A_3001 = arith.index_cast %swap3A_2999 : i32 to index
      %swap3A_3002 = arith.constant 992 : index
      %swap3A_3003 = tpu.vector_load %arg5[%swap3A_3000, %swap3A_3001, %swap3A_3002] {strides = array<i32>} : memref<7x16x1024xf32, #tpu.memory_space<vmem>>, vector<1x1x16xf32>,
      %swap3A_3004 = vector.shape_cast %swap3A_3003 : vector<1x1x16xf32> to vector<16xf32>
      %swap3A_3005 = vector.shape_cast %get3A_2997 : vector<16xf32> to vector<1x1x16xf32>
      tpu.vector_store %arg5[%swap3A_3000, %swap3A_3001, %swap3A_3002], %swap3A_3005 {strides = array<i32>} : memref<7x16x1024xf32, #tpu.memory_space<vmem>>, vector<1x1x16xf32>,
      %get3A_3006 = arith.constant 0 : i32
      %get3A_3007 = arith.index_cast %get3A_3006 : i32 to index
      %get3A_3008 = arith.constant 1008 : index
      %get3A_3009 = tpu.vector_load %arg6[%get3A_3007, %get3A_3008] {strides = array<i32>} : memref<1x1024xf32, #tpu.memory_space<vmem>>, vector<1x16xf32>,
      %get3A_3010 = vector.shape_cast %get3A_3009 : vector<1x16xf32> to vector<16xf32>
      %swap3A_3011 = arith.constant 0 : i32
      %swap3A_3012 = arith.constant 0 : i32
      %swap3A_3013 = arith.index_cast %swap3A_3011 : i32 to index
      %swap3A_3014 = arith.index_cast %swap3A_3012 : i32 to index
      %swap3A_3015 = arith.constant 1008 : index
      %swap3A_3016 = tpu.vector_load %arg5[%swap3A_3013, %swap3A_3014, %swap3A_3015] {strides = array<i32>} : memref<7x16x1024xf32, #tpu.memory_space<vmem>>, vector<1x1x16xf32>,
      %swap3A_3017 = vector.shape_cast %swap3A_3016 : vector<1x1x16xf32> to vector<16xf32>
      %swap3A_3018 = vector.shape_cast %get3A_3010 : vector<16xf32> to vector<1x1x16xf32>
      tpu.vector_store %arg5[%swap3A_3013, %swap3A_3014, %swap3A_3015], %swap3A_3018 {strides = array<i32>} : memref<7x16x1024xf32, #tpu.memory_space<vmem>>, vector<1x1x16xf32>,
    } else {
    }
    %add3A_155 = arith.constant 0 : i32
    %add3A_156 = arith.addi %mul3A_2, %add3A_155 : i32
    %dma_start3A_157 = arith.constant 0 : i32
    %dma_start3A_158 = arith.constant 0 : i32
    %dma_start3A_159 = arith.constant 0 : i32
    %dma_start3A_160 = arith.constant 0 : i32
    %dma_start3A_161 = tpu.memref_slice %arg5[%dma_start3A_157, %dma_start3A_159, %dma_start3A_160] : memref<7x16x1024xf32, #tpu.memory_space<vmem>> -> memref<1x16x1024xf32, #tpu.memory_space<vmem>>
    %dma_start3A_162 = tpu.memref_squeeze %dma_start3A_161 : memref<1x16x1024xf32, #tpu.memory_space<vmem>> -> memref<16x1024xf32, #tpu.memory_space<vmem>>
    %dma_start3A_163 = arith.constant 0 : i32
    %dma_start3A_164 = tpu.memref_slice %arg4[%add3A_156, %dma_start3A_163] : memref<16384x1024xf32, #tpu.memory_space<hbm>> -> memref<16x1024xf32, #tpu.memory_space<hbm>>
    %dma_start3A_165 = tpu.memref_slice %arg8[%dma_start3A_158] : memref<7x!tpu.dma_semaphore, #tpu.memory_space<semaphore_mem>> -> memref<1x!tpu.dma_semaphore, #tpu.memory_space<semaphore_mem>>
    %dma_start3A_166 = tpu.memref_squeeze %dma_start3A_165 : memref<1x!tpu.dma_semaphore, #tpu.memory_space<semaphore_mem>> -> memref<!tpu.dma_semaphore, #tpu.memory_space<semaphore_mem>>
    %dma_start3A_167 = arith.constant 0 : i32
    %dma_start3A_168 = tpu.memref_slice %arg4[%add3A_156, %dma_start3A_167] : memref<16384x1024xf32, #tpu.memory_space<hbm>> -> memref<16x1024xf32, #tpu.memory_space<hbm>>
    %dma_start3A_169 = arith.constant 0 : i32
    %dma_start3A_170 = arith.constant 0 : i32
    %dma_start3A_171 = tpu.memref_slice %arg5[%dma_start3A_157, %dma_start3A_169, %dma_start3A_170] : memref<7x16x1024xf32, #tpu.memory_space<vmem>> -> memref<1x16x1024xf32, #tpu.memory_space<vmem>>
    %dma_start3A_172 = tpu.memref_squeeze %dma_start3A_171 : memref<1x16x1024xf32, #tpu.memory_space<vmem>> -> memref<16x1024xf32, #tpu.memory_space<vmem>>
    tpu.enqueue_dma source(%dma_start3A_172 : memref<16x1024xf32, #tpu.memory_space<vmem>>) target(%dma_start3A_168 : memref<16x1024xf32, #tpu.memory_space<hbm>>) target_semaphore(%dma_start3A_166 : memref<!tpu.dma_semaphore, #tpu.memory_space<semaphore_mem>>)
    %dma_wait3A_173 = arith.constant 0 : i32
    %dma_wait3A_174 = arith.constant 0 : i32
    %dma_wait3A_175 = arith.constant 0 : i32
    %dma_wait3A_176 = arith.constant 0 : i32
    %dma_wait3A_177 = tpu.memref_slice %arg5[%dma_wait3A_173, %dma_wait3A_175, %dma_wait3A_176] : memref<7x16x1024xf32, #tpu.memory_space<vmem>> -> memref<1x16x1024xf32, #tpu.memory_space<vmem>>
    %dma_wait3A_178 = tpu.memref_squeeze %dma_wait3A_177 : memref<1x16x1024xf32, #tpu.memory_space<vmem>> -> memref<16x1024xf32, #tpu.memory_space<vmem>>
    %dma_wait3A_179 = arith.constant 0 : i32
    %dma_wait3A_180 = tpu.memref_slice %arg4[%add3A_156, %dma_wait3A_179] : memref<16384x1024xf32, #tpu.memory_space<hbm>> -> memref<16x1024xf32, #tpu.memory_space<hbm>>
    %dma_wait3A_181 = tpu.memref_slice %arg8[%dma_wait3A_174] : memref<7x!tpu.dma_semaphore, #tpu.memory_space<semaphore_mem>> -> memref<1x!tpu.dma_semaphore, #tpu.memory_space<semaphore_mem>>
    %dma_wait3A_182 = tpu.memref_squeeze %dma_wait3A_181 : memref<1x!tpu.dma_semaphore, #tpu.memory_space<semaphore_mem>> -> memref<!tpu.dma_semaphore, #tpu.memory_space<semaphore_mem>>
    %dma_wait3A_183 = arith.constant 0 : i32
    %dma_wait3A_184 = tpu.memref_slice %arg4[%add3A_156, %dma_wait3A_183] : memref<16384x1024xf32, #tpu.memory_space<hbm>> -> memref<16x1024xf32, #tpu.memory_space<hbm>>
    %dma_wait3A_185 = arith.constant 0 : i32
    %dma_wait3A_186 = arith.constant 0 : i32
    %dma_wait3A_187 = tpu.memref_slice %arg5[%dma_wait3A_173, %dma_wait3A_185, %dma_wait3A_186] : memref<7x16x1024xf32, #tpu.memory_space<vmem>> -> memref<1x16x1024xf32, #tpu.memory_space<vmem>>
    %dma_wait3A_188 = tpu.memref_squeeze %dma_wait3A_187 : memref<1x16x1024xf32, #tpu.memory_space<vmem>> -> memref<16x1024xf32, #tpu.memory_space<vmem>>
    tpu.wait_dma2 semaphore(%dma_wait3A_182 : memref<!tpu.dma_semaphore, #tpu.memory_space<semaphore_mem>>) src(%dma_wait3A_188 : memref<16x1024xf32, #tpu.memory_space<vmem>>) dst(%dma_wait3A_184 : memref<16x1024xf32, #tpu.memory_space<hbm>>)
    %add3A_189 = arith.constant 112 : i32
    %add3A_190 = arith.addi %mul3A_2, %add3A_189 : i32
    %dma_start3A_191 = arith.constant 0 : i32
    %dma_start3A_192 = arith.constant 0 : i32
    %dma_start3A_193 = arith.constant 0 : i32
    %dma_start3A_194 = arith.constant 0 : i32
    %dma_start3A_195 = tpu.memref_slice %arg5[%dma_start3A_191, %dma_start3A_193, %dma_start3A_194] : memref<7x16x1024xf32, #tpu.memory_space<vmem>> -> memref<1x16x1024xf32, #tpu.memory_space<vmem>>
    %dma_start3A_196 = tpu.memref_squeeze %dma_start3A_195 : memref<1x16x1024xf32, #tpu.memory_space<vmem>> -> memref<16x1024xf32, #tpu.memory_space<vmem>>
    %dma_start3A_197 = arith.constant 0 : i32
    %dma_start3A_198 = tpu.memref_slice %arg2[%add3A_190, %dma_start3A_197] : memref<16384x1024xf32, #tpu.memory_space<hbm>> -> memref<16x1024xf32, #tpu.memory_space<hbm>>
    %dma_start3A_199 = tpu.memref_slice %arg7[%dma_start3A_192] : memref<7x!tpu.dma_semaphore, #tpu.memory_space<semaphore_mem>> -> memref<1x!tpu.dma_semaphore, #tpu.memory_space<semaphore_mem>>
    %dma_start3A_200 = tpu.memref_squeeze %dma_start3A_199 : memref<1x!tpu.dma_semaphore, #tpu.memory_space<semaphore_mem>> -> memref<!tpu.dma_semaphore, #tpu.memory_space<semaphore_mem>>
    %dma_start3A_201 = arith.constant 0 : i32
    %dma_start3A_202 = arith.constant 0 : i32
    %dma_start3A_203 = tpu.memref_slice %arg5[%dma_start3A_191, %dma_start3A_201, %dma_start3A_202] : memref<7x16x1024xf32, #tpu.memory_space<vmem>> -> memref<1x16x1024xf32, #tpu.memory_space<vmem>>
    %dma_start3A_204 = tpu.memref_squeeze %dma_start3A_203 : memref<1x16x1024xf32, #tpu.memory_space<vmem>> -> memref<16x1024xf32, #tpu.memory_space<vmem>>
    %dma_start3A_205 = arith.constant 0 : i32
    %dma_start3A_206 = tpu.memref_slice %arg2[%add3A_190, %dma_start3A_205] : memref<16384x1024xf32, #tpu.memory_space<hbm>> -> memref<16x1024xf32, #tpu.memory_space<hbm>>
    tpu.enqueue_dma source(%dma_start3A_206 : memref<16x1024xf32, #tpu.memory_space<hbm>>) target(%dma_start3A_204 : memref<16x1024xf32, #tpu.memory_space<vmem>>) target_semaphore(%dma_start3A_200 : memref<!tpu.dma_semaphore, #tpu.memory_space<semaphore_mem>>)
    %dma_wait3A_207 = arith.constant 1 : i32
    %dma_wait3A_208 = arith.constant 1 : i32
    %dma_wait3A_209 = arith.constant 0 : i32
    %dma_wait3A_210 = arith.constant 0 : i32
    %dma_wait3A_211 = tpu.memref_slice %arg5[%dma_wait3A_207, %dma_wait3A_209, %dma_wait3A_210] : memref<7x16x1024xf32, #tpu.memory_space<vmem>> -> memref<1x16x1024xf32, #tpu.memory_space<vmem>>
    %dma_wait3A_212 = tpu.memref_squeeze %dma_wait3A_211 : memref<1x16x1024xf32, #tpu.memory_space<vmem>> -> memref<16x1024xf32, #tpu.memory_space<vmem>>
    %dma_wait3A_213 = arith.constant 0 : i32
    %dma_wait3A_214 = tpu.memref_slice %arg2[%add3A_32, %dma_wait3A_213] : memref<16384x1024xf32, #tpu.memory_space<hbm>> -> memref<16x1024xf32, #tpu.memory_space<hbm>>
    %dma_wait3A_215 = tpu.memref_slice %arg7[%dma_wait3A_208] : memref<7x!tpu.dma_semaphore, #tpu.memory_space<semaphore_mem>> -> memref<1x!tpu.dma_semaphore, #tpu.memory_space<semaphore_mem>>
    %dma_wait3A_216 = tpu.memref_squeeze %dma_wait3A_215 : memref<1x!tpu.dma_semaphore, #tpu.memory_space<semaphore_mem>> -> memref<!tpu.dma_semaphore, #tpu.memory_space<semaphore_mem>>
    %dma_wait3A_217 = arith.constant 0 : i32
    %dma_wait3A_218 = arith.constant 0 : i32
    %dma_wait3A_219 = tpu.memref_slice %arg5[%dma_wait3A_207, %dma_wait3A_217, %dma_wait3A_218] : memref<7x16x1024xf32, #tpu.memory_space<vmem>> -> memref<1x16x1024xf32, #tpu.memory_space<vmem>>
    %dma_wait3A_220 = tpu.memref_squeeze %dma_wait3A_219 : memref<1x16x1024xf32, #tpu.memory_space<vmem>> -> memref<16x1024xf32, #tpu.memory_space<vmem>>
    %dma_wait3A_221 = arith.constant 0 : i32
    %dma_wait3A_222 = tpu.memref_slice %arg2[%add3A_32, %dma_wait3A_221] : memref<16384x1024xf32, #tpu.memory_space<hbm>> -> memref<16x1024xf32, #tpu.memory_space<hbm>>
    tpu.wait_dma2 semaphore(%dma_wait3A_216 : memref<!tpu.dma_semaphore, #tpu.memory_space<semaphore_mem>>) src(%dma_wait3A_222 : memref<16x1024xf32, #tpu.memory_space<hbm>>) dst(%dma_wait3A_220 : memref<16x1024xf32, #tpu.memory_space<vmem>>)
    %add3A_223 = arith.constant 16 : i32
    %add3A_224 = arith.addi %mul3A_2, %add3A_223 : i32
    %dma_start3A_225 = arith.constant 1 : i32
    %dma_start3A_226 = arith.constant 1 : i32
    %dma_start3A_227 = arith.constant 0 : i32
    %dma_start3A_228 = arith.constant 0 : i32
    %dma_start3A_229 = tpu.memref_slice %arg5[%dma_start3A_225, %dma_start3A_227, %dma_start3A_228] : memref<7x16x1024xf32, #tpu.memory_space<vmem>> -> memref<1x16x1024xf32, #tpu.memory_space<vmem>>
    %dma_start3A_230 = tpu.memref_squeeze %dma_start3A_229 : memref<1x16x1024xf32, #tpu.memory_space<vmem>> -> memref<16x1024xf32, #tpu.memory_space<vmem>>
    %dma_start3A_231 = arith.constant 0 : i32
    %dma_start3A_232 = tpu.memref_slice %arg4[%add3A_224, %dma_start3A_231] : memref<16384x1024xf32, #tpu.memory_space<hbm>> -> memref<16x1024xf32, #tpu.memory_space<hbm>>
    %dma_start3A_233 = tpu.memref_slice %arg8[%dma_start3A_226] : memref<7x!tpu.dma_semaphore, #tpu.memory_space<semaphore_mem>> -> memref<1x!tpu.dma_semaphore, #tpu.memory_space<semaphore_mem>>
    %dma_start3A_234 = tpu.memref_squeeze %dma_start3A_233 : memref<1x!tpu.dma_semaphore, #tpu.memory_space<semaphore_mem>> -> memref<!tpu.dma_semaphore, #tpu.memory_space<semaphore_mem>>
    %dma_start3A_235 = arith.constant 0 : i32
    %dma_start3A_236 = tpu.memref_slice %arg4[%add3A_224, %dma_start3A_235] : memref<16384x1024xf32, #tpu.memory_space<hbm>> -> memref<16x1024xf32, #tpu.memory_space<hbm>>
    %dma_start3A_237 = arith.constant 0 : i32
    %dma_start3A_238 = arith.constant 0 : i32
    %dma_start3A_239 = tpu.memref_slice %arg5[%dma_start3A_225, %dma_start3A_237, %dma_start3A_238] : memref<7x16x1024xf32, #tpu.memory_space<vmem>> -> memref<1x16x1024xf32, #tpu.memory_space<vmem>>
    %dma_start3A_240 = tpu.memref_squeeze %dma_start3A_239 : memref<1x16x1024xf32, #tpu.memory_space<vmem>> -> memref<16x1024xf32, #tpu.memory_space<vmem>>
    tpu.enqueue_dma source(%dma_start3A_240 : memref<16x1024xf32, #tpu.memory_space<vmem>>) target(%dma_start3A_236 : memref<16x1024xf32, #tpu.memory_space<hbm>>) target_semaphore(%dma_start3A_234 : memref<!tpu.dma_semaphore, #tpu.memory_space<semaphore_mem>>)
    %dma_wait3A_241 = arith.constant 1 : i32
    %dma_wait3A_242 = arith.constant 1 : i32
    %dma_wait3A_243 = arith.constant 0 : i32
    %dma_wait3A_244 = arith.constant 0 : i32
    %dma_wait3A_245 = tpu.memref_slice %arg5[%dma_wait3A_241, %dma_wait3A_243, %dma_wait3A_244] : memref<7x16x1024xf32, #tpu.memory_space<vmem>> -> memref<1x16x1024xf32, #tpu.memory_space<vmem>>
    %dma_wait3A_246 = tpu.memref_squeeze %dma_wait3A_245 : memref<1x16x1024xf32, #tpu.memory_space<vmem>> -> memref<16x1024xf32, #tpu.memory_space<vmem>>
    %dma_wait3A_247 = arith.constant 0 : i32
    %dma_wait3A_248 = tpu.memref_slice %arg4[%add3A_224, %dma_wait3A_247] : memref<16384x1024xf32, #tpu.memory_space<hbm>> -> memref<16x1024xf32, #tpu.memory_space<hbm>>
    %dma_wait3A_249 = tpu.memref_slice %arg8[%dma_wait3A_242] : memref<7x!tpu.dma_semaphore, #tpu.memory_space<semaphore_mem>> -> memref<1x!tpu.dma_semaphore, #tpu.memory_space<semaphore_mem>>
    %dma_wait3A_250 = tpu.memref_squeeze %dma_wait3A_249 : memref<1x!tpu.dma_semaphore, #tpu.memory_space<semaphore_mem>> -> memref<!tpu.dma_semaphore, #tpu.memory_space<semaphore_mem>>
    %dma_wait3A_251 = arith.constant 0 : i32
    %dma_wait3A_252 = tpu.memref_slice %arg4[%add3A_224, %dma_wait3A_251] : memref<16384x1024xf32, #tpu.memory_space<hbm>> -> memref<16x1024xf32, #tpu.memory_space<hbm>>
    %dma_wait3A_253 = arith.constant 0 : i32
    %dma_wait3A_254 = arith.constant 0 : i32
    %dma_wait3A_255 = tpu.memref_slice %arg5[%dma_wait3A_241, %dma_wait3A_253, %dma_wait3A_254] : memref<7x16x1024xf32, #tpu.memory_space<vmem>> -> memref<1x16x1024xf32, #tpu.memory_space<vmem>>
    %dma_wait3A_256 = tpu.memref_squeeze %dma_wait3A_255 : memref<1x16x1024xf32, #tpu.memory_space<vmem>> -> memref<16x1024xf32, #tpu.memory_space<vmem>>
    tpu.wait_dma2 semaphore(%dma_wait3A_250 : memref<!tpu.dma_semaphore, #tpu.memory_space<semaphore_mem>>) src(%dma_wait3A_256 : memref<16x1024xf32, #tpu.memory_space<vmem>>) dst(%dma_wait3A_252 : memref<16x1024xf32, #tpu.memory_space<hbm>>)
    %add3A_257 = arith.constant 128 : i32
    %add3A_258 = arith.addi %mul3A_2, %add3A_257 : i32
    %dma_start3A_259 = arith.constant 1 : i32
    %dma_start3A_260 = arith.constant 1 : i32
    %dma_start3A_261 = arith.constant 0 : i32
    %dma_start3A_262 = arith.constant 0 : i32
    %dma_start3A_263 = tpu.memref_slice %arg5[%dma_start3A_259, %dma_start3A_261, %dma_start3A_262] : memref<7x16x1024xf32, #tpu.memory_space<vmem>> -> memref<1x16x1024xf32, #tpu.memory_space<vmem>>
    %dma_start3A_264 = tpu.memref_squeeze %dma_start3A_263 : memref<1x16x1024xf32, #tpu.memory_space<vmem>> -> memref<16x1024xf32, #tpu.memory_space<vmem>>
    %dma_start3A_265 = arith.constant 0 : i32
    %dma_start3A_266 = tpu.memref_slice %arg2[%add3A_258, %dma_start3A_265] : memref<16384x1024xf32, #tpu.memory_space<hbm>> -> memref<16x1024xf32, #tpu.memory_space<hbm>>
    %dma_start3A_267 = tpu.memref_slice %arg7[%dma_start3A_260] : memref<7x!tpu.dma_semaphore, #tpu.memory_space<semaphore_mem>> -> memref<1x!tpu.dma_semaphore, #tpu.memory_space<semaphore_mem>>
    %dma_start3A_268 = tpu.memref_squeeze %dma_start3A_267 : memref<1x!tpu.dma_semaphore, #tpu.memory_space<semaphore_mem>> -> memref<!tpu.dma_semaphore, #tpu.memory_space<semaphore_mem>>
    %dma_start3A_269 = arith.constant 0 : i32
    %dma_start3A_270 = arith.constant 0 : i32
    %dma_start3A_271 = tpu.memref_slice %arg5[%dma_start3A_259, %dma_start3A_269, %dma_start3A_270] : memref<7x16x1024xf32, #tpu.memory_space<vmem>> -> memref<1x16x1024xf32, #tpu.memory_space<vmem>>
    %dma_start3A_272 = tpu.memref_squeeze %dma_start3A_271 : memref<1x16x1024xf32, #tpu.memory_space<vmem>> -> memref<16x1024xf32, #tpu.memory_space<vmem>>
    %dma_start3A_273 = arith.constant 0 : i32
    %dma_start3A_274 = tpu.memref_slice %arg2[%add3A_258, %dma_start3A_273] : memref<16384x1024xf32, #tpu.memory_space<hbm>> -> memref<16x1024xf32, #tpu.memory_space<hbm>>
    tpu.enqueue_dma source(%dma_start3A_274 : memref<16x1024xf32, #tpu.memory_space<hbm>>) target(%dma_start3A_272 : memref<16x1024xf32, #tpu.memory_space<vmem>>) target_semaphore(%dma_start3A_268 : memref<!tpu.dma_semaphore, #tpu.memory_space<semaphore_mem>>)
    %dma_wait3A_275 = arith.constant 2 : i32
    %dma_wait3A_276 = arith.constant 2 : i32
    %dma_wait3A_277 = arith.constant 0 : i32
    %dma_wait3A_278 = arith.constant 0 : i32
    %dma_wait3A_279 = tpu.memref_slice %arg5[%dma_wait3A_275, %dma_wait3A_277, %dma_wait3A_278] : memref<7x16x1024xf32, #tpu.memory_space<vmem>> -> memref<1x16x1024xf32, #tpu.memory_space<vmem>>
    %dma_wait3A_280 = tpu.memref_squeeze %dma_wait3A_279 : memref<1x16x1024xf32, #tpu.memory_space<vmem>> -> memref<16x1024xf32, #tpu.memory_space<vmem>>
    %dma_wait3A_281 = arith.constant 0 : i32
    %dma_wait3A_282 = tpu.memref_slice %arg2[%add3A_50, %dma_wait3A_281] : memref<16384x1024xf32, #tpu.memory_space<hbm>> -> memref<16x1024xf32, #tpu.memory_space<hbm>>
    %dma_wait3A_283 = tpu.memref_slice %arg7[%dma_wait3A_276] : memref<7x!tpu.dma_semaphore, #tpu.memory_space<semaphore_mem>> -> memref<1x!tpu.dma_semaphore, #tpu.memory_space<semaphore_mem>>
    %dma_wait3A_284 = tpu.memref_squeeze %dma_wait3A_283 : memref<1x!tpu.dma_semaphore, #tpu.memory_space<semaphore_mem>> -> memref<!tpu.dma_semaphore, #tpu.memory_space<semaphore_mem>>
    %dma_wait3A_285 = arith.constant 0 : i32
    %dma_wait3A_286 = arith.constant 0 : i32
    %dma_wait3A_287 = tpu.memref_slice %arg5[%dma_wait3A_275, %dma_wait3A_285, %dma_wait3A_286] : memref<7x16x1024xf32, #tpu.memory_space<vmem>> -> memref<1x16x1024xf32, #tpu.memory_space<vmem>>
    %dma_wait3A_288 = tpu.memref_squeeze %dma_wait3A_287 : memref<1x16x1024xf32, #tpu.memory_space<vmem>> -> memref<16x1024xf32, #tpu.memory_space<vmem>>
    %dma_wait3A_289 = arith.constant 0 : i32
    %dma_wait3A_290 = tpu.memref_slice %arg2[%add3A_50, %dma_wait3A_289] : memref<16384x1024xf32, #tpu.memory_space<hbm>> -> memref<16x1024xf32, #tpu.memory_space<hbm>>
    tpu.wait_dma2 semaphore(%dma_wait3A_284 : memref<!tpu.dma_semaphore, #tpu.memory_space<semaphore_mem>>) src(%dma_wait3A_290 : memref<16x1024xf32, #tpu.memory_space<hbm>>) dst(%dma_wait3A_288 : memref<16x1024xf32, #tpu.memory_space<vmem>>)
    %add3A_291 = arith.constant 32 : i32
    %add3A_292 = arith.addi %mul3A_2, %add3A_291 : i32
    %dma_start3A_293 = arith.constant 2 : i32
    %dma_start3A_294 = arith.constant 2 : i32
    %dma_start3A_295 = arith.constant 0 : i32
    %dma_start3A_296 = arith.constant 0 : i32
    %dma_start3A_297 = tpu.memref_slice %arg5[%dma_start3A_293, %dma_start3A_295, %dma_start3A_296] : memref<7x16x1024xf32, #tpu.memory_space<vmem>> -> memref<1x16x1024xf32, #tpu.memory_space<vmem>>
    %dma_start3A_298 = tpu.memref_squeeze %dma_start3A_297 : memref<1x16x1024xf32, #tpu.memory_space<vmem>> -> memref<16x1024xf32, #tpu.memory_space<vmem>>
    %dma_start3A_299 = arith.constant 0 : i32
    %dma_start3A_300 = tpu.memref_slice %arg4[%add3A_292, %dma_start3A_299] : memref<16384x1024xf32, #tpu.memory_space<hbm>> -> memref<16x1024xf32, #tpu.memory_space<hbm>>
    %dma_start3A_301 = tpu.memref_slice %arg8[%dma_start3A_294] : memref<7x!tpu.dma_semaphore, #tpu.memory_space<semaphore_mem>> -> memref<1x!tpu.dma_semaphore, #tpu.memory_space<semaphore_mem>>
    %dma_start3A_302 = tpu.memref_squeeze %dma_start3A_301 : memref<1x!tpu.dma_semaphore, #tpu.memory_space<semaphore_mem>> -> memref<!tpu.dma_semaphore, #tpu.memory_space<semaphore_mem>>
    %dma_start3A_303 = arith.constant 0 : i32
    %dma_start3A_304 = tpu.memref_slice %arg4[%add3A_292, %dma_start3A_303] : memref<16384x1024xf32, #tpu.memory_space<hbm>> -> memref<16x1024xf32, #tpu.memory_space<hbm>>
    %dma_start3A_305 = arith.constant 0 : i32
    %dma_start3A_306 = arith.constant 0 : i32
    %dma_start3A_307 = tpu.memref_slice %arg5[%dma_start3A_293, %dma_start3A_305, %dma_start3A_306] : memref<7x16x1024xf32, #tpu.memory_space<vmem>> -> memref<1x16x1024xf32, #tpu.memory_space<vmem>>
    %dma_start3A_308 = tpu.memref_squeeze %dma_start3A_307 : memref<1x16x1024xf32, #tpu.memory_space<vmem>> -> memref<16x1024xf32, #tpu.memory_space<vmem>>
    tpu.enqueue_dma source(%dma_start3A_308 : memref<16x1024xf32, #tpu.memory_space<vmem>>) target(%dma_start3A_304 : memref<16x1024xf32, #tpu.memory_space<hbm>>) target_semaphore(%dma_start3A_302 : memref<!tpu.dma_semaphore, #tpu.memory_space<semaphore_mem>>)
    %dma_wait3A_309 = arith.constant 2 : i32
    %dma_wait3A_310 = arith.constant 2 : i32
    %dma_wait3A_311 = arith.constant 0 : i32
    %dma_wait3A_312 = arith.constant 0 : i32
    %dma_wait3A_313 = tpu.memref_slice %arg5[%dma_wait3A_309, %dma_wait3A_311, %dma_wait3A_312] : memref<7x16x1024xf32, #tpu.memory_space<vmem>> -> memref<1x16x1024xf32, #tpu.memory_space<vmem>>
    %dma_wait3A_314 = tpu.memref_squeeze %dma_wait3A_313 : memref<1x16x1024xf32, #tpu.memory_space<vmem>> -> memref<16x1024xf32, #tpu.memory_space<vmem>>
    %dma_wait3A_315 = arith.constant 0 : i32
    %dma_wait3A_316 = tpu.memref_slice %arg4[%add3A_292, %dma_wait3A_315] : memref<16384x1024xf32, #tpu.memory_space<hbm>> -> memref<16x1024xf32, #tpu.memory_space<hbm>>
    %dma_wait3A_317 = tpu.memref_slice %arg8[%dma_wait3A_310] : memref<7x!tpu.dma_semaphore, #tpu.memory_space<semaphore_mem>> -> memref<1x!tpu.dma_semaphore, #tpu.memory_space<semaphore_mem>>
    %dma_wait3A_318 = tpu.memref_squeeze %dma_wait3A_317 : memref<1x!tpu.dma_semaphore, #tpu.memory_space<semaphore_mem>> -> memref<!tpu.dma_semaphore, #tpu.memory_space<semaphore_mem>>
    %dma_wait3A_319 = arith.constant 0 : i32
    %dma_wait3A_320 = tpu.memref_slice %arg4[%add3A_292, %dma_wait3A_319] : memref<16384x1024xf32, #tpu.memory_space<hbm>> -> memref<16x1024xf32, #tpu.memory_space<hbm>>
    %dma_wait3A_321 = arith.constant 0 : i32
    %dma_wait3A_322 = arith.constant 0 : i32
    %dma_wait3A_323 = tpu.memref_slice %arg5[%dma_wait3A_309, %dma_wait3A_321, %dma_wait3A_322] : memref<7x16x1024xf32, #tpu.memory_space<vmem>> -> memref<1x16x1024xf32, #tpu.memory_space<vmem>>
    %dma_wait3A_324 = tpu.memref_squeeze %dma_wait3A_323 : memref<1x16x1024xf32, #tpu.memory_space<vmem>> -> memref<16x1024xf32, #tpu.memory_space<vmem>>
    tpu.wait_dma2 semaphore(%dma_wait3A_318 : memref<!tpu.dma_semaphore, #tpu.memory_space<semaphore_mem>>) src(%dma_wait3A_324 : memref<16x1024xf32, #tpu.memory_space<vmem>>) dst(%dma_wait3A_320 : memref<16x1024xf32, #tpu.memory_space<hbm>>)
    %add3A_325 = arith.constant 144 : i32
    %add3A_326 = arith.addi %mul3A_2, %add3A_325 : i32
    %dma_start3A_327 = arith.constant 2 : i32
    %dma_start3A_328 = arith.constant 2 : i32
    %dma_start3A_329 = arith.constant 0 : i32
    %dma_start3A_330 = arith.constant 0 : i32
    %dma_start3A_331 = tpu.memref_slice %arg5[%dma_start3A_327, %dma_start3A_329, %dma_start3A_330] : memref<7x16x1024xf32, #tpu.memory_space<vmem>> -> memref<1x16x1024xf32, #tpu.memory_space<vmem>>
    %dma_start3A_332 = tpu.memref_squeeze %dma_start3A_331 : memref<1x16x1024xf32, #tpu.memory_space<vmem>> -> memref<16x1024xf32, #tpu.memory_space<vmem>>
    %dma_start3A_333 = arith.constant 0 : i32
    %dma_start3A_334 = tpu.memref_slice %arg2[%add3A_326, %dma_start3A_333] : memref<16384x1024xf32, #tpu.memory_space<hbm>> -> memref<16x1024xf32, #tpu.memory_space<hbm>>
    %dma_start3A_335 = tpu.memref_slice %arg7[%dma_start3A_328] : memref<7x!tpu.dma_semaphore, #tpu.memory_space<semaphore_mem>> -> memref<1x!tpu.dma_semaphore, #tpu.memory_space<semaphore_mem>>
    %dma_start3A_336 = tpu.memref_squeeze %dma_start3A_335 : memref<1x!tpu.dma_semaphore, #tpu.memory_space<semaphore_mem>> -> memref<!tpu.dma_semaphore, #tpu.memory_space<semaphore_mem>>
    %dma_start3A_337 = arith.constant 0 : i32
    %dma_start3A_338 = arith.constant 0 : i32
    %dma_start3A_339 = tpu.memref_slice %arg5[%dma_start3A_327, %dma_start3A_337, %dma_start3A_338] : memref<7x16x1024xf32, #tpu.memory_space<vmem>> -> memref<1x16x1024xf32, #tpu.memory_space<vmem>>
    %dma_start3A_340 = tpu.memref_squeeze %dma_start3A_339 : memref<1x16x1024xf32, #tpu.memory_space<vmem>> -> memref<16x1024xf32, #tpu.memory_space<vmem>>
    %dma_start3A_341 = arith.constant 0 : i32
    %dma_start3A_342 = tpu.memref_slice %arg2[%add3A_326, %dma_start3A_341] : memref<16384x1024xf32, #tpu.memory_space<hbm>> -> memref<16x1024xf32, #tpu.memory_space<hbm>>
    tpu.enqueue_dma source(%dma_start3A_342 : memref<16x1024xf32, #tpu.memory_space<hbm>>) target(%dma_start3A_340 : memref<16x1024xf32, #tpu.memory_space<vmem>>) target_semaphore(%dma_start3A_336 : memref<!tpu.dma_semaphore, #tpu.memory_space<semaphore_mem>>)
    %dma_wait3A_343 = arith.constant 3 : i32
    %dma_wait3A_344 = arith.constant 3 : i32
    %dma_wait3A_345 = arith.constant 0 : i32
    %dma_wait3A_346 = arith.constant 0 : i32
    %dma_wait3A_347 = tpu.memref_slice %arg5[%dma_wait3A_343, %dma_wait3A_345, %dma_wait3A_346] : memref<7x16x1024xf32, #tpu.memory_space<vmem>> -> memref<1x16x1024xf32, #tpu.memory_space<vmem>>
    %dma_wait3A_348 = tpu.memref_squeeze %dma_wait3A_347 : memref<1x16x1024xf32, #tpu.memory_space<vmem>> -> memref<16x1024xf32, #tpu.memory_space<vmem>>
    %dma_wait3A_349 = arith.constant 0 : i32
    %dma_wait3A_350 = tpu.memref_slice %arg2[%add3A_68, %dma_wait3A_349] : memref<16384x1024xf32, #tpu.memory_space<hbm>> -> memref<16x1024xf32, #tpu.memory_space<hbm>>
    %dma_wait3A_351 = tpu.memref_slice %arg7[%dma_wait3A_344] : memref<7x!tpu.dma_semaphore, #tpu.memory_space<semaphore_mem>> -> memref<1x!tpu.dma_semaphore, #tpu.memory_space<semaphore_mem>>
    %dma_wait3A_352 = tpu.memref_squeeze %dma_wait3A_351 : memref<1x!tpu.dma_semaphore, #tpu.memory_space<semaphore_mem>> -> memref<!tpu.dma_semaphore, #tpu.memory_space<semaphore_mem>>
    %dma_wait3A_353 = arith.constant 0 : i32
    %dma_wait3A_354 = arith.constant 0 : i32
    %dma_wait3A_355 = tpu.memref_slice %arg5[%dma_wait3A_343, %dma_wait3A_353, %dma_wait3A_354] : memref<7x16x1024xf32, #tpu.memory_space<vmem>> -> memref<1x16x1024xf32, #tpu.memory_space<vmem>>
    %dma_wait3A_356 = tpu.memref_squeeze %dma_wait3A_355 : memref<1x16x1024xf32, #tpu.memory_space<vmem>> -> memref<16x1024xf32, #tpu.memory_space<vmem>>
    %dma_wait3A_357 = arith.constant 0 : i32
    %dma_wait3A_358 = tpu.memref_slice %arg2[%add3A_68, %dma_wait3A_357] : memref<16384x1024xf32, #tpu.memory_space<hbm>> -> memref<16x1024xf32, #tpu.memory_space<hbm>>
    tpu.wait_dma2 semaphore(%dma_wait3A_352 : memref<!tpu.dma_semaphore, #tpu.memory_space<semaphore_mem>>) src(%dma_wait3A_358 : memref<16x1024xf32, #tpu.memory_space<hbm>>) dst(%dma_wait3A_356 : memref<16x1024xf32, #tpu.memory_space<vmem>>)
    %add3A_359 = arith.constant 48 : i32
    %add3A_360 = arith.addi %mul3A_2, %add3A_359 : i32
    %dma_start3A_361 = arith.constant 3 : i32
    %dma_start3A_362 = arith.constant 3 : i32
    %dma_start3A_363 = arith.constant 0 : i32
    %dma_start3A_364 = arith.constant 0 : i32
    %dma_start3A_365 = tpu.memref_slice %arg5[%dma_start3A_361, %dma_start3A_363, %dma_start3A_364] : memref<7x16x1024xf32, #tpu.memory_space<vmem>> -> memref<1x16x1024xf32, #tpu.memory_space<vmem>>
    %dma_start3A_366 = tpu.memref_squeeze %dma_start3A_365 : memref<1x16x1024xf32, #tpu.memory_space<vmem>> -> memref<16x1024xf32, #tpu.memory_space<vmem>>
    %dma_start3A_367 = arith.constant 0 : i32
    %dma_start3A_368 = tpu.memref_slice %arg4[%add3A_360, %dma_start3A_367] : memref<16384x1024xf32, #tpu.memory_space<hbm>> -> memref<16x1024xf32, #tpu.memory_space<hbm>>
    %dma_start3A_369 = tpu.memref_slice %arg8[%dma_start3A_362] : memref<7x!tpu.dma_semaphore, #tpu.memory_space<semaphore_mem>> -> memref<1x!tpu.dma_semaphore, #tpu.memory_space<semaphore_mem>>
    %dma_start3A_370 = tpu.memref_squeeze %dma_start3A_369 : memref<1x!tpu.dma_semaphore, #tpu.memory_space<semaphore_mem>> -> memref<!tpu.dma_semaphore, #tpu.memory_space<semaphore_mem>>
    %dma_start3A_371 = arith.constant 0 : i32
    %dma_start3A_372 = tpu.memref_slice %arg4[%add3A_360, %dma_start3A_371] : memref<16384x1024xf32, #tpu.memory_space<hbm>> -> memref<16x1024xf32, #tpu.memory_space<hbm>>
    %dma_start3A_373 = arith.constant 0 : i32
    %dma_start3A_374 = arith.constant 0 : i32
    %dma_start3A_375 = tpu.memref_slice %arg5[%dma_start3A_361, %dma_start3A_373, %dma_start3A_374] : memref<7x16x1024xf32, #tpu.memory_space<vmem>> -> memref<1x16x1024xf32, #tpu.memory_space<vmem>>
    %dma_start3A_376 = tpu.memref_squeeze %dma_start3A_375 : memref<1x16x1024xf32, #tpu.memory_space<vmem>> -> memref<16x1024xf32, #tpu.memory_space<vmem>>
    tpu.enqueue_dma source(%dma_start3A_376 : memref<16x1024xf32, #tpu.memory_space<vmem>>) target(%dma_start3A_372 : memref<16x1024xf32, #tpu.memory_space<hbm>>) target_semaphore(%dma_start3A_370 : memref<!tpu.dma_semaphore, #tpu.memory_space<semaphore_mem>>)
    %dma_wait3A_377 = arith.constant 3 : i32
    %dma_wait3A_378 = arith.constant 3 : i32
    %dma_wait3A_379 = arith.constant 0 : i32
    %dma_wait3A_380 = arith.constant 0 : i32
    %dma_wait3A_381 = tpu.memref_slice %arg5[%dma_wait3A_377, %dma_wait3A_379, %dma_wait3A_380] : memref<7x16x1024xf32, #tpu.memory_space<vmem>> -> memref<1x16x1024xf32, #tpu.memory_space<vmem>>
    %dma_wait3A_382 = tpu.memref_squeeze %dma_wait3A_381 : memref<1x16x1024xf32, #tpu.memory_space<vmem>> -> memref<16x1024xf32, #tpu.memory_space<vmem>>
    %dma_wait3A_383 = arith.constant 0 : i32
    %dma_wait3A_384 = tpu.memref_slice %arg4[%add3A_360, %dma_wait3A_383] : memref<16384x1024xf32, #tpu.memory_space<hbm>> -> memref<16x1024xf32, #tpu.memory_space<hbm>>
    %dma_wait3A_385 = tpu.memref_slice %arg8[%dma_wait3A_378] : memref<7x!tpu.dma_semaphore, #tpu.memory_space<semaphore_mem>> -> memref<1x!tpu.dma_semaphore, #tpu.memory_space<semaphore_mem>>
    %dma_wait3A_386 = tpu.memref_squeeze %dma_wait3A_385 : memref<1x!tpu.dma_semaphore, #tpu.memory_space<semaphore_mem>> -> memref<!tpu.dma_semaphore, #tpu.memory_space<semaphore_mem>>
    %dma_wait3A_387 = arith.constant 0 : i32
    %dma_wait3A_388 = tpu.memref_slice %arg4[%add3A_360, %dma_wait3A_387] : memref<16384x1024xf32, #tpu.memory_space<hbm>> -> memref<16x1024xf32, #tpu.memory_space<hbm>>
    %dma_wait3A_389 = arith.constant 0 : i32
    %dma_wait3A_390 = arith.constant 0 : i32
    %dma_wait3A_391 = tpu.memref_slice %arg5[%dma_wait3A_377, %dma_wait3A_389, %dma_wait3A_390] : memref<7x16x1024xf32, #tpu.memory_space<vmem>> -> memref<1x16x1024xf32, #tpu.memory_space<vmem>>
    %dma_wait3A_392 = tpu.memref_squeeze %dma_wait3A_391 : memref<1x16x1024xf32, #tpu.memory_space<vmem>> -> memref<16x1024xf32, #tpu.memory_space<vmem>>
    tpu.wait_dma2 semaphore(%dma_wait3A_386 : memref<!tpu.dma_semaphore, #tpu.memory_space<semaphore_mem>>) src(%dma_wait3A_392 : memref<16x1024xf32, #tpu.memory_space<vmem>>) dst(%dma_wait3A_388 : memref<16x1024xf32, #tpu.memory_space<hbm>>)
    %add3A_393 = arith.constant 160 : i32
    %add3A_394 = arith.addi %mul3A_2, %add3A_393 : i32
    %dma_start3A_395 = arith.constant 3 : i32
    %dma_start3A_396 = arith.constant 3 : i32
    %dma_start3A_397 = arith.constant 0 : i32
    %dma_start3A_398 = arith.constant 0 : i32
    %dma_start3A_399 = tpu.memref_slice %arg5[%dma_start3A_395, %dma_start3A_397, %dma_start3A_398] : memref<7x16x1024xf32, #tpu.memory_space<vmem>> -> memref<1x16x1024xf32, #tpu.memory_space<vmem>>
    %dma_start3A_400 = tpu.memref_squeeze %dma_start3A_399 : memref<1x16x1024xf32, #tpu.memory_space<vmem>> -> memref<16x1024xf32, #tpu.memory_space<vmem>>
    %dma_start3A_401 = arith.constant 0 : i32
    %dma_start3A_402 = tpu.memref_slice %arg2[%add3A_394, %dma_start3A_401] : memref<16384x1024xf32, #tpu.memory_space<hbm>> -> memref<16x1024xf32, #tpu.memory_space<hbm>>
    %dma_start3A_403 = tpu.memref_slice %arg7[%dma_start3A_396] : memref<7x!tpu.dma_semaphore, #tpu.memory_space<semaphore_mem>> -> memref<1x!tpu.dma_semaphore, #tpu.memory_space<semaphore_mem>>
    %dma_start3A_404 = tpu.memref_squeeze %dma_start3A_403 : memref<1x!tpu.dma_semaphore, #tpu.memory_space<semaphore_mem>> -> memref<!tpu.dma_semaphore, #tpu.memory_space<semaphore_mem>>
    %dma_start3A_405 = arith.constant 0 : i32
    %dma_start3A_406 = arith.constant 0 : i32
    %dma_start3A_407 = tpu.memref_slice %arg5[%dma_start3A_395, %dma_start3A_405, %dma_start3A_406] : memref<7x16x1024xf32, #tpu.memory_space<vmem>> -> memref<1x16x1024xf32, #tpu.memory_space<vmem>>
    %dma_start3A_408 = tpu.memref_squeeze %dma_start3A_407 : memref<1x16x1024xf32, #tpu.memory_space<vmem>> -> memref<16x1024xf32, #tpu.memory_space<vmem>>
    %dma_start3A_409 = arith.constant 0 : i32
    %dma_start3A_410 = tpu.memref_slice %arg2[%add3A_394, %dma_start3A_409] : memref<16384x1024xf32, #tpu.memory_space<hbm>> -> memref<16x1024xf32, #tpu.memory_space<hbm>>
    tpu.enqueue_dma source(%dma_start3A_410 : memref<16x1024xf32, #tpu.memory_space<hbm>>) target(%dma_start3A_408 : memref<16x1024xf32, #tpu.memory_space<vmem>>) target_semaphore(%dma_start3A_404 : memref<!tpu.dma_semaphore, #tpu.memory_space<semaphore_mem>>)
    %dma_wait3A_411 = arith.constant 4 : i32
    %dma_wait3A_412 = arith.constant 4 : i32
    %dma_wait3A_413 = arith.constant 0 : i32
    %dma_wait3A_414 = arith.constant 0 : i32
    %dma_wait3A_415 = tpu.memref_slice %arg5[%dma_wait3A_411, %dma_wait3A_413, %dma_wait3A_414] : memref<7x16x1024xf32, #tpu.memory_space<vmem>> -> memref<1x16x1024xf32, #tpu.memory_space<vmem>>
    %dma_wait3A_416 = tpu.memref_squeeze %dma_wait3A_415 : memref<1x16x1024xf32, #tpu.memory_space<vmem>> -> memref<16x1024xf32, #tpu.memory_space<vmem>>
    %dma_wait3A_417 = arith.constant 0 : i32
    %dma_wait3A_418 = tpu.memref_slice %arg2[%add3A_86, %dma_wait3A_417] : memref<16384x1024xf32, #tpu.memory_space<hbm>> -> memref<16x1024xf32, #tpu.memory_space<hbm>>
    %dma_wait3A_419 = tpu.memref_slice %arg7[%dma_wait3A_412] : memref<7x!tpu.dma_semaphore, #tpu.memory_space<semaphore_mem>> -> memref<1x!tpu.dma_semaphore, #tpu.memory_space<semaphore_mem>>
    %dma_wait3A_420 = tpu.memref_squeeze %dma_wait3A_419 : memref<1x!tpu.dma_semaphore, #tpu.memory_space<semaphore_mem>> -> memref<!tpu.dma_semaphore, #tpu.memory_space<semaphore_mem>>
    %dma_wait3A_421 = arith.constant 0 : i32
    %dma_wait3A_422 = arith.constant 0 : i32
    %dma_wait3A_423 = tpu.memref_slice %arg5[%dma_wait3A_411, %dma_wait3A_421, %dma_wait3A_422] : memref<7x16x1024xf32, #tpu.memory_space<vmem>> -> memref<1x16x1024xf32, #tpu.memory_space<vmem>>
    %dma_wait3A_424 = tpu.memref_squeeze %dma_wait3A_423 : memref<1x16x1024xf32, #tpu.memory_space<vmem>> -> memref<16x1024xf32, #tpu.memory_space<vmem>>
    %dma_wait3A_425 = arith.constant 0 : i32
    %dma_wait3A_426 = tpu.memref_slice %arg2[%add3A_86, %dma_wait3A_425] : memref<16384x1024xf32, #tpu.memory_space<hbm>> -> memref<16x1024xf32, #tpu.memory_space<hbm>>
    tpu.wait_dma2 semaphore(%dma_wait3A_420 : memref<!tpu.dma_semaphore, #tpu.memory_space<semaphore_mem>>) src(%dma_wait3A_426 : memref<16x1024xf32, #tpu.memory_space<hbm>>) dst(%dma_wait3A_424 : memref<16x1024xf32, #tpu.memory_space<vmem>>)
    %add3A_427 = arith.constant 64 : i32
    %add3A_428 = arith.addi %mul3A_2, %add3A_427 : i32
    %dma_start3A_429 = arith.constant 4 : i32
    %dma_start3A_430 = arith.constant 4 : i32
    %dma_start3A_431 = arith.constant 0 : i32
    %dma_start3A_432 = arith.constant 0 : i32
    %dma_start3A_433 = tpu.memref_slice %arg5[%dma_start3A_429, %dma_start3A_431, %dma_start3A_432] : memref<7x16x1024xf32, #tpu.memory_space<vmem>> -> memref<1x16x1024xf32, #tpu.memory_space<vmem>>
    %dma_start3A_434 = tpu.memref_squeeze %dma_start3A_433 : memref<1x16x1024xf32, #tpu.memory_space<vmem>> -> memref<16x1024xf32, #tpu.memory_space<vmem>>
    %dma_start3A_435 = arith.constant 0 : i32
    %dma_start3A_436 = tpu.memref_slice %arg4[%add3A_428, %dma_start3A_435] : memref<16384x1024xf32, #tpu.memory_space<hbm>> -> memref<16x1024xf32, #tpu.memory_space<hbm>>
    %dma_start3A_437 = tpu.memref_slice %arg8[%dma_start3A_430] : memref<7x!tpu.dma_semaphore, #tpu.memory_space<semaphore_mem>> -> memref<1x!tpu.dma_semaphore, #tpu.memory_space<semaphore_mem>>
    %dma_start3A_438 = tpu.memref_squeeze %dma_start3A_437 : memref<1x!tpu.dma_semaphore, #tpu.memory_space<semaphore_mem>> -> memref<!tpu.dma_semaphore, #tpu.memory_space<semaphore_mem>>
    %dma_start3A_439 = arith.constant 0 : i32
    %dma_start3A_440 = tpu.memref_slice %arg4[%add3A_428, %dma_start3A_439] : memref<16384x1024xf32, #tpu.memory_space<hbm>> -> memref<16x1024xf32, #tpu.memory_space<hbm>>
    %dma_start3A_441 = arith.constant 0 : i32
    %dma_start3A_442 = arith.constant 0 : i32
    %dma_start3A_443 = tpu.memref_slice %arg5[%dma_start3A_429, %dma_start3A_441, %dma_start3A_442] : memref<7x16x1024xf32, #tpu.memory_space<vmem>> -> memref<1x16x1024xf32, #tpu.memory_space<vmem>>
    %dma_start3A_444 = tpu.memref_squeeze %dma_start3A_443 : memref<1x16x1024xf32, #tpu.memory_space<vmem>> -> memref<16x1024xf32, #tpu.memory_space<vmem>>
    tpu.enqueue_dma source(%dma_start3A_444 : memref<16x1024xf32, #tpu.memory_space<vmem>>) target(%dma_start3A_440 : memref<16x1024xf32, #tpu.memory_space<hbm>>) target_semaphore(%dma_start3A_438 : memref<!tpu.dma_semaphore, #tpu.memory_space<semaphore_mem>>)
    %dma_wait3A_445 = arith.constant 4 : i32
    %dma_wait3A_446 = arith.constant 4 : i32
    %dma_wait3A_447 = arith.constant 0 : i32
    %dma_wait3A_448 = arith.constant 0 : i32
    %dma_wait3A_449 = tpu.memref_slice %arg5[%dma_wait3A_445, %dma_wait3A_447, %dma_wait3A_448] : memref<7x16x1024xf32, #tpu.memory_space<vmem>> -> memref<1x16x1024xf32, #tpu.memory_space<vmem>>
    %dma_wait3A_450 = tpu.memref_squeeze %dma_wait3A_449 : memref<1x16x1024xf32, #tpu.memory_space<vmem>> -> memref<16x1024xf32, #tpu.memory_space<vmem>>
    %dma_wait3A_451 = arith.constant 0 : i32
    %dma_wait3A_452 = tpu.memref_slice %arg4[%add3A_428, %dma_wait3A_451] : memref<16384x1024xf32, #tpu.memory_space<hbm>> -> memref<16x1024xf32, #tpu.memory_space<hbm>>
    %dma_wait3A_453 = tpu.memref_slice %arg8[%dma_wait3A_446] : memref<7x!tpu.dma_semaphore, #tpu.memory_space<semaphore_mem>> -> memref<1x!tpu.dma_semaphore, #tpu.memory_space<semaphore_mem>>
    %dma_wait3A_454 = tpu.memref_squeeze %dma_wait3A_453 : memref<1x!tpu.dma_semaphore, #tpu.memory_space<semaphore_mem>> -> memref<!tpu.dma_semaphore, #tpu.memory_space<semaphore_mem>>
    %dma_wait3A_455 = arith.constant 0 : i32
    %dma_wait3A_456 = tpu.memref_slice %arg4[%add3A_428, %dma_wait3A_455] : memref<16384x1024xf32, #tpu.memory_space<hbm>> -> memref<16x1024xf32, #tpu.memory_space<hbm>>
    %dma_wait3A_457 = arith.constant 0 : i32
    %dma_wait3A_458 = arith.constant 0 : i32
    %dma_wait3A_459 = tpu.memref_slice %arg5[%dma_wait3A_445, %dma_wait3A_457, %dma_wait3A_458] : memref<7x16x1024xf32, #tpu.memory_space<vmem>> -> memref<1x16x1024xf32, #tpu.memory_space<vmem>>
    %dma_wait3A_460 = tpu.memref_squeeze %dma_wait3A_459 : memref<1x16x1024xf32, #tpu.memory_space<vmem>> -> memref<16x1024xf32, #tpu.memory_space<vmem>>
    tpu.wait_dma2 semaphore(%dma_wait3A_454 : memref<!tpu.dma_semaphore, #tpu.memory_space<semaphore_mem>>) src(%dma_wait3A_460 : memref<16x1024xf32, #tpu.memory_space<vmem>>) dst(%dma_wait3A_456 : memref<16x1024xf32, #tpu.memory_space<hbm>>)
    %add3A_461 = arith.constant 176 : i32
    %add3A_462 = arith.addi %mul3A_2, %add3A_461 : i32
    %dma_start3A_463 = arith.constant 4 : i32
    %dma_start3A_464 = arith.constant 4 : i32
    %dma_start3A_465 = arith.constant 0 : i32
    %dma_start3A_466 = arith.constant 0 : i32
    %dma_start3A_467 = tpu.memref_slice %arg5[%dma_start3A_463, %dma_start3A_465, %dma_start3A_466] : memref<7x16x1024xf32, #tpu.memory_space<vmem>> -> memref<1x16x1024xf32, #tpu.memory_space<vmem>>
    %dma_start3A_468 = tpu.memref_squeeze %dma_start3A_467 : memref<1x16x1024xf32, #tpu.memory_space<vmem>> -> memref<16x1024xf32, #tpu.memory_space<vmem>>
    %dma_start3A_469 = arith.constant 0 : i32
    %dma_start3A_470 = tpu.memref_slice %arg2[%add3A_462, %dma_start3A_469] : memref<16384x1024xf32, #tpu.memory_space<hbm>> -> memref<16x1024xf32, #tpu.memory_space<hbm>>
    %dma_start3A_471 = tpu.memref_slice %arg7[%dma_start3A_464] : memref<7x!tpu.dma_semaphore, #tpu.memory_space<semaphore_mem>> -> memref<1x!tpu.dma_semaphore, #tpu.memory_space<semaphore_mem>>
    %dma_start3A_472 = tpu.memref_squeeze %dma_start3A_471 : memref<1x!tpu.dma_semaphore, #tpu.memory_space<semaphore_mem>> -> memref<!tpu.dma_semaphore, #tpu.memory_space<semaphore_mem>>
    %dma_start3A_473 = arith.constant 0 : i32
    %dma_start3A_474 = arith.constant 0 : i32
    %dma_start3A_475 = tpu.memref_slice %arg5[%dma_start3A_463, %dma_start3A_473, %dma_start3A_474] : memref<7x16x1024xf32, #tpu.memory_space<vmem>> -> memref<1x16x1024xf32, #tpu.memory_space<vmem>>
    %dma_start3A_476 = tpu.memref_squeeze %dma_start3A_475 : memref<1x16x1024xf32, #tpu.memory_space<vmem>> -> memref<16x1024xf32, #tpu.memory_space<vmem>>
    %dma_start3A_477 = arith.constant 0 : i32
    %dma_start3A_478 = tpu.memref_slice %arg2[%add3A_462, %dma_start3A_477] : memref<16384x1024xf32, #tpu.memory_space<hbm>> -> memref<16x1024xf32, #tpu.memory_space<hbm>>
    tpu.enqueue_dma source(%dma_start3A_478 : memref<16x1024xf32, #tpu.memory_space<hbm>>) target(%dma_start3A_476 : memref<16x1024xf32, #tpu.memory_space<vmem>>) target_semaphore(%dma_start3A_472 : memref<!tpu.dma_semaphore, #tpu.memory_space<semaphore_mem>>)
    %dma_wait3A_479 = arith.constant 5 : i32
    %dma_wait3A_480 = arith.constant 5 : i32
    %dma_wait3A_481 = arith.constant 0 : i32
    %dma_wait3A_482 = arith.constant 0 : i32
    %dma_wait3A_483 = tpu.memref_slice %arg5[%dma_wait3A_479, %dma_wait3A_481, %dma_wait3A_482] : memref<7x16x1024xf32, #tpu.memory_space<vmem>> -> memref<1x16x1024xf32, #tpu.memory_space<vmem>>
    %dma_wait3A_484 = tpu.memref_squeeze %dma_wait3A_483 : memref<1x16x1024xf32, #tpu.memory_space<vmem>> -> memref<16x1024xf32, #tpu.memory_space<vmem>>
    %dma_wait3A_485 = arith.constant 0 : i32
    %dma_wait3A_486 = tpu.memref_slice %arg2[%add3A_104, %dma_wait3A_485] : memref<16384x1024xf32, #tpu.memory_space<hbm>> -> memref<16x1024xf32, #tpu.memory_space<hbm>>
    %dma_wait3A_487 = tpu.memref_slice %arg7[%dma_wait3A_480] : memref<7x!tpu.dma_semaphore, #tpu.memory_space<semaphore_mem>> -> memref<1x!tpu.dma_semaphore, #tpu.memory_space<semaphore_mem>>
    %dma_wait3A_488 = tpu.memref_squeeze %dma_wait3A_487 : memref<1x!tpu.dma_semaphore, #tpu.memory_space<semaphore_mem>> -> memref<!tpu.dma_semaphore, #tpu.memory_space<semaphore_mem>>
    %dma_wait3A_489 = arith.constant 0 : i32
    %dma_wait3A_490 = arith.constant 0 : i32
    %dma_wait3A_491 = tpu.memref_slice %arg5[%dma_wait3A_479, %dma_wait3A_489, %dma_wait3A_490] : memref<7x16x1024xf32, #tpu.memory_space<vmem>> -> memref<1x16x1024xf32, #tpu.memory_space<vmem>>
    %dma_wait3A_492 = tpu.memref_squeeze %dma_wait3A_491 : memref<1x16x1024xf32, #tpu.memory_space<vmem>> -> memref<16x1024xf32, #tpu.memory_space<vmem>>
    %dma_wait3A_493 = arith.constant 0 : i32
    %dma_wait3A_494 = tpu.memref_slice %arg2[%add3A_104, %dma_wait3A_493] : memref<16384x1024xf32, #tpu.memory_space<hbm>> -> memref<16x1024xf32, #tpu.memory_space<hbm>>
    tpu.wait_dma2 semaphore(%dma_wait3A_488 : memref<!tpu.dma_semaphore, #tpu.memory_space<semaphore_mem>>) src(%dma_wait3A_494 : memref<16x1024xf32, #tpu.memory_space<hbm>>) dst(%dma_wait3A_492 : memref<16x1024xf32, #tpu.memory_space<vmem>>)
    %add3A_495 = arith.constant 80 : i32
    %add3A_496 = arith.addi %mul3A_2, %add3A_495 : i32
    %dma_start3A_497 = arith.constant 5 : i32
    %dma_start3A_498 = arith.constant 5 : i32
    %dma_start3A_499 = arith.constant 0 : i32
    %dma_start3A_500 = arith.constant 0 : i32
    %dma_start3A_501 = tpu.memref_slice %arg5[%dma_start3A_497, %dma_start3A_499, %dma_start3A_500] : memref<7x16x1024xf32, #tpu.memory_space<vmem>> -> memref<1x16x1024xf32, #tpu.memory_space<vmem>>
    %dma_start3A_502 = tpu.memref_squeeze %dma_start3A_501 : memref<1x16x1024xf32, #tpu.memory_space<vmem>> -> memref<16x1024xf32, #tpu.memory_space<vmem>>
    %dma_start3A_503 = arith.constant 0 : i32
    %dma_start3A_504 = tpu.memref_slice %arg4[%add3A_496, %dma_start3A_503] : memref<16384x1024xf32, #tpu.memory_space<hbm>> -> memref<16x1024xf32, #tpu.memory_space<hbm>>
    %dma_start3A_505 = tpu.memref_slice %arg8[%dma_start3A_498] : memref<7x!tpu.dma_semaphore, #tpu.memory_space<semaphore_mem>> -> memref<1x!tpu.dma_semaphore, #tpu.memory_space<semaphore_mem>>
    %dma_start3A_506 = tpu.memref_squeeze %dma_start3A_505 : memref<1x!tpu.dma_semaphore, #tpu.memory_space<semaphore_mem>> -> memref<!tpu.dma_semaphore, #tpu.memory_space<semaphore_mem>>
    %dma_start3A_507 = arith.constant 0 : i32
    %dma_start3A_508 = tpu.memref_slice %arg4[%add3A_496, %dma_start3A_507] : memref<16384x1024xf32, #tpu.memory_space<hbm>> -> memref<16x1024xf32, #tpu.memory_space<hbm>>
    %dma_start3A_509 = arith.constant 0 : i32
    %dma_start3A_510 = arith.constant 0 : i32
    %dma_start3A_511 = tpu.memref_slice %arg5[%dma_start3A_497, %dma_start3A_509, %dma_start3A_510] : memref<7x16x1024xf32, #tpu.memory_space<vmem>> -> memref<1x16x1024xf32, #tpu.memory_space<vmem>>
    %dma_start3A_512 = tpu.memref_squeeze %dma_start3A_511 : memref<1x16x1024xf32, #tpu.memory_space<vmem>> -> memref<16x1024xf32, #tpu.memory_space<vmem>>
    tpu.enqueue_dma source(%dma_start3A_512 : memref<16x1024xf32, #tpu.memory_space<vmem>>) target(%dma_start3A_508 : memref<16x1024xf32, #tpu.memory_space<hbm>>) target_semaphore(%dma_start3A_506 : memref<!tpu.dma_semaphore, #tpu.memory_space<semaphore_mem>>)
    %dma_wait3A_513 = arith.constant 5 : i32
    %dma_wait3A_514 = arith.constant 5 : i32
    %dma_wait3A_515 = arith.constant 0 : i32
    %dma_wait3A_516 = arith.constant 0 : i32
    %dma_wait3A_517 = tpu.memref_slice %arg5[%dma_wait3A_513, %dma_wait3A_515, %dma_wait3A_516] : memref<7x16x1024xf32, #tpu.memory_space<vmem>> -> memref<1x16x1024xf32, #tpu.memory_space<vmem>>
    %dma_wait3A_518 = tpu.memref_squeeze %dma_wait3A_517 : memref<1x16x1024xf32, #tpu.memory_space<vmem>> -> memref<16x1024xf32, #tpu.memory_space<vmem>>
    %dma_wait3A_519 = arith.constant 0 : i32
    %dma_wait3A_520 = tpu.memref_slice %arg4[%add3A_496, %dma_wait3A_519] : memref<16384x1024xf32, #tpu.memory_space<hbm>> -> memref<16x1024xf32, #tpu.memory_space<hbm>>
    %dma_wait3A_521 = tpu.memref_slice %arg8[%dma_wait3A_514] : memref<7x!tpu.dma_semaphore, #tpu.memory_space<semaphore_mem>> -> memref<1x!tpu.dma_semaphore, #tpu.memory_space<semaphore_mem>>
    %dma_wait3A_522 = tpu.memref_squeeze %dma_wait3A_521 : memref<1x!tpu.dma_semaphore, #tpu.memory_space<semaphore_mem>> -> memref<!tpu.dma_semaphore, #tpu.memory_space<semaphore_mem>>
    %dma_wait3A_523 = arith.constant 0 : i32
    %dma_wait3A_524 = tpu.memref_slice %arg4[%add3A_496, %dma_wait3A_523] : memref<16384x1024xf32, #tpu.memory_space<hbm>> -> memref<16x1024xf32, #tpu.memory_space<hbm>>
    %dma_wait3A_525 = arith.constant 0 : i32
    %dma_wait3A_526 = arith.constant 0 : i32
    %dma_wait3A_527 = tpu.memref_slice %arg5[%dma_wait3A_513, %dma_wait3A_525, %dma_wait3A_526] : memref<7x16x1024xf32, #tpu.memory_space<vmem>> -> memref<1x16x1024xf32, #tpu.memory_space<vmem>>
    %dma_wait3A_528 = tpu.memref_squeeze %dma_wait3A_527 : memref<1x16x1024xf32, #tpu.memory_space<vmem>> -> memref<16x1024xf32, #tpu.memory_space<vmem>>
    tpu.wait_dma2 semaphore(%dma_wait3A_522 : memref<!tpu.dma_semaphore, #tpu.memory_space<semaphore_mem>>) src(%dma_wait3A_528 : memref<16x1024xf32, #tpu.memory_space<vmem>>) dst(%dma_wait3A_524 : memref<16x1024xf32, #tpu.memory_space<hbm>>)
    %add3A_529 = arith.constant 192 : i32
    %add3A_530 = arith.addi %mul3A_2, %add3A_529 : i32
    %dma_start3A_531 = arith.constant 5 : i32
    %dma_start3A_532 = arith.constant 5 : i32
    %dma_start3A_533 = arith.constant 0 : i32
    %dma_start3A_534 = arith.constant 0 : i32
    %dma_start3A_535 = tpu.memref_slice %arg5[%dma_start3A_531, %dma_start3A_533, %dma_start3A_534] : memref<7x16x1024xf32, #tpu.memory_space<vmem>> -> memref<1x16x1024xf32, #tpu.memory_space<vmem>>
    %dma_start3A_536 = tpu.memref_squeeze %dma_start3A_535 : memref<1x16x1024xf32, #tpu.memory_space<vmem>> -> memref<16x1024xf32, #tpu.memory_space<vmem>>
    %dma_start3A_537 = arith.constant 0 : i32
    %dma_start3A_538 = tpu.memref_slice %arg2[%add3A_530, %dma_start3A_537] : memref<16384x1024xf32, #tpu.memory_space<hbm>> -> memref<16x1024xf32, #tpu.memory_space<hbm>>
    %dma_start3A_539 = tpu.memref_slice %arg7[%dma_start3A_532] : memref<7x!tpu.dma_semaphore, #tpu.memory_space<semaphore_mem>> -> memref<1x!tpu.dma_semaphore, #tpu.memory_space<semaphore_mem>>
    %dma_start3A_540 = tpu.memref_squeeze %dma_start3A_539 : memref<1x!tpu.dma_semaphore, #tpu.memory_space<semaphore_mem>> -> memref<!tpu.dma_semaphore, #tpu.memory_space<semaphore_mem>>
    %dma_start3A_541 = arith.constant 0 : i32
    %dma_start3A_542 = arith.constant 0 : i32
    %dma_start3A_543 = tpu.memref_slice %arg5[%dma_start3A_531, %dma_start3A_541, %dma_start3A_542] : memref<7x16x1024xf32, #tpu.memory_space<vmem>> -> memref<1x16x1024xf32, #tpu.memory_space<vmem>>
    %dma_start3A_544 = tpu.memref_squeeze %dma_start3A_543 : memref<1x16x1024xf32, #tpu.memory_space<vmem>> -> memref<16x1024xf32, #tpu.memory_space<vmem>>
    %dma_start3A_545 = arith.constant 0 : i32
    %dma_start3A_546 = tpu.memref_slice %arg2[%add3A_530, %dma_start3A_545] : memref<16384x1024xf32, #tpu.memory_space<hbm>> -> memref<16x1024xf32, #tpu.memory_space<hbm>>
    tpu.enqueue_dma source(%dma_start3A_546 : memref<16x1024xf32, #tpu.memory_space<hbm>>) target(%dma_start3A_544 : memref<16x1024xf32, #tpu.memory_space<vmem>>) target_semaphore(%dma_start3A_540 : memref<!tpu.dma_semaphore, #tpu.memory_space<semaphore_mem>>)
    %dma_wait3A_547 = arith.constant 6 : i32
    %dma_wait3A_548 = arith.constant 6 : i32
    %dma_wait3A_549 = arith.constant 0 : i32
    %dma_wait3A_550 = arith.constant 0 : i32
    %dma_wait3A_551 = tpu.memref_slice %arg5[%dma_wait3A_547, %dma_wait3A_549, %dma_wait3A_550] : memref<7x16x1024xf32, #tpu.memory_space<vmem>> -> memref<1x16x1024xf32, #tpu.memory_space<vmem>>
    %dma_wait3A_552 = tpu.memref_squeeze %dma_wait3A_551 : memref<1x16x1024xf32, #tpu.memory_space<vmem>> -> memref<16x1024xf32, #tpu.memory_space<vmem>>
    %dma_wait3A_553 = arith.constant 0 : i32
    %dma_wait3A_554 = tpu.memref_slice %arg2[%add3A_122, %dma_wait3A_553] : memref<16384x1024xf32, #tpu.memory_space<hbm>> -> memref<16x1024xf32, #tpu.memory_space<hbm>>
    %dma_wait3A_555 = tpu.memref_slice %arg7[%dma_wait3A_548] : memref<7x!tpu.dma_semaphore, #tpu.memory_space<semaphore_mem>> -> memref<1x!tpu.dma_semaphore, #tpu.memory_space<semaphore_mem>>
    %dma_wait3A_556 = tpu.memref_squeeze %dma_wait3A_555 : memref<1x!tpu.dma_semaphore, #tpu.memory_space<semaphore_mem>> -> memref<!tpu.dma_semaphore, #tpu.memory_space<semaphore_mem>>
    %dma_wait3A_557 = arith.constant 0 : i32
    %dma_wait3A_558 = arith.constant 0 : i32
    %dma_wait3A_559 = tpu.memref_slice %arg5[%dma_wait3A_547, %dma_wait3A_557, %dma_wait3A_558] : memref<7x16x1024xf32, #tpu.memory_space<vmem>> -> memref<1x16x1024xf32, #tpu.memory_space<vmem>>
    %dma_wait3A_560 = tpu.memref_squeeze %dma_wait3A_559 : memref<1x16x1024xf32, #tpu.memory_space<vmem>> -> memref<16x1024xf32, #tpu.memory_space<vmem>>
    %dma_wait3A_561 = arith.constant 0 : i32
    %dma_wait3A_562 = tpu.memref_slice %arg2[%add3A_122, %dma_wait3A_561] : memref<16384x1024xf32, #tpu.memory_space<hbm>> -> memref<16x1024xf32, #tpu.memory_space<hbm>>
    tpu.wait_dma2 semaphore(%dma_wait3A_556 : memref<!tpu.dma_semaphore, #tpu.memory_space<semaphore_mem>>) src(%dma_wait3A_562 : memref<16x1024xf32, #tpu.memory_space<hbm>>) dst(%dma_wait3A_560 : memref<16x1024xf32, #tpu.memory_space<vmem>>)
    %add3A_563 = arith.constant 96 : i32
    %add3A_564 = arith.addi %mul3A_2, %add3A_563 : i32
    %dma_start3A_565 = arith.constant 6 : i32
    %dma_start3A_566 = arith.constant 6 : i32
    %dma_start3A_567 = arith.constant 0 : i32
    %dma_start3A_568 = arith.constant 0 : i32
    %dma_start3A_569 = tpu.memref_slice %arg5[%dma_start3A_565, %dma_start3A_567, %dma_start3A_568] : memref<7x16x1024xf32, #tpu.memory_space<vmem>> -> memref<1x16x1024xf32, #tpu.memory_space<vmem>>
    %dma_start3A_570 = tpu.memref_squeeze %dma_start3A_569 : memref<1x16x1024xf32, #tpu.memory_space<vmem>> -> memref<16x1024xf32, #tpu.memory_space<vmem>>
    %dma_start3A_571 = arith.constant 0 : i32
    %dma_start3A_572 = tpu.memref_slice %arg4[%add3A_564, %dma_start3A_571] : memref<16384x1024xf32, #tpu.memory_space<hbm>> -> memref<16x1024xf32, #tpu.memory_space<hbm>>
    %dma_start3A_573 = tpu.memref_slice %arg8[%dma_start3A_566] : memref<7x!tpu.dma_semaphore, #tpu.memory_space<semaphore_mem>> -> memref<1x!tpu.dma_semaphore, #tpu.memory_space<semaphore_mem>>
    %dma_start3A_574 = tpu.memref_squeeze %dma_start3A_573 : memref<1x!tpu.dma_semaphore, #tpu.memory_space<semaphore_mem>> -> memref<!tpu.dma_semaphore, #tpu.memory_space<semaphore_mem>>
    %dma_start3A_575 = arith.constant 0 : i32
    %dma_start3A_576 = tpu.memref_slice %arg4[%add3A_564, %dma_start3A_575] : memref<16384x1024xf32, #tpu.memory_space<hbm>> -> memref<16x1024xf32, #tpu.memory_space<hbm>>
    %dma_start3A_577 = arith.constant 0 : i32
    %dma_start3A_578 = arith.constant 0 : i32
    %dma_start3A_579 = tpu.memref_slice %arg5[%dma_start3A_565, %dma_start3A_577, %dma_start3A_578] : memref<7x16x1024xf32, #tpu.memory_space<vmem>> -> memref<1x16x1024xf32, #tpu.memory_space<vmem>>
    %dma_start3A_580 = tpu.memref_squeeze %dma_start3A_579 : memref<1x16x1024xf32, #tpu.memory_space<vmem>> -> memref<16x1024xf32, #tpu.memory_space<vmem>>
    tpu.enqueue_dma source(%dma_start3A_580 : memref<16x1024xf32, #tpu.memory_space<vmem>>) target(%dma_start3A_576 : memref<16x1024xf32, #tpu.memory_space<hbm>>) target_semaphore(%dma_start3A_574 : memref<!tpu.dma_semaphore, #tpu.memory_space<semaphore_mem>>)
    %dma_wait3A_581 = arith.constant 6 : i32
    %dma_wait3A_582 = arith.constant 6 : i32
    %dma_wait3A_583 = arith.constant 0 : i32
    %dma_wait3A_584 = arith.constant 0 : i32
    %dma_wait3A_585 = tpu.memref_slice %arg5[%dma_wait3A_581, %dma_wait3A_583, %dma_wait3A_584] : memref<7x16x1024xf32, #tpu.memory_space<vmem>> -> memref<1x16x1024xf32, #tpu.memory_space<vmem>>
    %dma_wait3A_586 = tpu.memref_squeeze %dma_wait3A_585 : memref<1x16x1024xf32, #tpu.memory_space<vmem>> -> memref<16x1024xf32, #tpu.memory_space<vmem>>
    %dma_wait3A_587 = arith.constant 0 : i32
    %dma_wait3A_588 = tpu.memref_slice %arg4[%add3A_564, %dma_wait3A_587] : memref<16384x1024xf32, #tpu.memory_space<hbm>> -> memref<16x1024xf32, #tpu.memory_space<hbm>>
    %dma_wait3A_589 = tpu.memref_slice %arg8[%dma_wait3A_582] : memref<7x!tpu.dma_semaphore, #tpu.memory_space<semaphore_mem>> -> memref<1x!tpu.dma_semaphore, #tpu.memory_space<semaphore_mem>>
    %dma_wait3A_590 = tpu.memref_squeeze %dma_wait3A_589 : memref<1x!tpu.dma_semaphore, #tpu.memory_space<semaphore_mem>> -> memref<!tpu.dma_semaphore, #tpu.memory_space<semaphore_mem>>
    %dma_wait3A_591 = arith.constant 0 : i32
    %dma_wait3A_592 = tpu.memref_slice %arg4[%add3A_564, %dma_wait3A_591] : memref<16384x1024xf32, #tpu.memory_space<hbm>> -> memref<16x1024xf32, #tpu.memory_space<hbm>>
    %dma_wait3A_593 = arith.constant 0 : i32
    %dma_wait3A_594 = arith.constant 0 : i32
    %dma_wait3A_595 = tpu.memref_slice %arg5[%dma_wait3A_581, %dma_wait3A_593, %dma_wait3A_594] : memref<7x16x1024xf32, #tpu.memory_space<vmem>> -> memref<1x16x1024xf32, #tpu.memory_space<vmem>>
    %dma_wait3A_596 = tpu.memref_squeeze %dma_wait3A_595 : memref<1x16x1024xf32, #tpu.memory_space<vmem>> -> memref<16x1024xf32, #tpu.memory_space<vmem>>
    tpu.wait_dma2 semaphore(%dma_wait3A_590 : memref<!tpu.dma_semaphore, #tpu.memory_space<semaphore_mem>>) src(%dma_wait3A_596 : memref<16x1024xf32, #tpu.memory_space<vmem>>) dst(%dma_wait3A_592 : memref<16x1024xf32, #tpu.memory_space<hbm>>)
    %add3A_597 = arith.constant 208 : i32
    %add3A_598 = arith.addi %mul3A_2, %add3A_597 : i32
    %dma_start3A_599 = arith.constant 6 : i32
    %dma_start3A_600 = arith.constant 6 : i32
    %dma_start3A_601 = arith.constant 0 : i32
    %dma_start3A_602 = arith.constant 0 : i32
    %dma_start3A_603 = tpu.memref_slice %arg5[%dma_start3A_599, %dma_start3A_601, %dma_start3A_602] : memref<7x16x1024xf32, #tpu.memory_space<vmem>> -> memref<1x16x1024xf32, #tpu.memory_space<vmem>>
    %dma_start3A_604 = tpu.memref_squeeze %dma_start3A_603 : memref<1x16x1024xf32, #tpu.memory_space<vmem>> -> memref<16x1024xf32, #tpu.memory_space<vmem>>
    %dma_start3A_605 = arith.constant 0 : i32
    %dma_start3A_606 = tpu.memref_slice %arg2[%add3A_598, %dma_start3A_605] : memref<16384x1024xf32, #tpu.memory_space<hbm>> -> memref<16x1024xf32, #tpu.memory_space<hbm>>
    %dma_start3A_607 = tpu.memref_slice %arg7[%dma_start3A_600] : memref<7x!tpu.dma_semaphore, #tpu.memory_space<semaphore_mem>> -> memref<1x!tpu.dma_semaphore, #tpu.memory_space<semaphore_mem>>
    %dma_start3A_608 = tpu.memref_squeeze %dma_start3A_607 : memref<1x!tpu.dma_semaphore, #tpu.memory_space<semaphore_mem>> -> memref<!tpu.dma_semaphore, #tpu.memory_space<semaphore_mem>>
    %dma_start3A_609 = arith.constant 0 : i32
    %dma_start3A_610 = arith.constant 0 : i32
    %dma_start3A_611 = tpu.memref_slice %arg5[%dma_start3A_599, %dma_start3A_609, %dma_start3A_610] : memref<7x16x1024xf32, #tpu.memory_space<vmem>> -> memref<1x16x1024xf32, #tpu.memory_space<vmem>>
    %dma_start3A_612 = tpu.memref_squeeze %dma_start3A_611 : memref<1x16x1024xf32, #tpu.memory_space<vmem>> -> memref<16x1024xf32, #tpu.memory_space<vmem>>
    %dma_start3A_613 = arith.constant 0 : i32
    %dma_start3A_614 = tpu.memref_slice %arg2[%add3A_598, %dma_start3A_613] : memref<16384x1024xf32, #tpu.memory_space<hbm>> -> memref<16x1024xf32, #tpu.memory_space<hbm>>
    tpu.enqueue_dma source(%dma_start3A_614 : memref<16x1024xf32, #tpu.memory_space<hbm>>) target(%dma_start3A_612 : memref<16x1024xf32, #tpu.memory_space<vmem>>) target_semaphore(%dma_start3A_608 : memref<!tpu.dma_semaphore, #tpu.memory_space<semaphore_mem>>)
    %dma_wait3A_615 = arith.constant 0 : i32
    %dma_wait3A_616 = arith.constant 0 : i32
    %dma_wait3A_617 = arith.constant 0 : i32
    %dma_wait3A_618 = arith.constant 0 : i32
    %dma_wait3A_619 = tpu.memref_slice %arg5[%dma_wait3A_615, %dma_wait3A_617, %dma_wait3A_618] : memref<7x16x1024xf32, #tpu.memory_space<vmem>> -> memref<1x16x1024xf32, #tpu.memory_space<vmem>>
    %dma_wait3A_620 = tpu.memref_squeeze %dma_wait3A_619 : memref<1x16x1024xf32, #tpu.memory_space<vmem>> -> memref<16x1024xf32, #tpu.memory_space<vmem>>
    %dma_wait3A_621 = arith.constant 0 : i32
    %dma_wait3A_622 = tpu.memref_slice %arg2[%add3A_190, %dma_wait3A_621] : memref<16384x1024xf32, #tpu.memory_space<hbm>> -> memref<16x1024xf32, #tpu.memory_space<hbm>>
    %dma_wait3A_623 = tpu.memref_slice %arg7[%dma_wait3A_616] : memref<7x!tpu.dma_semaphore, #tpu.memory_space<semaphore_mem>> -> memref<1x!tpu.dma_semaphore, #tpu.memory_space<semaphore_mem>>
    %dma_wait3A_624 = tpu.memref_squeeze %dma_wait3A_623 : memref<1x!tpu.dma_semaphore, #tpu.memory_space<semaphore_mem>> -> memref<!tpu.dma_semaphore, #tpu.memory_space<semaphore_mem>>
    %dma_wait3A_625 = arith.constant 0 : i32
    %dma_wait3A_626 = arith.constant 0 : i32
    %dma_wait3A_627 = tpu.memref_slice %arg5[%dma_wait3A_615, %dma_wait3A_625, %dma_wait3A_626] : memref<7x16x1024xf32, #tpu.memory_space<vmem>> -> memref<1x16x1024xf32, #tpu.memory_space<vmem>>
    %dma_wait3A_628 = tpu.memref_squeeze %dma_wait3A_627 : memref<1x16x1024xf32, #tpu.memory_space<vmem>> -> memref<16x1024xf32, #tpu.memory_space<vmem>>
    %dma_wait3A_629 = arith.constant 0 : i32
    %dma_wait3A_630 = tpu.memref_slice %arg2[%add3A_190, %dma_wait3A_629] : memref<16384x1024xf32, #tpu.memory_space<hbm>> -> memref<16x1024xf32, #tpu.memory_space<hbm>>
    tpu.wait_dma2 semaphore(%dma_wait3A_624 : memref<!tpu.dma_semaphore, #tpu.memory_space<semaphore_mem>>) src(%dma_wait3A_630 : memref<16x1024xf32, #tpu.memory_space<hbm>>) dst(%dma_wait3A_628 : memref<16x1024xf32, #tpu.memory_space<vmem>>)
    %add3A_631 = arith.constant 112 : i32
    %add3A_632 = arith.addi %mul3A_2, %add3A_631 : i32
    %dma_start3A_633 = arith.constant 0 : i32
    %dma_start3A_634 = arith.constant 0 : i32
    %dma_start3A_635 = arith.constant 0 : i32
    %dma_start3A_636 = arith.constant 0 : i32
    %dma_start3A_637 = tpu.memref_slice %arg5[%dma_start3A_633, %dma_start3A_635, %dma_start3A_636] : memref<7x16x1024xf32, #tpu.memory_space<vmem>> -> memref<1x16x1024xf32, #tpu.memory_space<vmem>>
    %dma_start3A_638 = tpu.memref_squeeze %dma_start3A_637 : memref<1x16x1024xf32, #tpu.memory_space<vmem>> -> memref<16x1024xf32, #tpu.memory_space<vmem>>
    %dma_start3A_639 = arith.constant 0 : i32
    %dma_start3A_640 = tpu.memref_slice %arg4[%add3A_632, %dma_start3A_639] : memref<16384x1024xf32, #tpu.memory_space<hbm>> -> memref<16x1024xf32, #tpu.memory_space<hbm>>
    %dma_start3A_641 = tpu.memref_slice %arg8[%dma_start3A_634] : memref<7x!tpu.dma_semaphore, #tpu.memory_space<semaphore_mem>> -> memref<1x!tpu.dma_semaphore, #tpu.memory_space<semaphore_mem>>
    %dma_start3A_642 = tpu.memref_squeeze %dma_start3A_641 : memref<1x!tpu.dma_semaphore, #tpu.memory_space<semaphore_mem>> -> memref<!tpu.dma_semaphore, #tpu.memory_space<semaphore_mem>>
    %dma_start3A_643 = arith.constant 0 : i32
    %dma_start3A_644 = tpu.memref_slice %arg4[%add3A_632, %dma_start3A_643] : memref<16384x1024xf32, #tpu.memory_space<hbm>> -> memref<16x1024xf32, #tpu.memory_space<hbm>>
    %dma_start3A_645 = arith.constant 0 : i32
    %dma_start3A_646 = arith.constant 0 : i32
    %dma_start3A_647 = tpu.memref_slice %arg5[%dma_start3A_633, %dma_start3A_645, %dma_start3A_646] : memref<7x16x1024xf32, #tpu.memory_space<vmem>> -> memref<1x16x1024xf32, #tpu.memory_space<vmem>>
    %dma_start3A_648 = tpu.memref_squeeze %dma_start3A_647 : memref<1x16x1024xf32, #tpu.memory_space<vmem>> -> memref<16x1024xf32, #tpu.memory_space<vmem>>
    tpu.enqueue_dma source(%dma_start3A_648 : memref<16x1024xf32, #tpu.memory_space<vmem>>) target(%dma_start3A_644 : memref<16x1024xf32, #tpu.memory_space<hbm>>) target_semaphore(%dma_start3A_642 : memref<!tpu.dma_semaphore, #tpu.memory_space<semaphore_mem>>)
    %dma_wait3A_649 = arith.constant 0 : i32
    %dma_wait3A_650 = arith.constant 0 : i32
    %dma_wait3A_651 = arith.constant 0 : i32
    %dma_wait3A_652 = arith.constant 0 : i32
    %dma_wait3A_653 = tpu.memref_slice %arg5[%dma_wait3A_649, %dma_wait3A_651, %dma_wait3A_652] : memref<7x16x1024xf32, #tpu.memory_space<vmem>> -> memref<1x16x1024xf32, #tpu.memory_space<vmem>>
    %dma_wait3A_654 = tpu.memref_squeeze %dma_wait3A_653 : memref<1x16x1024xf32, #tpu.memory_space<vmem>> -> memref<16x1024xf32, #tpu.memory_space<vmem>>
    %dma_wait3A_655 = arith.constant 0 : i32
    %dma_wait3A_656 = tpu.memref_slice %arg4[%add3A_632, %dma_wait3A_655] : memref<16384x1024xf32, #tpu.memory_space<hbm>> -> memref<16x1024xf32, #tpu.memory_space<hbm>>
    %dma_wait3A_657 = tpu.memref_slice %arg8[%dma_wait3A_650] : memref<7x!tpu.dma_semaphore, #tpu.memory_space<semaphore_mem>> -> memref<1x!tpu.dma_semaphore, #tpu.memory_space<semaphore_mem>>
    %dma_wait3A_658 = tpu.memref_squeeze %dma_wait3A_657 : memref<1x!tpu.dma_semaphore, #tpu.memory_space<semaphore_mem>> -> memref<!tpu.dma_semaphore, #tpu.memory_space<semaphore_mem>>
    %dma_wait3A_659 = arith.constant 0 : i32
    %dma_wait3A_660 = tpu.memref_slice %arg4[%add3A_632, %dma_wait3A_659] : memref<16384x1024xf32, #tpu.memory_space<hbm>> -> memref<16x1024xf32, #tpu.memory_space<hbm>>
    %dma_wait3A_661 = arith.constant 0 : i32
    %dma_wait3A_662 = arith.constant 0 : i32
    %dma_wait3A_663 = tpu.memref_slice %arg5[%dma_wait3A_649, %dma_wait3A_661, %dma_wait3A_662] : memref<7x16x1024xf32, #tpu.memory_space<vmem>> -> memref<1x16x1024xf32, #tpu.memory_space<vmem>>
    %dma_wait3A_664 = tpu.memref_squeeze %dma_wait3A_663 : memref<1x16x1024xf32, #tpu.memory_space<vmem>> -> memref<16x1024xf32, #tpu.memory_space<vmem>>
    tpu.wait_dma2 semaphore(%dma_wait3A_658 : memref<!tpu.dma_semaphore, #tpu.memory_space<semaphore_mem>>) src(%dma_wait3A_664 : memref<16x1024xf32, #tpu.memory_space<vmem>>) dst(%dma_wait3A_660 : memref<16x1024xf32, #tpu.memory_space<hbm>>)
    %add3A_665 = arith.constant 224 : i32
    %add3A_666 = arith.addi %mul3A_2, %add3A_665 : i32
    %dma_start3A_667 = arith.constant 0 : i32
    %dma_start3A_668 = arith.constant 0 : i32
    %dma_start3A_669 = arith.constant 0 : i32
    %dma_start3A_670 = arith.constant 0 : i32
    %dma_start3A_671 = tpu.memref_slice %arg5[%dma_start3A_667, %dma_start3A_669, %dma_start3A_670] : memref<7x16x1024xf32, #tpu.memory_space<vmem>> -> memref<1x16x1024xf32, #tpu.memory_space<vmem>>
    %dma_start3A_672 = tpu.memref_squeeze %dma_start3A_671 : memref<1x16x1024xf32, #tpu.memory_space<vmem>> -> memref<16x1024xf32, #tpu.memory_space<vmem>>
    %dma_start3A_673 = arith.constant 0 : i32
    %dma_start3A_674 = tpu.memref_slice %arg2[%add3A_666, %dma_start3A_673] : memref<16384x1024xf32, #tpu.memory_space<hbm>> -> memref<16x1024xf32, #tpu.memory_space<hbm>>
    %dma_start3A_675 = tpu.memref_slice %arg7[%dma_start3A_668] : memref<7x!tpu.dma_semaphore, #tpu.memory_space<semaphore_mem>> -> memref<1x!tpu.dma_semaphore, #tpu.memory_space<semaphore_mem>>
    %dma_start3A_676 = tpu.memref_squeeze %dma_start3A_675 : memref<1x!tpu.dma_semaphore, #tpu.memory_space<semaphore_mem>> -> memref<!tpu.dma_semaphore, #tpu.memory_space<semaphore_mem>>
    %dma_start3A_677 = arith.constant 0 : i32
    %dma_start3A_678 = arith.constant 0 : i32
    %dma_start3A_679 = tpu.memref_slice %arg5[%dma_start3A_667, %dma_start3A_677, %dma_start3A_678] : memref<7x16x1024xf32, #tpu.memory_space<vmem>> -> memref<1x16x1024xf32, #tpu.memory_space<vmem>>
    %dma_start3A_680 = tpu.memref_squeeze %dma_start3A_679 : memref<1x16x1024xf32, #tpu.memory_space<vmem>> -> memref<16x1024xf32, #tpu.memory_space<vmem>>
    %dma_start3A_681 = arith.constant 0 : i32
    %dma_start3A_682 = tpu.memref_slice %arg2[%add3A_666, %dma_start3A_681] : memref<16384x1024xf32, #tpu.memory_space<hbm>> -> memref<16x1024xf32, #tpu.memory_space<hbm>>
    tpu.enqueue_dma source(%dma_start3A_682 : memref<16x1024xf32, #tpu.memory_space<hbm>>) target(%dma_start3A_680 : memref<16x1024xf32, #tpu.memory_space<vmem>>) target_semaphore(%dma_start3A_676 : memref<!tpu.dma_semaphore, #tpu.memory_space<semaphore_mem>>)
    %dma_wait3A_683 = arith.constant 1 : i32
    %dma_wait3A_684 = arith.constant 1 : i32
    %dma_wait3A_685 = arith.constant 0 : i32
    %dma_wait3A_686 = arith.constant 0 : i32
    %dma_wait3A_687 = tpu.memref_slice %arg5[%dma_wait3A_683, %dma_wait3A_685, %dma_wait3A_686] : memref<7x16x1024xf32, #tpu.memory_space<vmem>> -> memref<1x16x1024xf32, #tpu.memory_space<vmem>>
    %dma_wait3A_688 = tpu.memref_squeeze %dma_wait3A_687 : memref<1x16x1024xf32, #tpu.memory_space<vmem>> -> memref<16x1024xf32, #tpu.memory_space<vmem>>
    %dma_wait3A_689 = arith.constant 0 : i32
    %dma_wait3A_690 = tpu.memref_slice %arg2[%add3A_258, %dma_wait3A_689] : memref<16384x1024xf32, #tpu.memory_space<hbm>> -> memref<16x1024xf32, #tpu.memory_space<hbm>>
    %dma_wait3A_691 = tpu.memref_slice %arg7[%dma_wait3A_684] : memref<7x!tpu.dma_semaphore, #tpu.memory_space<semaphore_mem>> -> memref<1x!tpu.dma_semaphore, #tpu.memory_space<semaphore_mem>>
    %dma_wait3A_692 = tpu.memref_squeeze %dma_wait3A_691 : memref<1x!tpu.dma_semaphore, #tpu.memory_space<semaphore_mem>> -> memref<!tpu.dma_semaphore, #tpu.memory_space<semaphore_mem>>
    %dma_wait3A_693 = arith.constant 0 : i32
    %dma_wait3A_694 = arith.constant 0 : i32
    %dma_wait3A_695 = tpu.memref_slice %arg5[%dma_wait3A_683, %dma_wait3A_693, %dma_wait3A_694] : memref<7x16x1024xf32, #tpu.memory_space<vmem>> -> memref<1x16x1024xf32, #tpu.memory_space<vmem>>
    %dma_wait3A_696 = tpu.memref_squeeze %dma_wait3A_695 : memref<1x16x1024xf32, #tpu.memory_space<vmem>> -> memref<16x1024xf32, #tpu.memory_space<vmem>>
    %dma_wait3A_697 = arith.constant 0 : i32
    %dma_wait3A_698 = tpu.memref_slice %arg2[%add3A_258, %dma_wait3A_697] : memref<16384x1024xf32, #tpu.memory_space<hbm>> -> memref<16x1024xf32, #tpu.memory_space<hbm>>
    tpu.wait_dma2 semaphore(%dma_wait3A_692 : memref<!tpu.dma_semaphore, #tpu.memory_space<semaphore_mem>>) src(%dma_wait3A_698 : memref<16x1024xf32, #tpu.memory_space<hbm>>) dst(%dma_wait3A_696 : memref<16x1024xf32, #tpu.memory_space<vmem>>)
    %add3A_699 = arith.constant 128 : i32
    %add3A_700 = arith.addi %mul3A_2, %add3A_699 : i32
    %dma_start3A_701 = arith.constant 1 : i32
    %dma_start3A_702 = arith.constant 1 : i32
    %dma_start3A_703 = arith.constant 0 : i32
    %dma_start3A_704 = arith.constant 0 : i32
    %dma_start3A_705 = tpu.memref_slice %arg5[%dma_start3A_701, %dma_start3A_703, %dma_start3A_704] : memref<7x16x1024xf32, #tpu.memory_space<vmem>> -> memref<1x16x1024xf32, #tpu.memory_space<vmem>>
    %dma_start3A_706 = tpu.memref_squeeze %dma_start3A_705 : memref<1x16x1024xf32, #tpu.memory_space<vmem>> -> memref<16x1024xf32, #tpu.memory_space<vmem>>
    %dma_start3A_707 = arith.constant 0 : i32
    %dma_start3A_708 = tpu.memref_slice %arg4[%add3A_700, %dma_start3A_707] : memref<16384x1024xf32, #tpu.memory_space<hbm>> -> memref<16x1024xf32, #tpu.memory_space<hbm>>
    %dma_start3A_709 = tpu.memref_slice %arg8[%dma_start3A_702] : memref<7x!tpu.dma_semaphore, #tpu.memory_space<semaphore_mem>> -> memref<1x!tpu.dma_semaphore, #tpu.memory_space<semaphore_mem>>
    %dma_start3A_710 = tpu.memref_squeeze %dma_start3A_709 : memref<1x!tpu.dma_semaphore, #tpu.memory_space<semaphore_mem>> -> memref<!tpu.dma_semaphore, #tpu.memory_space<semaphore_mem>>
    %dma_start3A_711 = arith.constant 0 : i32
    %dma_start3A_712 = tpu.memref_slice %arg4[%add3A_700, %dma_start3A_711] : memref<16384x1024xf32, #tpu.memory_space<hbm>> -> memref<16x1024xf32, #tpu.memory_space<hbm>>
    %dma_start3A_713 = arith.constant 0 : i32
    %dma_start3A_714 = arith.constant 0 : i32
    %dma_start3A_715 = tpu.memref_slice %arg5[%dma_start3A_701, %dma_start3A_713, %dma_start3A_714] : memref<7x16x1024xf32, #tpu.memory_space<vmem>> -> memref<1x16x1024xf32, #tpu.memory_space<vmem>>
    %dma_start3A_716 = tpu.memref_squeeze %dma_start3A_715 : memref<1x16x1024xf32, #tpu.memory_space<vmem>> -> memref<16x1024xf32, #tpu.memory_space<vmem>>
    tpu.enqueue_dma source(%dma_start3A_716 : memref<16x1024xf32, #tpu.memory_space<vmem>>) target(%dma_start3A_712 : memref<16x1024xf32, #tpu.memory_space<hbm>>) target_semaphore(%dma_start3A_710 : memref<!tpu.dma_semaphore, #tpu.memory_space<semaphore_mem>>)
    %dma_wait3A_717 = arith.constant 1 : i32
    %dma_wait3A_718 = arith.constant 1 : i32
    %dma_wait3A_719 = arith.constant 0 : i32
    %dma_wait3A_720 = arith.constant 0 : i32
    %dma_wait3A_721 = tpu.memref_slice %arg5[%dma_wait3A_717, %dma_wait3A_719, %dma_wait3A_720] : memref<7x16x1024xf32, #tpu.memory_space<vmem>> -> memref<1x16x1024xf32, #tpu.memory_space<vmem>>
    %dma_wait3A_722 = tpu.memref_squeeze %dma_wait3A_721 : memref<1x16x1024xf32, #tpu.memory_space<vmem>> -> memref<16x1024xf32, #tpu.memory_space<vmem>>
    %dma_wait3A_723 = arith.constant 0 : i32
    %dma_wait3A_724 = tpu.memref_slice %arg4[%add3A_700, %dma_wait3A_723] : memref<16384x1024xf32, #tpu.memory_space<hbm>> -> memref<16x1024xf32, #tpu.memory_space<hbm>>
    %dma_wait3A_725 = tpu.memref_slice %arg8[%dma_wait3A_718] : memref<7x!tpu.dma_semaphore, #tpu.memory_space<semaphore_mem>> -> memref<1x!tpu.dma_semaphore, #tpu.memory_space<semaphore_mem>>
    %dma_wait3A_726 = tpu.memref_squeeze %dma_wait3A_725 : memref<1x!tpu.dma_semaphore, #tpu.memory_space<semaphore_mem>> -> memref<!tpu.dma_semaphore, #tpu.memory_space<semaphore_mem>>
    %dma_wait3A_727 = arith.constant 0 : i32
    %dma_wait3A_728 = tpu.memref_slice %arg4[%add3A_700, %dma_wait3A_727] : memref<16384x1024xf32, #tpu.memory_space<hbm>> -> memref<16x1024xf32, #tpu.memory_space<hbm>>
    %dma_wait3A_729 = arith.constant 0 : i32
    %dma_wait3A_730 = arith.constant 0 : i32
    %dma_wait3A_731 = tpu.memref_slice %arg5[%dma_wait3A_717, %dma_wait3A_729, %dma_wait3A_730] : memref<7x16x1024xf32, #tpu.memory_space<vmem>> -> memref<1x16x1024xf32, #tpu.memory_space<vmem>>
    %dma_wait3A_732 = tpu.memref_squeeze %dma_wait3A_731 : memref<1x16x1024xf32, #tpu.memory_space<vmem>> -> memref<16x1024xf32, #tpu.memory_space<vmem>>
    tpu.wait_dma2 semaphore(%dma_wait3A_726 : memref<!tpu.dma_semaphore, #tpu.memory_space<semaphore_mem>>) src(%dma_wait3A_732 : memref<16x1024xf32, #tpu.memory_space<vmem>>) dst(%dma_wait3A_728 : memref<16x1024xf32, #tpu.memory_space<hbm>>)
    %add3A_733 = arith.constant 240 : i32
    %add3A_734 = arith.addi %mul3A_2, %add3A_733 : i32
    %dma_start3A_735 = arith.constant 1 : i32
    %dma_start3A_736 = arith.constant 1 : i32
    %dma_start3A_737 = arith.constant 0 : i32
    %dma_start3A_738 = arith.constant 0 : i32
    %dma_start3A_739 = tpu.memref_slice %arg5[%dma_start3A_735, %dma_start3A_737, %dma_start3A_738] : memref<7x16x1024xf32, #tpu.memory_space<vmem>> -> memref<1x16x1024xf32, #tpu.memory_space<vmem>>
    %dma_start3A_740 = tpu.memref_squeeze %dma_start3A_739 : memref<1x16x1024xf32, #tpu.memory_space<vmem>> -> memref<16x1024xf32, #tpu.memory_space<vmem>>
    %dma_start3A_741 = arith.constant 0 : i32
    %dma_start3A_742 = tpu.memref_slice %arg2[%add3A_734, %dma_start3A_741] : memref<16384x1024xf32, #tpu.memory_space<hbm>> -> memref<16x1024xf32, #tpu.memory_space<hbm>>
    %dma_start3A_743 = tpu.memref_slice %arg7[%dma_start3A_736] : memref<7x!tpu.dma_semaphore, #tpu.memory_space<semaphore_mem>> -> memref<1x!tpu.dma_semaphore, #tpu.memory_space<semaphore_mem>>
    %dma_start3A_744 = tpu.memref_squeeze %dma_start3A_743 : memref<1x!tpu.dma_semaphore, #tpu.memory_space<semaphore_mem>> -> memref<!tpu.dma_semaphore, #tpu.memory_space<semaphore_mem>>
    %dma_start3A_745 = arith.constant 0 : i32
    %dma_start3A_746 = arith.constant 0 : i32
    %dma_start3A_747 = tpu.memref_slice %arg5[%dma_start3A_735, %dma_start3A_745, %dma_start3A_746] : memref<7x16x1024xf32, #tpu.memory_space<vmem>> -> memref<1x16x1024xf32, #tpu.memory_space<vmem>>
    %dma_start3A_748 = tpu.memref_squeeze %dma_start3A_747 : memref<1x16x1024xf32, #tpu.memory_space<vmem>> -> memref<16x1024xf32, #tpu.memory_space<vmem>>
    %dma_start3A_749 = arith.constant 0 : i32
    %dma_start3A_750 = tpu.memref_slice %arg2[%add3A_734, %dma_start3A_749] : memref<16384x1024xf32, #tpu.memory_space<hbm>> -> memref<16x1024xf32, #tpu.memory_space<hbm>>
    tpu.enqueue_dma source(%dma_start3A_750 : memref<16x1024xf32, #tpu.memory_space<hbm>>) target(%dma_start3A_748 : memref<16x1024xf32, #tpu.memory_space<vmem>>) target_semaphore(%dma_start3A_744 : memref<!tpu.dma_semaphore, #tpu.memory_space<semaphore_mem>>)
    %dma_wait3A_751 = arith.constant 2 : i32
    %dma_wait3A_752 = arith.constant 2 : i32
    %dma_wait3A_753 = arith.constant 0 : i32
    %dma_wait3A_754 = arith.constant 0 : i32
    %dma_wait3A_755 = tpu.memref_slice %arg5[%dma_wait3A_751, %dma_wait3A_753, %dma_wait3A_754] : memref<7x16x1024xf32, #tpu.memory_space<vmem>> -> memref<1x16x1024xf32, #tpu.memory_space<vmem>>
    %dma_wait3A_756 = tpu.memref_squeeze %dma_wait3A_755 : memref<1x16x1024xf32, #tpu.memory_space<vmem>> -> memref<16x1024xf32, #tpu.memory_space<vmem>>
    %dma_wait3A_757 = arith.constant 0 : i32
    %dma_wait3A_758 = tpu.memref_slice %arg2[%add3A_326, %dma_wait3A_757] : memref<16384x1024xf32, #tpu.memory_space<hbm>> -> memref<16x1024xf32, #tpu.memory_space<hbm>>
    %dma_wait3A_759 = tpu.memref_slice %arg7[%dma_wait3A_752] : memref<7x!tpu.dma_semaphore, #tpu.memory_space<semaphore_mem>> -> memref<1x!tpu.dma_semaphore, #tpu.memory_space<semaphore_mem>>
    %dma_wait3A_760 = tpu.memref_squeeze %dma_wait3A_759 : memref<1x!tpu.dma_semaphore, #tpu.memory_space<semaphore_mem>> -> memref<!tpu.dma_semaphore, #tpu.memory_space<semaphore_mem>>
    %dma_wait3A_761 = arith.constant 0 : i32
    %dma_wait3A_762 = arith.constant 0 : i32
    %dma_wait3A_763 = tpu.memref_slice %arg5[%dma_wait3A_751, %dma_wait3A_761, %dma_wait3A_762] : memref<7x16x1024xf32, #tpu.memory_space<vmem>> -> memref<1x16x1024xf32, #tpu.memory_space<vmem>>
    %dma_wait3A_764 = tpu.memref_squeeze %dma_wait3A_763 : memref<1x16x1024xf32, #tpu.memory_space<vmem>> -> memref<16x1024xf32, #tpu.memory_space<vmem>>
    %dma_wait3A_765 = arith.constant 0 : i32
    %dma_wait3A_766 = tpu.memref_slice %arg2[%add3A_326, %dma_wait3A_765] : memref<16384x1024xf32, #tpu.memory_space<hbm>> -> memref<16x1024xf32, #tpu.memory_space<hbm>>
    tpu.wait_dma2 semaphore(%dma_wait3A_760 : memref<!tpu.dma_semaphore, #tpu.memory_space<semaphore_mem>>) src(%dma_wait3A_766 : memref<16x1024xf32, #tpu.memory_space<hbm>>) dst(%dma_wait3A_764 : memref<16x1024xf32, #tpu.memory_space<vmem>>)
    %add3A_767 = arith.constant 144 : i32
    %add3A_768 = arith.addi %mul3A_2, %add3A_767 : i32
    %dma_start3A_769 = arith.constant 2 : i32
    %dma_start3A_770 = arith.constant 2 : i32
    %dma_start3A_771 = arith.constant 0 : i32
    %dma_start3A_772 = arith.constant 0 : i32
    %dma_start3A_773 = tpu.memref_slice %arg5[%dma_start3A_769, %dma_start3A_771, %dma_start3A_772] : memref<7x16x1024xf32, #tpu.memory_space<vmem>> -> memref<1x16x1024xf32, #tpu.memory_space<vmem>>
    %dma_start3A_774 = tpu.memref_squeeze %dma_start3A_773 : memref<1x16x1024xf32, #tpu.memory_space<vmem>> -> memref<16x1024xf32, #tpu.memory_space<vmem>>
    %dma_start3A_775 = arith.constant 0 : i32
    %dma_start3A_776 = tpu.memref_slice %arg4[%add3A_768, %dma_start3A_775] : memref<16384x1024xf32, #tpu.memory_space<hbm>> -> memref<16x1024xf32, #tpu.memory_space<hbm>>
    %dma_start3A_777 = tpu.memref_slice %arg8[%dma_start3A_770] : memref<7x!tpu.dma_semaphore, #tpu.memory_space<semaphore_mem>> -> memref<1x!tpu.dma_semaphore, #tpu.memory_space<semaphore_mem>>
    %dma_start3A_778 = tpu.memref_squeeze %dma_start3A_777 : memref<1x!tpu.dma_semaphore, #tpu.memory_space<semaphore_mem>> -> memref<!tpu.dma_semaphore, #tpu.memory_space<semaphore_mem>>
    %dma_start3A_779 = arith.constant 0 : i32
    %dma_start3A_780 = tpu.memref_slice %arg4[%add3A_768, %dma_start3A_779] : memref<16384x1024xf32, #tpu.memory_space<hbm>> -> memref<16x1024xf32, #tpu.memory_space<hbm>>
    %dma_start3A_781 = arith.constant 0 : i32
    %dma_start3A_782 = arith.constant 0 : i32
    %dma_start3A_783 = tpu.memref_slice %arg5[%dma_start3A_769, %dma_start3A_781, %dma_start3A_782] : memref<7x16x1024xf32, #tpu.memory_space<vmem>> -> memref<1x16x1024xf32, #tpu.memory_space<vmem>>
    %dma_start3A_784 = tpu.memref_squeeze %dma_start3A_783 : memref<1x16x1024xf32, #tpu.memory_space<vmem>> -> memref<16x1024xf32, #tpu.memory_space<vmem>>
    tpu.enqueue_dma source(%dma_start3A_784 : memref<16x1024xf32, #tpu.memory_space<vmem>>) target(%dma_start3A_780 : memref<16x1024xf32, #tpu.memory_space<hbm>>) target_semaphore(%dma_start3A_778 : memref<!tpu.dma_semaphore, #tpu.memory_space<semaphore_mem>>)
    %dma_wait3A_785 = arith.constant 2 : i32
    %dma_wait3A_786 = arith.constant 2 : i32
    %dma_wait3A_787 = arith.constant 0 : i32
    %dma_wait3A_788 = arith.constant 0 : i32
    %dma_wait3A_789 = tpu.memref_slice %arg5[%dma_wait3A_785, %dma_wait3A_787, %dma_wait3A_788] : memref<7x16x1024xf32, #tpu.memory_space<vmem>> -> memref<1x16x1024xf32, #tpu.memory_space<vmem>>
    %dma_wait3A_790 = tpu.memref_squeeze %dma_wait3A_789 : memref<1x16x1024xf32, #tpu.memory_space<vmem>> -> memref<16x1024xf32, #tpu.memory_space<vmem>>
    %dma_wait3A_791 = arith.constant 0 : i32
    %dma_wait3A_792 = tpu.memref_slice %arg4[%add3A_768, %dma_wait3A_791] : memref<16384x1024xf32, #tpu.memory_space<hbm>> -> memref<16x1024xf32, #tpu.memory_space<hbm>>
    %dma_wait3A_793 = tpu.memref_slice %arg8[%dma_wait3A_786] : memref<7x!tpu.dma_semaphore, #tpu.memory_space<semaphore_mem>> -> memref<1x!tpu.dma_semaphore, #tpu.memory_space<semaphore_mem>>
    %dma_wait3A_794 = tpu.memref_squeeze %dma_wait3A_793 : memref<1x!tpu.dma_semaphore, #tpu.memory_space<semaphore_mem>> -> memref<!tpu.dma_semaphore, #tpu.memory_space<semaphore_mem>>
    %dma_wait3A_795 = arith.constant 0 : i32
    %dma_wait3A_796 = tpu.memref_slice %arg4[%add3A_768, %dma_wait3A_795] : memref<16384x1024xf32, #tpu.memory_space<hbm>> -> memref<16x1024xf32, #tpu.memory_space<hbm>>
    %dma_wait3A_797 = arith.constant 0 : i32
    %dma_wait3A_798 = arith.constant 0 : i32
    %dma_wait3A_799 = tpu.memref_slice %arg5[%dma_wait3A_785, %dma_wait3A_797, %dma_wait3A_798] : memref<7x16x1024xf32, #tpu.memory_space<vmem>> -> memref<1x16x1024xf32, #tpu.memory_space<vmem>>
    %dma_wait3A_800 = tpu.memref_squeeze %dma_wait3A_799 : memref<1x16x1024xf32, #tpu.memory_space<vmem>> -> memref<16x1024xf32, #tpu.memory_space<vmem>>
    tpu.wait_dma2 semaphore(%dma_wait3A_794 : memref<!tpu.dma_semaphore, #tpu.memory_space<semaphore_mem>>) src(%dma_wait3A_800 : memref<16x1024xf32, #tpu.memory_space<vmem>>) dst(%dma_wait3A_796 : memref<16x1024xf32, #tpu.memory_space<hbm>>)
    %add3A_801 = arith.constant 256 : i32
    %add3A_802 = arith.addi %mul3A_2, %add3A_801 : i32
    %dma_start3A_803 = arith.constant 2 : i32
    %dma_start3A_804 = arith.constant 2 : i32
    %dma_start3A_805 = arith.constant 0 : i32
    %dma_start3A_806 = arith.constant 0 : i32
    %dma_start3A_807 = tpu.memref_slice %arg5[%dma_start3A_803, %dma_start3A_805, %dma_start3A_806] : memref<7x16x1024xf32, #tpu.memory_space<vmem>> -> memref<1x16x1024xf32, #tpu.memory_space<vmem>>
    %dma_start3A_808 = tpu.memref_squeeze %dma_start3A_807 : memref<1x16x1024xf32, #tpu.memory_space<vmem>> -> memref<16x1024xf32, #tpu.memory_space<vmem>>
    %dma_start3A_809 = arith.constant 0 : i32
    %dma_start3A_810 = tpu.memref_slice %arg2[%add3A_802, %dma_start3A_809] : memref<16384x1024xf32, #tpu.memory_space<hbm>> -> memref<16x1024xf32, #tpu.memory_space<hbm>>
    %dma_start3A_811 = tpu.memref_slice %arg7[%dma_start3A_804] : memref<7x!tpu.dma_semaphore, #tpu.memory_space<semaphore_mem>> -> memref<1x!tpu.dma_semaphore, #tpu.memory_space<semaphore_mem>>
    %dma_start3A_812 = tpu.memref_squeeze %dma_start3A_811 : memref<1x!tpu.dma_semaphore, #tpu.memory_space<semaphore_mem>> -> memref<!tpu.dma_semaphore, #tpu.memory_space<semaphore_mem>>
    %dma_start3A_813 = arith.constant 0 : i32
    %dma_start3A_814 = arith.constant 0 : i32
    %dma_start3A_815 = tpu.memref_slice %arg5[%dma_start3A_803, %dma_start3A_813, %dma_start3A_814] : memref<7x16x1024xf32, #tpu.memory_space<vmem>> -> memref<1x16x1024xf32, #tpu.memory_space<vmem>>
    %dma_start3A_816 = tpu.memref_squeeze %dma_start3A_815 : memref<1x16x1024xf32, #tpu.memory_space<vmem>> -> memref<16x1024xf32, #tpu.memory_space<vmem>>
    %dma_start3A_817 = arith.constant 0 : i32
    %dma_start3A_818 = tpu.memref_slice %arg2[%add3A_802, %dma_start3A_817] : memref<16384x1024xf32, #tpu.memory_space<hbm>> -> memref<16x1024xf32, #tpu.memory_space<hbm>>
    tpu.enqueue_dma source(%dma_start3A_818 : memref<16x1024xf32, #tpu.memory_space<hbm>>) target(%dma_start3A_816 : memref<16x1024xf32, #tpu.memory_space<vmem>>) target_semaphore(%dma_start3A_812 : memref<!tpu.dma_semaphore, #tpu.memory_space<semaphore_mem>>)
    %dma_wait3A_819 = arith.constant 3 : i32
    %dma_wait3A_820 = arith.constant 3 : i32
    %dma_wait3A_821 = arith.constant 0 : i32
    %dma_wait3A_822 = arith.constant 0 : i32
    %dma_wait3A_823 = tpu.memref_slice %arg5[%dma_wait3A_819, %dma_wait3A_821, %dma_wait3A_822] : memref<7x16x1024xf32, #tpu.memory_space<vmem>> -> memref<1x16x1024xf32, #tpu.memory_space<vmem>>
    %dma_wait3A_824 = tpu.memref_squeeze %dma_wait3A_823 : memref<1x16x1024xf32, #tpu.memory_space<vmem>> -> memref<16x1024xf32, #tpu.memory_space<vmem>>
    %dma_wait3A_825 = arith.constant 0 : i32
    %dma_wait3A_826 = tpu.memref_slice %arg2[%add3A_394, %dma_wait3A_825] : memref<16384x1024xf32, #tpu.memory_space<hbm>> -> memref<16x1024xf32, #tpu.memory_space<hbm>>
    %dma_wait3A_827 = tpu.memref_slice %arg7[%dma_wait3A_820] : memref<7x!tpu.dma_semaphore, #tpu.memory_space<semaphore_mem>> -> memref<1x!tpu.dma_semaphore, #tpu.memory_space<semaphore_mem>>
    %dma_wait3A_828 = tpu.memref_squeeze %dma_wait3A_827 : memref<1x!tpu.dma_semaphore, #tpu.memory_space<semaphore_mem>> -> memref<!tpu.dma_semaphore, #tpu.memory_space<semaphore_mem>>
    %dma_wait3A_829 = arith.constant 0 : i32
    %dma_wait3A_830 = arith.constant 0 : i32
    %dma_wait3A_831 = tpu.memref_slice %arg5[%dma_wait3A_819, %dma_wait3A_829, %dma_wait3A_830] : memref<7x16x1024xf32, #tpu.memory_space<vmem>> -> memref<1x16x1024xf32, #tpu.memory_space<vmem>>
    %dma_wait3A_832 = tpu.memref_squeeze %dma_wait3A_831 : memref<1x16x1024xf32, #tpu.memory_space<vmem>> -> memref<16x1024xf32, #tpu.memory_space<vmem>>
    %dma_wait3A_833 = arith.constant 0 : i32
    %dma_wait3A_834 = tpu.memref_slice %arg2[%add3A_394, %dma_wait3A_833] : memref<16384x1024xf32, #tpu.memory_space<hbm>> -> memref<16x1024xf32, #tpu.memory_space<hbm>>
    tpu.wait_dma2 semaphore(%dma_wait3A_828 : memref<!tpu.dma_semaphore, #tpu.memory_space<semaphore_mem>>) src(%dma_wait3A_834 : memref<16x1024xf32, #tpu.memory_space<hbm>>) dst(%dma_wait3A_832 : memref<16x1024xf32, #tpu.memory_space<vmem>>)
    %add3A_835 = arith.constant 160 : i32
    %add3A_836 = arith.addi %mul3A_2, %add3A_835 : i32
    %dma_start3A_837 = arith.constant 3 : i32
    %dma_start3A_838 = arith.constant 3 : i32
    %dma_start3A_839 = arith.constant 0 : i32
    %dma_start3A_840 = arith.constant 0 : i32
    %dma_start3A_841 = tpu.memref_slice %arg5[%dma_start3A_837, %dma_start3A_839, %dma_start3A_840] : memref<7x16x1024xf32, #tpu.memory_space<vmem>> -> memref<1x16x1024xf32, #tpu.memory_space<vmem>>
    %dma_start3A_842 = tpu.memref_squeeze %dma_start3A_841 : memref<1x16x1024xf32, #tpu.memory_space<vmem>> -> memref<16x1024xf32, #tpu.memory_space<vmem>>
    %dma_start3A_843 = arith.constant 0 : i32
    %dma_start3A_844 = tpu.memref_slice %arg4[%add3A_836, %dma_start3A_843] : memref<16384x1024xf32, #tpu.memory_space<hbm>> -> memref<16x1024xf32, #tpu.memory_space<hbm>>
    %dma_start3A_845 = tpu.memref_slice %arg8[%dma_start3A_838] : memref<7x!tpu.dma_semaphore, #tpu.memory_space<semaphore_mem>> -> memref<1x!tpu.dma_semaphore, #tpu.memory_space<semaphore_mem>>
    %dma_start3A_846 = tpu.memref_squeeze %dma_start3A_845 : memref<1x!tpu.dma_semaphore, #tpu.memory_space<semaphore_mem>> -> memref<!tpu.dma_semaphore, #tpu.memory_space<semaphore_mem>>
    %dma_start3A_847 = arith.constant 0 : i32
    %dma_start3A_848 = tpu.memref_slice %arg4[%add3A_836, %dma_start3A_847] : memref<16384x1024xf32, #tpu.memory_space<hbm>> -> memref<16x1024xf32, #tpu.memory_space<hbm>>
    %dma_start3A_849 = arith.constant 0 : i32
    %dma_start3A_850 = arith.constant 0 : i32
    %dma_start3A_851 = tpu.memref_slice %arg5[%dma_start3A_837, %dma_start3A_849, %dma_start3A_850] : memref<7x16x1024xf32, #tpu.memory_space<vmem>> -> memref<1x16x1024xf32, #tpu.memory_space<vmem>>
    %dma_start3A_852 = tpu.memref_squeeze %dma_start3A_851 : memref<1x16x1024xf32, #tpu.memory_space<vmem>> -> memref<16x1024xf32, #tpu.memory_space<vmem>>
    tpu.enqueue_dma source(%dma_start3A_852 : memref<16x1024xf32, #tpu.memory_space<vmem>>) target(%dma_start3A_848 : memref<16x1024xf32, #tpu.memory_space<hbm>>) target_semaphore(%dma_start3A_846 : memref<!tpu.dma_semaphore, #tpu.memory_space<semaphore_mem>>)
    %dma_wait3A_853 = arith.constant 3 : i32
    %dma_wait3A_854 = arith.constant 3 : i32
    %dma_wait3A_855 = arith.constant 0 : i32
    %dma_wait3A_856 = arith.constant 0 : i32
    %dma_wait3A_857 = tpu.memref_slice %arg5[%dma_wait3A_853, %dma_wait3A_855, %dma_wait3A_856] : memref<7x16x1024xf32, #tpu.memory_space<vmem>> -> memref<1x16x1024xf32, #tpu.memory_space<vmem>>
    %dma_wait3A_858 = tpu.memref_squeeze %dma_wait3A_857 : memref<1x16x1024xf32, #tpu.memory_space<vmem>> -> memref<16x1024xf32, #tpu.memory_space<vmem>>
    %dma_wait3A_859 = arith.constant 0 : i32
    %dma_wait3A_860 = tpu.memref_slice %arg4[%add3A_836, %dma_wait3A_859] : memref<16384x1024xf32, #tpu.memory_space<hbm>> -> memref<16x1024xf32, #tpu.memory_space<hbm>>
    %dma_wait3A_861 = tpu.memref_slice %arg8[%dma_wait3A_854] : memref<7x!tpu.dma_semaphore, #tpu.memory_space<semaphore_mem>> -> memref<1x!tpu.dma_semaphore, #tpu.memory_space<semaphore_mem>>
    %dma_wait3A_862 = tpu.memref_squeeze %dma_wait3A_861 : memref<1x!tpu.dma_semaphore, #tpu.memory_space<semaphore_mem>> -> memref<!tpu.dma_semaphore, #tpu.memory_space<semaphore_mem>>
    %dma_wait3A_863 = arith.constant 0 : i32
    %dma_wait3A_864 = tpu.memref_slice %arg4[%add3A_836, %dma_wait3A_863] : memref<16384x1024xf32, #tpu.memory_space<hbm>> -> memref<16x1024xf32, #tpu.memory_space<hbm>>
    %dma_wait3A_865 = arith.constant 0 : i32
    %dma_wait3A_866 = arith.constant 0 : i32
    %dma_wait3A_867 = tpu.memref_slice %arg5[%dma_wait3A_853, %dma_wait3A_865, %dma_wait3A_866] : memref<7x16x1024xf32, #tpu.memory_space<vmem>> -> memref<1x16x1024xf32, #tpu.memory_space<vmem>>
    %dma_wait3A_868 = tpu.memref_squeeze %dma_wait3A_867 : memref<1x16x1024xf32, #tpu.memory_space<vmem>> -> memref<16x1024xf32, #tpu.memory_space<vmem>>
    tpu.wait_dma2 semaphore(%dma_wait3A_862 : memref<!tpu.dma_semaphore, #tpu.memory_space<semaphore_mem>>) src(%dma_wait3A_868 : memref<16x1024xf32, #tpu.memory_space<vmem>>) dst(%dma_wait3A_864 : memref<16x1024xf32, #tpu.memory_space<hbm>>)
    %add3A_869 = arith.constant 272 : i32
    %add3A_870 = arith.addi %mul3A_2, %add3A_869 : i32
    %dma_start3A_871 = arith.constant 3 : i32
    %dma_start3A_872 = arith.constant 3 : i32
    %dma_start3A_873 = arith.constant 0 : i32
    %dma_start3A_874 = arith.constant 0 : i32
    %dma_start3A_875 = tpu.memref_slice %arg5[%dma_start3A_871, %dma_start3A_873, %dma_start3A_874] : memref<7x16x1024xf32, #tpu.memory_space<vmem>> -> memref<1x16x1024xf32, #tpu.memory_space<vmem>>
    %dma_start3A_876 = tpu.memref_squeeze %dma_start3A_875 : memref<1x16x1024xf32, #tpu.memory_space<vmem>> -> memref<16x1024xf32, #tpu.memory_space<vmem>>
    %dma_start3A_877 = arith.constant 0 : i32
    %dma_start3A_878 = tpu.memref_slice %arg2[%add3A_870, %dma_start3A_877] : memref<16384x1024xf32, #tpu.memory_space<hbm>> -> memref<16x1024xf32, #tpu.memory_space<hbm>>
    %dma_start3A_879 = tpu.memref_slice %arg7[%dma_start3A_872] : memref<7x!tpu.dma_semaphore, #tpu.memory_space<semaphore_mem>> -> memref<1x!tpu.dma_semaphore, #tpu.memory_space<semaphore_mem>>
    %dma_start3A_880 = tpu.memref_squeeze %dma_start3A_879 : memref<1x!tpu.dma_semaphore, #tpu.memory_space<semaphore_mem>> -> memref<!tpu.dma_semaphore, #tpu.memory_space<semaphore_mem>>
    %dma_start3A_881 = arith.constant 0 : i32
    %dma_start3A_882 = arith.constant 0 : i32
    %dma_start3A_883 = tpu.memref_slice %arg5[%dma_start3A_871, %dma_start3A_881, %dma_start3A_882] : memref<7x16x1024xf32, #tpu.memory_space<vmem>> -> memref<1x16x1024xf32, #tpu.memory_space<vmem>>
    %dma_start3A_884 = tpu.memref_squeeze %dma_start3A_883 : memref<1x16x1024xf32, #tpu.memory_space<vmem>> -> memref<16x1024xf32, #tpu.memory_space<vmem>>
    %dma_start3A_885 = arith.constant 0 : i32
    %dma_start3A_886 = tpu.memref_slice %arg2[%add3A_870, %dma_start3A_885] : memref<16384x1024xf32, #tpu.memory_space<hbm>> -> memref<16x1024xf32, #tpu.memory_space<hbm>>
    tpu.enqueue_dma source(%dma_start3A_886 : memref<16x1024xf32, #tpu.memory_space<hbm>>) target(%dma_start3A_884 : memref<16x1024xf32, #tpu.memory_space<vmem>>) target_semaphore(%dma_start3A_880 : memref<!tpu.dma_semaphore, #tpu.memory_space<semaphore_mem>>)
    %dma_wait3A_887 = arith.constant 4 : i32
    %dma_wait3A_888 = arith.constant 4 : i32
    %dma_wait3A_889 = arith.constant 0 : i32
    %dma_wait3A_890 = arith.constant 0 : i32
    %dma_wait3A_891 = tpu.memref_slice %arg5[%dma_wait3A_887, %dma_wait3A_889, %dma_wait3A_890] : memref<7x16x1024xf32, #tpu.memory_space<vmem>> -> memref<1x16x1024xf32, #tpu.memory_space<vmem>>
    %dma_wait3A_892 = tpu.memref_squeeze %dma_wait3A_891 : memref<1x16x1024xf32, #tpu.memory_space<vmem>> -> memref<16x1024xf32, #tpu.memory_space<vmem>>
    %dma_wait3A_893 = arith.constant 0 : i32
    %dma_wait3A_894 = tpu.memref_slice %arg2[%add3A_462, %dma_wait3A_893] : memref<16384x1024xf32, #tpu.memory_space<hbm>> -> memref<16x1024xf32, #tpu.memory_space<hbm>>
    %dma_wait3A_895 = tpu.memref_slice %arg7[%dma_wait3A_888] : memref<7x!tpu.dma_semaphore, #tpu.memory_space<semaphore_mem>> -> memref<1x!tpu.dma_semaphore, #tpu.memory_space<semaphore_mem>>
    %dma_wait3A_896 = tpu.memref_squeeze %dma_wait3A_895 : memref<1x!tpu.dma_semaphore, #tpu.memory_space<semaphore_mem>> -> memref<!tpu.dma_semaphore, #tpu.memory_space<semaphore_mem>>
    %dma_wait3A_897 = arith.constant 0 : i32
    %dma_wait3A_898 = arith.constant 0 : i32
    %dma_wait3A_899 = tpu.memref_slice %arg5[%dma_wait3A_887, %dma_wait3A_897, %dma_wait3A_898] : memref<7x16x1024xf32, #tpu.memory_space<vmem>> -> memref<1x16x1024xf32, #tpu.memory_space<vmem>>
    %dma_wait3A_900 = tpu.memref_squeeze %dma_wait3A_899 : memref<1x16x1024xf32, #tpu.memory_space<vmem>> -> memref<16x1024xf32, #tpu.memory_space<vmem>>
    %dma_wait3A_901 = arith.constant 0 : i32
    %dma_wait3A_902 = tpu.memref_slice %arg2[%add3A_462, %dma_wait3A_901] : memref<16384x1024xf32, #tpu.memory_space<hbm>> -> memref<16x1024xf32, #tpu.memory_space<hbm>>
    tpu.wait_dma2 semaphore(%dma_wait3A_896 : memref<!tpu.dma_semaphore, #tpu.memory_space<semaphore_mem>>) src(%dma_wait3A_902 : memref<16x1024xf32, #tpu.memory_space<hbm>>) dst(%dma_wait3A_900 : memref<16x1024xf32, #tpu.memory_space<vmem>>)
    %add3A_903 = arith.constant 176 : i32
    %add3A_904 = arith.addi %mul3A_2, %add3A_903 : i32
    %dma_start3A_905 = arith.constant 4 : i32
    %dma_start3A_906 = arith.constant 4 : i32
    %dma_start3A_907 = arith.constant 0 : i32
    %dma_start3A_908 = arith.constant 0 : i32
    %dma_start3A_909 = tpu.memref_slice %arg5[%dma_start3A_905, %dma_start3A_907, %dma_start3A_908] : memref<7x16x1024xf32, #tpu.memory_space<vmem>> -> memref<1x16x1024xf32, #tpu.memory_space<vmem>>
    %dma_start3A_910 = tpu.memref_squeeze %dma_start3A_909 : memref<1x16x1024xf32, #tpu.memory_space<vmem>> -> memref<16x1024xf32, #tpu.memory_space<vmem>>
    %dma_start3A_911 = arith.constant 0 : i32
    %dma_start3A_912 = tpu.memref_slice %arg4[%add3A_904, %dma_start3A_911] : memref<16384x1024xf32, #tpu.memory_space<hbm>> -> memref<16x1024xf32, #tpu.memory_space<hbm>>
    %dma_start3A_913 = tpu.memref_slice %arg8[%dma_start3A_906] : memref<7x!tpu.dma_semaphore, #tpu.memory_space<semaphore_mem>> -> memref<1x!tpu.dma_semaphore, #tpu.memory_space<semaphore_mem>>
    %dma_start3A_914 = tpu.memref_squeeze %dma_start3A_913 : memref<1x!tpu.dma_semaphore, #tpu.memory_space<semaphore_mem>> -> memref<!tpu.dma_semaphore, #tpu.memory_space<semaphore_mem>>
    %dma_start3A_915 = arith.constant 0 : i32
    %dma_start3A_916 = tpu.memref_slice %arg4[%add3A_904, %dma_start3A_915] : memref<16384x1024xf32, #tpu.memory_space<hbm>> -> memref<16x1024xf32, #tpu.memory_space<hbm>>
    %dma_start3A_917 = arith.constant 0 : i32
    %dma_start3A_918 = arith.constant 0 : i32
    %dma_start3A_919 = tpu.memref_slice %arg5[%dma_start3A_905, %dma_start3A_917, %dma_start3A_918] : memref<7x16x1024xf32, #tpu.memory_space<vmem>> -> memref<1x16x1024xf32, #tpu.memory_space<vmem>>
    %dma_start3A_920 = tpu.memref_squeeze %dma_start3A_919 : memref<1x16x1024xf32, #tpu.memory_space<vmem>> -> memref<16x1024xf32, #tpu.memory_space<vmem>>
    tpu.enqueue_dma source(%dma_start3A_920 : memref<16x1024xf32, #tpu.memory_space<vmem>>) target(%dma_start3A_916 : memref<16x1024xf32, #tpu.memory_space<hbm>>) target_semaphore(%dma_start3A_914 : memref<!tpu.dma_semaphore, #tpu.memory_space<semaphore_mem>>)
    %dma_wait3A_921 = arith.constant 4 : i32
    %dma_wait3A_922 = arith.constant 4 : i32
    %dma_wait3A_923 = arith.constant 0 : i32
    %dma_wait3A_924 = arith.constant 0 : i32
    %dma_wait3A_925 = tpu.memref_slice %arg5[%dma_wait3A_921, %dma_wait3A_923, %dma_wait3A_924] : memref<7x16x1024xf32, #tpu.memory_space<vmem>> -> memref<1x16x1024xf32, #tpu.memory_space<vmem>>
    %dma_wait3A_926 = tpu.memref_squeeze %dma_wait3A_925 : memref<1x16x1024xf32, #tpu.memory_space<vmem>> -> memref<16x1024xf32, #tpu.memory_space<vmem>>
    %dma_wait3A_927 = arith.constant 0 : i32
    %dma_wait3A_928 = tpu.memref_slice %arg4[%add3A_904, %dma_wait3A_927] : memref<16384x1024xf32, #tpu.memory_space<hbm>> -> memref<16x1024xf32, #tpu.memory_space<hbm>>
    %dma_wait3A_929 = tpu.memref_slice %arg8[%dma_wait3A_922] : memref<7x!tpu.dma_semaphore, #tpu.memory_space<semaphore_mem>> -> memref<1x!tpu.dma_semaphore, #tpu.memory_space<semaphore_mem>>
    %dma_wait3A_930 = tpu.memref_squeeze %dma_wait3A_929 : memref<1x!tpu.dma_semaphore, #tpu.memory_space<semaphore_mem>> -> memref<!tpu.dma_semaphore, #tpu.memory_space<semaphore_mem>>
    %dma_wait3A_931 = arith.constant 0 : i32
    %dma_wait3A_932 = tpu.memref_slice %arg4[%add3A_904, %dma_wait3A_931] : memref<16384x1024xf32, #tpu.memory_space<hbm>> -> memref<16x1024xf32, #tpu.memory_space<hbm>>
    %dma_wait3A_933 = arith.constant 0 : i32
    %dma_wait3A_934 = arith.constant 0 : i32
    %dma_wait3A_935 = tpu.memref_slice %arg5[%dma_wait3A_921, %dma_wait3A_933, %dma_wait3A_934] : memref<7x16x1024xf32, #tpu.memory_space<vmem>> -> memref<1x16x1024xf32, #tpu.memory_space<vmem>>
    %dma_wait3A_936 = tpu.memref_squeeze %dma_wait3A_935 : memref<1x16x1024xf32, #tpu.memory_space<vmem>> -> memref<16x1024xf32, #tpu.memory_space<vmem>>
    tpu.wait_dma2 semaphore(%dma_wait3A_930 : memref<!tpu.dma_semaphore, #tpu.memory_space<semaphore_mem>>) src(%dma_wait3A_936 : memref<16x1024xf32, #tpu.memory_space<vmem>>) dst(%dma_wait3A_932 : memref<16x1024xf32, #tpu.memory_space<hbm>>)
    %add3A_937 = arith.constant 288 : i32
    %add3A_938 = arith.addi %mul3A_2, %add3A_937 : i32
    %dma_start3A_939 = arith.constant 4 : i32
    %dma_start3A_940 = arith.constant 4 : i32
    %dma_start3A_941 = arith.constant 0 : i32
    %dma_start3A_942 = arith.constant 0 : i32
    %dma_start3A_943 = tpu.memref_slice %arg5[%dma_start3A_939, %dma_start3A_941, %dma_start3A_942] : memref<7x16x1024xf32, #tpu.memory_space<vmem>> -> memref<1x16x1024xf32, #tpu.memory_space<vmem>>
    %dma_start3A_944 = tpu.memref_squeeze %dma_start3A_943 : memref<1x16x1024xf32, #tpu.memory_space<vmem>> -> memref<16x1024xf32, #tpu.memory_space<vmem>>
    %dma_start3A_945 = arith.constant 0 : i32
    %dma_start3A_946 = tpu.memref_slice %arg2[%add3A_938, %dma_start3A_945] : memref<16384x1024xf32, #tpu.memory_space<hbm>> -> memref<16x1024xf32, #tpu.memory_space<hbm>>
    %dma_start3A_947 = tpu.memref_slice %arg7[%dma_start3A_940] : memref<7x!tpu.dma_semaphore, #tpu.memory_space<semaphore_mem>> -> memref<1x!tpu.dma_semaphore, #tpu.memory_space<semaphore_mem>>
    %dma_start3A_948 = tpu.memref_squeeze %dma_start3A_947 : memref<1x!tpu.dma_semaphore, #tpu.memory_space<semaphore_mem>> -> memref<!tpu.dma_semaphore, #tpu.memory_space<semaphore_mem>>
    %dma_start3A_949 = arith.constant 0 : i32
    %dma_start3A_950 = arith.constant 0 : i32
    %dma_start3A_951 = tpu.memref_slice %arg5[%dma_start3A_939, %dma_start3A_949, %dma_start3A_950] : memref<7x16x1024xf32, #tpu.memory_space<vmem>> -> memref<1x16x1024xf32, #tpu.memory_space<vmem>>
    %dma_start3A_952 = tpu.memref_squeeze %dma_start3A_951 : memref<1x16x1024xf32, #tpu.memory_space<vmem>> -> memref<16x1024xf32, #tpu.memory_space<vmem>>
    %dma_start3A_953 = arith.constant 0 : i32
    %dma_start3A_954 = tpu.memref_slice %arg2[%add3A_938, %dma_start3A_953] : memref<16384x1024xf32, #tpu.memory_space<hbm>> -> memref<16x1024xf32, #tpu.memory_space<hbm>>
    tpu.enqueue_dma source(%dma_start3A_954 : memref<16x1024xf32, #tpu.memory_space<hbm>>) target(%dma_start3A_952 : memref<16x1024xf32, #tpu.memory_space<vmem>>) target_semaphore(%dma_start3A_948 : memref<!tpu.dma_semaphore, #tpu.memory_space<semaphore_mem>>)
    %dma_wait3A_955 = arith.constant 5 : i32
    %dma_wait3A_956 = arith.constant 5 : i32
    %dma_wait3A_957 = arith.constant 0 : i32
    %dma_wait3A_958 = arith.constant 0 : i32
    %dma_wait3A_959 = tpu.memref_slice %arg5[%dma_wait3A_955, %dma_wait3A_957, %dma_wait3A_958] : memref<7x16x1024xf32, #tpu.memory_space<vmem>> -> memref<1x16x1024xf32, #tpu.memory_space<vmem>>
    %dma_wait3A_960 = tpu.memref_squeeze %dma_wait3A_959 : memref<1x16x1024xf32, #tpu.memory_space<vmem>> -> memref<16x1024xf32, #tpu.memory_space<vmem>>
    %dma_wait3A_961 = arith.constant 0 : i32
    %dma_wait3A_962 = tpu.memref_slice %arg2[%add3A_530, %dma_wait3A_961] : memref<16384x1024xf32, #tpu.memory_space<hbm>> -> memref<16x1024xf32, #tpu.memory_space<hbm>>
    %dma_wait3A_963 = tpu.memref_slice %arg7[%dma_wait3A_956] : memref<7x!tpu.dma_semaphore, #tpu.memory_space<semaphore_mem>> -> memref<1x!tpu.dma_semaphore, #tpu.memory_space<semaphore_mem>>
    %dma_wait3A_964 = tpu.memref_squeeze %dma_wait3A_963 : memref<1x!tpu.dma_semaphore, #tpu.memory_space<semaphore_mem>> -> memref<!tpu.dma_semaphore, #tpu.memory_space<semaphore_mem>>
    %dma_wait3A_965 = arith.constant 0 : i32
    %dma_wait3A_966 = arith.constant 0 : i32
    %dma_wait3A_967 = tpu.memref_slice %arg5[%dma_wait3A_955, %dma_wait3A_965, %dma_wait3A_966] : memref<7x16x1024xf32, #tpu.memory_space<vmem>> -> memref<1x16x1024xf32, #tpu.memory_space<vmem>>
    %dma_wait3A_968 = tpu.memref_squeeze %dma_wait3A_967 : memref<1x16x1024xf32, #tpu.memory_space<vmem>> -> memref<16x1024xf32, #tpu.memory_space<vmem>>
    %dma_wait3A_969 = arith.constant 0 : i32
    %dma_wait3A_970 = tpu.memref_slice %arg2[%add3A_530, %dma_wait3A_969] : memref<16384x1024xf32, #tpu.memory_space<hbm>> -> memref<16x1024xf32, #tpu.memory_space<hbm>>
    tpu.wait_dma2 semaphore(%dma_wait3A_964 : memref<!tpu.dma_semaphore, #tpu.memory_space<semaphore_mem>>) src(%dma_wait3A_970 : memref<16x1024xf32, #tpu.memory_space<hbm>>) dst(%dma_wait3A_968 : memref<16x1024xf32, #tpu.memory_space<vmem>>)
    %add3A_971 = arith.constant 192 : i32
    %add3A_972 = arith.addi %mul3A_2, %add3A_971 : i32
    %dma_start3A_973 = arith.constant 5 : i32
    %dma_start3A_974 = arith.constant 5 : i32
    %dma_start3A_975 = arith.constant 0 : i32
    %dma_start3A_976 = arith.constant 0 : i32
    %dma_start3A_977 = tpu.memref_slice %arg5[%dma_start3A_973, %dma_start3A_975, %dma_start3A_976] : memref<7x16x1024xf32, #tpu.memory_space<vmem>> -> memref<1x16x1024xf32, #tpu.memory_space<vmem>>
    %dma_start3A_978 = tpu.memref_squeeze %dma_start3A_977 : memref<1x16x1024xf32, #tpu.memory_space<vmem>> -> memref<16x1024xf32, #tpu.memory_space<vmem>>
    %dma_start3A_979 = arith.constant 0 : i32
    %dma_start3A_980 = tpu.memref_slice %arg4[%add3A_972, %dma_start3A_979] : memref<16384x1024xf32, #tpu.memory_space<hbm>> -> memref<16x1024xf32, #tpu.memory_space<hbm>>
    %dma_start3A_981 = tpu.memref_slice %arg8[%dma_start3A_974] : memref<7x!tpu.dma_semaphore, #tpu.memory_space<semaphore_mem>> -> memref<1x!tpu.dma_semaphore, #tpu.memory_space<semaphore_mem>>
    %dma_start3A_982 = tpu.memref_squeeze %dma_start3A_981 : memref<1x!tpu.dma_semaphore, #tpu.memory_space<semaphore_mem>> -> memref<!tpu.dma_semaphore, #tpu.memory_space<semaphore_mem>>
    %dma_start3A_983 = arith.constant 0 : i32
    %dma_start3A_984 = tpu.memref_slice %arg4[%add3A_972, %dma_start3A_983] : memref<16384x1024xf32, #tpu.memory_space<hbm>> -> memref<16x1024xf32, #tpu.memory_space<hbm>>
    %dma_start3A_985 = arith.constant 0 : i32
    %dma_start3A_986 = arith.constant 0 : i32
    %dma_start3A_987 = tpu.memref_slice %arg5[%dma_start3A_973, %dma_start3A_985, %dma_start3A_986] : memref<7x16x1024xf32, #tpu.memory_space<vmem>> -> memref<1x16x1024xf32, #tpu.memory_space<vmem>>
    %dma_start3A_988 = tpu.memref_squeeze %dma_start3A_987 : memref<1x16x1024xf32, #tpu.memory_space<vmem>> -> memref<16x1024xf32, #tpu.memory_space<vmem>>
    tpu.enqueue_dma source(%dma_start3A_988 : memref<16x1024xf32, #tpu.memory_space<vmem>>) target(%dma_start3A_984 : memref<16x1024xf32, #tpu.memory_space<hbm>>) target_semaphore(%dma_start3A_982 : memref<!tpu.dma_semaphore, #tpu.memory_space<semaphore_mem>>)
    %dma_wait3A_989 = arith.constant 5 : i32
    %dma_wait3A_990 = arith.constant 5 : i32
    %dma_wait3A_991 = arith.constant 0 : i32
    %dma_wait3A_992 = arith.constant 0 : i32
    %dma_wait3A_993 = tpu.memref_slice %arg5[%dma_wait3A_989, %dma_wait3A_991, %dma_wait3A_992] : memref<7x16x1024xf32, #tpu.memory_space<vmem>> -> memref<1x16x1024xf32, #tpu.memory_space<vmem>>
    %dma_wait3A_994 = tpu.memref_squeeze %dma_wait3A_993 : memref<1x16x1024xf32, #tpu.memory_space<vmem>> -> memref<16x1024xf32, #tpu.memory_space<vmem>>
    %dma_wait3A_995 = arith.constant 0 : i32
    %dma_wait3A_996 = tpu.memref_slice %arg4[%add3A_972, %dma_wait3A_995] : memref<16384x1024xf32, #tpu.memory_space<hbm>> -> memref<16x1024xf32, #tpu.memory_space<hbm>>
    %dma_wait3A_997 = tpu.memref_slice %arg8[%dma_wait3A_990] : memref<7x!tpu.dma_semaphore, #tpu.memory_space<semaphore_mem>> -> memref<1x!tpu.dma_semaphore, #tpu.memory_space<semaphore_mem>>
    %dma_wait3A_998 = tpu.memref_squeeze %dma_wait3A_997 : memref<1x!tpu.dma_semaphore, #tpu.memory_space<semaphore_mem>> -> memref<!tpu.dma_semaphore, #tpu.memory_space<semaphore_mem>>
    %dma_wait3A_999 = arith.constant 0 : i32
    %dma_wait3A_1000 = tpu.memref_slice %arg4[%add3A_972, %dma_wait3A_999] : memref<16384x1024xf32, #tpu.memory_space<hbm>> -> memref<16x1024xf32, #tpu.memory_space<hbm>>
    %dma_wait3A_1001 = arith.constant 0 : i32
    %dma_wait3A_1002 = arith.constant 0 : i32
    %dma_wait3A_1003 = tpu.memref_slice %arg5[%dma_wait3A_989, %dma_wait3A_1001, %dma_wait3A_1002] : memref<7x16x1024xf32, #tpu.memory_space<vmem>> -> memref<1x16x1024xf32, #tpu.memory_space<vmem>>
    %dma_wait3A_1004 = tpu.memref_squeeze %dma_wait3A_1003 : memref<1x16x1024xf32, #tpu.memory_space<vmem>> -> memref<16x1024xf32, #tpu.memory_space<vmem>>
    tpu.wait_dma2 semaphore(%dma_wait3A_998 : memref<!tpu.dma_semaphore, #tpu.memory_space<semaphore_mem>>) src(%dma_wait3A_1004 : memref<16x1024xf32, #tpu.memory_space<vmem>>) dst(%dma_wait3A_1000 : memref<16x1024xf32, #tpu.memory_space<hbm>>)
    %add3A_1005 = arith.constant 304 : i32
    %add3A_1006 = arith.addi %mul3A_2, %add3A_1005 : i32
    %dma_start3A_1007 = arith.constant 5 : i32
    %dma_start3A_1008 = arith.constant 5 : i32
    %dma_start3A_1009 = arith.constant 0 : i32
    %dma_start3A_1010 = arith.constant 0 : i32
    %dma_start3A_1011 = tpu.memref_slice %arg5[%dma_start3A_1007, %dma_start3A_1009, %dma_start3A_1010] : memref<7x16x1024xf32, #tpu.memory_space<vmem>> -> memref<1x16x1024xf32, #tpu.memory_space<vmem>>
    %dma_start3A_1012 = tpu.memref_squeeze %dma_start3A_1011 : memref<1x16x1024xf32, #tpu.memory_space<vmem>> -> memref<16x1024xf32, #tpu.memory_space<vmem>>
    %dma_start3A_1013 = arith.constant 0 : i32
    %dma_start3A_1014 = tpu.memref_slice %arg2[%add3A_1006, %dma_start3A_1013] : memref<16384x1024xf32, #tpu.memory_space<hbm>> -> memref<16x1024xf32, #tpu.memory_space<hbm>>
    %dma_start3A_1015 = tpu.memref_slice %arg7[%dma_start3A_1008] : memref<7x!tpu.dma_semaphore, #tpu.memory_space<semaphore_mem>> -> memref<1x!tpu.dma_semaphore, #tpu.memory_space<semaphore_mem>>
    %dma_start3A_1016 = tpu.memref_squeeze %dma_start3A_1015 : memref<1x!tpu.dma_semaphore, #tpu.memory_space<semaphore_mem>> -> memref<!tpu.dma_semaphore, #tpu.memory_space<semaphore_mem>>
    %dma_start3A_1017 = arith.constant 0 : i32
    %dma_start3A_1018 = arith.constant 0 : i32
    %dma_start3A_1019 = tpu.memref_slice %arg5[%dma_start3A_1007, %dma_start3A_1017, %dma_start3A_1018] : memref<7x16x1024xf32, #tpu.memory_space<vmem>> -> memref<1x16x1024xf32, #tpu.memory_space<vmem>>
    %dma_start3A_1020 = tpu.memref_squeeze %dma_start3A_1019 : memref<1x16x1024xf32, #tpu.memory_space<vmem>> -> memref<16x1024xf32, #tpu.memory_space<vmem>>
    %dma_start3A_1021 = arith.constant 0 : i32
    %dma_start3A_1022 = tpu.memref_slice %arg2[%add3A_1006, %dma_start3A_1021] : memref<16384x1024xf32, #tpu.memory_space<hbm>> -> memref<16x1024xf32, #tpu.memory_space<hbm>>
    tpu.enqueue_dma source(%dma_start3A_1022 : memref<16x1024xf32, #tpu.memory_space<hbm>>) target(%dma_start3A_1020 : memref<16x1024xf32, #tpu.memory_space<vmem>>) target_semaphore(%dma_start3A_1016 : memref<!tpu.dma_semaphore, #tpu.memory_space<semaphore_mem>>)
    %dma_wait3A_1023 = arith.constant 6 : i32
    %dma_wait3A_1024 = arith.constant 6 : i32
    %dma_wait3A_1025 = arith.constant 0 : i32
    %dma_wait3A_1026 = arith.constant 0 : i32
    %dma_wait3A_1027 = tpu.memref_slice %arg5[%dma_wait3A_1023, %dma_wait3A_1025, %dma_wait3A_1026] : memref<7x16x1024xf32, #tpu.memory_space<vmem>> -> memref<1x16x1024xf32, #tpu.memory_space<vmem>>
    %dma_wait3A_1028 = tpu.memref_squeeze %dma_wait3A_1027 : memref<1x16x1024xf32, #tpu.memory_space<vmem>> -> memref<16x1024xf32, #tpu.memory_space<vmem>>
    %dma_wait3A_1029 = arith.constant 0 : i32
    %dma_wait3A_1030 = tpu.memref_slice %arg2[%add3A_598, %dma_wait3A_1029] : memref<16384x1024xf32, #tpu.memory_space<hbm>> -> memref<16x1024xf32, #tpu.memory_space<hbm>>
    %dma_wait3A_1031 = tpu.memref_slice %arg7[%dma_wait3A_1024] : memref<7x!tpu.dma_semaphore, #tpu.memory_space<semaphore_mem>> -> memref<1x!tpu.dma_semaphore, #tpu.memory_space<semaphore_mem>>
    %dma_wait3A_1032 = tpu.memref_squeeze %dma_wait3A_1031 : memref<1x!tpu.dma_semaphore, #tpu.memory_space<semaphore_mem>> -> memref<!tpu.dma_semaphore, #tpu.memory_space<semaphore_mem>>
    %dma_wait3A_1033 = arith.constant 0 : i32
    %dma_wait3A_1034 = arith.constant 0 : i32
    %dma_wait3A_1035 = tpu.memref_slice %arg5[%dma_wait3A_1023, %dma_wait3A_1033, %dma_wait3A_1034] : memref<7x16x1024xf32, #tpu.memory_space<vmem>> -> memref<1x16x1024xf32, #tpu.memory_space<vmem>>
    %dma_wait3A_1036 = tpu.memref_squeeze %dma_wait3A_1035 : memref<1x16x1024xf32, #tpu.memory_space<vmem>> -> memref<16x1024xf32, #tpu.memory_space<vmem>>
    %dma_wait3A_1037 = arith.constant 0 : i32
    %dma_wait3A_1038 = tpu.memref_slice %arg2[%add3A_598, %dma_wait3A_1037] : memref<16384x1024xf32, #tpu.memory_space<hbm>> -> memref<16x1024xf32, #tpu.memory_space<hbm>>
    tpu.wait_dma2 semaphore(%dma_wait3A_1032 : memref<!tpu.dma_semaphore, #tpu.memory_space<semaphore_mem>>) src(%dma_wait3A_1038 : memref<16x1024xf32, #tpu.memory_space<hbm>>) dst(%dma_wait3A_1036 : memref<16x1024xf32, #tpu.memory_space<vmem>>)
    %add3A_1039 = arith.constant 208 : i32
    %add3A_1040 = arith.addi %mul3A_2, %add3A_1039 : i32
    %dma_start3A_1041 = arith.constant 6 : i32
    %dma_start3A_1042 = arith.constant 6 : i32
    %dma_start3A_1043 = arith.constant 0 : i32
    %dma_start3A_1044 = arith.constant 0 : i32
    %dma_start3A_1045 = tpu.memref_slice %arg5[%dma_start3A_1041, %dma_start3A_1043, %dma_start3A_1044] : memref<7x16x1024xf32, #tpu.memory_space<vmem>> -> memref<1x16x1024xf32, #tpu.memory_space<vmem>>
    %dma_start3A_1046 = tpu.memref_squeeze %dma_start3A_1045 : memref<1x16x1024xf32, #tpu.memory_space<vmem>> -> memref<16x1024xf32, #tpu.memory_space<vmem>>
    %dma_start3A_1047 = arith.constant 0 : i32
    %dma_start3A_1048 = tpu.memref_slice %arg4[%add3A_1040, %dma_start3A_1047] : memref<16384x1024xf32, #tpu.memory_space<hbm>> -> memref<16x1024xf32, #tpu.memory_space<hbm>>
    %dma_start3A_1049 = tpu.memref_slice %arg8[%dma_start3A_1042] : memref<7x!tpu.dma_semaphore, #tpu.memory_space<semaphore_mem>> -> memref<1x!tpu.dma_semaphore, #tpu.memory_space<semaphore_mem>>
    %dma_start3A_1050 = tpu.memref_squeeze %dma_start3A_1049 : memref<1x!tpu.dma_semaphore, #tpu.memory_space<semaphore_mem>> -> memref<!tpu.dma_semaphore, #tpu.memory_space<semaphore_mem>>
    %dma_start3A_1051 = arith.constant 0 : i32
    %dma_start3A_1052 = tpu.memref_slice %arg4[%add3A_1040, %dma_start3A_1051] : memref<16384x1024xf32, #tpu.memory_space<hbm>> -> memref<16x1024xf32, #tpu.memory_space<hbm>>
    %dma_start3A_1053 = arith.constant 0 : i32
    %dma_start3A_1054 = arith.constant 0 : i32
    %dma_start3A_1055 = tpu.memref_slice %arg5[%dma_start3A_1041, %dma_start3A_1053, %dma_start3A_1054] : memref<7x16x1024xf32, #tpu.memory_space<vmem>> -> memref<1x16x1024xf32, #tpu.memory_space<vmem>>
    %dma_start3A_1056 = tpu.memref_squeeze %dma_start3A_1055 : memref<1x16x1024xf32, #tpu.memory_space<vmem>> -> memref<16x1024xf32, #tpu.memory_space<vmem>>
    tpu.enqueue_dma source(%dma_start3A_1056 : memref<16x1024xf32, #tpu.memory_space<vmem>>) target(%dma_start3A_1052 : memref<16x1024xf32, #tpu.memory_space<hbm>>) target_semaphore(%dma_start3A_1050 : memref<!tpu.dma_semaphore, #tpu.memory_space<semaphore_mem>>)
    %dma_wait3A_1057 = arith.constant 6 : i32
    %dma_wait3A_1058 = arith.constant 6 : i32
    %dma_wait3A_1059 = arith.constant 0 : i32
    %dma_wait3A_1060 = arith.constant 0 : i32
    %dma_wait3A_1061 = tpu.memref_slice %arg5[%dma_wait3A_1057, %dma_wait3A_1059, %dma_wait3A_1060] : memref<7x16x1024xf32, #tpu.memory_space<vmem>> -> memref<1x16x1024xf32, #tpu.memory_space<vmem>>
    %dma_wait3A_1062 = tpu.memref_squeeze %dma_wait3A_1061 : memref<1x16x1024xf32, #tpu.memory_space<vmem>> -> memref<16x1024xf32, #tpu.memory_space<vmem>>
    %dma_wait3A_1063 = arith.constant 0 : i32
    %dma_wait3A_1064 = tpu.memref_slice %arg4[%add3A_1040, %dma_wait3A_1063] : memref<16384x1024xf32, #tpu.memory_space<hbm>> -> memref<16x1024xf32, #tpu.memory_space<hbm>>
    %dma_wait3A_1065 = tpu.memref_slice %arg8[%dma_wait3A_1058] : memref<7x!tpu.dma_semaphore, #tpu.memory_space<semaphore_mem>> -> memref<1x!tpu.dma_semaphore, #tpu.memory_space<semaphore_mem>>
    %dma_wait3A_1066 = tpu.memref_squeeze %dma_wait3A_1065 : memref<1x!tpu.dma_semaphore, #tpu.memory_space<semaphore_mem>> -> memref<!tpu.dma_semaphore, #tpu.memory_space<semaphore_mem>>
    %dma_wait3A_1067 = arith.constant 0 : i32
    %dma_wait3A_1068 = tpu.memref_slice %arg4[%add3A_1040, %dma_wait3A_1067] : memref<16384x1024xf32, #tpu.memory_space<hbm>> -> memref<16x1024xf32, #tpu.memory_space<hbm>>
    %dma_wait3A_1069 = arith.constant 0 : i32
    %dma_wait3A_1070 = arith.constant 0 : i32
    %dma_wait3A_1071 = tpu.memref_slice %arg5[%dma_wait3A_1057, %dma_wait3A_1069, %dma_wait3A_1070] : memref<7x16x1024xf32, #tpu.memory_space<vmem>> -> memref<1x16x1024xf32, #tpu.memory_space<vmem>>
    %dma_wait3A_1072 = tpu.memref_squeeze %dma_wait3A_1071 : memref<1x16x1024xf32, #tpu.memory_space<vmem>> -> memref<16x1024xf32, #tpu.memory_space<vmem>>
    tpu.wait_dma2 semaphore(%dma_wait3A_1066 : memref<!tpu.dma_semaphore, #tpu.memory_space<semaphore_mem>>) src(%dma_wait3A_1072 : memref<16x1024xf32, #tpu.memory_space<vmem>>) dst(%dma_wait3A_1068 : memref<16x1024xf32, #tpu.memory_space<hbm>>)
    %add3A_1073 = arith.constant 320 : i32
    %add3A_1074 = arith.addi %mul3A_2, %add3A_1073 : i32
    %dma_start3A_1075 = arith.constant 6 : i32
    %dma_start3A_1076 = arith.constant 6 : i32
    %dma_start3A_1077 = arith.constant 0 : i32
    %dma_start3A_1078 = arith.constant 0 : i32
    %dma_start3A_1079 = tpu.memref_slice %arg5[%dma_start3A_1075, %dma_start3A_1077, %dma_start3A_1078] : memref<7x16x1024xf32, #tpu.memory_space<vmem>> -> memref<1x16x1024xf32, #tpu.memory_space<vmem>>
    %dma_start3A_1080 = tpu.memref_squeeze %dma_start3A_1079 : memref<1x16x1024xf32, #tpu.memory_space<vmem>> -> memref<16x1024xf32, #tpu.memory_space<vmem>>
    %dma_start3A_1081 = arith.constant 0 : i32
    %dma_start3A_1082 = tpu.memref_slice %arg2[%add3A_1074, %dma_start3A_1081] : memref<16384x1024xf32, #tpu.memory_space<hbm>> -> memref<16x1024xf32, #tpu.memory_space<hbm>>
    %dma_start3A_1083 = tpu.memref_slice %arg7[%dma_start3A_1076] : memref<7x!tpu.dma_semaphore, #tpu.memory_space<semaphore_mem>> -> memref<1x!tpu.dma_semaphore, #tpu.memory_space<semaphore_mem>>
    %dma_start3A_1084 = tpu.memref_squeeze %dma_start3A_1083 : memref<1x!tpu.dma_semaphore, #tpu.memory_space<semaphore_mem>> -> memref<!tpu.dma_semaphore, #tpu.memory_space<semaphore_mem>>
    %dma_start3A_1085 = arith.constant 0 : i32
    %dma_start3A_1086 = arith.constant 0 : i32
    %dma_start3A_1087 = tpu.memref_slice %arg5[%dma_start3A_1075, %dma_start3A_1085, %dma_start3A_1086] : memref<7x16x1024xf32, #tpu.memory_space<vmem>> -> memref<1x16x1024xf32, #tpu.memory_space<vmem>>
    %dma_start3A_1088 = tpu.memref_squeeze %dma_start3A_1087 : memref<1x16x1024xf32, #tpu.memory_space<vmem>> -> memref<16x1024xf32, #tpu.memory_space<vmem>>
    %dma_start3A_1089 = arith.constant 0 : i32
    %dma_start3A_1090 = tpu.memref_slice %arg2[%add3A_1074, %dma_start3A_1089] : memref<16384x1024xf32, #tpu.memory_space<hbm>> -> memref<16x1024xf32, #tpu.memory_space<hbm>>
    tpu.enqueue_dma source(%dma_start3A_1090 : memref<16x1024xf32, #tpu.memory_space<hbm>>) target(%dma_start3A_1088 : memref<16x1024xf32, #tpu.memory_space<vmem>>) target_semaphore(%dma_start3A_1084 : memref<!tpu.dma_semaphore, #tpu.memory_space<semaphore_mem>>)
    %dma_wait3A_1091 = arith.constant 0 : i32
    %dma_wait3A_1092 = arith.constant 0 : i32
    %dma_wait3A_1093 = arith.constant 0 : i32
    %dma_wait3A_1094 = arith.constant 0 : i32
    %dma_wait3A_1095 = tpu.memref_slice %arg5[%dma_wait3A_1091, %dma_wait3A_1093, %dma_wait3A_1094] : memref<7x16x1024xf32, #tpu.memory_space<vmem>> -> memref<1x16x1024xf32, #tpu.memory_space<vmem>>
    %dma_wait3A_1096 = tpu.memref_squeeze %dma_wait3A_1095 : memref<1x16x1024xf32, #tpu.memory_space<vmem>> -> memref<16x1024xf32, #tpu.memory_space<vmem>>
    %dma_wait3A_1097 = arith.constant 0 : i32
    %dma_wait3A_1098 = tpu.memref_slice %arg2[%add3A_666, %dma_wait3A_1097] : memref<16384x1024xf32, #tpu.memory_space<hbm>> -> memref<16x1024xf32, #tpu.memory_space<hbm>>
    %dma_wait3A_1099 = tpu.memref_slice %arg7[%dma_wait3A_1092] : memref<7x!tpu.dma_semaphore, #tpu.memory_space<semaphore_mem>> -> memref<1x!tpu.dma_semaphore, #tpu.memory_space<semaphore_mem>>
    %dma_wait3A_1100 = tpu.memref_squeeze %dma_wait3A_1099 : memref<1x!tpu.dma_semaphore, #tpu.memory_space<semaphore_mem>> -> memref<!tpu.dma_semaphore, #tpu.memory_space<semaphore_mem>>
    %dma_wait3A_1101 = arith.constant 0 : i32
    %dma_wait3A_1102 = arith.constant 0 : i32
    %dma_wait3A_1103 = tpu.memref_slice %arg5[%dma_wait3A_1091, %dma_wait3A_1101, %dma_wait3A_1102] : memref<7x16x1024xf32, #tpu.memory_space<vmem>> -> memref<1x16x1024xf32, #tpu.memory_space<vmem>>
    %dma_wait3A_1104 = tpu.memref_squeeze %dma_wait3A_1103 : memref<1x16x1024xf32, #tpu.memory_space<vmem>> -> memref<16x1024xf32, #tpu.memory_space<vmem>>
    %dma_wait3A_1105 = arith.constant 0 : i32
    %dma_wait3A_1106 = tpu.memref_slice %arg2[%add3A_666, %dma_wait3A_1105] : memref<16384x1024xf32, #tpu.memory_space<hbm>> -> memref<16x1024xf32, #tpu.memory_space<hbm>>
    tpu.wait_dma2 semaphore(%dma_wait3A_1100 : memref<!tpu.dma_semaphore, #tpu.memory_space<semaphore_mem>>) src(%dma_wait3A_1106 : memref<16x1024xf32, #tpu.memory_space<hbm>>) dst(%dma_wait3A_1104 : memref<16x1024xf32, #tpu.memory_space<vmem>>)
    %add3A_1107 = arith.constant 224 : i32
    %add3A_1108 = arith.addi %mul3A_2, %add3A_1107 : i32
    %dma_start3A_1109 = arith.constant 0 : i32
    %dma_start3A_1110 = arith.constant 0 : i32
    %dma_start3A_1111 = arith.constant 0 : i32
    %dma_start3A_1112 = arith.constant 0 : i32
    %dma_start3A_1113 = tpu.memref_slice %arg5[%dma_start3A_1109, %dma_start3A_1111, %dma_start3A_1112] : memref<7x16x1024xf32, #tpu.memory_space<vmem>> -> memref<1x16x1024xf32, #tpu.memory_space<vmem>>
    %dma_start3A_1114 = tpu.memref_squeeze %dma_start3A_1113 : memref<1x16x1024xf32, #tpu.memory_space<vmem>> -> memref<16x1024xf32, #tpu.memory_space<vmem>>
    %dma_start3A_1115 = arith.constant 0 : i32
    %dma_start3A_1116 = tpu.memref_slice %arg4[%add3A_1108, %dma_start3A_1115] : memref<16384x1024xf32, #tpu.memory_space<hbm>> -> memref<16x1024xf32, #tpu.memory_space<hbm>>
    %dma_start3A_1117 = tpu.memref_slice %arg8[%dma_start3A_1110] : memref<7x!tpu.dma_semaphore, #tpu.memory_space<semaphore_mem>> -> memref<1x!tpu.dma_semaphore, #tpu.memory_space<semaphore_mem>>
    %dma_start3A_1118 = tpu.memref_squeeze %dma_start3A_1117 : memref<1x!tpu.dma_semaphore, #tpu.memory_space<semaphore_mem>> -> memref<!tpu.dma_semaphore, #tpu.memory_space<semaphore_mem>>
    %dma_start3A_1119 = arith.constant 0 : i32
    %dma_start3A_1120 = tpu.memref_slice %arg4[%add3A_1108, %dma_start3A_1119] : memref<16384x1024xf32, #tpu.memory_space<hbm>> -> memref<16x1024xf32, #tpu.memory_space<hbm>>
    %dma_start3A_1121 = arith.constant 0 : i32
    %dma_start3A_1122 = arith.constant 0 : i32
    %dma_start3A_1123 = tpu.memref_slice %arg5[%dma_start3A_1109, %dma_start3A_1121, %dma_start3A_1122] : memref<7x16x1024xf32, #tpu.memory_space<vmem>> -> memref<1x16x1024xf32, #tpu.memory_space<vmem>>
    %dma_start3A_1124 = tpu.memref_squeeze %dma_start3A_1123 : memref<1x16x1024xf32, #tpu.memory_space<vmem>> -> memref<16x1024xf32, #tpu.memory_space<vmem>>
    tpu.enqueue_dma source(%dma_start3A_1124 : memref<16x1024xf32, #tpu.memory_space<vmem>>) target(%dma_start3A_1120 : memref<16x1024xf32, #tpu.memory_space<hbm>>) target_semaphore(%dma_start3A_1118 : memref<!tpu.dma_semaphore, #tpu.memory_space<semaphore_mem>>)
    %dma_wait3A_1125 = arith.constant 0 : i32
    %dma_wait3A_1126 = arith.constant 0 : i32
    %dma_wait3A_1127 = arith.constant 0 : i32
    %dma_wait3A_1128 = arith.constant 0 : i32
    %dma_wait3A_1129 = tpu.memref_slice %arg5[%dma_wait3A_1125, %dma_wait3A_1127, %dma_wait3A_1128] : memref<7x16x1024xf32, #tpu.memory_space<vmem>> -> memref<1x16x1024xf32, #tpu.memory_space<vmem>>
    %dma_wait3A_1130 = tpu.memref_squeeze %dma_wait3A_1129 : memref<1x16x1024xf32, #tpu.memory_space<vmem>> -> memref<16x1024xf32, #tpu.memory_space<vmem>>
    %dma_wait3A_1131 = arith.constant 0 : i32
    %dma_wait3A_1132 = tpu.memref_slice %arg4[%add3A_1108, %dma_wait3A_1131] : memref<16384x1024xf32, #tpu.memory_space<hbm>> -> memref<16x1024xf32, #tpu.memory_space<hbm>>
    %dma_wait3A_1133 = tpu.memref_slice %arg8[%dma_wait3A_1126] : memref<7x!tpu.dma_semaphore, #tpu.memory_space<semaphore_mem>> -> memref<1x!tpu.dma_semaphore, #tpu.memory_space<semaphore_mem>>
    %dma_wait3A_1134 = tpu.memref_squeeze %dma_wait3A_1133 : memref<1x!tpu.dma_semaphore, #tpu.memory_space<semaphore_mem>> -> memref<!tpu.dma_semaphore, #tpu.memory_space<semaphore_mem>>
    %dma_wait3A_1135 = arith.constant 0 : i32
    %dma_wait3A_1136 = tpu.memref_slice %arg4[%add3A_1108, %dma_wait3A_1135] : memref<16384x1024xf32, #tpu.memory_space<hbm>> -> memref<16x1024xf32, #tpu.memory_space<hbm>>
    %dma_wait3A_1137 = arith.constant 0 : i32
    %dma_wait3A_1138 = arith.constant 0 : i32
    %dma_wait3A_1139 = tpu.memref_slice %arg5[%dma_wait3A_1125, %dma_wait3A_1137, %dma_wait3A_1138] : memref<7x16x1024xf32, #tpu.memory_space<vmem>> -> memref<1x16x1024xf32, #tpu.memory_space<vmem>>
    %dma_wait3A_1140 = tpu.memref_squeeze %dma_wait3A_1139 : memref<1x16x1024xf32, #tpu.memory_space<vmem>> -> memref<16x1024xf32, #tpu.memory_space<vmem>>
    tpu.wait_dma2 semaphore(%dma_wait3A_1134 : memref<!tpu.dma_semaphore, #tpu.memory_space<semaphore_mem>>) src(%dma_wait3A_1140 : memref<16x1024xf32, #tpu.memory_space<vmem>>) dst(%dma_wait3A_1136 : memref<16x1024xf32, #tpu.memory_space<hbm>>)
    %add3A_1141 = arith.constant 336 : i32
    %add3A_1142 = arith.addi %mul3A_2, %add3A_1141 : i32
    %dma_start3A_1143 = arith.constant 0 : i32
    %dma_start3A_1144 = arith.constant 0 : i32
    %dma_start3A_1145 = arith.constant 0 : i32
    %dma_start3A_1146 = arith.constant 0 : i32
    %dma_start3A_1147 = tpu.memref_slice %arg5[%dma_start3A_1143, %dma_start3A_1145, %dma_start3A_1146] : memref<7x16x1024xf32, #tpu.memory_space<vmem>> -> memref<1x16x1024xf32, #tpu.memory_space<vmem>>
    %dma_start3A_1148 = tpu.memref_squeeze %dma_start3A_1147 : memref<1x16x1024xf32, #tpu.memory_space<vmem>> -> memref<16x1024xf32, #tpu.memory_space<vmem>>
    %dma_start3A_1149 = arith.constant 0 : i32
    %dma_start3A_1150 = tpu.memref_slice %arg2[%add3A_1142, %dma_start3A_1149] : memref<16384x1024xf32, #tpu.memory_space<hbm>> -> memref<16x1024xf32, #tpu.memory_space<hbm>>
    %dma_start3A_1151 = tpu.memref_slice %arg7[%dma_start3A_1144] : memref<7x!tpu.dma_semaphore, #tpu.memory_space<semaphore_mem>> -> memref<1x!tpu.dma_semaphore, #tpu.memory_space<semaphore_mem>>
    %dma_start3A_1152 = tpu.memref_squeeze %dma_start3A_1151 : memref<1x!tpu.dma_semaphore, #tpu.memory_space<semaphore_mem>> -> memref<!tpu.dma_semaphore, #tpu.memory_space<semaphore_mem>>
    %dma_start3A_1153 = arith.constant 0 : i32
    %dma_start3A_1154 = arith.constant 0 : i32
    %dma_start3A_1155 = tpu.memref_slice %arg5[%dma_start3A_1143, %dma_start3A_1153, %dma_start3A_1154] : memref<7x16x1024xf32, #tpu.memory_space<vmem>> -> memref<1x16x1024xf32, #tpu.memory_space<vmem>>
    %dma_start3A_1156 = tpu.memref_squeeze %dma_start3A_1155 : memref<1x16x1024xf32, #tpu.memory_space<vmem>> -> memref<16x1024xf32, #tpu.memory_space<vmem>>
    %dma_start3A_1157 = arith.constant 0 : i32
    %dma_start3A_1158 = tpu.memref_slice %arg2[%add3A_1142, %dma_start3A_1157] : memref<16384x1024xf32, #tpu.memory_space<hbm>> -> memref<16x1024xf32, #tpu.memory_space<hbm>>
    tpu.enqueue_dma source(%dma_start3A_1158 : memref<16x1024xf32, #tpu.memory_space<hbm>>) target(%dma_start3A_1156 : memref<16x1024xf32, #tpu.memory_space<vmem>>) target_semaphore(%dma_start3A_1152 : memref<!tpu.dma_semaphore, #tpu.memory_space<semaphore_mem>>)
    %dma_wait3A_1159 = arith.constant 1 : i32
    %dma_wait3A_1160 = arith.constant 1 : i32
    %dma_wait3A_1161 = arith.constant 0 : i32
    %dma_wait3A_1162 = arith.constant 0 : i32
    %dma_wait3A_1163 = tpu.memref_slice %arg5[%dma_wait3A_1159, %dma_wait3A_1161, %dma_wait3A_1162] : memref<7x16x1024xf32, #tpu.memory_space<vmem>> -> memref<1x16x1024xf32, #tpu.memory_space<vmem>>
    %dma_wait3A_1164 = tpu.memref_squeeze %dma_wait3A_1163 : memref<1x16x1024xf32, #tpu.memory_space<vmem>> -> memref<16x1024xf32, #tpu.memory_space<vmem>>
    %dma_wait3A_1165 = arith.constant 0 : i32
    %dma_wait3A_1166 = tpu.memref_slice %arg2[%add3A_734, %dma_wait3A_1165] : memref<16384x1024xf32, #tpu.memory_space<hbm>> -> memref<16x1024xf32, #tpu.memory_space<hbm>>
    %dma_wait3A_1167 = tpu.memref_slice %arg7[%dma_wait3A_1160] : memref<7x!tpu.dma_semaphore, #tpu.memory_space<semaphore_mem>> -> memref<1x!tpu.dma_semaphore, #tpu.memory_space<semaphore_mem>>
    %dma_wait3A_1168 = tpu.memref_squeeze %dma_wait3A_1167 : memref<1x!tpu.dma_semaphore, #tpu.memory_space<semaphore_mem>> -> memref<!tpu.dma_semaphore, #tpu.memory_space<semaphore_mem>>
    %dma_wait3A_1169 = arith.constant 0 : i32
    %dma_wait3A_1170 = arith.constant 0 : i32
    %dma_wait3A_1171 = tpu.memref_slice %arg5[%dma_wait3A_1159, %dma_wait3A_1169, %dma_wait3A_1170] : memref<7x16x1024xf32, #tpu.memory_space<vmem>> -> memref<1x16x1024xf32, #tpu.memory_space<vmem>>
    %dma_wait3A_1172 = tpu.memref_squeeze %dma_wait3A_1171 : memref<1x16x1024xf32, #tpu.memory_space<vmem>> -> memref<16x1024xf32, #tpu.memory_space<vmem>>
    %dma_wait3A_1173 = arith.constant 0 : i32
    %dma_wait3A_1174 = tpu.memref_slice %arg2[%add3A_734, %dma_wait3A_1173] : memref<16384x1024xf32, #tpu.memory_space<hbm>> -> memref<16x1024xf32, #tpu.memory_space<hbm>>
    tpu.wait_dma2 semaphore(%dma_wait3A_1168 : memref<!tpu.dma_semaphore, #tpu.memory_space<semaphore_mem>>) src(%dma_wait3A_1174 : memref<16x1024xf32, #tpu.memory_space<hbm>>) dst(%dma_wait3A_1172 : memref<16x1024xf32, #tpu.memory_space<vmem>>)
    %add3A_1175 = arith.constant 240 : i32
    %add3A_1176 = arith.addi %mul3A_2, %add3A_1175 : i32
    %dma_start3A_1177 = arith.constant 1 : i32
    %dma_start3A_1178 = arith.constant 1 : i32
    %dma_start3A_1179 = arith.constant 0 : i32
    %dma_start3A_1180 = arith.constant 0 : i32
    %dma_start3A_1181 = tpu.memref_slice %arg5[%dma_start3A_1177, %dma_start3A_1179, %dma_start3A_1180] : memref<7x16x1024xf32, #tpu.memory_space<vmem>> -> memref<1x16x1024xf32, #tpu.memory_space<vmem>>
    %dma_start3A_1182 = tpu.memref_squeeze %dma_start3A_1181 : memref<1x16x1024xf32, #tpu.memory_space<vmem>> -> memref<16x1024xf32, #tpu.memory_space<vmem>>
    %dma_start3A_1183 = arith.constant 0 : i32
    %dma_start3A_1184 = tpu.memref_slice %arg4[%add3A_1176, %dma_start3A_1183] : memref<16384x1024xf32, #tpu.memory_space<hbm>> -> memref<16x1024xf32, #tpu.memory_space<hbm>>
    %dma_start3A_1185 = tpu.memref_slice %arg8[%dma_start3A_1178] : memref<7x!tpu.dma_semaphore, #tpu.memory_space<semaphore_mem>> -> memref<1x!tpu.dma_semaphore, #tpu.memory_space<semaphore_mem>>
    %dma_start3A_1186 = tpu.memref_squeeze %dma_start3A_1185 : memref<1x!tpu.dma_semaphore, #tpu.memory_space<semaphore_mem>> -> memref<!tpu.dma_semaphore, #tpu.memory_space<semaphore_mem>>
    %dma_start3A_1187 = arith.constant 0 : i32
    %dma_start3A_1188 = tpu.memref_slice %arg4[%add3A_1176, %dma_start3A_1187] : memref<16384x1024xf32, #tpu.memory_space<hbm>> -> memref<16x1024xf32, #tpu.memory_space<hbm>>
    %dma_start3A_1189 = arith.constant 0 : i32
    %dma_start3A_1190 = arith.constant 0 : i32
    %dma_start3A_1191 = tpu.memref_slice %arg5[%dma_start3A_1177, %dma_start3A_1189, %dma_start3A_1190] : memref<7x16x1024xf32, #tpu.memory_space<vmem>> -> memref<1x16x1024xf32, #tpu.memory_space<vmem>>
    %dma_start3A_1192 = tpu.memref_squeeze %dma_start3A_1191 : memref<1x16x1024xf32, #tpu.memory_space<vmem>> -> memref<16x1024xf32, #tpu.memory_space<vmem>>
    tpu.enqueue_dma source(%dma_start3A_1192 : memref<16x1024xf32, #tpu.memory_space<vmem>>) target(%dma_start3A_1188 : memref<16x1024xf32, #tpu.memory_space<hbm>>) target_semaphore(%dma_start3A_1186 : memref<!tpu.dma_semaphore, #tpu.memory_space<semaphore_mem>>)
    %dma_wait3A_1193 = arith.constant 1 : i32
    %dma_wait3A_1194 = arith.constant 1 : i32
    %dma_wait3A_1195 = arith.constant 0 : i32
    %dma_wait3A_1196 = arith.constant 0 : i32
    %dma_wait3A_1197 = tpu.memref_slice %arg5[%dma_wait3A_1193, %dma_wait3A_1195, %dma_wait3A_1196] : memref<7x16x1024xf32, #tpu.memory_space<vmem>> -> memref<1x16x1024xf32, #tpu.memory_space<vmem>>
    %dma_wait3A_1198 = tpu.memref_squeeze %dma_wait3A_1197 : memref<1x16x1024xf32, #tpu.memory_space<vmem>> -> memref<16x1024xf32, #tpu.memory_space<vmem>>
    %dma_wait3A_1199 = arith.constant 0 : i32
    %dma_wait3A_1200 = tpu.memref_slice %arg4[%add3A_1176, %dma_wait3A_1199] : memref<16384x1024xf32, #tpu.memory_space<hbm>> -> memref<16x1024xf32, #tpu.memory_space<hbm>>
    %dma_wait3A_1201 = tpu.memref_slice %arg8[%dma_wait3A_1194] : memref<7x!tpu.dma_semaphore, #tpu.memory_space<semaphore_mem>> -> memref<1x!tpu.dma_semaphore, #tpu.memory_space<semaphore_mem>>
    %dma_wait3A_1202 = tpu.memref_squeeze %dma_wait3A_1201 : memref<1x!tpu.dma_semaphore, #tpu.memory_space<semaphore_mem>> -> memref<!tpu.dma_semaphore, #tpu.memory_space<semaphore_mem>>
    %dma_wait3A_1203 = arith.constant 0 : i32
    %dma_wait3A_1204 = tpu.memref_slice %arg4[%add3A_1176, %dma_wait3A_1203] : memref<16384x1024xf32, #tpu.memory_space<hbm>> -> memref<16x1024xf32, #tpu.memory_space<hbm>>
    %dma_wait3A_1205 = arith.constant 0 : i32
    %dma_wait3A_1206 = arith.constant 0 : i32
    %dma_wait3A_1207 = tpu.memref_slice %arg5[%dma_wait3A_1193, %dma_wait3A_1205, %dma_wait3A_1206] : memref<7x16x1024xf32, #tpu.memory_space<vmem>> -> memref<1x16x1024xf32, #tpu.memory_space<vmem>>
    %dma_wait3A_1208 = tpu.memref_squeeze %dma_wait3A_1207 : memref<1x16x1024xf32, #tpu.memory_space<vmem>> -> memref<16x1024xf32, #tpu.memory_space<vmem>>
    tpu.wait_dma2 semaphore(%dma_wait3A_1202 : memref<!tpu.dma_semaphore, #tpu.memory_space<semaphore_mem>>) src(%dma_wait3A_1208 : memref<16x1024xf32, #tpu.memory_space<vmem>>) dst(%dma_wait3A_1204 : memref<16x1024xf32, #tpu.memory_space<hbm>>)
    %add3A_1209 = arith.constant 352 : i32
    %add3A_1210 = arith.addi %mul3A_2, %add3A_1209 : i32
    %dma_start3A_1211 = arith.constant 1 : i32
    %dma_start3A_1212 = arith.constant 1 : i32
    %dma_start3A_1213 = arith.constant 0 : i32
    %dma_start3A_1214 = arith.constant 0 : i32
    %dma_start3A_1215 = tpu.memref_slice %arg5[%dma_start3A_1211, %dma_start3A_1213, %dma_start3A_1214] : memref<7x16x1024xf32, #tpu.memory_space<vmem>> -> memref<1x16x1024xf32, #tpu.memory_space<vmem>>
    %dma_start3A_1216 = tpu.memref_squeeze %dma_start3A_1215 : memref<1x16x1024xf32, #tpu.memory_space<vmem>> -> memref<16x1024xf32, #tpu.memory_space<vmem>>
    %dma_start3A_1217 = arith.constant 0 : i32
    %dma_start3A_1218 = tpu.memref_slice %arg2[%add3A_1210, %dma_start3A_1217] : memref<16384x1024xf32, #tpu.memory_space<hbm>> -> memref<16x1024xf32, #tpu.memory_space<hbm>>
    %dma_start3A_1219 = tpu.memref_slice %arg7[%dma_start3A_1212] : memref<7x!tpu.dma_semaphore, #tpu.memory_space<semaphore_mem>> -> memref<1x!tpu.dma_semaphore, #tpu.memory_space<semaphore_mem>>
    %dma_start3A_1220 = tpu.memref_squeeze %dma_start3A_1219 : memref<1x!tpu.dma_semaphore, #tpu.memory_space<semaphore_mem>> -> memref<!tpu.dma_semaphore, #tpu.memory_space<semaphore_mem>>
    %dma_start3A_1221 = arith.constant 0 : i32
    %dma_start3A_1222 = arith.constant 0 : i32
    %dma_start3A_1223 = tpu.memref_slice %arg5[%dma_start3A_1211, %dma_start3A_1221, %dma_start3A_1222] : memref<7x16x1024xf32, #tpu.memory_space<vmem>> -> memref<1x16x1024xf32, #tpu.memory_space<vmem>>
    %dma_start3A_1224 = tpu.memref_squeeze %dma_start3A_1223 : memref<1x16x1024xf32, #tpu.memory_space<vmem>> -> memref<16x1024xf32, #tpu.memory_space<vmem>>
    %dma_start3A_1225 = arith.constant 0 : i32
    %dma_start3A_1226 = tpu.memref_slice %arg2[%add3A_1210, %dma_start3A_1225] : memref<16384x1024xf32, #tpu.memory_space<hbm>> -> memref<16x1024xf32, #tpu.memory_space<hbm>>
    tpu.enqueue_dma source(%dma_start3A_1226 : memref<16x1024xf32, #tpu.memory_space<hbm>>) target(%dma_start3A_1224 : memref<16x1024xf32, #tpu.memory_space<vmem>>) target_semaphore(%dma_start3A_1220 : memref<!tpu.dma_semaphore, #tpu.memory_space<semaphore_mem>>)
    %dma_wait3A_1227 = arith.constant 2 : i32
    %dma_wait3A_1228 = arith.constant 2 : i32
    %dma_wait3A_1229 = arith.constant 0 : i32
    %dma_wait3A_1230 = arith.constant 0 : i32
    %dma_wait3A_1231 = tpu.memref_slice %arg5[%dma_wait3A_1227, %dma_wait3A_1229, %dma_wait3A_1230] : memref<7x16x1024xf32, #tpu.memory_space<vmem>> -> memref<1x16x1024xf32, #tpu.memory_space<vmem>>
    %dma_wait3A_1232 = tpu.memref_squeeze %dma_wait3A_1231 : memref<1x16x1024xf32, #tpu.memory_space<vmem>> -> memref<16x1024xf32, #tpu.memory_space<vmem>>
    %dma_wait3A_1233 = arith.constant 0 : i32
    %dma_wait3A_1234 = tpu.memref_slice %arg2[%add3A_802, %dma_wait3A_1233] : memref<16384x1024xf32, #tpu.memory_space<hbm>> -> memref<16x1024xf32, #tpu.memory_space<hbm>>
    %dma_wait3A_1235 = tpu.memref_slice %arg7[%dma_wait3A_1228] : memref<7x!tpu.dma_semaphore, #tpu.memory_space<semaphore_mem>> -> memref<1x!tpu.dma_semaphore, #tpu.memory_space<semaphore_mem>>
    %dma_wait3A_1236 = tpu.memref_squeeze %dma_wait3A_1235 : memref<1x!tpu.dma_semaphore, #tpu.memory_space<semaphore_mem>> -> memref<!tpu.dma_semaphore, #tpu.memory_space<semaphore_mem>>
    %dma_wait3A_1237 = arith.constant 0 : i32
    %dma_wait3A_1238 = arith.constant 0 : i32
    %dma_wait3A_1239 = tpu.memref_slice %arg5[%dma_wait3A_1227, %dma_wait3A_1237, %dma_wait3A_1238] : memref<7x16x1024xf32, #tpu.memory_space<vmem>> -> memref<1x16x1024xf32, #tpu.memory_space<vmem>>
    %dma_wait3A_1240 = tpu.memref_squeeze %dma_wait3A_1239 : memref<1x16x1024xf32, #tpu.memory_space<vmem>> -> memref<16x1024xf32, #tpu.memory_space<vmem>>
    %dma_wait3A_1241 = arith.constant 0 : i32
    %dma_wait3A_1242 = tpu.memref_slice %arg2[%add3A_802, %dma_wait3A_1241] : memref<16384x1024xf32, #tpu.memory_space<hbm>> -> memref<16x1024xf32, #tpu.memory_space<hbm>>
    tpu.wait_dma2 semaphore(%dma_wait3A_1236 : memref<!tpu.dma_semaphore, #tpu.memory_space<semaphore_mem>>) src(%dma_wait3A_1242 : memref<16x1024xf32, #tpu.memory_space<hbm>>) dst(%dma_wait3A_1240 : memref<16x1024xf32, #tpu.memory_space<vmem>>)
    %add3A_1243 = arith.constant 256 : i32
    %add3A_1244 = arith.addi %mul3A_2, %add3A_1243 : i32
    %dma_start3A_1245 = arith.constant 2 : i32
    %dma_start3A_1246 = arith.constant 2 : i32
    %dma_start3A_1247 = arith.constant 0 : i32
    %dma_start3A_1248 = arith.constant 0 : i32
    %dma_start3A_1249 = tpu.memref_slice %arg5[%dma_start3A_1245, %dma_start3A_1247, %dma_start3A_1248] : memref<7x16x1024xf32, #tpu.memory_space<vmem>> -> memref<1x16x1024xf32, #tpu.memory_space<vmem>>
    %dma_start3A_1250 = tpu.memref_squeeze %dma_start3A_1249 : memref<1x16x1024xf32, #tpu.memory_space<vmem>> -> memref<16x1024xf32, #tpu.memory_space<vmem>>
    %dma_start3A_1251 = arith.constant 0 : i32
    %dma_start3A_1252 = tpu.memref_slice %arg4[%add3A_1244, %dma_start3A_1251] : memref<16384x1024xf32, #tpu.memory_space<hbm>> -> memref<16x1024xf32, #tpu.memory_space<hbm>>
    %dma_start3A_1253 = tpu.memref_slice %arg8[%dma_start3A_1246] : memref<7x!tpu.dma_semaphore, #tpu.memory_space<semaphore_mem>> -> memref<1x!tpu.dma_semaphore, #tpu.memory_space<semaphore_mem>>
    %dma_start3A_1254 = tpu.memref_squeeze %dma_start3A_1253 : memref<1x!tpu.dma_semaphore, #tpu.memory_space<semaphore_mem>> -> memref<!tpu.dma_semaphore, #tpu.memory_space<semaphore_mem>>
    %dma_start3A_1255 = arith.constant 0 : i32
    %dma_start3A_1256 = tpu.memref_slice %arg4[%add3A_1244, %dma_start3A_1255] : memref<16384x1024xf32, #tpu.memory_space<hbm>> -> memref<16x1024xf32, #tpu.memory_space<hbm>>
    %dma_start3A_1257 = arith.constant 0 : i32
    %dma_start3A_1258 = arith.constant 0 : i32
    %dma_start3A_1259 = tpu.memref_slice %arg5[%dma_start3A_1245, %dma_start3A_1257, %dma_start3A_1258] : memref<7x16x1024xf32, #tpu.memory_space<vmem>> -> memref<1x16x1024xf32, #tpu.memory_space<vmem>>
    %dma_start3A_1260 = tpu.memref_squeeze %dma_start3A_1259 : memref<1x16x1024xf32, #tpu.memory_space<vmem>> -> memref<16x1024xf32, #tpu.memory_space<vmem>>
    tpu.enqueue_dma source(%dma_start3A_1260 : memref<16x1024xf32, #tpu.memory_space<vmem>>) target(%dma_start3A_1256 : memref<16x1024xf32, #tpu.memory_space<hbm>>) target_semaphore(%dma_start3A_1254 : memref<!tpu.dma_semaphore, #tpu.memory_space<semaphore_mem>>)
    %dma_wait3A_1261 = arith.constant 2 : i32
    %dma_wait3A_1262 = arith.constant 2 : i32
    %dma_wait3A_1263 = arith.constant 0 : i32
    %dma_wait3A_1264 = arith.constant 0 : i32
    %dma_wait3A_1265 = tpu.memref_slice %arg5[%dma_wait3A_1261, %dma_wait3A_1263, %dma_wait3A_1264] : memref<7x16x1024xf32, #tpu.memory_space<vmem>> -> memref<1x16x1024xf32, #tpu.memory_space<vmem>>
    %dma_wait3A_1266 = tpu.memref_squeeze %dma_wait3A_1265 : memref<1x16x1024xf32, #tpu.memory_space<vmem>> -> memref<16x1024xf32, #tpu.memory_space<vmem>>
    %dma_wait3A_1267 = arith.constant 0 : i32
    %dma_wait3A_1268 = tpu.memref_slice %arg4[%add3A_1244, %dma_wait3A_1267] : memref<16384x1024xf32, #tpu.memory_space<hbm>> -> memref<16x1024xf32, #tpu.memory_space<hbm>>
    %dma_wait3A_1269 = tpu.memref_slice %arg8[%dma_wait3A_1262] : memref<7x!tpu.dma_semaphore, #tpu.memory_space<semaphore_mem>> -> memref<1x!tpu.dma_semaphore, #tpu.memory_space<semaphore_mem>>
    %dma_wait3A_1270 = tpu.memref_squeeze %dma_wait3A_1269 : memref<1x!tpu.dma_semaphore, #tpu.memory_space<semaphore_mem>> -> memref<!tpu.dma_semaphore, #tpu.memory_space<semaphore_mem>>
    %dma_wait3A_1271 = arith.constant 0 : i32
    %dma_wait3A_1272 = tpu.memref_slice %arg4[%add3A_1244, %dma_wait3A_1271] : memref<16384x1024xf32, #tpu.memory_space<hbm>> -> memref<16x1024xf32, #tpu.memory_space<hbm>>
    %dma_wait3A_1273 = arith.constant 0 : i32
    %dma_wait3A_1274 = arith.constant 0 : i32
    %dma_wait3A_1275 = tpu.memref_slice %arg5[%dma_wait3A_1261, %dma_wait3A_1273, %dma_wait3A_1274] : memref<7x16x1024xf32, #tpu.memory_space<vmem>> -> memref<1x16x1024xf32, #tpu.memory_space<vmem>>
    %dma_wait3A_1276 = tpu.memref_squeeze %dma_wait3A_1275 : memref<1x16x1024xf32, #tpu.memory_space<vmem>> -> memref<16x1024xf32, #tpu.memory_space<vmem>>
    tpu.wait_dma2 semaphore(%dma_wait3A_1270 : memref<!tpu.dma_semaphore, #tpu.memory_space<semaphore_mem>>) src(%dma_wait3A_1276 : memref<16x1024xf32, #tpu.memory_space<vmem>>) dst(%dma_wait3A_1272 : memref<16x1024xf32, #tpu.memory_space<hbm>>)
    %add3A_1277 = arith.constant 368 : i32
    %add3A_1278 = arith.addi %mul3A_2, %add3A_1277 : i32
    %dma_start3A_1279 = arith.constant 2 : i32
    %dma_start3A_1280 = arith.constant 2 : i32
    %dma_start3A_1281 = arith.constant 0 : i32
    %dma_start3A_1282 = arith.constant 0 : i32
    %dma_start3A_1283 = tpu.memref_slice %arg5[%dma_start3A_1279, %dma_start3A_1281, %dma_start3A_1282] : memref<7x16x1024xf32, #tpu.memory_space<vmem>> -> memref<1x16x1024xf32, #tpu.memory_space<vmem>>
    %dma_start3A_1284 = tpu.memref_squeeze %dma_start3A_1283 : memref<1x16x1024xf32, #tpu.memory_space<vmem>> -> memref<16x1024xf32, #tpu.memory_space<vmem>>
    %dma_start3A_1285 = arith.constant 0 : i32
    %dma_start3A_1286 = tpu.memref_slice %arg2[%add3A_1278, %dma_start3A_1285] : memref<16384x1024xf32, #tpu.memory_space<hbm>> -> memref<16x1024xf32, #tpu.memory_space<hbm>>
    %dma_start3A_1287 = tpu.memref_slice %arg7[%dma_start3A_1280] : memref<7x!tpu.dma_semaphore, #tpu.memory_space<semaphore_mem>> -> memref<1x!tpu.dma_semaphore, #tpu.memory_space<semaphore_mem>>
    %dma_start3A_1288 = tpu.memref_squeeze %dma_start3A_1287 : memref<1x!tpu.dma_semaphore, #tpu.memory_space<semaphore_mem>> -> memref<!tpu.dma_semaphore, #tpu.memory_space<semaphore_mem>>
    %dma_start3A_1289 = arith.constant 0 : i32
    %dma_start3A_1290 = arith.constant 0 : i32
    %dma_start3A_1291 = tpu.memref_slice %arg5[%dma_start3A_1279, %dma_start3A_1289, %dma_start3A_1290] : memref<7x16x1024xf32, #tpu.memory_space<vmem>> -> memref<1x16x1024xf32, #tpu.memory_space<vmem>>
    %dma_start3A_1292 = tpu.memref_squeeze %dma_start3A_1291 : memref<1x16x1024xf32, #tpu.memory_space<vmem>> -> memref<16x1024xf32, #tpu.memory_space<vmem>>
    %dma_start3A_1293 = arith.constant 0 : i32
    %dma_start3A_1294 = tpu.memref_slice %arg2[%add3A_1278, %dma_start3A_1293] : memref<16384x1024xf32, #tpu.memory_space<hbm>> -> memref<16x1024xf32, #tpu.memory_space<hbm>>
    tpu.enqueue_dma source(%dma_start3A_1294 : memref<16x1024xf32, #tpu.memory_space<hbm>>) target(%dma_start3A_1292 : memref<16x1024xf32, #tpu.memory_space<vmem>>) target_semaphore(%dma_start3A_1288 : memref<!tpu.dma_semaphore, #tpu.memory_space<semaphore_mem>>)
    %dma_wait3A_1295 = arith.constant 3 : i32
    %dma_wait3A_1296 = arith.constant 3 : i32
    %dma_wait3A_1297 = arith.constant 0 : i32
    %dma_wait3A_1298 = arith.constant 0 : i32
    %dma_wait3A_1299 = tpu.memref_slice %arg5[%dma_wait3A_1295, %dma_wait3A_1297, %dma_wait3A_1298] : memref<7x16x1024xf32, #tpu.memory_space<vmem>> -> memref<1x16x1024xf32, #tpu.memory_space<vmem>>
    %dma_wait3A_1300 = tpu.memref_squeeze %dma_wait3A_1299 : memref<1x16x1024xf32, #tpu.memory_space<vmem>> -> memref<16x1024xf32, #tpu.memory_space<vmem>>
    %dma_wait3A_1301 = arith.constant 0 : i32
    %dma_wait3A_1302 = tpu.memref_slice %arg2[%add3A_870, %dma_wait3A_1301] : memref<16384x1024xf32, #tpu.memory_space<hbm>> -> memref<16x1024xf32, #tpu.memory_space<hbm>>
    %dma_wait3A_1303 = tpu.memref_slice %arg7[%dma_wait3A_1296] : memref<7x!tpu.dma_semaphore, #tpu.memory_space<semaphore_mem>> -> memref<1x!tpu.dma_semaphore, #tpu.memory_space<semaphore_mem>>
    %dma_wait3A_1304 = tpu.memref_squeeze %dma_wait3A_1303 : memref<1x!tpu.dma_semaphore, #tpu.memory_space<semaphore_mem>> -> memref<!tpu.dma_semaphore, #tpu.memory_space<semaphore_mem>>
    %dma_wait3A_1305 = arith.constant 0 : i32
    %dma_wait3A_1306 = arith.constant 0 : i32
    %dma_wait3A_1307 = tpu.memref_slice %arg5[%dma_wait3A_1295, %dma_wait3A_1305, %dma_wait3A_1306] : memref<7x16x1024xf32, #tpu.memory_space<vmem>> -> memref<1x16x1024xf32, #tpu.memory_space<vmem>>
    %dma_wait3A_1308 = tpu.memref_squeeze %dma_wait3A_1307 : memref<1x16x1024xf32, #tpu.memory_space<vmem>> -> memref<16x1024xf32, #tpu.memory_space<vmem>>
    %dma_wait3A_1309 = arith.constant 0 : i32
    %dma_wait3A_1310 = tpu.memref_slice %arg2[%add3A_870, %dma_wait3A_1309] : memref<16384x1024xf32, #tpu.memory_space<hbm>> -> memref<16x1024xf32, #tpu.memory_space<hbm>>
    tpu.wait_dma2 semaphore(%dma_wait3A_1304 : memref<!tpu.dma_semaphore, #tpu.memory_space<semaphore_mem>>) src(%dma_wait3A_1310 : memref<16x1024xf32, #tpu.memory_space<hbm>>) dst(%dma_wait3A_1308 : memref<16x1024xf32, #tpu.memory_space<vmem>>)
    %add3A_1311 = arith.constant 272 : i32
    %add3A_1312 = arith.addi %mul3A_2, %add3A_1311 : i32
    %dma_start3A_1313 = arith.constant 3 : i32
    %dma_start3A_1314 = arith.constant 3 : i32
    %dma_start3A_1315 = arith.constant 0 : i32
    %dma_start3A_1316 = arith.constant 0 : i32
    %dma_start3A_1317 = tpu.memref_slice %arg5[%dma_start3A_1313, %dma_start3A_1315, %dma_start3A_1316] : memref<7x16x1024xf32, #tpu.memory_space<vmem>> -> memref<1x16x1024xf32, #tpu.memory_space<vmem>>
    %dma_start3A_1318 = tpu.memref_squeeze %dma_start3A_1317 : memref<1x16x1024xf32, #tpu.memory_space<vmem>> -> memref<16x1024xf32, #tpu.memory_space<vmem>>
    %dma_start3A_1319 = arith.constant 0 : i32
    %dma_start3A_1320 = tpu.memref_slice %arg4[%add3A_1312, %dma_start3A_1319] : memref<16384x1024xf32, #tpu.memory_space<hbm>> -> memref<16x1024xf32, #tpu.memory_space<hbm>>
    %dma_start3A_1321 = tpu.memref_slice %arg8[%dma_start3A_1314] : memref<7x!tpu.dma_semaphore, #tpu.memory_space<semaphore_mem>> -> memref<1x!tpu.dma_semaphore, #tpu.memory_space<semaphore_mem>>
    %dma_start3A_1322 = tpu.memref_squeeze %dma_start3A_1321 : memref<1x!tpu.dma_semaphore, #tpu.memory_space<semaphore_mem>> -> memref<!tpu.dma_semaphore, #tpu.memory_space<semaphore_mem>>
    %dma_start3A_1323 = arith.constant 0 : i32
    %dma_start3A_1324 = tpu.memref_slice %arg4[%add3A_1312, %dma_start3A_1323] : memref<16384x1024xf32, #tpu.memory_space<hbm>> -> memref<16x1024xf32, #tpu.memory_space<hbm>>
    %dma_start3A_1325 = arith.constant 0 : i32
    %dma_start3A_1326 = arith.constant 0 : i32
    %dma_start3A_1327 = tpu.memref_slice %arg5[%dma_start3A_1313, %dma_start3A_1325, %dma_start3A_1326] : memref<7x16x1024xf32, #tpu.memory_space<vmem>> -> memref<1x16x1024xf32, #tpu.memory_space<vmem>>
    %dma_start3A_1328 = tpu.memref_squeeze %dma_start3A_1327 : memref<1x16x1024xf32, #tpu.memory_space<vmem>> -> memref<16x1024xf32, #tpu.memory_space<vmem>>
    tpu.enqueue_dma source(%dma_start3A_1328 : memref<16x1024xf32, #tpu.memory_space<vmem>>) target(%dma_start3A_1324 : memref<16x1024xf32, #tpu.memory_space<hbm>>) target_semaphore(%dma_start3A_1322 : memref<!tpu.dma_semaphore, #tpu.memory_space<semaphore_mem>>)
    %dma_wait3A_1329 = arith.constant 3 : i32
    %dma_wait3A_1330 = arith.constant 3 : i32
    %dma_wait3A_1331 = arith.constant 0 : i32
    %dma_wait3A_1332 = arith.constant 0 : i32
    %dma_wait3A_1333 = tpu.memref_slice %arg5[%dma_wait3A_1329, %dma_wait3A_1331, %dma_wait3A_1332] : memref<7x16x1024xf32, #tpu.memory_space<vmem>> -> memref<1x16x1024xf32, #tpu.memory_space<vmem>>
    %dma_wait3A_1334 = tpu.memref_squeeze %dma_wait3A_1333 : memref<1x16x1024xf32, #tpu.memory_space<vmem>> -> memref<16x1024xf32, #tpu.memory_space<vmem>>
    %dma_wait3A_1335 = arith.constant 0 : i32
    %dma_wait3A_1336 = tpu.memref_slice %arg4[%add3A_1312, %dma_wait3A_1335] : memref<16384x1024xf32, #tpu.memory_space<hbm>> -> memref<16x1024xf32, #tpu.memory_space<hbm>>
    %dma_wait3A_1337 = tpu.memref_slice %arg8[%dma_wait3A_1330] : memref<7x!tpu.dma_semaphore, #tpu.memory_space<semaphore_mem>> -> memref<1x!tpu.dma_semaphore, #tpu.memory_space<semaphore_mem>>
    %dma_wait3A_1338 = tpu.memref_squeeze %dma_wait3A_1337 : memref<1x!tpu.dma_semaphore, #tpu.memory_space<semaphore_mem>> -> memref<!tpu.dma_semaphore, #tpu.memory_space<semaphore_mem>>
    %dma_wait3A_1339 = arith.constant 0 : i32
    %dma_wait3A_1340 = tpu.memref_slice %arg4[%add3A_1312, %dma_wait3A_1339] : memref<16384x1024xf32, #tpu.memory_space<hbm>> -> memref<16x1024xf32, #tpu.memory_space<hbm>>
    %dma_wait3A_1341 = arith.constant 0 : i32
    %dma_wait3A_1342 = arith.constant 0 : i32
    %dma_wait3A_1343 = tpu.memref_slice %arg5[%dma_wait3A_1329, %dma_wait3A_1341, %dma_wait3A_1342] : memref<7x16x1024xf32, #tpu.memory_space<vmem>> -> memref<1x16x1024xf32, #tpu.memory_space<vmem>>
    %dma_wait3A_1344 = tpu.memref_squeeze %dma_wait3A_1343 : memref<1x16x1024xf32, #tpu.memory_space<vmem>> -> memref<16x1024xf32, #tpu.memory_space<vmem>>
    tpu.wait_dma2 semaphore(%dma_wait3A_1338 : memref<!tpu.dma_semaphore, #tpu.memory_space<semaphore_mem>>) src(%dma_wait3A_1344 : memref<16x1024xf32, #tpu.memory_space<vmem>>) dst(%dma_wait3A_1340 : memref<16x1024xf32, #tpu.memory_space<hbm>>)
    %add3A_1345 = arith.constant 384 : i32
    %add3A_1346 = arith.addi %mul3A_2, %add3A_1345 : i32
    %dma_start3A_1347 = arith.constant 3 : i32
    %dma_start3A_1348 = arith.constant 3 : i32
    %dma_start3A_1349 = arith.constant 0 : i32
    %dma_start3A_1350 = arith.constant 0 : i32
    %dma_start3A_1351 = tpu.memref_slice %arg5[%dma_start3A_1347, %dma_start3A_1349, %dma_start3A_1350] : memref<7x16x1024xf32, #tpu.memory_space<vmem>> -> memref<1x16x1024xf32, #tpu.memory_space<vmem>>
    %dma_start3A_1352 = tpu.memref_squeeze %dma_start3A_1351 : memref<1x16x1024xf32, #tpu.memory_space<vmem>> -> memref<16x1024xf32, #tpu.memory_space<vmem>>
    %dma_start3A_1353 = arith.constant 0 : i32
    %dma_start3A_1354 = tpu.memref_slice %arg2[%add3A_1346, %dma_start3A_1353] : memref<16384x1024xf32, #tpu.memory_space<hbm>> -> memref<16x1024xf32, #tpu.memory_space<hbm>>
    %dma_start3A_1355 = tpu.memref_slice %arg7[%dma_start3A_1348] : memref<7x!tpu.dma_semaphore, #tpu.memory_space<semaphore_mem>> -> memref<1x!tpu.dma_semaphore, #tpu.memory_space<semaphore_mem>>
    %dma_start3A_1356 = tpu.memref_squeeze %dma_start3A_1355 : memref<1x!tpu.dma_semaphore, #tpu.memory_space<semaphore_mem>> -> memref<!tpu.dma_semaphore, #tpu.memory_space<semaphore_mem>>
    %dma_start3A_1357 = arith.constant 0 : i32
    %dma_start3A_1358 = arith.constant 0 : i32
    %dma_start3A_1359 = tpu.memref_slice %arg5[%dma_start3A_1347, %dma_start3A_1357, %dma_start3A_1358] : memref<7x16x1024xf32, #tpu.memory_space<vmem>> -> memref<1x16x1024xf32, #tpu.memory_space<vmem>>
    %dma_start3A_1360 = tpu.memref_squeeze %dma_start3A_1359 : memref<1x16x1024xf32, #tpu.memory_space<vmem>> -> memref<16x1024xf32, #tpu.memory_space<vmem>>
    %dma_start3A_1361 = arith.constant 0 : i32
    %dma_start3A_1362 = tpu.memref_slice %arg2[%add3A_1346, %dma_start3A_1361] : memref<16384x1024xf32, #tpu.memory_space<hbm>> -> memref<16x1024xf32, #tpu.memory_space<hbm>>
    tpu.enqueue_dma source(%dma_start3A_1362 : memref<16x1024xf32, #tpu.memory_space<hbm>>) target(%dma_start3A_1360 : memref<16x1024xf32, #tpu.memory_space<vmem>>) target_semaphore(%dma_start3A_1356 : memref<!tpu.dma_semaphore, #tpu.memory_space<semaphore_mem>>)
    %dma_wait3A_1363 = arith.constant 4 : i32
    %dma_wait3A_1364 = arith.constant 4 : i32
    %dma_wait3A_1365 = arith.constant 0 : i32
    %dma_wait3A_1366 = arith.constant 0 : i32
    %dma_wait3A_1367 = tpu.memref_slice %arg5[%dma_wait3A_1363, %dma_wait3A_1365, %dma_wait3A_1366] : memref<7x16x1024xf32, #tpu.memory_space<vmem>> -> memref<1x16x1024xf32, #tpu.memory_space<vmem>>
    %dma_wait3A_1368 = tpu.memref_squeeze %dma_wait3A_1367 : memref<1x16x1024xf32, #tpu.memory_space<vmem>> -> memref<16x1024xf32, #tpu.memory_space<vmem>>
    %dma_wait3A_1369 = arith.constant 0 : i32
    %dma_wait3A_1370 = tpu.memref_slice %arg2[%add3A_938, %dma_wait3A_1369] : memref<16384x1024xf32, #tpu.memory_space<hbm>> -> memref<16x1024xf32, #tpu.memory_space<hbm>>
    %dma_wait3A_1371 = tpu.memref_slice %arg7[%dma_wait3A_1364] : memref<7x!tpu.dma_semaphore, #tpu.memory_space<semaphore_mem>> -> memref<1x!tpu.dma_semaphore, #tpu.memory_space<semaphore_mem>>
    %dma_wait3A_1372 = tpu.memref_squeeze %dma_wait3A_1371 : memref<1x!tpu.dma_semaphore, #tpu.memory_space<semaphore_mem>> -> memref<!tpu.dma_semaphore, #tpu.memory_space<semaphore_mem>>
    %dma_wait3A_1373 = arith.constant 0 : i32
    %dma_wait3A_1374 = arith.constant 0 : i32
    %dma_wait3A_1375 = tpu.memref_slice %arg5[%dma_wait3A_1363, %dma_wait3A_1373, %dma_wait3A_1374] : memref<7x16x1024xf32, #tpu.memory_space<vmem>> -> memref<1x16x1024xf32, #tpu.memory_space<vmem>>
    %dma_wait3A_1376 = tpu.memref_squeeze %dma_wait3A_1375 : memref<1x16x1024xf32, #tpu.memory_space<vmem>> -> memref<16x1024xf32, #tpu.memory_space<vmem>>
    %dma_wait3A_1377 = arith.constant 0 : i32
    %dma_wait3A_1378 = tpu.memref_slice %arg2[%add3A_938, %dma_wait3A_1377] : memref<16384x1024xf32, #tpu.memory_space<hbm>> -> memref<16x1024xf32, #tpu.memory_space<hbm>>
    tpu.wait_dma2 semaphore(%dma_wait3A_1372 : memref<!tpu.dma_semaphore, #tpu.memory_space<semaphore_mem>>) src(%dma_wait3A_1378 : memref<16x1024xf32, #tpu.memory_space<hbm>>) dst(%dma_wait3A_1376 : memref<16x1024xf32, #tpu.memory_space<vmem>>)
    %add3A_1379 = arith.constant 288 : i32
    %add3A_1380 = arith.addi %mul3A_2, %add3A_1379 : i32
    %dma_start3A_1381 = arith.constant 4 : i32
    %dma_start3A_1382 = arith.constant 4 : i32
    %dma_start3A_1383 = arith.constant 0 : i32
    %dma_start3A_1384 = arith.constant 0 : i32
    %dma_start3A_1385 = tpu.memref_slice %arg5[%dma_start3A_1381, %dma_start3A_1383, %dma_start3A_1384] : memref<7x16x1024xf32, #tpu.memory_space<vmem>> -> memref<1x16x1024xf32, #tpu.memory_space<vmem>>
    %dma_start3A_1386 = tpu.memref_squeeze %dma_start3A_1385 : memref<1x16x1024xf32, #tpu.memory_space<vmem>> -> memref<16x1024xf32, #tpu.memory_space<vmem>>
    %dma_start3A_1387 = arith.constant 0 : i32
    %dma_start3A_1388 = tpu.memref_slice %arg4[%add3A_1380, %dma_start3A_1387] : memref<16384x1024xf32, #tpu.memory_space<hbm>> -> memref<16x1024xf32, #tpu.memory_space<hbm>>
    %dma_start3A_1389 = tpu.memref_slice %arg8[%dma_start3A_1382] : memref<7x!tpu.dma_semaphore, #tpu.memory_space<semaphore_mem>> -> memref<1x!tpu.dma_semaphore, #tpu.memory_space<semaphore_mem>>
    %dma_start3A_1390 = tpu.memref_squeeze %dma_start3A_1389 : memref<1x!tpu.dma_semaphore, #tpu.memory_space<semaphore_mem>> -> memref<!tpu.dma_semaphore, #tpu.memory_space<semaphore_mem>>
    %dma_start3A_1391 = arith.constant 0 : i32
    %dma_start3A_1392 = tpu.memref_slice %arg4[%add3A_1380, %dma_start3A_1391] : memref<16384x1024xf32, #tpu.memory_space<hbm>> -> memref<16x1024xf32, #tpu.memory_space<hbm>>
    %dma_start3A_1393 = arith.constant 0 : i32
    %dma_start3A_1394 = arith.constant 0 : i32
    %dma_start3A_1395 = tpu.memref_slice %arg5[%dma_start3A_1381, %dma_start3A_1393, %dma_start3A_1394] : memref<7x16x1024xf32, #tpu.memory_space<vmem>> -> memref<1x16x1024xf32, #tpu.memory_space<vmem>>
    %dma_start3A_1396 = tpu.memref_squeeze %dma_start3A_1395 : memref<1x16x1024xf32, #tpu.memory_space<vmem>> -> memref<16x1024xf32, #tpu.memory_space<vmem>>
    tpu.enqueue_dma source(%dma_start3A_1396 : memref<16x1024xf32, #tpu.memory_space<vmem>>) target(%dma_start3A_1392 : memref<16x1024xf32, #tpu.memory_space<hbm>>) target_semaphore(%dma_start3A_1390 : memref<!tpu.dma_semaphore, #tpu.memory_space<semaphore_mem>>)
    %dma_wait3A_1397 = arith.constant 4 : i32
    %dma_wait3A_1398 = arith.constant 4 : i32
    %dma_wait3A_1399 = arith.constant 0 : i32
    %dma_wait3A_1400 = arith.constant 0 : i32
    %dma_wait3A_1401 = tpu.memref_slice %arg5[%dma_wait3A_1397, %dma_wait3A_1399, %dma_wait3A_1400] : memref<7x16x1024xf32, #tpu.memory_space<vmem>> -> memref<1x16x1024xf32, #tpu.memory_space<vmem>>
    %dma_wait3A_1402 = tpu.memref_squeeze %dma_wait3A_1401 : memref<1x16x1024xf32, #tpu.memory_space<vmem>> -> memref<16x1024xf32, #tpu.memory_space<vmem>>
    %dma_wait3A_1403 = arith.constant 0 : i32
    %dma_wait3A_1404 = tpu.memref_slice %arg4[%add3A_1380, %dma_wait3A_1403] : memref<16384x1024xf32, #tpu.memory_space<hbm>> -> memref<16x1024xf32, #tpu.memory_space<hbm>>
    %dma_wait3A_1405 = tpu.memref_slice %arg8[%dma_wait3A_1398] : memref<7x!tpu.dma_semaphore, #tpu.memory_space<semaphore_mem>> -> memref<1x!tpu.dma_semaphore, #tpu.memory_space<semaphore_mem>>
    %dma_wait3A_1406 = tpu.memref_squeeze %dma_wait3A_1405 : memref<1x!tpu.dma_semaphore, #tpu.memory_space<semaphore_mem>> -> memref<!tpu.dma_semaphore, #tpu.memory_space<semaphore_mem>>
    %dma_wait3A_1407 = arith.constant 0 : i32
    %dma_wait3A_1408 = tpu.memref_slice %arg4[%add3A_1380, %dma_wait3A_1407] : memref<16384x1024xf32, #tpu.memory_space<hbm>> -> memref<16x1024xf32, #tpu.memory_space<hbm>>
    %dma_wait3A_1409 = arith.constant 0 : i32
    %dma_wait3A_1410 = arith.constant 0 : i32
    %dma_wait3A_1411 = tpu.memref_slice %arg5[%dma_wait3A_1397, %dma_wait3A_1409, %dma_wait3A_1410] : memref<7x16x1024xf32, #tpu.memory_space<vmem>> -> memref<1x16x1024xf32, #tpu.memory_space<vmem>>
    %dma_wait3A_1412 = tpu.memref_squeeze %dma_wait3A_1411 : memref<1x16x1024xf32, #tpu.memory_space<vmem>> -> memref<16x1024xf32, #tpu.memory_space<vmem>>
    tpu.wait_dma2 semaphore(%dma_wait3A_1406 : memref<!tpu.dma_semaphore, #tpu.memory_space<semaphore_mem>>) src(%dma_wait3A_1412 : memref<16x1024xf32, #tpu.memory_space<vmem>>) dst(%dma_wait3A_1408 : memref<16x1024xf32, #tpu.memory_space<hbm>>)
    %add3A_1413 = arith.constant 400 : i32
    %add3A_1414 = arith.addi %mul3A_2, %add3A_1413 : i32
    %dma_start3A_1415 = arith.constant 4 : i32
    %dma_start3A_1416 = arith.constant 4 : i32
    %dma_start3A_1417 = arith.constant 0 : i32
    %dma_start3A_1418 = arith.constant 0 : i32
    %dma_start3A_1419 = tpu.memref_slice %arg5[%dma_start3A_1415, %dma_start3A_1417, %dma_start3A_1418] : memref<7x16x1024xf32, #tpu.memory_space<vmem>> -> memref<1x16x1024xf32, #tpu.memory_space<vmem>>
    %dma_start3A_1420 = tpu.memref_squeeze %dma_start3A_1419 : memref<1x16x1024xf32, #tpu.memory_space<vmem>> -> memref<16x1024xf32, #tpu.memory_space<vmem>>
    %dma_start3A_1421 = arith.constant 0 : i32
    %dma_start3A_1422 = tpu.memref_slice %arg2[%add3A_1414, %dma_start3A_1421] : memref<16384x1024xf32, #tpu.memory_space<hbm>> -> memref<16x1024xf32, #tpu.memory_space<hbm>>
    %dma_start3A_1423 = tpu.memref_slice %arg7[%dma_start3A_1416] : memref<7x!tpu.dma_semaphore, #tpu.memory_space<semaphore_mem>> -> memref<1x!tpu.dma_semaphore, #tpu.memory_space<semaphore_mem>>
    %dma_start3A_1424 = tpu.memref_squeeze %dma_start3A_1423 : memref<1x!tpu.dma_semaphore, #tpu.memory_space<semaphore_mem>> -> memref<!tpu.dma_semaphore, #tpu.memory_space<semaphore_mem>>
    %dma_start3A_1425 = arith.constant 0 : i32
    %dma_start3A_1426 = arith.constant 0 : i32
    %dma_start3A_1427 = tpu.memref_slice %arg5[%dma_start3A_1415, %dma_start3A_1425, %dma_start3A_1426] : memref<7x16x1024xf32, #tpu.memory_space<vmem>> -> memref<1x16x1024xf32, #tpu.memory_space<vmem>>
    %dma_start3A_1428 = tpu.memref_squeeze %dma_start3A_1427 : memref<1x16x1024xf32, #tpu.memory_space<vmem>> -> memref<16x1024xf32, #tpu.memory_space<vmem>>
    %dma_start3A_1429 = arith.constant 0 : i32
    %dma_start3A_1430 = tpu.memref_slice %arg2[%add3A_1414, %dma_start3A_1429] : memref<16384x1024xf32, #tpu.memory_space<hbm>> -> memref<16x1024xf32, #tpu.memory_space<hbm>>
    tpu.enqueue_dma source(%dma_start3A_1430 : memref<16x1024xf32, #tpu.memory_space<hbm>>) target(%dma_start3A_1428 : memref<16x1024xf32, #tpu.memory_space<vmem>>) target_semaphore(%dma_start3A_1424 : memref<!tpu.dma_semaphore, #tpu.memory_space<semaphore_mem>>)
    %dma_wait3A_1431 = arith.constant 5 : i32
    %dma_wait3A_1432 = arith.constant 5 : i32
    %dma_wait3A_1433 = arith.constant 0 : i32
    %dma_wait3A_1434 = arith.constant 0 : i32
    %dma_wait3A_1435 = tpu.memref_slice %arg5[%dma_wait3A_1431, %dma_wait3A_1433, %dma_wait3A_1434] : memref<7x16x1024xf32, #tpu.memory_space<vmem>> -> memref<1x16x1024xf32, #tpu.memory_space<vmem>>
    %dma_wait3A_1436 = tpu.memref_squeeze %dma_wait3A_1435 : memref<1x16x1024xf32, #tpu.memory_space<vmem>> -> memref<16x1024xf32, #tpu.memory_space<vmem>>
    %dma_wait3A_1437 = arith.constant 0 : i32
    %dma_wait3A_1438 = tpu.memref_slice %arg2[%add3A_1006, %dma_wait3A_1437] : memref<16384x1024xf32, #tpu.memory_space<hbm>> -> memref<16x1024xf32, #tpu.memory_space<hbm>>
    %dma_wait3A_1439 = tpu.memref_slice %arg7[%dma_wait3A_1432] : memref<7x!tpu.dma_semaphore, #tpu.memory_space<semaphore_mem>> -> memref<1x!tpu.dma_semaphore, #tpu.memory_space<semaphore_mem>>
    %dma_wait3A_1440 = tpu.memref_squeeze %dma_wait3A_1439 : memref<1x!tpu.dma_semaphore, #tpu.memory_space<semaphore_mem>> -> memref<!tpu.dma_semaphore, #tpu.memory_space<semaphore_mem>>
    %dma_wait3A_1441 = arith.constant 0 : i32
    %dma_wait3A_1442 = arith.constant 0 : i32
    %dma_wait3A_1443 = tpu.memref_slice %arg5[%dma_wait3A_1431, %dma_wait3A_1441, %dma_wait3A_1442] : memref<7x16x1024xf32, #tpu.memory_space<vmem>> -> memref<1x16x1024xf32, #tpu.memory_space<vmem>>
    %dma_wait3A_1444 = tpu.memref_squeeze %dma_wait3A_1443 : memref<1x16x1024xf32, #tpu.memory_space<vmem>> -> memref<16x1024xf32, #tpu.memory_space<vmem>>
    %dma_wait3A_1445 = arith.constant 0 : i32
    %dma_wait3A_1446 = tpu.memref_slice %arg2[%add3A_1006, %dma_wait3A_1445] : memref<16384x1024xf32, #tpu.memory_space<hbm>> -> memref<16x1024xf32, #tpu.memory_space<hbm>>
    tpu.wait_dma2 semaphore(%dma_wait3A_1440 : memref<!tpu.dma_semaphore, #tpu.memory_space<semaphore_mem>>) src(%dma_wait3A_1446 : memref<16x1024xf32, #tpu.memory_space<hbm>>) dst(%dma_wait3A_1444 : memref<16x1024xf32, #tpu.memory_space<vmem>>)
    %add3A_1447 = arith.constant 304 : i32
    %add3A_1448 = arith.addi %mul3A_2, %add3A_1447 : i32
    %dma_start3A_1449 = arith.constant 5 : i32
    %dma_start3A_1450 = arith.constant 5 : i32
    %dma_start3A_1451 = arith.constant 0 : i32
    %dma_start3A_1452 = arith.constant 0 : i32
    %dma_start3A_1453 = tpu.memref_slice %arg5[%dma_start3A_1449, %dma_start3A_1451, %dma_start3A_1452] : memref<7x16x1024xf32, #tpu.memory_space<vmem>> -> memref<1x16x1024xf32, #tpu.memory_space<vmem>>
    %dma_start3A_1454 = tpu.memref_squeeze %dma_start3A_1453 : memref<1x16x1024xf32, #tpu.memory_space<vmem>> -> memref<16x1024xf32, #tpu.memory_space<vmem>>
    %dma_start3A_1455 = arith.constant 0 : i32
    %dma_start3A_1456 = tpu.memref_slice %arg4[%add3A_1448, %dma_start3A_1455] : memref<16384x1024xf32, #tpu.memory_space<hbm>> -> memref<16x1024xf32, #tpu.memory_space<hbm>>
    %dma_start3A_1457 = tpu.memref_slice %arg8[%dma_start3A_1450] : memref<7x!tpu.dma_semaphore, #tpu.memory_space<semaphore_mem>> -> memref<1x!tpu.dma_semaphore, #tpu.memory_space<semaphore_mem>>
    %dma_start3A_1458 = tpu.memref_squeeze %dma_start3A_1457 : memref<1x!tpu.dma_semaphore, #tpu.memory_space<semaphore_mem>> -> memref<!tpu.dma_semaphore, #tpu.memory_space<semaphore_mem>>
    %dma_start3A_1459 = arith.constant 0 : i32
    %dma_start3A_1460 = tpu.memref_slice %arg4[%add3A_1448, %dma_start3A_1459] : memref<16384x1024xf32, #tpu.memory_space<hbm>> -> memref<16x1024xf32, #tpu.memory_space<hbm>>
    %dma_start3A_1461 = arith.constant 0 : i32
    %dma_start3A_1462 = arith.constant 0 : i32
    %dma_start3A_1463 = tpu.memref_slice %arg5[%dma_start3A_1449, %dma_start3A_1461, %dma_start3A_1462] : memref<7x16x1024xf32, #tpu.memory_space<vmem>> -> memref<1x16x1024xf32, #tpu.memory_space<vmem>>
    %dma_start3A_1464 = tpu.memref_squeeze %dma_start3A_1463 : memref<1x16x1024xf32, #tpu.memory_space<vmem>> -> memref<16x1024xf32, #tpu.memory_space<vmem>>
    tpu.enqueue_dma source(%dma_start3A_1464 : memref<16x1024xf32, #tpu.memory_space<vmem>>) target(%dma_start3A_1460 : memref<16x1024xf32, #tpu.memory_space<hbm>>) target_semaphore(%dma_start3A_1458 : memref<!tpu.dma_semaphore, #tpu.memory_space<semaphore_mem>>)
    %dma_wait3A_1465 = arith.constant 5 : i32
    %dma_wait3A_1466 = arith.constant 5 : i32
    %dma_wait3A_1467 = arith.constant 0 : i32
    %dma_wait3A_1468 = arith.constant 0 : i32
    %dma_wait3A_1469 = tpu.memref_slice %arg5[%dma_wait3A_1465, %dma_wait3A_1467, %dma_wait3A_1468] : memref<7x16x1024xf32, #tpu.memory_space<vmem>> -> memref<1x16x1024xf32, #tpu.memory_space<vmem>>
    %dma_wait3A_1470 = tpu.memref_squeeze %dma_wait3A_1469 : memref<1x16x1024xf32, #tpu.memory_space<vmem>> -> memref<16x1024xf32, #tpu.memory_space<vmem>>
    %dma_wait3A_1471 = arith.constant 0 : i32
    %dma_wait3A_1472 = tpu.memref_slice %arg4[%add3A_1448, %dma_wait3A_1471] : memref<16384x1024xf32, #tpu.memory_space<hbm>> -> memref<16x1024xf32, #tpu.memory_space<hbm>>
    %dma_wait3A_1473 = tpu.memref_slice %arg8[%dma_wait3A_1466] : memref<7x!tpu.dma_semaphore, #tpu.memory_space<semaphore_mem>> -> memref<1x!tpu.dma_semaphore, #tpu.memory_space<semaphore_mem>>
    %dma_wait3A_1474 = tpu.memref_squeeze %dma_wait3A_1473 : memref<1x!tpu.dma_semaphore, #tpu.memory_space<semaphore_mem>> -> memref<!tpu.dma_semaphore, #tpu.memory_space<semaphore_mem>>
    %dma_wait3A_1475 = arith.constant 0 : i32
    %dma_wait3A_1476 = tpu.memref_slice %arg4[%add3A_1448, %dma_wait3A_1475] : memref<16384x1024xf32, #tpu.memory_space<hbm>> -> memref<16x1024xf32, #tpu.memory_space<hbm>>
    %dma_wait3A_1477 = arith.constant 0 : i32
    %dma_wait3A_1478 = arith.constant 0 : i32
    %dma_wait3A_1479 = tpu.memref_slice %arg5[%dma_wait3A_1465, %dma_wait3A_1477, %dma_wait3A_1478] : memref<7x16x1024xf32, #tpu.memory_space<vmem>> -> memref<1x16x1024xf32, #tpu.memory_space<vmem>>
    %dma_wait3A_1480 = tpu.memref_squeeze %dma_wait3A_1479 : memref<1x16x1024xf32, #tpu.memory_space<vmem>> -> memref<16x1024xf32, #tpu.memory_space<vmem>>
    tpu.wait_dma2 semaphore(%dma_wait3A_1474 : memref<!tpu.dma_semaphore, #tpu.memory_space<semaphore_mem>>) src(%dma_wait3A_1480 : memref<16x1024xf32, #tpu.memory_space<vmem>>) dst(%dma_wait3A_1476 : memref<16x1024xf32, #tpu.memory_space<hbm>>)
    %add3A_1481 = arith.constant 416 : i32
    %add3A_1482 = arith.addi %mul3A_2, %add3A_1481 : i32
    %dma_start3A_1483 = arith.constant 5 : i32
    %dma_start3A_1484 = arith.constant 5 : i32
    %dma_start3A_1485 = arith.constant 0 : i32
    %dma_start3A_1486 = arith.constant 0 : i32
    %dma_start3A_1487 = tpu.memref_slice %arg5[%dma_start3A_1483, %dma_start3A_1485, %dma_start3A_1486] : memref<7x16x1024xf32, #tpu.memory_space<vmem>> -> memref<1x16x1024xf32, #tpu.memory_space<vmem>>
    %dma_start3A_1488 = tpu.memref_squeeze %dma_start3A_1487 : memref<1x16x1024xf32, #tpu.memory_space<vmem>> -> memref<16x1024xf32, #tpu.memory_space<vmem>>
    %dma_start3A_1489 = arith.constant 0 : i32
    %dma_start3A_1490 = tpu.memref_slice %arg2[%add3A_1482, %dma_start3A_1489] : memref<16384x1024xf32, #tpu.memory_space<hbm>> -> memref<16x1024xf32, #tpu.memory_space<hbm>>
    %dma_start3A_1491 = tpu.memref_slice %arg7[%dma_start3A_1484] : memref<7x!tpu.dma_semaphore, #tpu.memory_space<semaphore_mem>> -> memref<1x!tpu.dma_semaphore, #tpu.memory_space<semaphore_mem>>
    %dma_start3A_1492 = tpu.memref_squeeze %dma_start3A_1491 : memref<1x!tpu.dma_semaphore, #tpu.memory_space<semaphore_mem>> -> memref<!tpu.dma_semaphore, #tpu.memory_space<semaphore_mem>>
    %dma_start3A_1493 = arith.constant 0 : i32
    %dma_start3A_1494 = arith.constant 0 : i32
    %dma_start3A_1495 = tpu.memref_slice %arg5[%dma_start3A_1483, %dma_start3A_1493, %dma_start3A_1494] : memref<7x16x1024xf32, #tpu.memory_space<vmem>> -> memref<1x16x1024xf32, #tpu.memory_space<vmem>>
    %dma_start3A_1496 = tpu.memref_squeeze %dma_start3A_1495 : memref<1x16x1024xf32, #tpu.memory_space<vmem>> -> memref<16x1024xf32, #tpu.memory_space<vmem>>
    %dma_start3A_1497 = arith.constant 0 : i32
    %dma_start3A_1498 = tpu.memref_slice %arg2[%add3A_1482, %dma_start3A_1497] : memref<16384x1024xf32, #tpu.memory_space<hbm>> -> memref<16x1024xf32, #tpu.memory_space<hbm>>
    tpu.enqueue_dma source(%dma_start3A_1498 : memref<16x1024xf32, #tpu.memory_space<hbm>>) target(%dma_start3A_1496 : memref<16x1024xf32, #tpu.memory_space<vmem>>) target_semaphore(%dma_start3A_1492 : memref<!tpu.dma_semaphore, #tpu.memory_space<semaphore_mem>>)
    %dma_wait3A_1499 = arith.constant 6 : i32
    %dma_wait3A_1500 = arith.constant 6 : i32
    %dma_wait3A_1501 = arith.constant 0 : i32
    %dma_wait3A_1502 = arith.constant 0 : i32
    %dma_wait3A_1503 = tpu.memref_slice %arg5[%dma_wait3A_1499, %dma_wait3A_1501, %dma_wait3A_1502] : memref<7x16x1024xf32, #tpu.memory_space<vmem>> -> memref<1x16x1024xf32, #tpu.memory_space<vmem>>
    %dma_wait3A_1504 = tpu.memref_squeeze %dma_wait3A_1503 : memref<1x16x1024xf32, #tpu.memory_space<vmem>> -> memref<16x1024xf32, #tpu.memory_space<vmem>>
    %dma_wait3A_1505 = arith.constant 0 : i32
    %dma_wait3A_1506 = tpu.memref_slice %arg2[%add3A_1074, %dma_wait3A_1505] : memref<16384x1024xf32, #tpu.memory_space<hbm>> -> memref<16x1024xf32, #tpu.memory_space<hbm>>
    %dma_wait3A_1507 = tpu.memref_slice %arg7[%dma_wait3A_1500] : memref<7x!tpu.dma_semaphore, #tpu.memory_space<semaphore_mem>> -> memref<1x!tpu.dma_semaphore, #tpu.memory_space<semaphore_mem>>
    %dma_wait3A_1508 = tpu.memref_squeeze %dma_wait3A_1507 : memref<1x!tpu.dma_semaphore, #tpu.memory_space<semaphore_mem>> -> memref<!tpu.dma_semaphore, #tpu.memory_space<semaphore_mem>>
    %dma_wait3A_1509 = arith.constant 0 : i32
    %dma_wait3A_1510 = arith.constant 0 : i32
    %dma_wait3A_1511 = tpu.memref_slice %arg5[%dma_wait3A_1499, %dma_wait3A_1509, %dma_wait3A_1510] : memref<7x16x1024xf32, #tpu.memory_space<vmem>> -> memref<1x16x1024xf32, #tpu.memory_space<vmem>>
    %dma_wait3A_1512 = tpu.memref_squeeze %dma_wait3A_1511 : memref<1x16x1024xf32, #tpu.memory_space<vmem>> -> memref<16x1024xf32, #tpu.memory_space<vmem>>
    %dma_wait3A_1513 = arith.constant 0 : i32
    %dma_wait3A_1514 = tpu.memref_slice %arg2[%add3A_1074, %dma_wait3A_1513] : memref<16384x1024xf32, #tpu.memory_space<hbm>> -> memref<16x1024xf32, #tpu.memory_space<hbm>>
    tpu.wait_dma2 semaphore(%dma_wait3A_1508 : memref<!tpu.dma_semaphore, #tpu.memory_space<semaphore_mem>>) src(%dma_wait3A_1514 : memref<16x1024xf32, #tpu.memory_space<hbm>>) dst(%dma_wait3A_1512 : memref<16x1024xf32, #tpu.memory_space<vmem>>)
    %add3A_1515 = arith.constant 320 : i32
    %add3A_1516 = arith.addi %mul3A_2, %add3A_1515 : i32
    %dma_start3A_1517 = arith.constant 6 : i32
    %dma_start3A_1518 = arith.constant 6 : i32
    %dma_start3A_1519 = arith.constant 0 : i32
    %dma_start3A_1520 = arith.constant 0 : i32
    %dma_start3A_1521 = tpu.memref_slice %arg5[%dma_start3A_1517, %dma_start3A_1519, %dma_start3A_1520] : memref<7x16x1024xf32, #tpu.memory_space<vmem>> -> memref<1x16x1024xf32, #tpu.memory_space<vmem>>
    %dma_start3A_1522 = tpu.memref_squeeze %dma_start3A_1521 : memref<1x16x1024xf32, #tpu.memory_space<vmem>> -> memref<16x1024xf32, #tpu.memory_space<vmem>>
    %dma_start3A_1523 = arith.constant 0 : i32
    %dma_start3A_1524 = tpu.memref_slice %arg4[%add3A_1516, %dma_start3A_1523] : memref<16384x1024xf32, #tpu.memory_space<hbm>> -> memref<16x1024xf32, #tpu.memory_space<hbm>>
    %dma_start3A_1525 = tpu.memref_slice %arg8[%dma_start3A_1518] : memref<7x!tpu.dma_semaphore, #tpu.memory_space<semaphore_mem>> -> memref<1x!tpu.dma_semaphore, #tpu.memory_space<semaphore_mem>>
    %dma_start3A_1526 = tpu.memref_squeeze %dma_start3A_1525 : memref<1x!tpu.dma_semaphore, #tpu.memory_space<semaphore_mem>> -> memref<!tpu.dma_semaphore, #tpu.memory_space<semaphore_mem>>
    %dma_start3A_1527 = arith.constant 0 : i32
    %dma_start3A_1528 = tpu.memref_slice %arg4[%add3A_1516, %dma_start3A_1527] : memref<16384x1024xf32, #tpu.memory_space<hbm>> -> memref<16x1024xf32, #tpu.memory_space<hbm>>
    %dma_start3A_1529 = arith.constant 0 : i32
    %dma_start3A_1530 = arith.constant 0 : i32
    %dma_start3A_1531 = tpu.memref_slice %arg5[%dma_start3A_1517, %dma_start3A_1529, %dma_start3A_1530] : memref<7x16x1024xf32, #tpu.memory_space<vmem>> -> memref<1x16x1024xf32, #tpu.memory_space<vmem>>
    %dma_start3A_1532 = tpu.memref_squeeze %dma_start3A_1531 : memref<1x16x1024xf32, #tpu.memory_space<vmem>> -> memref<16x1024xf32, #tpu.memory_space<vmem>>
    tpu.enqueue_dma source(%dma_start3A_1532 : memref<16x1024xf32, #tpu.memory_space<vmem>>) target(%dma_start3A_1528 : memref<16x1024xf32, #tpu.memory_space<hbm>>) target_semaphore(%dma_start3A_1526 : memref<!tpu.dma_semaphore, #tpu.memory_space<semaphore_mem>>)
    %dma_wait3A_1533 = arith.constant 6 : i32
    %dma_wait3A_1534 = arith.constant 6 : i32
    %dma_wait3A_1535 = arith.constant 0 : i32
    %dma_wait3A_1536 = arith.constant 0 : i32
    %dma_wait3A_1537 = tpu.memref_slice %arg5[%dma_wait3A_1533, %dma_wait3A_1535, %dma_wait3A_1536] : memref<7x16x1024xf32, #tpu.memory_space<vmem>> -> memref<1x16x1024xf32, #tpu.memory_space<vmem>>
    %dma_wait3A_1538 = tpu.memref_squeeze %dma_wait3A_1537 : memref<1x16x1024xf32, #tpu.memory_space<vmem>> -> memref<16x1024xf32, #tpu.memory_space<vmem>>
    %dma_wait3A_1539 = arith.constant 0 : i32
    %dma_wait3A_1540 = tpu.memref_slice %arg4[%add3A_1516, %dma_wait3A_1539] : memref<16384x1024xf32, #tpu.memory_space<hbm>> -> memref<16x1024xf32, #tpu.memory_space<hbm>>
    %dma_wait3A_1541 = tpu.memref_slice %arg8[%dma_wait3A_1534] : memref<7x!tpu.dma_semaphore, #tpu.memory_space<semaphore_mem>> -> memref<1x!tpu.dma_semaphore, #tpu.memory_space<semaphore_mem>>
    %dma_wait3A_1542 = tpu.memref_squeeze %dma_wait3A_1541 : memref<1x!tpu.dma_semaphore, #tpu.memory_space<semaphore_mem>> -> memref<!tpu.dma_semaphore, #tpu.memory_space<semaphore_mem>>
    %dma_wait3A_1543 = arith.constant 0 : i32
    %dma_wait3A_1544 = tpu.memref_slice %arg4[%add3A_1516, %dma_wait3A_1543] : memref<16384x1024xf32, #tpu.memory_space<hbm>> -> memref<16x1024xf32, #tpu.memory_space<hbm>>
    %dma_wait3A_1545 = arith.constant 0 : i32
    %dma_wait3A_1546 = arith.constant 0 : i32
    %dma_wait3A_1547 = tpu.memref_slice %arg5[%dma_wait3A_1533, %dma_wait3A_1545, %dma_wait3A_1546] : memref<7x16x1024xf32, #tpu.memory_space<vmem>> -> memref<1x16x1024xf32, #tpu.memory_space<vmem>>
    %dma_wait3A_1548 = tpu.memref_squeeze %dma_wait3A_1547 : memref<1x16x1024xf32, #tpu.memory_space<vmem>> -> memref<16x1024xf32, #tpu.memory_space<vmem>>
    tpu.wait_dma2 semaphore(%dma_wait3A_1542 : memref<!tpu.dma_semaphore, #tpu.memory_space<semaphore_mem>>) src(%dma_wait3A_1548 : memref<16x1024xf32, #tpu.memory_space<vmem>>) dst(%dma_wait3A_1544 : memref<16x1024xf32, #tpu.memory_space<hbm>>)
    %add3A_1549 = arith.constant 432 : i32
    %add3A_1550 = arith.addi %mul3A_2, %add3A_1549 : i32
    %dma_start3A_1551 = arith.constant 6 : i32
    %dma_start3A_1552 = arith.constant 6 : i32
    %dma_start3A_1553 = arith.constant 0 : i32
    %dma_start3A_1554 = arith.constant 0 : i32
    %dma_start3A_1555 = tpu.memref_slice %arg5[%dma_start3A_1551, %dma_start3A_1553, %dma_start3A_1554] : memref<7x16x1024xf32, #tpu.memory_space<vmem>> -> memref<1x16x1024xf32, #tpu.memory_space<vmem>>
    %dma_start3A_1556 = tpu.memref_squeeze %dma_start3A_1555 : memref<1x16x1024xf32, #tpu.memory_space<vmem>> -> memref<16x1024xf32, #tpu.memory_space<vmem>>
    %dma_start3A_1557 = arith.constant 0 : i32
    %dma_start3A_1558 = tpu.memref_slice %arg2[%add3A_1550, %dma_start3A_1557] : memref<16384x1024xf32, #tpu.memory_space<hbm>> -> memref<16x1024xf32, #tpu.memory_space<hbm>>
    %dma_start3A_1559 = tpu.memref_slice %arg7[%dma_start3A_1552] : memref<7x!tpu.dma_semaphore, #tpu.memory_space<semaphore_mem>> -> memref<1x!tpu.dma_semaphore, #tpu.memory_space<semaphore_mem>>
    %dma_start3A_1560 = tpu.memref_squeeze %dma_start3A_1559 : memref<1x!tpu.dma_semaphore, #tpu.memory_space<semaphore_mem>> -> memref<!tpu.dma_semaphore, #tpu.memory_space<semaphore_mem>>
    %dma_start3A_1561 = arith.constant 0 : i32
    %dma_start3A_1562 = arith.constant 0 : i32
    %dma_start3A_1563 = tpu.memref_slice %arg5[%dma_start3A_1551, %dma_start3A_1561, %dma_start3A_1562] : memref<7x16x1024xf32, #tpu.memory_space<vmem>> -> memref<1x16x1024xf32, #tpu.memory_space<vmem>>
    %dma_start3A_1564 = tpu.memref_squeeze %dma_start3A_1563 : memref<1x16x1024xf32, #tpu.memory_space<vmem>> -> memref<16x1024xf32, #tpu.memory_space<vmem>>
    %dma_start3A_1565 = arith.constant 0 : i32
    %dma_start3A_1566 = tpu.memref_slice %arg2[%add3A_1550, %dma_start3A_1565] : memref<16384x1024xf32, #tpu.memory_space<hbm>> -> memref<16x1024xf32, #tpu.memory_space<hbm>>
    tpu.enqueue_dma source(%dma_start3A_1566 : memref<16x1024xf32, #tpu.memory_space<hbm>>) target(%dma_start3A_1564 : memref<16x1024xf32, #tpu.memory_space<vmem>>) target_semaphore(%dma_start3A_1560 : memref<!tpu.dma_semaphore, #tpu.memory_space<semaphore_mem>>)
    %dma_wait3A_1567 = arith.constant 0 : i32
    %dma_wait3A_1568 = arith.constant 0 : i32
    %dma_wait3A_1569 = arith.constant 0 : i32
    %dma_wait3A_1570 = arith.constant 0 : i32
    %dma_wait3A_1571 = tpu.memref_slice %arg5[%dma_wait3A_1567, %dma_wait3A_1569, %dma_wait3A_1570] : memref<7x16x1024xf32, #tpu.memory_space<vmem>> -> memref<1x16x1024xf32, #tpu.memory_space<vmem>>
    %dma_wait3A_1572 = tpu.memref_squeeze %dma_wait3A_1571 : memref<1x16x1024xf32, #tpu.memory_space<vmem>> -> memref<16x1024xf32, #tpu.memory_space<vmem>>
    %dma_wait3A_1573 = arith.constant 0 : i32
    %dma_wait3A_1574 = tpu.memref_slice %arg2[%add3A_1142, %dma_wait3A_1573] : memref<16384x1024xf32, #tpu.memory_space<hbm>> -> memref<16x1024xf32, #tpu.memory_space<hbm>>
    %dma_wait3A_1575 = tpu.memref_slice %arg7[%dma_wait3A_1568] : memref<7x!tpu.dma_semaphore, #tpu.memory_space<semaphore_mem>> -> memref<1x!tpu.dma_semaphore, #tpu.memory_space<semaphore_mem>>
    %dma_wait3A_1576 = tpu.memref_squeeze %dma_wait3A_1575 : memref<1x!tpu.dma_semaphore, #tpu.memory_space<semaphore_mem>> -> memref<!tpu.dma_semaphore, #tpu.memory_space<semaphore_mem>>
    %dma_wait3A_1577 = arith.constant 0 : i32
    %dma_wait3A_1578 = arith.constant 0 : i32
    %dma_wait3A_1579 = tpu.memref_slice %arg5[%dma_wait3A_1567, %dma_wait3A_1577, %dma_wait3A_1578] : memref<7x16x1024xf32, #tpu.memory_space<vmem>> -> memref<1x16x1024xf32, #tpu.memory_space<vmem>>
    %dma_wait3A_1580 = tpu.memref_squeeze %dma_wait3A_1579 : memref<1x16x1024xf32, #tpu.memory_space<vmem>> -> memref<16x1024xf32, #tpu.memory_space<vmem>>
    %dma_wait3A_1581 = arith.constant 0 : i32
    %dma_wait3A_1582 = tpu.memref_slice %arg2[%add3A_1142, %dma_wait3A_1581] : memref<16384x1024xf32, #tpu.memory_space<hbm>> -> memref<16x1024xf32, #tpu.memory_space<hbm>>
    tpu.wait_dma2 semaphore(%dma_wait3A_1576 : memref<!tpu.dma_semaphore, #tpu.memory_space<semaphore_mem>>) src(%dma_wait3A_1582 : memref<16x1024xf32, #tpu.memory_space<hbm>>) dst(%dma_wait3A_1580 : memref<16x1024xf32, #tpu.memory_space<vmem>>)
    %add3A_1583 = arith.constant 336 : i32
    %add3A_1584 = arith.addi %mul3A_2, %add3A_1583 : i32
    %dma_start3A_1585 = arith.constant 0 : i32
    %dma_start3A_1586 = arith.constant 0 : i32
    %dma_start3A_1587 = arith.constant 0 : i32
    %dma_start3A_1588 = arith.constant 0 : i32
    %dma_start3A_1589 = tpu.memref_slice %arg5[%dma_start3A_1585, %dma_start3A_1587, %dma_start3A_1588] : memref<7x16x1024xf32, #tpu.memory_space<vmem>> -> memref<1x16x1024xf32, #tpu.memory_space<vmem>>
    %dma_start3A_1590 = tpu.memref_squeeze %dma_start3A_1589 : memref<1x16x1024xf32, #tpu.memory_space<vmem>> -> memref<16x1024xf32, #tpu.memory_space<vmem>>
    %dma_start3A_1591 = arith.constant 0 : i32
    %dma_start3A_1592 = tpu.memref_slice %arg4[%add3A_1584, %dma_start3A_1591] : memref<16384x1024xf32, #tpu.memory_space<hbm>> -> memref<16x1024xf32, #tpu.memory_space<hbm>>
    %dma_start3A_1593 = tpu.memref_slice %arg8[%dma_start3A_1586] : memref<7x!tpu.dma_semaphore, #tpu.memory_space<semaphore_mem>> -> memref<1x!tpu.dma_semaphore, #tpu.memory_space<semaphore_mem>>
    %dma_start3A_1594 = tpu.memref_squeeze %dma_start3A_1593 : memref<1x!tpu.dma_semaphore, #tpu.memory_space<semaphore_mem>> -> memref<!tpu.dma_semaphore, #tpu.memory_space<semaphore_mem>>
    %dma_start3A_1595 = arith.constant 0 : i32
    %dma_start3A_1596 = tpu.memref_slice %arg4[%add3A_1584, %dma_start3A_1595] : memref<16384x1024xf32, #tpu.memory_space<hbm>> -> memref<16x1024xf32, #tpu.memory_space<hbm>>
    %dma_start3A_1597 = arith.constant 0 : i32
    %dma_start3A_1598 = arith.constant 0 : i32
    %dma_start3A_1599 = tpu.memref_slice %arg5[%dma_start3A_1585, %dma_start3A_1597, %dma_start3A_1598] : memref<7x16x1024xf32, #tpu.memory_space<vmem>> -> memref<1x16x1024xf32, #tpu.memory_space<vmem>>
    %dma_start3A_1600 = tpu.memref_squeeze %dma_start3A_1599 : memref<1x16x1024xf32, #tpu.memory_space<vmem>> -> memref<16x1024xf32, #tpu.memory_space<vmem>>
    tpu.enqueue_dma source(%dma_start3A_1600 : memref<16x1024xf32, #tpu.memory_space<vmem>>) target(%dma_start3A_1596 : memref<16x1024xf32, #tpu.memory_space<hbm>>) target_semaphore(%dma_start3A_1594 : memref<!tpu.dma_semaphore, #tpu.memory_space<semaphore_mem>>)
    %dma_wait3A_1601 = arith.constant 0 : i32
    %dma_wait3A_1602 = arith.constant 0 : i32
    %dma_wait3A_1603 = arith.constant 0 : i32
    %dma_wait3A_1604 = arith.constant 0 : i32
    %dma_wait3A_1605 = tpu.memref_slice %arg5[%dma_wait3A_1601, %dma_wait3A_1603, %dma_wait3A_1604] : memref<7x16x1024xf32, #tpu.memory_space<vmem>> -> memref<1x16x1024xf32, #tpu.memory_space<vmem>>
    %dma_wait3A_1606 = tpu.memref_squeeze %dma_wait3A_1605 : memref<1x16x1024xf32, #tpu.memory_space<vmem>> -> memref<16x1024xf32, #tpu.memory_space<vmem>>
    %dma_wait3A_1607 = arith.constant 0 : i32
    %dma_wait3A_1608 = tpu.memref_slice %arg4[%add3A_1584, %dma_wait3A_1607] : memref<16384x1024xf32, #tpu.memory_space<hbm>> -> memref<16x1024xf32, #tpu.memory_space<hbm>>
    %dma_wait3A_1609 = tpu.memref_slice %arg8[%dma_wait3A_1602] : memref<7x!tpu.dma_semaphore, #tpu.memory_space<semaphore_mem>> -> memref<1x!tpu.dma_semaphore, #tpu.memory_space<semaphore_mem>>
    %dma_wait3A_1610 = tpu.memref_squeeze %dma_wait3A_1609 : memref<1x!tpu.dma_semaphore, #tpu.memory_space<semaphore_mem>> -> memref<!tpu.dma_semaphore, #tpu.memory_space<semaphore_mem>>
    %dma_wait3A_1611 = arith.constant 0 : i32
    %dma_wait3A_1612 = tpu.memref_slice %arg4[%add3A_1584, %dma_wait3A_1611] : memref<16384x1024xf32, #tpu.memory_space<hbm>> -> memref<16x1024xf32, #tpu.memory_space<hbm>>
    %dma_wait3A_1613 = arith.constant 0 : i32
    %dma_wait3A_1614 = arith.constant 0 : i32
    %dma_wait3A_1615 = tpu.memref_slice %arg5[%dma_wait3A_1601, %dma_wait3A_1613, %dma_wait3A_1614] : memref<7x16x1024xf32, #tpu.memory_space<vmem>> -> memref<1x16x1024xf32, #tpu.memory_space<vmem>>
    %dma_wait3A_1616 = tpu.memref_squeeze %dma_wait3A_1615 : memref<1x16x1024xf32, #tpu.memory_space<vmem>> -> memref<16x1024xf32, #tpu.memory_space<vmem>>
    tpu.wait_dma2 semaphore(%dma_wait3A_1610 : memref<!tpu.dma_semaphore, #tpu.memory_space<semaphore_mem>>) src(%dma_wait3A_1616 : memref<16x1024xf32, #tpu.memory_space<vmem>>) dst(%dma_wait3A_1612 : memref<16x1024xf32, #tpu.memory_space<hbm>>)
    %add3A_1617 = arith.constant 448 : i32
    %add3A_1618 = arith.addi %mul3A_2, %add3A_1617 : i32
    %dma_start3A_1619 = arith.constant 0 : i32
    %dma_start3A_1620 = arith.constant 0 : i32
    %dma_start3A_1621 = arith.constant 0 : i32
    %dma_start3A_1622 = arith.constant 0 : i32
    %dma_start3A_1623 = tpu.memref_slice %arg5[%dma_start3A_1619, %dma_start3A_1621, %dma_start3A_1622] : memref<7x16x1024xf32, #tpu.memory_space<vmem>> -> memref<1x16x1024xf32, #tpu.memory_space<vmem>>
    %dma_start3A_1624 = tpu.memref_squeeze %dma_start3A_1623 : memref<1x16x1024xf32, #tpu.memory_space<vmem>> -> memref<16x1024xf32, #tpu.memory_space<vmem>>
    %dma_start3A_1625 = arith.constant 0 : i32
    %dma_start3A_1626 = tpu.memref_slice %arg2[%add3A_1618, %dma_start3A_1625] : memref<16384x1024xf32, #tpu.memory_space<hbm>> -> memref<16x1024xf32, #tpu.memory_space<hbm>>
    %dma_start3A_1627 = tpu.memref_slice %arg7[%dma_start3A_1620] : memref<7x!tpu.dma_semaphore, #tpu.memory_space<semaphore_mem>> -> memref<1x!tpu.dma_semaphore, #tpu.memory_space<semaphore_mem>>
    %dma_start3A_1628 = tpu.memref_squeeze %dma_start3A_1627 : memref<1x!tpu.dma_semaphore, #tpu.memory_space<semaphore_mem>> -> memref<!tpu.dma_semaphore, #tpu.memory_space<semaphore_mem>>
    %dma_start3A_1629 = arith.constant 0 : i32
    %dma_start3A_1630 = arith.constant 0 : i32
    %dma_start3A_1631 = tpu.memref_slice %arg5[%dma_start3A_1619, %dma_start3A_1629, %dma_start3A_1630] : memref<7x16x1024xf32, #tpu.memory_space<vmem>> -> memref<1x16x1024xf32, #tpu.memory_space<vmem>>
    %dma_start3A_1632 = tpu.memref_squeeze %dma_start3A_1631 : memref<1x16x1024xf32, #tpu.memory_space<vmem>> -> memref<16x1024xf32, #tpu.memory_space<vmem>>
    %dma_start3A_1633 = arith.constant 0 : i32
    %dma_start3A_1634 = tpu.memref_slice %arg2[%add3A_1618, %dma_start3A_1633] : memref<16384x1024xf32, #tpu.memory_space<hbm>> -> memref<16x1024xf32, #tpu.memory_space<hbm>>
    tpu.enqueue_dma source(%dma_start3A_1634 : memref<16x1024xf32, #tpu.memory_space<hbm>>) target(%dma_start3A_1632 : memref<16x1024xf32, #tpu.memory_space<vmem>>) target_semaphore(%dma_start3A_1628 : memref<!tpu.dma_semaphore, #tpu.memory_space<semaphore_mem>>)
    %dma_wait3A_1635 = arith.constant 1 : i32
    %dma_wait3A_1636 = arith.constant 1 : i32
    %dma_wait3A_1637 = arith.constant 0 : i32
    %dma_wait3A_1638 = arith.constant 0 : i32
    %dma_wait3A_1639 = tpu.memref_slice %arg5[%dma_wait3A_1635, %dma_wait3A_1637, %dma_wait3A_1638] : memref<7x16x1024xf32, #tpu.memory_space<vmem>> -> memref<1x16x1024xf32, #tpu.memory_space<vmem>>
    %dma_wait3A_1640 = tpu.memref_squeeze %dma_wait3A_1639 : memref<1x16x1024xf32, #tpu.memory_space<vmem>> -> memref<16x1024xf32, #tpu.memory_space<vmem>>
    %dma_wait3A_1641 = arith.constant 0 : i32
    %dma_wait3A_1642 = tpu.memref_slice %arg2[%add3A_1210, %dma_wait3A_1641] : memref<16384x1024xf32, #tpu.memory_space<hbm>> -> memref<16x1024xf32, #tpu.memory_space<hbm>>
    %dma_wait3A_1643 = tpu.memref_slice %arg7[%dma_wait3A_1636] : memref<7x!tpu.dma_semaphore, #tpu.memory_space<semaphore_mem>> -> memref<1x!tpu.dma_semaphore, #tpu.memory_space<semaphore_mem>>
    %dma_wait3A_1644 = tpu.memref_squeeze %dma_wait3A_1643 : memref<1x!tpu.dma_semaphore, #tpu.memory_space<semaphore_mem>> -> memref<!tpu.dma_semaphore, #tpu.memory_space<semaphore_mem>>
    %dma_wait3A_1645 = arith.constant 0 : i32
    %dma_wait3A_1646 = arith.constant 0 : i32
    %dma_wait3A_1647 = tpu.memref_slice %arg5[%dma_wait3A_1635, %dma_wait3A_1645, %dma_wait3A_1646] : memref<7x16x1024xf32, #tpu.memory_space<vmem>> -> memref<1x16x1024xf32, #tpu.memory_space<vmem>>
    %dma_wait3A_1648 = tpu.memref_squeeze %dma_wait3A_1647 : memref<1x16x1024xf32, #tpu.memory_space<vmem>> -> memref<16x1024xf32, #tpu.memory_space<vmem>>
    %dma_wait3A_1649 = arith.constant 0 : i32
    %dma_wait3A_1650 = tpu.memref_slice %arg2[%add3A_1210, %dma_wait3A_1649] : memref<16384x1024xf32, #tpu.memory_space<hbm>> -> memref<16x1024xf32, #tpu.memory_space<hbm>>
    tpu.wait_dma2 semaphore(%dma_wait3A_1644 : memref<!tpu.dma_semaphore, #tpu.memory_space<semaphore_mem>>) src(%dma_wait3A_1650 : memref<16x1024xf32, #tpu.memory_space<hbm>>) dst(%dma_wait3A_1648 : memref<16x1024xf32, #tpu.memory_space<vmem>>)
    %add3A_1651 = arith.constant 352 : i32
    %add3A_1652 = arith.addi %mul3A_2, %add3A_1651 : i32
    %dma_start3A_1653 = arith.constant 1 : i32
    %dma_start3A_1654 = arith.constant 1 : i32
    %dma_start3A_1655 = arith.constant 0 : i32
    %dma_start3A_1656 = arith.constant 0 : i32
    %dma_start3A_1657 = tpu.memref_slice %arg5[%dma_start3A_1653, %dma_start3A_1655, %dma_start3A_1656] : memref<7x16x1024xf32, #tpu.memory_space<vmem>> -> memref<1x16x1024xf32, #tpu.memory_space<vmem>>
    %dma_start3A_1658 = tpu.memref_squeeze %dma_start3A_1657 : memref<1x16x1024xf32, #tpu.memory_space<vmem>> -> memref<16x1024xf32, #tpu.memory_space<vmem>>
    %dma_start3A_1659 = arith.constant 0 : i32
    %dma_start3A_1660 = tpu.memref_slice %arg4[%add3A_1652, %dma_start3A_1659] : memref<16384x1024xf32, #tpu.memory_space<hbm>> -> memref<16x1024xf32, #tpu.memory_space<hbm>>
    %dma_start3A_1661 = tpu.memref_slice %arg8[%dma_start3A_1654] : memref<7x!tpu.dma_semaphore, #tpu.memory_space<semaphore_mem>> -> memref<1x!tpu.dma_semaphore, #tpu.memory_space<semaphore_mem>>
    %dma_start3A_1662 = tpu.memref_squeeze %dma_start3A_1661 : memref<1x!tpu.dma_semaphore, #tpu.memory_space<semaphore_mem>> -> memref<!tpu.dma_semaphore, #tpu.memory_space<semaphore_mem>>
    %dma_start3A_1663 = arith.constant 0 : i32
    %dma_start3A_1664 = tpu.memref_slice %arg4[%add3A_1652, %dma_start3A_1663] : memref<16384x1024xf32, #tpu.memory_space<hbm>> -> memref<16x1024xf32, #tpu.memory_space<hbm>>
    %dma_start3A_1665 = arith.constant 0 : i32
    %dma_start3A_1666 = arith.constant 0 : i32
    %dma_start3A_1667 = tpu.memref_slice %arg5[%dma_start3A_1653, %dma_start3A_1665, %dma_start3A_1666] : memref<7x16x1024xf32, #tpu.memory_space<vmem>> -> memref<1x16x1024xf32, #tpu.memory_space<vmem>>
    %dma_start3A_1668 = tpu.memref_squeeze %dma_start3A_1667 : memref<1x16x1024xf32, #tpu.memory_space<vmem>> -> memref<16x1024xf32, #tpu.memory_space<vmem>>
    tpu.enqueue_dma source(%dma_start3A_1668 : memref<16x1024xf32, #tpu.memory_space<vmem>>) target(%dma_start3A_1664 : memref<16x1024xf32, #tpu.memory_space<hbm>>) target_semaphore(%dma_start3A_1662 : memref<!tpu.dma_semaphore, #tpu.memory_space<semaphore_mem>>)
    %dma_wait3A_1669 = arith.constant 1 : i32
    %dma_wait3A_1670 = arith.constant 1 : i32
    %dma_wait3A_1671 = arith.constant 0 : i32
    %dma_wait3A_1672 = arith.constant 0 : i32
    %dma_wait3A_1673 = tpu.memref_slice %arg5[%dma_wait3A_1669, %dma_wait3A_1671, %dma_wait3A_1672] : memref<7x16x1024xf32, #tpu.memory_space<vmem>> -> memref<1x16x1024xf32, #tpu.memory_space<vmem>>
    %dma_wait3A_1674 = tpu.memref_squeeze %dma_wait3A_1673 : memref<1x16x1024xf32, #tpu.memory_space<vmem>> -> memref<16x1024xf32, #tpu.memory_space<vmem>>
    %dma_wait3A_1675 = arith.constant 0 : i32
    %dma_wait3A_1676 = tpu.memref_slice %arg4[%add3A_1652, %dma_wait3A_1675] : memref<16384x1024xf32, #tpu.memory_space<hbm>> -> memref<16x1024xf32, #tpu.memory_space<hbm>>
    %dma_wait3A_1677 = tpu.memref_slice %arg8[%dma_wait3A_1670] : memref<7x!tpu.dma_semaphore, #tpu.memory_space<semaphore_mem>> -> memref<1x!tpu.dma_semaphore, #tpu.memory_space<semaphore_mem>>
    %dma_wait3A_1678 = tpu.memref_squeeze %dma_wait3A_1677 : memref<1x!tpu.dma_semaphore, #tpu.memory_space<semaphore_mem>> -> memref<!tpu.dma_semaphore, #tpu.memory_space<semaphore_mem>>
    %dma_wait3A_1679 = arith.constant 0 : i32
    %dma_wait3A_1680 = tpu.memref_slice %arg4[%add3A_1652, %dma_wait3A_1679] : memref<16384x1024xf32, #tpu.memory_space<hbm>> -> memref<16x1024xf32, #tpu.memory_space<hbm>>
    %dma_wait3A_1681 = arith.constant 0 : i32
    %dma_wait3A_1682 = arith.constant 0 : i32
    %dma_wait3A_1683 = tpu.memref_slice %arg5[%dma_wait3A_1669, %dma_wait3A_1681, %dma_wait3A_1682] : memref<7x16x1024xf32, #tpu.memory_space<vmem>> -> memref<1x16x1024xf32, #tpu.memory_space<vmem>>
    %dma_wait3A_1684 = tpu.memref_squeeze %dma_wait3A_1683 : memref<1x16x1024xf32, #tpu.memory_space<vmem>> -> memref<16x1024xf32, #tpu.memory_space<vmem>>
    tpu.wait_dma2 semaphore(%dma_wait3A_1678 : memref<!tpu.dma_semaphore, #tpu.memory_space<semaphore_mem>>) src(%dma_wait3A_1684 : memref<16x1024xf32, #tpu.memory_space<vmem>>) dst(%dma_wait3A_1680 : memref<16x1024xf32, #tpu.memory_space<hbm>>)
    %add3A_1685 = arith.constant 464 : i32
    %add3A_1686 = arith.addi %mul3A_2, %add3A_1685 : i32
    %dma_start3A_1687 = arith.constant 1 : i32
    %dma_start3A_1688 = arith.constant 1 : i32
    %dma_start3A_1689 = arith.constant 0 : i32
    %dma_start3A_1690 = arith.constant 0 : i32
    %dma_start3A_1691 = tpu.memref_slice %arg5[%dma_start3A_1687, %dma_start3A_1689, %dma_start3A_1690] : memref<7x16x1024xf32, #tpu.memory_space<vmem>> -> memref<1x16x1024xf32, #tpu.memory_space<vmem>>
    %dma_start3A_1692 = tpu.memref_squeeze %dma_start3A_1691 : memref<1x16x1024xf32, #tpu.memory_space<vmem>> -> memref<16x1024xf32, #tpu.memory_space<vmem>>
    %dma_start3A_1693 = arith.constant 0 : i32
    %dma_start3A_1694 = tpu.memref_slice %arg2[%add3A_1686, %dma_start3A_1693] : memref<16384x1024xf32, #tpu.memory_space<hbm>> -> memref<16x1024xf32, #tpu.memory_space<hbm>>
    %dma_start3A_1695 = tpu.memref_slice %arg7[%dma_start3A_1688] : memref<7x!tpu.dma_semaphore, #tpu.memory_space<semaphore_mem>> -> memref<1x!tpu.dma_semaphore, #tpu.memory_space<semaphore_mem>>
    %dma_start3A_1696 = tpu.memref_squeeze %dma_start3A_1695 : memref<1x!tpu.dma_semaphore, #tpu.memory_space<semaphore_mem>> -> memref<!tpu.dma_semaphore, #tpu.memory_space<semaphore_mem>>
    %dma_start3A_1697 = arith.constant 0 : i32
    %dma_start3A_1698 = arith.constant 0 : i32
    %dma_start3A_1699 = tpu.memref_slice %arg5[%dma_start3A_1687, %dma_start3A_1697, %dma_start3A_1698] : memref<7x16x1024xf32, #tpu.memory_space<vmem>> -> memref<1x16x1024xf32, #tpu.memory_space<vmem>>
    %dma_start3A_1700 = tpu.memref_squeeze %dma_start3A_1699 : memref<1x16x1024xf32, #tpu.memory_space<vmem>> -> memref<16x1024xf32, #tpu.memory_space<vmem>>
    %dma_start3A_1701 = arith.constant 0 : i32
    %dma_start3A_1702 = tpu.memref_slice %arg2[%add3A_1686, %dma_start3A_1701] : memref<16384x1024xf32, #tpu.memory_space<hbm>> -> memref<16x1024xf32, #tpu.memory_space<hbm>>
    tpu.enqueue_dma source(%dma_start3A_1702 : memref<16x1024xf32, #tpu.memory_space<hbm>>) target(%dma_start3A_1700 : memref<16x1024xf32, #tpu.memory_space<vmem>>) target_semaphore(%dma_start3A_1696 : memref<!tpu.dma_semaphore, #tpu.memory_space<semaphore_mem>>)
    %dma_wait3A_1703 = arith.constant 2 : i32
    %dma_wait3A_1704 = arith.constant 2 : i32
    %dma_wait3A_1705 = arith.constant 0 : i32
    %dma_wait3A_1706 = arith.constant 0 : i32
    %dma_wait3A_1707 = tpu.memref_slice %arg5[%dma_wait3A_1703, %dma_wait3A_1705, %dma_wait3A_1706] : memref<7x16x1024xf32, #tpu.memory_space<vmem>> -> memref<1x16x1024xf32, #tpu.memory_space<vmem>>
    %dma_wait3A_1708 = tpu.memref_squeeze %dma_wait3A_1707 : memref<1x16x1024xf32, #tpu.memory_space<vmem>> -> memref<16x1024xf32, #tpu.memory_space<vmem>>
    %dma_wait3A_1709 = arith.constant 0 : i32
    %dma_wait3A_1710 = tpu.memref_slice %arg2[%add3A_1278, %dma_wait3A_1709] : memref<16384x1024xf32, #tpu.memory_space<hbm>> -> memref<16x1024xf32, #tpu.memory_space<hbm>>
    %dma_wait3A_1711 = tpu.memref_slice %arg7[%dma_wait3A_1704] : memref<7x!tpu.dma_semaphore, #tpu.memory_space<semaphore_mem>> -> memref<1x!tpu.dma_semaphore, #tpu.memory_space<semaphore_mem>>
    %dma_wait3A_1712 = tpu.memref_squeeze %dma_wait3A_1711 : memref<1x!tpu.dma_semaphore, #tpu.memory_space<semaphore_mem>> -> memref<!tpu.dma_semaphore, #tpu.memory_space<semaphore_mem>>
    %dma_wait3A_1713 = arith.constant 0 : i32
    %dma_wait3A_1714 = arith.constant 0 : i32
    %dma_wait3A_1715 = tpu.memref_slice %arg5[%dma_wait3A_1703, %dma_wait3A_1713, %dma_wait3A_1714] : memref<7x16x1024xf32, #tpu.memory_space<vmem>> -> memref<1x16x1024xf32, #tpu.memory_space<vmem>>
    %dma_wait3A_1716 = tpu.memref_squeeze %dma_wait3A_1715 : memref<1x16x1024xf32, #tpu.memory_space<vmem>> -> memref<16x1024xf32, #tpu.memory_space<vmem>>
    %dma_wait3A_1717 = arith.constant 0 : i32
    %dma_wait3A_1718 = tpu.memref_slice %arg2[%add3A_1278, %dma_wait3A_1717] : memref<16384x1024xf32, #tpu.memory_space<hbm>> -> memref<16x1024xf32, #tpu.memory_space<hbm>>
    tpu.wait_dma2 semaphore(%dma_wait3A_1712 : memref<!tpu.dma_semaphore, #tpu.memory_space<semaphore_mem>>) src(%dma_wait3A_1718 : memref<16x1024xf32, #tpu.memory_space<hbm>>) dst(%dma_wait3A_1716 : memref<16x1024xf32, #tpu.memory_space<vmem>>)
    %add3A_1719 = arith.constant 368 : i32
    %add3A_1720 = arith.addi %mul3A_2, %add3A_1719 : i32
    %dma_start3A_1721 = arith.constant 2 : i32
    %dma_start3A_1722 = arith.constant 2 : i32
    %dma_start3A_1723 = arith.constant 0 : i32
    %dma_start3A_1724 = arith.constant 0 : i32
    %dma_start3A_1725 = tpu.memref_slice %arg5[%dma_start3A_1721, %dma_start3A_1723, %dma_start3A_1724] : memref<7x16x1024xf32, #tpu.memory_space<vmem>> -> memref<1x16x1024xf32, #tpu.memory_space<vmem>>
    %dma_start3A_1726 = tpu.memref_squeeze %dma_start3A_1725 : memref<1x16x1024xf32, #tpu.memory_space<vmem>> -> memref<16x1024xf32, #tpu.memory_space<vmem>>
    %dma_start3A_1727 = arith.constant 0 : i32
    %dma_start3A_1728 = tpu.memref_slice %arg4[%add3A_1720, %dma_start3A_1727] : memref<16384x1024xf32, #tpu.memory_space<hbm>> -> memref<16x1024xf32, #tpu.memory_space<hbm>>
    %dma_start3A_1729 = tpu.memref_slice %arg8[%dma_start3A_1722] : memref<7x!tpu.dma_semaphore, #tpu.memory_space<semaphore_mem>> -> memref<1x!tpu.dma_semaphore, #tpu.memory_space<semaphore_mem>>
    %dma_start3A_1730 = tpu.memref_squeeze %dma_start3A_1729 : memref<1x!tpu.dma_semaphore, #tpu.memory_space<semaphore_mem>> -> memref<!tpu.dma_semaphore, #tpu.memory_space<semaphore_mem>>
    %dma_start3A_1731 = arith.constant 0 : i32
    %dma_start3A_1732 = tpu.memref_slice %arg4[%add3A_1720, %dma_start3A_1731] : memref<16384x1024xf32, #tpu.memory_space<hbm>> -> memref<16x1024xf32, #tpu.memory_space<hbm>>
    %dma_start3A_1733 = arith.constant 0 : i32
    %dma_start3A_1734 = arith.constant 0 : i32
    %dma_start3A_1735 = tpu.memref_slice %arg5[%dma_start3A_1721, %dma_start3A_1733, %dma_start3A_1734] : memref<7x16x1024xf32, #tpu.memory_space<vmem>> -> memref<1x16x1024xf32, #tpu.memory_space<vmem>>
    %dma_start3A_1736 = tpu.memref_squeeze %dma_start3A_1735 : memref<1x16x1024xf32, #tpu.memory_space<vmem>> -> memref<16x1024xf32, #tpu.memory_space<vmem>>
    tpu.enqueue_dma source(%dma_start3A_1736 : memref<16x1024xf32, #tpu.memory_space<vmem>>) target(%dma_start3A_1732 : memref<16x1024xf32, #tpu.memory_space<hbm>>) target_semaphore(%dma_start3A_1730 : memref<!tpu.dma_semaphore, #tpu.memory_space<semaphore_mem>>)
    %dma_wait3A_1737 = arith.constant 2 : i32
    %dma_wait3A_1738 = arith.constant 2 : i32
    %dma_wait3A_1739 = arith.constant 0 : i32
    %dma_wait3A_1740 = arith.constant 0 : i32
    %dma_wait3A_1741 = tpu.memref_slice %arg5[%dma_wait3A_1737, %dma_wait3A_1739, %dma_wait3A_1740] : memref<7x16x1024xf32, #tpu.memory_space<vmem>> -> memref<1x16x1024xf32, #tpu.memory_space<vmem>>
    %dma_wait3A_1742 = tpu.memref_squeeze %dma_wait3A_1741 : memref<1x16x1024xf32, #tpu.memory_space<vmem>> -> memref<16x1024xf32, #tpu.memory_space<vmem>>
    %dma_wait3A_1743 = arith.constant 0 : i32
    %dma_wait3A_1744 = tpu.memref_slice %arg4[%add3A_1720, %dma_wait3A_1743] : memref<16384x1024xf32, #tpu.memory_space<hbm>> -> memref<16x1024xf32, #tpu.memory_space<hbm>>
    %dma_wait3A_1745 = tpu.memref_slice %arg8[%dma_wait3A_1738] : memref<7x!tpu.dma_semaphore, #tpu.memory_space<semaphore_mem>> -> memref<1x!tpu.dma_semaphore, #tpu.memory_space<semaphore_mem>>
    %dma_wait3A_1746 = tpu.memref_squeeze %dma_wait3A_1745 : memref<1x!tpu.dma_semaphore, #tpu.memory_space<semaphore_mem>> -> memref<!tpu.dma_semaphore, #tpu.memory_space<semaphore_mem>>
    %dma_wait3A_1747 = arith.constant 0 : i32
    %dma_wait3A_1748 = tpu.memref_slice %arg4[%add3A_1720, %dma_wait3A_1747] : memref<16384x1024xf32, #tpu.memory_space<hbm>> -> memref<16x1024xf32, #tpu.memory_space<hbm>>
    %dma_wait3A_1749 = arith.constant 0 : i32
    %dma_wait3A_1750 = arith.constant 0 : i32
    %dma_wait3A_1751 = tpu.memref_slice %arg5[%dma_wait3A_1737, %dma_wait3A_1749, %dma_wait3A_1750] : memref<7x16x1024xf32, #tpu.memory_space<vmem>> -> memref<1x16x1024xf32, #tpu.memory_space<vmem>>
    %dma_wait3A_1752 = tpu.memref_squeeze %dma_wait3A_1751 : memref<1x16x1024xf32, #tpu.memory_space<vmem>> -> memref<16x1024xf32, #tpu.memory_space<vmem>>
    tpu.wait_dma2 semaphore(%dma_wait3A_1746 : memref<!tpu.dma_semaphore, #tpu.memory_space<semaphore_mem>>) src(%dma_wait3A_1752 : memref<16x1024xf32, #tpu.memory_space<vmem>>) dst(%dma_wait3A_1748 : memref<16x1024xf32, #tpu.memory_space<hbm>>)
    %add3A_1753 = arith.constant 480 : i32
    %add3A_1754 = arith.addi %mul3A_2, %add3A_1753 : i32
    %dma_start3A_1755 = arith.constant 2 : i32
    %dma_start3A_1756 = arith.constant 2 : i32
    %dma_start3A_1757 = arith.constant 0 : i32
    %dma_start3A_1758 = arith.constant 0 : i32
    %dma_start3A_1759 = tpu.memref_slice %arg5[%dma_start3A_1755, %dma_start3A_1757, %dma_start3A_1758] : memref<7x16x1024xf32, #tpu.memory_space<vmem>> -> memref<1x16x1024xf32, #tpu.memory_space<vmem>>
    %dma_start3A_1760 = tpu.memref_squeeze %dma_start3A_1759 : memref<1x16x1024xf32, #tpu.memory_space<vmem>> -> memref<16x1024xf32, #tpu.memory_space<vmem>>
    %dma_start3A_1761 = arith.constant 0 : i32
    %dma_start3A_1762 = tpu.memref_slice %arg2[%add3A_1754, %dma_start3A_1761] : memref<16384x1024xf32, #tpu.memory_space<hbm>> -> memref<16x1024xf32, #tpu.memory_space<hbm>>
    %dma_start3A_1763 = tpu.memref_slice %arg7[%dma_start3A_1756] : memref<7x!tpu.dma_semaphore, #tpu.memory_space<semaphore_mem>> -> memref<1x!tpu.dma_semaphore, #tpu.memory_space<semaphore_mem>>
    %dma_start3A_1764 = tpu.memref_squeeze %dma_start3A_1763 : memref<1x!tpu.dma_semaphore, #tpu.memory_space<semaphore_mem>> -> memref<!tpu.dma_semaphore, #tpu.memory_space<semaphore_mem>>
    %dma_start3A_1765 = arith.constant 0 : i32
    %dma_start3A_1766 = arith.constant 0 : i32
    %dma_start3A_1767 = tpu.memref_slice %arg5[%dma_start3A_1755, %dma_start3A_1765, %dma_start3A_1766] : memref<7x16x1024xf32, #tpu.memory_space<vmem>> -> memref<1x16x1024xf32, #tpu.memory_space<vmem>>
    %dma_start3A_1768 = tpu.memref_squeeze %dma_start3A_1767 : memref<1x16x1024xf32, #tpu.memory_space<vmem>> -> memref<16x1024xf32, #tpu.memory_space<vmem>>
    %dma_start3A_1769 = arith.constant 0 : i32
    %dma_start3A_1770 = tpu.memref_slice %arg2[%add3A_1754, %dma_start3A_1769] : memref<16384x1024xf32, #tpu.memory_space<hbm>> -> memref<16x1024xf32, #tpu.memory_space<hbm>>
    tpu.enqueue_dma source(%dma_start3A_1770 : memref<16x1024xf32, #tpu.memory_space<hbm>>) target(%dma_start3A_1768 : memref<16x1024xf32, #tpu.memory_space<vmem>>) target_semaphore(%dma_start3A_1764 : memref<!tpu.dma_semaphore, #tpu.memory_space<semaphore_mem>>)
    %dma_wait3A_1771 = arith.constant 3 : i32
    %dma_wait3A_1772 = arith.constant 3 : i32
    %dma_wait3A_1773 = arith.constant 0 : i32
    %dma_wait3A_1774 = arith.constant 0 : i32
    %dma_wait3A_1775 = tpu.memref_slice %arg5[%dma_wait3A_1771, %dma_wait3A_1773, %dma_wait3A_1774] : memref<7x16x1024xf32, #tpu.memory_space<vmem>> -> memref<1x16x1024xf32, #tpu.memory_space<vmem>>
    %dma_wait3A_1776 = tpu.memref_squeeze %dma_wait3A_1775 : memref<1x16x1024xf32, #tpu.memory_space<vmem>> -> memref<16x1024xf32, #tpu.memory_space<vmem>>
    %dma_wait3A_1777 = arith.constant 0 : i32
    %dma_wait3A_1778 = tpu.memref_slice %arg2[%add3A_1346, %dma_wait3A_1777] : memref<16384x1024xf32, #tpu.memory_space<hbm>> -> memref<16x1024xf32, #tpu.memory_space<hbm>>
    %dma_wait3A_1779 = tpu.memref_slice %arg7[%dma_wait3A_1772] : memref<7x!tpu.dma_semaphore, #tpu.memory_space<semaphore_mem>> -> memref<1x!tpu.dma_semaphore, #tpu.memory_space<semaphore_mem>>
    %dma_wait3A_1780 = tpu.memref_squeeze %dma_wait3A_1779 : memref<1x!tpu.dma_semaphore, #tpu.memory_space<semaphore_mem>> -> memref<!tpu.dma_semaphore, #tpu.memory_space<semaphore_mem>>
    %dma_wait3A_1781 = arith.constant 0 : i32
    %dma_wait3A_1782 = arith.constant 0 : i32
    %dma_wait3A_1783 = tpu.memref_slice %arg5[%dma_wait3A_1771, %dma_wait3A_1781, %dma_wait3A_1782] : memref<7x16x1024xf32, #tpu.memory_space<vmem>> -> memref<1x16x1024xf32, #tpu.memory_space<vmem>>
    %dma_wait3A_1784 = tpu.memref_squeeze %dma_wait3A_1783 : memref<1x16x1024xf32, #tpu.memory_space<vmem>> -> memref<16x1024xf32, #tpu.memory_space<vmem>>
    %dma_wait3A_1785 = arith.constant 0 : i32
    %dma_wait3A_1786 = tpu.memref_slice %arg2[%add3A_1346, %dma_wait3A_1785] : memref<16384x1024xf32, #tpu.memory_space<hbm>> -> memref<16x1024xf32, #tpu.memory_space<hbm>>
    tpu.wait_dma2 semaphore(%dma_wait3A_1780 : memref<!tpu.dma_semaphore, #tpu.memory_space<semaphore_mem>>) src(%dma_wait3A_1786 : memref<16x1024xf32, #tpu.memory_space<hbm>>) dst(%dma_wait3A_1784 : memref<16x1024xf32, #tpu.memory_space<vmem>>)
    %add3A_1787 = arith.constant 384 : i32
    %add3A_1788 = arith.addi %mul3A_2, %add3A_1787 : i32
    %dma_start3A_1789 = arith.constant 3 : i32
    %dma_start3A_1790 = arith.constant 3 : i32
    %dma_start3A_1791 = arith.constant 0 : i32
    %dma_start3A_1792 = arith.constant 0 : i32
    %dma_start3A_1793 = tpu.memref_slice %arg5[%dma_start3A_1789, %dma_start3A_1791, %dma_start3A_1792] : memref<7x16x1024xf32, #tpu.memory_space<vmem>> -> memref<1x16x1024xf32, #tpu.memory_space<vmem>>
    %dma_start3A_1794 = tpu.memref_squeeze %dma_start3A_1793 : memref<1x16x1024xf32, #tpu.memory_space<vmem>> -> memref<16x1024xf32, #tpu.memory_space<vmem>>
    %dma_start3A_1795 = arith.constant 0 : i32
    %dma_start3A_1796 = tpu.memref_slice %arg4[%add3A_1788, %dma_start3A_1795] : memref<16384x1024xf32, #tpu.memory_space<hbm>> -> memref<16x1024xf32, #tpu.memory_space<hbm>>
    %dma_start3A_1797 = tpu.memref_slice %arg8[%dma_start3A_1790] : memref<7x!tpu.dma_semaphore, #tpu.memory_space<semaphore_mem>> -> memref<1x!tpu.dma_semaphore, #tpu.memory_space<semaphore_mem>>
    %dma_start3A_1798 = tpu.memref_squeeze %dma_start3A_1797 : memref<1x!tpu.dma_semaphore, #tpu.memory_space<semaphore_mem>> -> memref<!tpu.dma_semaphore, #tpu.memory_space<semaphore_mem>>
    %dma_start3A_1799 = arith.constant 0 : i32
    %dma_start3A_1800 = tpu.memref_slice %arg4[%add3A_1788, %dma_start3A_1799] : memref<16384x1024xf32, #tpu.memory_space<hbm>> -> memref<16x1024xf32, #tpu.memory_space<hbm>>
    %dma_start3A_1801 = arith.constant 0 : i32
    %dma_start3A_1802 = arith.constant 0 : i32
    %dma_start3A_1803 = tpu.memref_slice %arg5[%dma_start3A_1789, %dma_start3A_1801, %dma_start3A_1802] : memref<7x16x1024xf32, #tpu.memory_space<vmem>> -> memref<1x16x1024xf32, #tpu.memory_space<vmem>>
    %dma_start3A_1804 = tpu.memref_squeeze %dma_start3A_1803 : memref<1x16x1024xf32, #tpu.memory_space<vmem>> -> memref<16x1024xf32, #tpu.memory_space<vmem>>
    tpu.enqueue_dma source(%dma_start3A_1804 : memref<16x1024xf32, #tpu.memory_space<vmem>>) target(%dma_start3A_1800 : memref<16x1024xf32, #tpu.memory_space<hbm>>) target_semaphore(%dma_start3A_1798 : memref<!tpu.dma_semaphore, #tpu.memory_space<semaphore_mem>>)
    %dma_wait3A_1805 = arith.constant 3 : i32
    %dma_wait3A_1806 = arith.constant 3 : i32
    %dma_wait3A_1807 = arith.constant 0 : i32
    %dma_wait3A_1808 = arith.constant 0 : i32
    %dma_wait3A_1809 = tpu.memref_slice %arg5[%dma_wait3A_1805, %dma_wait3A_1807, %dma_wait3A_1808] : memref<7x16x1024xf32, #tpu.memory_space<vmem>> -> memref<1x16x1024xf32, #tpu.memory_space<vmem>>
    %dma_wait3A_1810 = tpu.memref_squeeze %dma_wait3A_1809 : memref<1x16x1024xf32, #tpu.memory_space<vmem>> -> memref<16x1024xf32, #tpu.memory_space<vmem>>
    %dma_wait3A_1811 = arith.constant 0 : i32
    %dma_wait3A_1812 = tpu.memref_slice %arg4[%add3A_1788, %dma_wait3A_1811] : memref<16384x1024xf32, #tpu.memory_space<hbm>> -> memref<16x1024xf32, #tpu.memory_space<hbm>>
    %dma_wait3A_1813 = tpu.memref_slice %arg8[%dma_wait3A_1806] : memref<7x!tpu.dma_semaphore, #tpu.memory_space<semaphore_mem>> -> memref<1x!tpu.dma_semaphore, #tpu.memory_space<semaphore_mem>>
    %dma_wait3A_1814 = tpu.memref_squeeze %dma_wait3A_1813 : memref<1x!tpu.dma_semaphore, #tpu.memory_space<semaphore_mem>> -> memref<!tpu.dma_semaphore, #tpu.memory_space<semaphore_mem>>
    %dma_wait3A_1815 = arith.constant 0 : i32
    %dma_wait3A_1816 = tpu.memref_slice %arg4[%add3A_1788, %dma_wait3A_1815] : memref<16384x1024xf32, #tpu.memory_space<hbm>> -> memref<16x1024xf32, #tpu.memory_space<hbm>>
    %dma_wait3A_1817 = arith.constant 0 : i32
    %dma_wait3A_1818 = arith.constant 0 : i32
    %dma_wait3A_1819 = tpu.memref_slice %arg5[%dma_wait3A_1805, %dma_wait3A_1817, %dma_wait3A_1818] : memref<7x16x1024xf32, #tpu.memory_space<vmem>> -> memref<1x16x1024xf32, #tpu.memory_space<vmem>>
    %dma_wait3A_1820 = tpu.memref_squeeze %dma_wait3A_1819 : memref<1x16x1024xf32, #tpu.memory_space<vmem>> -> memref<16x1024xf32, #tpu.memory_space<vmem>>
    tpu.wait_dma2 semaphore(%dma_wait3A_1814 : memref<!tpu.dma_semaphore, #tpu.memory_space<semaphore_mem>>) src(%dma_wait3A_1820 : memref<16x1024xf32, #tpu.memory_space<vmem>>) dst(%dma_wait3A_1816 : memref<16x1024xf32, #tpu.memory_space<hbm>>)
    %add3A_1821 = arith.constant 496 : i32
    %add3A_1822 = arith.addi %mul3A_2, %add3A_1821 : i32
    %dma_start3A_1823 = arith.constant 3 : i32
    %dma_start3A_1824 = arith.constant 3 : i32
    %dma_start3A_1825 = arith.constant 0 : i32
    %dma_start3A_1826 = arith.constant 0 : i32
    %dma_start3A_1827 = tpu.memref_slice %arg5[%dma_start3A_1823, %dma_start3A_1825, %dma_start3A_1826] : memref<7x16x1024xf32, #tpu.memory_space<vmem>> -> memref<1x16x1024xf32, #tpu.memory_space<vmem>>
    %dma_start3A_1828 = tpu.memref_squeeze %dma_start3A_1827 : memref<1x16x1024xf32, #tpu.memory_space<vmem>> -> memref<16x1024xf32, #tpu.memory_space<vmem>>
    %dma_start3A_1829 = arith.constant 0 : i32
    %dma_start3A_1830 = tpu.memref_slice %arg2[%add3A_1822, %dma_start3A_1829] : memref<16384x1024xf32, #tpu.memory_space<hbm>> -> memref<16x1024xf32, #tpu.memory_space<hbm>>
    %dma_start3A_1831 = tpu.memref_slice %arg7[%dma_start3A_1824] : memref<7x!tpu.dma_semaphore, #tpu.memory_space<semaphore_mem>> -> memref<1x!tpu.dma_semaphore, #tpu.memory_space<semaphore_mem>>
    %dma_start3A_1832 = tpu.memref_squeeze %dma_start3A_1831 : memref<1x!tpu.dma_semaphore, #tpu.memory_space<semaphore_mem>> -> memref<!tpu.dma_semaphore, #tpu.memory_space<semaphore_mem>>
    %dma_start3A_1833 = arith.constant 0 : i32
    %dma_start3A_1834 = arith.constant 0 : i32
    %dma_start3A_1835 = tpu.memref_slice %arg5[%dma_start3A_1823, %dma_start3A_1833, %dma_start3A_1834] : memref<7x16x1024xf32, #tpu.memory_space<vmem>> -> memref<1x16x1024xf32, #tpu.memory_space<vmem>>
    %dma_start3A_1836 = tpu.memref_squeeze %dma_start3A_1835 : memref<1x16x1024xf32, #tpu.memory_space<vmem>> -> memref<16x1024xf32, #tpu.memory_space<vmem>>
    %dma_start3A_1837 = arith.constant 0 : i32
    %dma_start3A_1838 = tpu.memref_slice %arg2[%add3A_1822, %dma_start3A_1837] : memref<16384x1024xf32, #tpu.memory_space<hbm>> -> memref<16x1024xf32, #tpu.memory_space<hbm>>
    tpu.enqueue_dma source(%dma_start3A_1838 : memref<16x1024xf32, #tpu.memory_space<hbm>>) target(%dma_start3A_1836 : memref<16x1024xf32, #tpu.memory_space<vmem>>) target_semaphore(%dma_start3A_1832 : memref<!tpu.dma_semaphore, #tpu.memory_space<semaphore_mem>>)
    %dma_wait3A_1839 = arith.constant 4 : i32
    %dma_wait3A_1840 = arith.constant 4 : i32
    %dma_wait3A_1841 = arith.constant 0 : i32
    %dma_wait3A_1842 = arith.constant 0 : i32
    %dma_wait3A_1843 = tpu.memref_slice %arg5[%dma_wait3A_1839, %dma_wait3A_1841, %dma_wait3A_1842] : memref<7x16x1024xf32, #tpu.memory_space<vmem>> -> memref<1x16x1024xf32, #tpu.memory_space<vmem>>
    %dma_wait3A_1844 = tpu.memref_squeeze %dma_wait3A_1843 : memref<1x16x1024xf32, #tpu.memory_space<vmem>> -> memref<16x1024xf32, #tpu.memory_space<vmem>>
    %dma_wait3A_1845 = arith.constant 0 : i32
    %dma_wait3A_1846 = tpu.memref_slice %arg2[%add3A_1414, %dma_wait3A_1845] : memref<16384x1024xf32, #tpu.memory_space<hbm>> -> memref<16x1024xf32, #tpu.memory_space<hbm>>
    %dma_wait3A_1847 = tpu.memref_slice %arg7[%dma_wait3A_1840] : memref<7x!tpu.dma_semaphore, #tpu.memory_space<semaphore_mem>> -> memref<1x!tpu.dma_semaphore, #tpu.memory_space<semaphore_mem>>
    %dma_wait3A_1848 = tpu.memref_squeeze %dma_wait3A_1847 : memref<1x!tpu.dma_semaphore, #tpu.memory_space<semaphore_mem>> -> memref<!tpu.dma_semaphore, #tpu.memory_space<semaphore_mem>>
    %dma_wait3A_1849 = arith.constant 0 : i32
    %dma_wait3A_1850 = arith.constant 0 : i32
    %dma_wait3A_1851 = tpu.memref_slice %arg5[%dma_wait3A_1839, %dma_wait3A_1849, %dma_wait3A_1850] : memref<7x16x1024xf32, #tpu.memory_space<vmem>> -> memref<1x16x1024xf32, #tpu.memory_space<vmem>>
    %dma_wait3A_1852 = tpu.memref_squeeze %dma_wait3A_1851 : memref<1x16x1024xf32, #tpu.memory_space<vmem>> -> memref<16x1024xf32, #tpu.memory_space<vmem>>
    %dma_wait3A_1853 = arith.constant 0 : i32
    %dma_wait3A_1854 = tpu.memref_slice %arg2[%add3A_1414, %dma_wait3A_1853] : memref<16384x1024xf32, #tpu.memory_space<hbm>> -> memref<16x1024xf32, #tpu.memory_space<hbm>>
    tpu.wait_dma2 semaphore(%dma_wait3A_1848 : memref<!tpu.dma_semaphore, #tpu.memory_space<semaphore_mem>>) src(%dma_wait3A_1854 : memref<16x1024xf32, #tpu.memory_space<hbm>>) dst(%dma_wait3A_1852 : memref<16x1024xf32, #tpu.memory_space<vmem>>)
    %add3A_1855 = arith.constant 400 : i32
    %add3A_1856 = arith.addi %mul3A_2, %add3A_1855 : i32
    %dma_start3A_1857 = arith.constant 4 : i32
    %dma_start3A_1858 = arith.constant 4 : i32
    %dma_start3A_1859 = arith.constant 0 : i32
    %dma_start3A_1860 = arith.constant 0 : i32
    %dma_start3A_1861 = tpu.memref_slice %arg5[%dma_start3A_1857, %dma_start3A_1859, %dma_start3A_1860] : memref<7x16x1024xf32, #tpu.memory_space<vmem>> -> memref<1x16x1024xf32, #tpu.memory_space<vmem>>
    %dma_start3A_1862 = tpu.memref_squeeze %dma_start3A_1861 : memref<1x16x1024xf32, #tpu.memory_space<vmem>> -> memref<16x1024xf32, #tpu.memory_space<vmem>>
    %dma_start3A_1863 = arith.constant 0 : i32
    %dma_start3A_1864 = tpu.memref_slice %arg4[%add3A_1856, %dma_start3A_1863] : memref<16384x1024xf32, #tpu.memory_space<hbm>> -> memref<16x1024xf32, #tpu.memory_space<hbm>>
    %dma_start3A_1865 = tpu.memref_slice %arg8[%dma_start3A_1858] : memref<7x!tpu.dma_semaphore, #tpu.memory_space<semaphore_mem>> -> memref<1x!tpu.dma_semaphore, #tpu.memory_space<semaphore_mem>>
    %dma_start3A_1866 = tpu.memref_squeeze %dma_start3A_1865 : memref<1x!tpu.dma_semaphore, #tpu.memory_space<semaphore_mem>> -> memref<!tpu.dma_semaphore, #tpu.memory_space<semaphore_mem>>
    %dma_start3A_1867 = arith.constant 0 : i32
    %dma_start3A_1868 = tpu.memref_slice %arg4[%add3A_1856, %dma_start3A_1867] : memref<16384x1024xf32, #tpu.memory_space<hbm>> -> memref<16x1024xf32, #tpu.memory_space<hbm>>
    %dma_start3A_1869 = arith.constant 0 : i32
    %dma_start3A_1870 = arith.constant 0 : i32
    %dma_start3A_1871 = tpu.memref_slice %arg5[%dma_start3A_1857, %dma_start3A_1869, %dma_start3A_1870] : memref<7x16x1024xf32, #tpu.memory_space<vmem>> -> memref<1x16x1024xf32, #tpu.memory_space<vmem>>
    %dma_start3A_1872 = tpu.memref_squeeze %dma_start3A_1871 : memref<1x16x1024xf32, #tpu.memory_space<vmem>> -> memref<16x1024xf32, #tpu.memory_space<vmem>>
    tpu.enqueue_dma source(%dma_start3A_1872 : memref<16x1024xf32, #tpu.memory_space<vmem>>) target(%dma_start3A_1868 : memref<16x1024xf32, #tpu.memory_space<hbm>>) target_semaphore(%dma_start3A_1866 : memref<!tpu.dma_semaphore, #tpu.memory_space<semaphore_mem>>)
    %dma_wait3A_1873 = arith.constant 5 : i32
    %dma_wait3A_1874 = arith.constant 5 : i32
    %dma_wait3A_1875 = arith.constant 0 : i32
    %dma_wait3A_1876 = arith.constant 0 : i32
    %dma_wait3A_1877 = tpu.memref_slice %arg5[%dma_wait3A_1873, %dma_wait3A_1875, %dma_wait3A_1876] : memref<7x16x1024xf32, #tpu.memory_space<vmem>> -> memref<1x16x1024xf32, #tpu.memory_space<vmem>>
    %dma_wait3A_1878 = tpu.memref_squeeze %dma_wait3A_1877 : memref<1x16x1024xf32, #tpu.memory_space<vmem>> -> memref<16x1024xf32, #tpu.memory_space<vmem>>
    %dma_wait3A_1879 = arith.constant 0 : i32
    %dma_wait3A_1880 = tpu.memref_slice %arg2[%add3A_1482, %dma_wait3A_1879] : memref<16384x1024xf32, #tpu.memory_space<hbm>> -> memref<16x1024xf32, #tpu.memory_space<hbm>>
    %dma_wait3A_1881 = tpu.memref_slice %arg7[%dma_wait3A_1874] : memref<7x!tpu.dma_semaphore, #tpu.memory_space<semaphore_mem>> -> memref<1x!tpu.dma_semaphore, #tpu.memory_space<semaphore_mem>>
    %dma_wait3A_1882 = tpu.memref_squeeze %dma_wait3A_1881 : memref<1x!tpu.dma_semaphore, #tpu.memory_space<semaphore_mem>> -> memref<!tpu.dma_semaphore, #tpu.memory_space<semaphore_mem>>
    %dma_wait3A_1883 = arith.constant 0 : i32
    %dma_wait3A_1884 = arith.constant 0 : i32
    %dma_wait3A_1885 = tpu.memref_slice %arg5[%dma_wait3A_1873, %dma_wait3A_1883, %dma_wait3A_1884] : memref<7x16x1024xf32, #tpu.memory_space<vmem>> -> memref<1x16x1024xf32, #tpu.memory_space<vmem>>
    %dma_wait3A_1886 = tpu.memref_squeeze %dma_wait3A_1885 : memref<1x16x1024xf32, #tpu.memory_space<vmem>> -> memref<16x1024xf32, #tpu.memory_space<vmem>>
    %dma_wait3A_1887 = arith.constant 0 : i32
    %dma_wait3A_1888 = tpu.memref_slice %arg2[%add3A_1482, %dma_wait3A_1887] : memref<16384x1024xf32, #tpu.memory_space<hbm>> -> memref<16x1024xf32, #tpu.memory_space<hbm>>
    tpu.wait_dma2 semaphore(%dma_wait3A_1882 : memref<!tpu.dma_semaphore, #tpu.memory_space<semaphore_mem>>) src(%dma_wait3A_1888 : memref<16x1024xf32, #tpu.memory_space<hbm>>) dst(%dma_wait3A_1886 : memref<16x1024xf32, #tpu.memory_space<vmem>>)
    %add3A_1889 = arith.constant 416 : i32
    %add3A_1890 = arith.addi %mul3A_2, %add3A_1889 : i32
    %dma_start3A_1891 = arith.constant 5 : i32
    %dma_start3A_1892 = arith.constant 5 : i32
    %dma_start3A_1893 = arith.constant 0 : i32
    %dma_start3A_1894 = arith.constant 0 : i32
    %dma_start3A_1895 = tpu.memref_slice %arg5[%dma_start3A_1891, %dma_start3A_1893, %dma_start3A_1894] : memref<7x16x1024xf32, #tpu.memory_space<vmem>> -> memref<1x16x1024xf32, #tpu.memory_space<vmem>>
    %dma_start3A_1896 = tpu.memref_squeeze %dma_start3A_1895 : memref<1x16x1024xf32, #tpu.memory_space<vmem>> -> memref<16x1024xf32, #tpu.memory_space<vmem>>
    %dma_start3A_1897 = arith.constant 0 : i32
    %dma_start3A_1898 = tpu.memref_slice %arg4[%add3A_1890, %dma_start3A_1897] : memref<16384x1024xf32, #tpu.memory_space<hbm>> -> memref<16x1024xf32, #tpu.memory_space<hbm>>
    %dma_start3A_1899 = tpu.memref_slice %arg8[%dma_start3A_1892] : memref<7x!tpu.dma_semaphore, #tpu.memory_space<semaphore_mem>> -> memref<1x!tpu.dma_semaphore, #tpu.memory_space<semaphore_mem>>
    %dma_start3A_1900 = tpu.memref_squeeze %dma_start3A_1899 : memref<1x!tpu.dma_semaphore, #tpu.memory_space<semaphore_mem>> -> memref<!tpu.dma_semaphore, #tpu.memory_space<semaphore_mem>>
    %dma_start3A_1901 = arith.constant 0 : i32
    %dma_start3A_1902 = tpu.memref_slice %arg4[%add3A_1890, %dma_start3A_1901] : memref<16384x1024xf32, #tpu.memory_space<hbm>> -> memref<16x1024xf32, #tpu.memory_space<hbm>>
    %dma_start3A_1903 = arith.constant 0 : i32
    %dma_start3A_1904 = arith.constant 0 : i32
    %dma_start3A_1905 = tpu.memref_slice %arg5[%dma_start3A_1891, %dma_start3A_1903, %dma_start3A_1904] : memref<7x16x1024xf32, #tpu.memory_space<vmem>> -> memref<1x16x1024xf32, #tpu.memory_space<vmem>>
    %dma_start3A_1906 = tpu.memref_squeeze %dma_start3A_1905 : memref<1x16x1024xf32, #tpu.memory_space<vmem>> -> memref<16x1024xf32, #tpu.memory_space<vmem>>
    tpu.enqueue_dma source(%dma_start3A_1906 : memref<16x1024xf32, #tpu.memory_space<vmem>>) target(%dma_start3A_1902 : memref<16x1024xf32, #tpu.memory_space<hbm>>) target_semaphore(%dma_start3A_1900 : memref<!tpu.dma_semaphore, #tpu.memory_space<semaphore_mem>>)
    %dma_wait3A_1907 = arith.constant 6 : i32
    %dma_wait3A_1908 = arith.constant 6 : i32
    %dma_wait3A_1909 = arith.constant 0 : i32
    %dma_wait3A_1910 = arith.constant 0 : i32
    %dma_wait3A_1911 = tpu.memref_slice %arg5[%dma_wait3A_1907, %dma_wait3A_1909, %dma_wait3A_1910] : memref<7x16x1024xf32, #tpu.memory_space<vmem>> -> memref<1x16x1024xf32, #tpu.memory_space<vmem>>
    %dma_wait3A_1912 = tpu.memref_squeeze %dma_wait3A_1911 : memref<1x16x1024xf32, #tpu.memory_space<vmem>> -> memref<16x1024xf32, #tpu.memory_space<vmem>>
    %dma_wait3A_1913 = arith.constant 0 : i32
    %dma_wait3A_1914 = tpu.memref_slice %arg2[%add3A_1550, %dma_wait3A_1913] : memref<16384x1024xf32, #tpu.memory_space<hbm>> -> memref<16x1024xf32, #tpu.memory_space<hbm>>
    %dma_wait3A_1915 = tpu.memref_slice %arg7[%dma_wait3A_1908] : memref<7x!tpu.dma_semaphore, #tpu.memory_space<semaphore_mem>> -> memref<1x!tpu.dma_semaphore, #tpu.memory_space<semaphore_mem>>
    %dma_wait3A_1916 = tpu.memref_squeeze %dma_wait3A_1915 : memref<1x!tpu.dma_semaphore, #tpu.memory_space<semaphore_mem>> -> memref<!tpu.dma_semaphore, #tpu.memory_space<semaphore_mem>>
    %dma_wait3A_1917 = arith.constant 0 : i32
    %dma_wait3A_1918 = arith.constant 0 : i32
    %dma_wait3A_1919 = tpu.memref_slice %arg5[%dma_wait3A_1907, %dma_wait3A_1917, %dma_wait3A_1918] : memref<7x16x1024xf32, #tpu.memory_space<vmem>> -> memref<1x16x1024xf32, #tpu.memory_space<vmem>>
    %dma_wait3A_1920 = tpu.memref_squeeze %dma_wait3A_1919 : memref<1x16x1024xf32, #tpu.memory_space<vmem>> -> memref<16x1024xf32, #tpu.memory_space<vmem>>
    %dma_wait3A_1921 = arith.constant 0 : i32
    %dma_wait3A_1922 = tpu.memref_slice %arg2[%add3A_1550, %dma_wait3A_1921] : memref<16384x1024xf32, #tpu.memory_space<hbm>> -> memref<16x1024xf32, #tpu.memory_space<hbm>>
    tpu.wait_dma2 semaphore(%dma_wait3A_1916 : memref<!tpu.dma_semaphore, #tpu.memory_space<semaphore_mem>>) src(%dma_wait3A_1922 : memref<16x1024xf32, #tpu.memory_space<hbm>>) dst(%dma_wait3A_1920 : memref<16x1024xf32, #tpu.memory_space<vmem>>)
    %add3A_1923 = arith.constant 432 : i32
    %add3A_1924 = arith.addi %mul3A_2, %add3A_1923 : i32
    %dma_start3A_1925 = arith.constant 6 : i32
    %dma_start3A_1926 = arith.constant 6 : i32
    %dma_start3A_1927 = arith.constant 0 : i32
    %dma_start3A_1928 = arith.constant 0 : i32
    %dma_start3A_1929 = tpu.memref_slice %arg5[%dma_start3A_1925, %dma_start3A_1927, %dma_start3A_1928] : memref<7x16x1024xf32, #tpu.memory_space<vmem>> -> memref<1x16x1024xf32, #tpu.memory_space<vmem>>
    %dma_start3A_1930 = tpu.memref_squeeze %dma_start3A_1929 : memref<1x16x1024xf32, #tpu.memory_space<vmem>> -> memref<16x1024xf32, #tpu.memory_space<vmem>>
    %dma_start3A_1931 = arith.constant 0 : i32
    %dma_start3A_1932 = tpu.memref_slice %arg4[%add3A_1924, %dma_start3A_1931] : memref<16384x1024xf32, #tpu.memory_space<hbm>> -> memref<16x1024xf32, #tpu.memory_space<hbm>>
    %dma_start3A_1933 = tpu.memref_slice %arg8[%dma_start3A_1926] : memref<7x!tpu.dma_semaphore, #tpu.memory_space<semaphore_mem>> -> memref<1x!tpu.dma_semaphore, #tpu.memory_space<semaphore_mem>>
    %dma_start3A_1934 = tpu.memref_squeeze %dma_start3A_1933 : memref<1x!tpu.dma_semaphore, #tpu.memory_space<semaphore_mem>> -> memref<!tpu.dma_semaphore, #tpu.memory_space<semaphore_mem>>
    %dma_start3A_1935 = arith.constant 0 : i32
    %dma_start3A_1936 = tpu.memref_slice %arg4[%add3A_1924, %dma_start3A_1935] : memref<16384x1024xf32, #tpu.memory_space<hbm>> -> memref<16x1024xf32, #tpu.memory_space<hbm>>
    %dma_start3A_1937 = arith.constant 0 : i32
    %dma_start3A_1938 = arith.constant 0 : i32
    %dma_start3A_1939 = tpu.memref_slice %arg5[%dma_start3A_1925, %dma_start3A_1937, %dma_start3A_1938] : memref<7x16x1024xf32, #tpu.memory_space<vmem>> -> memref<1x16x1024xf32, #tpu.memory_space<vmem>>
    %dma_start3A_1940 = tpu.memref_squeeze %dma_start3A_1939 : memref<1x16x1024xf32, #tpu.memory_space<vmem>> -> memref<16x1024xf32, #tpu.memory_space<vmem>>
    tpu.enqueue_dma source(%dma_start3A_1940 : memref<16x1024xf32, #tpu.memory_space<vmem>>) target(%dma_start3A_1936 : memref<16x1024xf32, #tpu.memory_space<hbm>>) target_semaphore(%dma_start3A_1934 : memref<!tpu.dma_semaphore, #tpu.memory_space<semaphore_mem>>)
    %dma_wait3A_1941 = arith.constant 0 : i32
    %dma_wait3A_1942 = arith.constant 0 : i32
    %dma_wait3A_1943 = arith.constant 0 : i32
    %dma_wait3A_1944 = arith.constant 0 : i32
    %dma_wait3A_1945 = tpu.memref_slice %arg5[%dma_wait3A_1941, %dma_wait3A_1943, %dma_wait3A_1944] : memref<7x16x1024xf32, #tpu.memory_space<vmem>> -> memref<1x16x1024xf32, #tpu.memory_space<vmem>>
    %dma_wait3A_1946 = tpu.memref_squeeze %dma_wait3A_1945 : memref<1x16x1024xf32, #tpu.memory_space<vmem>> -> memref<16x1024xf32, #tpu.memory_space<vmem>>
    %dma_wait3A_1947 = arith.constant 0 : i32
    %dma_wait3A_1948 = tpu.memref_slice %arg2[%add3A_1618, %dma_wait3A_1947] : memref<16384x1024xf32, #tpu.memory_space<hbm>> -> memref<16x1024xf32, #tpu.memory_space<hbm>>
    %dma_wait3A_1949 = tpu.memref_slice %arg7[%dma_wait3A_1942] : memref<7x!tpu.dma_semaphore, #tpu.memory_space<semaphore_mem>> -> memref<1x!tpu.dma_semaphore, #tpu.memory_space<semaphore_mem>>
    %dma_wait3A_1950 = tpu.memref_squeeze %dma_wait3A_1949 : memref<1x!tpu.dma_semaphore, #tpu.memory_space<semaphore_mem>> -> memref<!tpu.dma_semaphore, #tpu.memory_space<semaphore_mem>>
    %dma_wait3A_1951 = arith.constant 0 : i32
    %dma_wait3A_1952 = arith.constant 0 : i32
    %dma_wait3A_1953 = tpu.memref_slice %arg5[%dma_wait3A_1941, %dma_wait3A_1951, %dma_wait3A_1952] : memref<7x16x1024xf32, #tpu.memory_space<vmem>> -> memref<1x16x1024xf32, #tpu.memory_space<vmem>>
    %dma_wait3A_1954 = tpu.memref_squeeze %dma_wait3A_1953 : memref<1x16x1024xf32, #tpu.memory_space<vmem>> -> memref<16x1024xf32, #tpu.memory_space<vmem>>
    %dma_wait3A_1955 = arith.constant 0 : i32
    %dma_wait3A_1956 = tpu.memref_slice %arg2[%add3A_1618, %dma_wait3A_1955] : memref<16384x1024xf32, #tpu.memory_space<hbm>> -> memref<16x1024xf32, #tpu.memory_space<hbm>>
    tpu.wait_dma2 semaphore(%dma_wait3A_1950 : memref<!tpu.dma_semaphore, #tpu.memory_space<semaphore_mem>>) src(%dma_wait3A_1956 : memref<16x1024xf32, #tpu.memory_space<hbm>>) dst(%dma_wait3A_1954 : memref<16x1024xf32, #tpu.memory_space<vmem>>)
    %add3A_1957 = arith.constant 448 : i32
    %add3A_1958 = arith.addi %mul3A_2, %add3A_1957 : i32
    %dma_start3A_1959 = arith.constant 0 : i32
    %dma_start3A_1960 = arith.constant 0 : i32
    %dma_start3A_1961 = arith.constant 0 : i32
    %dma_start3A_1962 = arith.constant 0 : i32
    %dma_start3A_1963 = tpu.memref_slice %arg5[%dma_start3A_1959, %dma_start3A_1961, %dma_start3A_1962] : memref<7x16x1024xf32, #tpu.memory_space<vmem>> -> memref<1x16x1024xf32, #tpu.memory_space<vmem>>
    %dma_start3A_1964 = tpu.memref_squeeze %dma_start3A_1963 : memref<1x16x1024xf32, #tpu.memory_space<vmem>> -> memref<16x1024xf32, #tpu.memory_space<vmem>>
    %dma_start3A_1965 = arith.constant 0 : i32
    %dma_start3A_1966 = tpu.memref_slice %arg4[%add3A_1958, %dma_start3A_1965] : memref<16384x1024xf32, #tpu.memory_space<hbm>> -> memref<16x1024xf32, #tpu.memory_space<hbm>>
    %dma_start3A_1967 = tpu.memref_slice %arg8[%dma_start3A_1960] : memref<7x!tpu.dma_semaphore, #tpu.memory_space<semaphore_mem>> -> memref<1x!tpu.dma_semaphore, #tpu.memory_space<semaphore_mem>>
    %dma_start3A_1968 = tpu.memref_squeeze %dma_start3A_1967 : memref<1x!tpu.dma_semaphore, #tpu.memory_space<semaphore_mem>> -> memref<!tpu.dma_semaphore, #tpu.memory_space<semaphore_mem>>
    %dma_start3A_1969 = arith.constant 0 : i32
    %dma_start3A_1970 = tpu.memref_slice %arg4[%add3A_1958, %dma_start3A_1969] : memref<16384x1024xf32, #tpu.memory_space<hbm>> -> memref<16x1024xf32, #tpu.memory_space<hbm>>
    %dma_start3A_1971 = arith.constant 0 : i32
    %dma_start3A_1972 = arith.constant 0 : i32
    %dma_start3A_1973 = tpu.memref_slice %arg5[%dma_start3A_1959, %dma_start3A_1971, %dma_start3A_1972] : memref<7x16x1024xf32, #tpu.memory_space<vmem>> -> memref<1x16x1024xf32, #tpu.memory_space<vmem>>
    %dma_start3A_1974 = tpu.memref_squeeze %dma_start3A_1973 : memref<1x16x1024xf32, #tpu.memory_space<vmem>> -> memref<16x1024xf32, #tpu.memory_space<vmem>>
    tpu.enqueue_dma source(%dma_start3A_1974 : memref<16x1024xf32, #tpu.memory_space<vmem>>) target(%dma_start3A_1970 : memref<16x1024xf32, #tpu.memory_space<hbm>>) target_semaphore(%dma_start3A_1968 : memref<!tpu.dma_semaphore, #tpu.memory_space<semaphore_mem>>)
    %dma_wait3A_1975 = arith.constant 1 : i32
    %dma_wait3A_1976 = arith.constant 1 : i32
    %dma_wait3A_1977 = arith.constant 0 : i32
    %dma_wait3A_1978 = arith.constant 0 : i32
    %dma_wait3A_1979 = tpu.memref_slice %arg5[%dma_wait3A_1975, %dma_wait3A_1977, %dma_wait3A_1978] : memref<7x16x1024xf32, #tpu.memory_space<vmem>> -> memref<1x16x1024xf32, #tpu.memory_space<vmem>>
    %dma_wait3A_1980 = tpu.memref_squeeze %dma_wait3A_1979 : memref<1x16x1024xf32, #tpu.memory_space<vmem>> -> memref<16x1024xf32, #tpu.memory_space<vmem>>
    %dma_wait3A_1981 = arith.constant 0 : i32
    %dma_wait3A_1982 = tpu.memref_slice %arg2[%add3A_1686, %dma_wait3A_1981] : memref<16384x1024xf32, #tpu.memory_space<hbm>> -> memref<16x1024xf32, #tpu.memory_space<hbm>>
    %dma_wait3A_1983 = tpu.memref_slice %arg7[%dma_wait3A_1976] : memref<7x!tpu.dma_semaphore, #tpu.memory_space<semaphore_mem>> -> memref<1x!tpu.dma_semaphore, #tpu.memory_space<semaphore_mem>>
    %dma_wait3A_1984 = tpu.memref_squeeze %dma_wait3A_1983 : memref<1x!tpu.dma_semaphore, #tpu.memory_space<semaphore_mem>> -> memref<!tpu.dma_semaphore, #tpu.memory_space<semaphore_mem>>
    %dma_wait3A_1985 = arith.constant 0 : i32
    %dma_wait3A_1986 = arith.constant 0 : i32
    %dma_wait3A_1987 = tpu.memref_slice %arg5[%dma_wait3A_1975, %dma_wait3A_1985, %dma_wait3A_1986] : memref<7x16x1024xf32, #tpu.memory_space<vmem>> -> memref<1x16x1024xf32, #tpu.memory_space<vmem>>
    %dma_wait3A_1988 = tpu.memref_squeeze %dma_wait3A_1987 : memref<1x16x1024xf32, #tpu.memory_space<vmem>> -> memref<16x1024xf32, #tpu.memory_space<vmem>>
    %dma_wait3A_1989 = arith.constant 0 : i32
    %dma_wait3A_1990 = tpu.memref_slice %arg2[%add3A_1686, %dma_wait3A_1989] : memref<16384x1024xf32, #tpu.memory_space<hbm>> -> memref<16x1024xf32, #tpu.memory_space<hbm>>
    tpu.wait_dma2 semaphore(%dma_wait3A_1984 : memref<!tpu.dma_semaphore, #tpu.memory_space<semaphore_mem>>) src(%dma_wait3A_1990 : memref<16x1024xf32, #tpu.memory_space<hbm>>) dst(%dma_wait3A_1988 : memref<16x1024xf32, #tpu.memory_space<vmem>>)
    %add3A_1991 = arith.constant 464 : i32
    %add3A_1992 = arith.addi %mul3A_2, %add3A_1991 : i32
    %dma_start3A_1993 = arith.constant 1 : i32
    %dma_start3A_1994 = arith.constant 1 : i32
    %dma_start3A_1995 = arith.constant 0 : i32
    %dma_start3A_1996 = arith.constant 0 : i32
    %dma_start3A_1997 = tpu.memref_slice %arg5[%dma_start3A_1993, %dma_start3A_1995, %dma_start3A_1996] : memref<7x16x1024xf32, #tpu.memory_space<vmem>> -> memref<1x16x1024xf32, #tpu.memory_space<vmem>>
    %dma_start3A_1998 = tpu.memref_squeeze %dma_start3A_1997 : memref<1x16x1024xf32, #tpu.memory_space<vmem>> -> memref<16x1024xf32, #tpu.memory_space<vmem>>
    %dma_start3A_1999 = arith.constant 0 : i32
    %dma_start3A_2000 = tpu.memref_slice %arg4[%add3A_1992, %dma_start3A_1999] : memref<16384x1024xf32, #tpu.memory_space<hbm>> -> memref<16x1024xf32, #tpu.memory_space<hbm>>
    %dma_start3A_2001 = tpu.memref_slice %arg8[%dma_start3A_1994] : memref<7x!tpu.dma_semaphore, #tpu.memory_space<semaphore_mem>> -> memref<1x!tpu.dma_semaphore, #tpu.memory_space<semaphore_mem>>
    %dma_start3A_2002 = tpu.memref_squeeze %dma_start3A_2001 : memref<1x!tpu.dma_semaphore, #tpu.memory_space<semaphore_mem>> -> memref<!tpu.dma_semaphore, #tpu.memory_space<semaphore_mem>>
    %dma_start3A_2003 = arith.constant 0 : i32
    %dma_start3A_2004 = tpu.memref_slice %arg4[%add3A_1992, %dma_start3A_2003] : memref<16384x1024xf32, #tpu.memory_space<hbm>> -> memref<16x1024xf32, #tpu.memory_space<hbm>>
    %dma_start3A_2005 = arith.constant 0 : i32
    %dma_start3A_2006 = arith.constant 0 : i32
    %dma_start3A_2007 = tpu.memref_slice %arg5[%dma_start3A_1993, %dma_start3A_2005, %dma_start3A_2006] : memref<7x16x1024xf32, #tpu.memory_space<vmem>> -> memref<1x16x1024xf32, #tpu.memory_space<vmem>>
    %dma_start3A_2008 = tpu.memref_squeeze %dma_start3A_2007 : memref<1x16x1024xf32, #tpu.memory_space<vmem>> -> memref<16x1024xf32, #tpu.memory_space<vmem>>
    tpu.enqueue_dma source(%dma_start3A_2008 : memref<16x1024xf32, #tpu.memory_space<vmem>>) target(%dma_start3A_2004 : memref<16x1024xf32, #tpu.memory_space<hbm>>) target_semaphore(%dma_start3A_2002 : memref<!tpu.dma_semaphore, #tpu.memory_space<semaphore_mem>>)
    %dma_wait3A_2009 = arith.constant 2 : i32
    %dma_wait3A_2010 = arith.constant 2 : i32
    %dma_wait3A_2011 = arith.constant 0 : i32
    %dma_wait3A_2012 = arith.constant 0 : i32
    %dma_wait3A_2013 = tpu.memref_slice %arg5[%dma_wait3A_2009, %dma_wait3A_2011, %dma_wait3A_2012] : memref<7x16x1024xf32, #tpu.memory_space<vmem>> -> memref<1x16x1024xf32, #tpu.memory_space<vmem>>
    %dma_wait3A_2014 = tpu.memref_squeeze %dma_wait3A_2013 : memref<1x16x1024xf32, #tpu.memory_space<vmem>> -> memref<16x1024xf32, #tpu.memory_space<vmem>>
    %dma_wait3A_2015 = arith.constant 0 : i32
    %dma_wait3A_2016 = tpu.memref_slice %arg2[%add3A_1754, %dma_wait3A_2015] : memref<16384x1024xf32, #tpu.memory_space<hbm>> -> memref<16x1024xf32, #tpu.memory_space<hbm>>
    %dma_wait3A_2017 = tpu.memref_slice %arg7[%dma_wait3A_2010] : memref<7x!tpu.dma_semaphore, #tpu.memory_space<semaphore_mem>> -> memref<1x!tpu.dma_semaphore, #tpu.memory_space<semaphore_mem>>
    %dma_wait3A_2018 = tpu.memref_squeeze %dma_wait3A_2017 : memref<1x!tpu.dma_semaphore, #tpu.memory_space<semaphore_mem>> -> memref<!tpu.dma_semaphore, #tpu.memory_space<semaphore_mem>>
    %dma_wait3A_2019 = arith.constant 0 : i32
    %dma_wait3A_2020 = arith.constant 0 : i32
    %dma_wait3A_2021 = tpu.memref_slice %arg5[%dma_wait3A_2009, %dma_wait3A_2019, %dma_wait3A_2020] : memref<7x16x1024xf32, #tpu.memory_space<vmem>> -> memref<1x16x1024xf32, #tpu.memory_space<vmem>>
    %dma_wait3A_2022 = tpu.memref_squeeze %dma_wait3A_2021 : memref<1x16x1024xf32, #tpu.memory_space<vmem>> -> memref<16x1024xf32, #tpu.memory_space<vmem>>
    %dma_wait3A_2023 = arith.constant 0 : i32
    %dma_wait3A_2024 = tpu.memref_slice %arg2[%add3A_1754, %dma_wait3A_2023] : memref<16384x1024xf32, #tpu.memory_space<hbm>> -> memref<16x1024xf32, #tpu.memory_space<hbm>>
    tpu.wait_dma2 semaphore(%dma_wait3A_2018 : memref<!tpu.dma_semaphore, #tpu.memory_space<semaphore_mem>>) src(%dma_wait3A_2024 : memref<16x1024xf32, #tpu.memory_space<hbm>>) dst(%dma_wait3A_2022 : memref<16x1024xf32, #tpu.memory_space<vmem>>)
    %add3A_2025 = arith.constant 480 : i32
    %add3A_2026 = arith.addi %mul3A_2, %add3A_2025 : i32
    %dma_start3A_2027 = arith.constant 2 : i32
    %dma_start3A_2028 = arith.constant 2 : i32
    %dma_start3A_2029 = arith.constant 0 : i32
    %dma_start3A_2030 = arith.constant 0 : i32
    %dma_start3A_2031 = tpu.memref_slice %arg5[%dma_start3A_2027, %dma_start3A_2029, %dma_start3A_2030] : memref<7x16x1024xf32, #tpu.memory_space<vmem>> -> memref<1x16x1024xf32, #tpu.memory_space<vmem>>
    %dma_start3A_2032 = tpu.memref_squeeze %dma_start3A_2031 : memref<1x16x1024xf32, #tpu.memory_space<vmem>> -> memref<16x1024xf32, #tpu.memory_space<vmem>>
    %dma_start3A_2033 = arith.constant 0 : i32
    %dma_start3A_2034 = tpu.memref_slice %arg4[%add3A_2026, %dma_start3A_2033] : memref<16384x1024xf32, #tpu.memory_space<hbm>> -> memref<16x1024xf32, #tpu.memory_space<hbm>>
    %dma_start3A_2035 = tpu.memref_slice %arg8[%dma_start3A_2028] : memref<7x!tpu.dma_semaphore, #tpu.memory_space<semaphore_mem>> -> memref<1x!tpu.dma_semaphore, #tpu.memory_space<semaphore_mem>>
    %dma_start3A_2036 = tpu.memref_squeeze %dma_start3A_2035 : memref<1x!tpu.dma_semaphore, #tpu.memory_space<semaphore_mem>> -> memref<!tpu.dma_semaphore, #tpu.memory_space<semaphore_mem>>
    %dma_start3A_2037 = arith.constant 0 : i32
    %dma_start3A_2038 = tpu.memref_slice %arg4[%add3A_2026, %dma_start3A_2037] : memref<16384x1024xf32, #tpu.memory_space<hbm>> -> memref<16x1024xf32, #tpu.memory_space<hbm>>
    %dma_start3A_2039 = arith.constant 0 : i32
    %dma_start3A_2040 = arith.constant 0 : i32
    %dma_start3A_2041 = tpu.memref_slice %arg5[%dma_start3A_2027, %dma_start3A_2039, %dma_start3A_2040] : memref<7x16x1024xf32, #tpu.memory_space<vmem>> -> memref<1x16x1024xf32, #tpu.memory_space<vmem>>
    %dma_start3A_2042 = tpu.memref_squeeze %dma_start3A_2041 : memref<1x16x1024xf32, #tpu.memory_space<vmem>> -> memref<16x1024xf32, #tpu.memory_space<vmem>>
    tpu.enqueue_dma source(%dma_start3A_2042 : memref<16x1024xf32, #tpu.memory_space<vmem>>) target(%dma_start3A_2038 : memref<16x1024xf32, #tpu.memory_space<hbm>>) target_semaphore(%dma_start3A_2036 : memref<!tpu.dma_semaphore, #tpu.memory_space<semaphore_mem>>)
    %dma_wait3A_2043 = arith.constant 3 : i32
    %dma_wait3A_2044 = arith.constant 3 : i32
    %dma_wait3A_2045 = arith.constant 0 : i32
    %dma_wait3A_2046 = arith.constant 0 : i32
    %dma_wait3A_2047 = tpu.memref_slice %arg5[%dma_wait3A_2043, %dma_wait3A_2045, %dma_wait3A_2046] : memref<7x16x1024xf32, #tpu.memory_space<vmem>> -> memref<1x16x1024xf32, #tpu.memory_space<vmem>>
    %dma_wait3A_2048 = tpu.memref_squeeze %dma_wait3A_2047 : memref<1x16x1024xf32, #tpu.memory_space<vmem>> -> memref<16x1024xf32, #tpu.memory_space<vmem>>
    %dma_wait3A_2049 = arith.constant 0 : i32
    %dma_wait3A_2050 = tpu.memref_slice %arg2[%add3A_1822, %dma_wait3A_2049] : memref<16384x1024xf32, #tpu.memory_space<hbm>> -> memref<16x1024xf32, #tpu.memory_space<hbm>>
    %dma_wait3A_2051 = tpu.memref_slice %arg7[%dma_wait3A_2044] : memref<7x!tpu.dma_semaphore, #tpu.memory_space<semaphore_mem>> -> memref<1x!tpu.dma_semaphore, #tpu.memory_space<semaphore_mem>>
    %dma_wait3A_2052 = tpu.memref_squeeze %dma_wait3A_2051 : memref<1x!tpu.dma_semaphore, #tpu.memory_space<semaphore_mem>> -> memref<!tpu.dma_semaphore, #tpu.memory_space<semaphore_mem>>
    %dma_wait3A_2053 = arith.constant 0 : i32
    %dma_wait3A_2054 = arith.constant 0 : i32
    %dma_wait3A_2055 = tpu.memref_slice %arg5[%dma_wait3A_2043, %dma_wait3A_2053, %dma_wait3A_2054] : memref<7x16x1024xf32, #tpu.memory_space<vmem>> -> memref<1x16x1024xf32, #tpu.memory_space<vmem>>
    %dma_wait3A_2056 = tpu.memref_squeeze %dma_wait3A_2055 : memref<1x16x1024xf32, #tpu.memory_space<vmem>> -> memref<16x1024xf32, #tpu.memory_space<vmem>>
    %dma_wait3A_2057 = arith.constant 0 : i32
    %dma_wait3A_2058 = tpu.memref_slice %arg2[%add3A_1822, %dma_wait3A_2057] : memref<16384x1024xf32, #tpu.memory_space<hbm>> -> memref<16x1024xf32, #tpu.memory_space<hbm>>
    tpu.wait_dma2 semaphore(%dma_wait3A_2052 : memref<!tpu.dma_semaphore, #tpu.memory_space<semaphore_mem>>) src(%dma_wait3A_2058 : memref<16x1024xf32, #tpu.memory_space<hbm>>) dst(%dma_wait3A_2056 : memref<16x1024xf32, #tpu.memory_space<vmem>>)
    %add3A_2059 = arith.constant 496 : i32
    %add3A_2060 = arith.addi %mul3A_2, %add3A_2059 : i32
    %dma_start3A_2061 = arith.constant 3 : i32
    %dma_start3A_2062 = arith.constant 3 : i32
    %dma_start3A_2063 = arith.constant 0 : i32
    %dma_start3A_2064 = arith.constant 0 : i32
    %dma_start3A_2065 = tpu.memref_slice %arg5[%dma_start3A_2061, %dma_start3A_2063, %dma_start3A_2064] : memref<7x16x1024xf32, #tpu.memory_space<vmem>> -> memref<1x16x1024xf32, #tpu.memory_space<vmem>>
    %dma_start3A_2066 = tpu.memref_squeeze %dma_start3A_2065 : memref<1x16x1024xf32, #tpu.memory_space<vmem>> -> memref<16x1024xf32, #tpu.memory_space<vmem>>
    %dma_start3A_2067 = arith.constant 0 : i32
    %dma_start3A_2068 = tpu.memref_slice %arg4[%add3A_2060, %dma_start3A_2067] : memref<16384x1024xf32, #tpu.memory_space<hbm>> -> memref<16x1024xf32, #tpu.memory_space<hbm>>
    %dma_start3A_2069 = tpu.memref_slice %arg8[%dma_start3A_2062] : memref<7x!tpu.dma_semaphore, #tpu.memory_space<semaphore_mem>> -> memref<1x!tpu.dma_semaphore, #tpu.memory_space<semaphore_mem>>
    %dma_start3A_2070 = tpu.memref_squeeze %dma_start3A_2069 : memref<1x!tpu.dma_semaphore, #tpu.memory_space<semaphore_mem>> -> memref<!tpu.dma_semaphore, #tpu.memory_space<semaphore_mem>>
    %dma_start3A_2071 = arith.constant 0 : i32
    %dma_start3A_2072 = tpu.memref_slice %arg4[%add3A_2060, %dma_start3A_2071] : memref<16384x1024xf32, #tpu.memory_space<hbm>> -> memref<16x1024xf32, #tpu.memory_space<hbm>>
    %dma_start3A_2073 = arith.constant 0 : i32
    %dma_start3A_2074 = arith.constant 0 : i32
    %dma_start3A_2075 = tpu.memref_slice %arg5[%dma_start3A_2061, %dma_start3A_2073, %dma_start3A_2074] : memref<7x16x1024xf32, #tpu.memory_space<vmem>> -> memref<1x16x1024xf32, #tpu.memory_space<vmem>>
    %dma_start3A_2076 = tpu.memref_squeeze %dma_start3A_2075 : memref<1x16x1024xf32, #tpu.memory_space<vmem>> -> memref<16x1024xf32, #tpu.memory_space<vmem>>
    tpu.enqueue_dma source(%dma_start3A_2076 : memref<16x1024xf32, #tpu.memory_space<vmem>>) target(%dma_start3A_2072 : memref<16x1024xf32, #tpu.memory_space<hbm>>) target_semaphore(%dma_start3A_2070 : memref<!tpu.dma_semaphore, #tpu.memory_space<semaphore_mem>>)
    %dma_wait3A_2077 = arith.constant 4 : i32
    %dma_wait3A_2078 = arith.constant 4 : i32
    %dma_wait3A_2079 = arith.constant 0 : i32
    %dma_wait3A_2080 = arith.constant 0 : i32
    %dma_wait3A_2081 = tpu.memref_slice %arg5[%dma_wait3A_2077, %dma_wait3A_2079, %dma_wait3A_2080] : memref<7x16x1024xf32, #tpu.memory_space<vmem>> -> memref<1x16x1024xf32, #tpu.memory_space<vmem>>
    %dma_wait3A_2082 = tpu.memref_squeeze %dma_wait3A_2081 : memref<1x16x1024xf32, #tpu.memory_space<vmem>> -> memref<16x1024xf32, #tpu.memory_space<vmem>>
    %dma_wait3A_2083 = arith.constant 0 : i32
    %dma_wait3A_2084 = tpu.memref_slice %arg4[%add3A_1856, %dma_wait3A_2083] : memref<16384x1024xf32, #tpu.memory_space<hbm>> -> memref<16x1024xf32, #tpu.memory_space<hbm>>
    %dma_wait3A_2085 = tpu.memref_slice %arg8[%dma_wait3A_2078] : memref<7x!tpu.dma_semaphore, #tpu.memory_space<semaphore_mem>> -> memref<1x!tpu.dma_semaphore, #tpu.memory_space<semaphore_mem>>
    %dma_wait3A_2086 = tpu.memref_squeeze %dma_wait3A_2085 : memref<1x!tpu.dma_semaphore, #tpu.memory_space<semaphore_mem>> -> memref<!tpu.dma_semaphore, #tpu.memory_space<semaphore_mem>>
    %dma_wait3A_2087 = arith.constant 0 : i32
    %dma_wait3A_2088 = tpu.memref_slice %arg4[%add3A_1856, %dma_wait3A_2087] : memref<16384x1024xf32, #tpu.memory_space<hbm>> -> memref<16x1024xf32, #tpu.memory_space<hbm>>
    %dma_wait3A_2089 = arith.constant 0 : i32
    %dma_wait3A_2090 = arith.constant 0 : i32
    %dma_wait3A_2091 = tpu.memref_slice %arg5[%dma_wait3A_2077, %dma_wait3A_2089, %dma_wait3A_2090] : memref<7x16x1024xf32, #tpu.memory_space<vmem>> -> memref<1x16x1024xf32, #tpu.memory_space<vmem>>
    %dma_wait3A_2092 = tpu.memref_squeeze %dma_wait3A_2091 : memref<1x16x1024xf32, #tpu.memory_space<vmem>> -> memref<16x1024xf32, #tpu.memory_space<vmem>>
    tpu.wait_dma2 semaphore(%dma_wait3A_2086 : memref<!tpu.dma_semaphore, #tpu.memory_space<semaphore_mem>>) src(%dma_wait3A_2092 : memref<16x1024xf32, #tpu.memory_space<vmem>>) dst(%dma_wait3A_2088 : memref<16x1024xf32, #tpu.memory_space<hbm>>)
    %dma_wait3A_2093 = arith.constant 5 : i32
    %dma_wait3A_2094 = arith.constant 5 : i32
    %dma_wait3A_2095 = arith.constant 0 : i32
    %dma_wait3A_2096 = arith.constant 0 : i32
    %dma_wait3A_2097 = tpu.memref_slice %arg5[%dma_wait3A_2093, %dma_wait3A_2095, %dma_wait3A_2096] : memref<7x16x1024xf32, #tpu.memory_space<vmem>> -> memref<1x16x1024xf32, #tpu.memory_space<vmem>>
    %dma_wait3A_2098 = tpu.memref_squeeze %dma_wait3A_2097 : memref<1x16x1024xf32, #tpu.memory_space<vmem>> -> memref<16x1024xf32, #tpu.memory_space<vmem>>
    %dma_wait3A_2099 = arith.constant 0 : i32
    %dma_wait3A_2100 = tpu.memref_slice %arg4[%add3A_1890, %dma_wait3A_2099] : memref<16384x1024xf32, #tpu.memory_space<hbm>> -> memref<16x1024xf32, #tpu.memory_space<hbm>>
    %dma_wait3A_2101 = tpu.memref_slice %arg8[%dma_wait3A_2094] : memref<7x!tpu.dma_semaphore, #tpu.memory_space<semaphore_mem>> -> memref<1x!tpu.dma_semaphore, #tpu.memory_space<semaphore_mem>>
    %dma_wait3A_2102 = tpu.memref_squeeze %dma_wait3A_2101 : memref<1x!tpu.dma_semaphore, #tpu.memory_space<semaphore_mem>> -> memref<!tpu.dma_semaphore, #tpu.memory_space<semaphore_mem>>
    %dma_wait3A_2103 = arith.constant 0 : i32
    %dma_wait3A_2104 = tpu.memref_slice %arg4[%add3A_1890, %dma_wait3A_2103] : memref<16384x1024xf32, #tpu.memory_space<hbm>> -> memref<16x1024xf32, #tpu.memory_space<hbm>>
    %dma_wait3A_2105 = arith.constant 0 : i32
    %dma_wait3A_2106 = arith.constant 0 : i32
    %dma_wait3A_2107 = tpu.memref_slice %arg5[%dma_wait3A_2093, %dma_wait3A_2105, %dma_wait3A_2106] : memref<7x16x1024xf32, #tpu.memory_space<vmem>> -> memref<1x16x1024xf32, #tpu.memory_space<vmem>>
    %dma_wait3A_2108 = tpu.memref_squeeze %dma_wait3A_2107 : memref<1x16x1024xf32, #tpu.memory_space<vmem>> -> memref<16x1024xf32, #tpu.memory_space<vmem>>
    tpu.wait_dma2 semaphore(%dma_wait3A_2102 : memref<!tpu.dma_semaphore, #tpu.memory_space<semaphore_mem>>) src(%dma_wait3A_2108 : memref<16x1024xf32, #tpu.memory_space<vmem>>) dst(%dma_wait3A_2104 : memref<16x1024xf32, #tpu.memory_space<hbm>>)
    %dma_wait3A_2109 = arith.constant 6 : i32
    %dma_wait3A_2110 = arith.constant 6 : i32
    %dma_wait3A_2111 = arith.constant 0 : i32
    %dma_wait3A_2112 = arith.constant 0 : i32
    %dma_wait3A_2113 = tpu.memref_slice %arg5[%dma_wait3A_2109, %dma_wait3A_2111, %dma_wait3A_2112] : memref<7x16x1024xf32, #tpu.memory_space<vmem>> -> memref<1x16x1024xf32, #tpu.memory_space<vmem>>
    %dma_wait3A_2114 = tpu.memref_squeeze %dma_wait3A_2113 : memref<1x16x1024xf32, #tpu.memory_space<vmem>> -> memref<16x1024xf32, #tpu.memory_space<vmem>>
    %dma_wait3A_2115 = arith.constant 0 : i32
    %dma_wait3A_2116 = tpu.memref_slice %arg4[%add3A_1924, %dma_wait3A_2115] : memref<16384x1024xf32, #tpu.memory_space<hbm>> -> memref<16x1024xf32, #tpu.memory_space<hbm>>
    %dma_wait3A_2117 = tpu.memref_slice %arg8[%dma_wait3A_2110] : memref<7x!tpu.dma_semaphore, #tpu.memory_space<semaphore_mem>> -> memref<1x!tpu.dma_semaphore, #tpu.memory_space<semaphore_mem>>
    %dma_wait3A_2118 = tpu.memref_squeeze %dma_wait3A_2117 : memref<1x!tpu.dma_semaphore, #tpu.memory_space<semaphore_mem>> -> memref<!tpu.dma_semaphore, #tpu.memory_space<semaphore_mem>>
    %dma_wait3A_2119 = arith.constant 0 : i32
    %dma_wait3A_2120 = tpu.memref_slice %arg4[%add3A_1924, %dma_wait3A_2119] : memref<16384x1024xf32, #tpu.memory_space<hbm>> -> memref<16x1024xf32, #tpu.memory_space<hbm>>
    %dma_wait3A_2121 = arith.constant 0 : i32
    %dma_wait3A_2122 = arith.constant 0 : i32
    %dma_wait3A_2123 = tpu.memref_slice %arg5[%dma_wait3A_2109, %dma_wait3A_2121, %dma_wait3A_2122] : memref<7x16x1024xf32, #tpu.memory_space<vmem>> -> memref<1x16x1024xf32, #tpu.memory_space<vmem>>
    %dma_wait3A_2124 = tpu.memref_squeeze %dma_wait3A_2123 : memref<1x16x1024xf32, #tpu.memory_space<vmem>> -> memref<16x1024xf32, #tpu.memory_space<vmem>>
    tpu.wait_dma2 semaphore(%dma_wait3A_2118 : memref<!tpu.dma_semaphore, #tpu.memory_space<semaphore_mem>>) src(%dma_wait3A_2124 : memref<16x1024xf32, #tpu.memory_space<vmem>>) dst(%dma_wait3A_2120 : memref<16x1024xf32, #tpu.memory_space<hbm>>)
    %dma_wait3A_2125 = arith.constant 0 : i32
    %dma_wait3A_2126 = arith.constant 0 : i32
    %dma_wait3A_2127 = arith.constant 0 : i32
    %dma_wait3A_2128 = arith.constant 0 : i32
    %dma_wait3A_2129 = tpu.memref_slice %arg5[%dma_wait3A_2125, %dma_wait3A_2127, %dma_wait3A_2128] : memref<7x16x1024xf32, #tpu.memory_space<vmem>> -> memref<1x16x1024xf32, #tpu.memory_space<vmem>>
    %dma_wait3A_2130 = tpu.memref_squeeze %dma_wait3A_2129 : memref<1x16x1024xf32, #tpu.memory_space<vmem>> -> memref<16x1024xf32, #tpu.memory_space<vmem>>
    %dma_wait3A_2131 = arith.constant 0 : i32
    %dma_wait3A_2132 = tpu.memref_slice %arg4[%add3A_1958, %dma_wait3A_2131] : memref<16384x1024xf32, #tpu.memory_space<hbm>> -> memref<16x1024xf32, #tpu.memory_space<hbm>>
    %dma_wait3A_2133 = tpu.memref_slice %arg8[%dma_wait3A_2126] : memref<7x!tpu.dma_semaphore, #tpu.memory_space<semaphore_mem>> -> memref<1x!tpu.dma_semaphore, #tpu.memory_space<semaphore_mem>>
    %dma_wait3A_2134 = tpu.memref_squeeze %dma_wait3A_2133 : memref<1x!tpu.dma_semaphore, #tpu.memory_space<semaphore_mem>> -> memref<!tpu.dma_semaphore, #tpu.memory_space<semaphore_mem>>
    %dma_wait3A_2135 = arith.constant 0 : i32
    %dma_wait3A_2136 = tpu.memref_slice %arg4[%add3A_1958, %dma_wait3A_2135] : memref<16384x1024xf32, #tpu.memory_space<hbm>> -> memref<16x1024xf32, #tpu.memory_space<hbm>>
    %dma_wait3A_2137 = arith.constant 0 : i32
    %dma_wait3A_2138 = arith.constant 0 : i32
    %dma_wait3A_2139 = tpu.memref_slice %arg5[%dma_wait3A_2125, %dma_wait3A_2137, %dma_wait3A_2138] : memref<7x16x1024xf32, #tpu.memory_space<vmem>> -> memref<1x16x1024xf32, #tpu.memory_space<vmem>>
    %dma_wait3A_2140 = tpu.memref_squeeze %dma_wait3A_2139 : memref<1x16x1024xf32, #tpu.memory_space<vmem>> -> memref<16x1024xf32, #tpu.memory_space<vmem>>
    tpu.wait_dma2 semaphore(%dma_wait3A_2134 : memref<!tpu.dma_semaphore, #tpu.memory_space<semaphore_mem>>) src(%dma_wait3A_2140 : memref<16x1024xf32, #tpu.memory_space<vmem>>) dst(%dma_wait3A_2136 : memref<16x1024xf32, #tpu.memory_space<hbm>>)
    %dma_wait3A_2141 = arith.constant 1 : i32
    %dma_wait3A_2142 = arith.constant 1 : i32
    %dma_wait3A_2143 = arith.constant 0 : i32
    %dma_wait3A_2144 = arith.constant 0 : i32
    %dma_wait3A_2145 = tpu.memref_slice %arg5[%dma_wait3A_2141, %dma_wait3A_2143, %dma_wait3A_2144] : memref<7x16x1024xf32, #tpu.memory_space<vmem>> -> memref<1x16x1024xf32, #tpu.memory_space<vmem>>
    %dma_wait3A_2146 = tpu.memref_squeeze %dma_wait3A_2145 : memref<1x16x1024xf32, #tpu.memory_space<vmem>> -> memref<16x1024xf32, #tpu.memory_space<vmem>>
    %dma_wait3A_2147 = arith.constant 0 : i32
    %dma_wait3A_2148 = tpu.memref_slice %arg4[%add3A_1992, %dma_wait3A_2147] : memref<16384x1024xf32, #tpu.memory_space<hbm>> -> memref<16x1024xf32, #tpu.memory_space<hbm>>
    %dma_wait3A_2149 = tpu.memref_slice %arg8[%dma_wait3A_2142] : memref<7x!tpu.dma_semaphore, #tpu.memory_space<semaphore_mem>> -> memref<1x!tpu.dma_semaphore, #tpu.memory_space<semaphore_mem>>
    %dma_wait3A_2150 = tpu.memref_squeeze %dma_wait3A_2149 : memref<1x!tpu.dma_semaphore, #tpu.memory_space<semaphore_mem>> -> memref<!tpu.dma_semaphore, #tpu.memory_space<semaphore_mem>>
    %dma_wait3A_2151 = arith.constant 0 : i32
    %dma_wait3A_2152 = tpu.memref_slice %arg4[%add3A_1992, %dma_wait3A_2151] : memref<16384x1024xf32, #tpu.memory_space<hbm>> -> memref<16x1024xf32, #tpu.memory_space<hbm>>
    %dma_wait3A_2153 = arith.constant 0 : i32
    %dma_wait3A_2154 = arith.constant 0 : i32
    %dma_wait3A_2155 = tpu.memref_slice %arg5[%dma_wait3A_2141, %dma_wait3A_2153, %dma_wait3A_2154] : memref<7x16x1024xf32, #tpu.memory_space<vmem>> -> memref<1x16x1024xf32, #tpu.memory_space<vmem>>
    %dma_wait3A_2156 = tpu.memref_squeeze %dma_wait3A_2155 : memref<1x16x1024xf32, #tpu.memory_space<vmem>> -> memref<16x1024xf32, #tpu.memory_space<vmem>>
    tpu.wait_dma2 semaphore(%dma_wait3A_2150 : memref<!tpu.dma_semaphore, #tpu.memory_space<semaphore_mem>>) src(%dma_wait3A_2156 : memref<16x1024xf32, #tpu.memory_space<vmem>>) dst(%dma_wait3A_2152 : memref<16x1024xf32, #tpu.memory_space<hbm>>)
    %dma_wait3A_2157 = arith.constant 2 : i32
    %dma_wait3A_2158 = arith.constant 2 : i32
    %dma_wait3A_2159 = arith.constant 0 : i32
    %dma_wait3A_2160 = arith.constant 0 : i32
    %dma_wait3A_2161 = tpu.memref_slice %arg5[%dma_wait3A_2157, %dma_wait3A_2159, %dma_wait3A_2160] : memref<7x16x1024xf32, #tpu.memory_space<vmem>> -> memref<1x16x1024xf32, #tpu.memory_space<vmem>>
    %dma_wait3A_2162 = tpu.memref_squeeze %dma_wait3A_2161 : memref<1x16x1024xf32, #tpu.memory_space<vmem>> -> memref<16x1024xf32, #tpu.memory_space<vmem>>
    %dma_wait3A_2163 = arith.constant 0 : i32
    %dma_wait3A_2164 = tpu.memref_slice %arg4[%add3A_2026, %dma_wait3A_2163] : memref<16384x1024xf32, #tpu.memory_space<hbm>> -> memref<16x1024xf32, #tpu.memory_space<hbm>>
    %dma_wait3A_2165 = tpu.memref_slice %arg8[%dma_wait3A_2158] : memref<7x!tpu.dma_semaphore, #tpu.memory_space<semaphore_mem>> -> memref<1x!tpu.dma_semaphore, #tpu.memory_space<semaphore_mem>>
    %dma_wait3A_2166 = tpu.memref_squeeze %dma_wait3A_2165 : memref<1x!tpu.dma_semaphore, #tpu.memory_space<semaphore_mem>> -> memref<!tpu.dma_semaphore, #tpu.memory_space<semaphore_mem>>
    %dma_wait3A_2167 = arith.constant 0 : i32
    %dma_wait3A_2168 = tpu.memref_slice %arg4[%add3A_2026, %dma_wait3A_2167] : memref<16384x1024xf32, #tpu.memory_space<hbm>> -> memref<16x1024xf32, #tpu.memory_space<hbm>>
    %dma_wait3A_2169 = arith.constant 0 : i32
    %dma_wait3A_2170 = arith.constant 0 : i32
    %dma_wait3A_2171 = tpu.memref_slice %arg5[%dma_wait3A_2157, %dma_wait3A_2169, %dma_wait3A_2170] : memref<7x16x1024xf32, #tpu.memory_space<vmem>> -> memref<1x16x1024xf32, #tpu.memory_space<vmem>>
    %dma_wait3A_2172 = tpu.memref_squeeze %dma_wait3A_2171 : memref<1x16x1024xf32, #tpu.memory_space<vmem>> -> memref<16x1024xf32, #tpu.memory_space<vmem>>
    tpu.wait_dma2 semaphore(%dma_wait3A_2166 : memref<!tpu.dma_semaphore, #tpu.memory_space<semaphore_mem>>) src(%dma_wait3A_2172 : memref<16x1024xf32, #tpu.memory_space<vmem>>) dst(%dma_wait3A_2168 : memref<16x1024xf32, #tpu.memory_space<hbm>>)
    %dma_wait3A_2173 = arith.constant 3 : i32
    %dma_wait3A_2174 = arith.constant 3 : i32
    %dma_wait3A_2175 = arith.constant 0 : i32
    %dma_wait3A_2176 = arith.constant 0 : i32
    %dma_wait3A_2177 = tpu.memref_slice %arg5[%dma_wait3A_2173, %dma_wait3A_2175, %dma_wait3A_2176] : memref<7x16x1024xf32, #tpu.memory_space<vmem>> -> memref<1x16x1024xf32, #tpu.memory_space<vmem>>
    %dma_wait3A_2178 = tpu.memref_squeeze %dma_wait3A_2177 : memref<1x16x1024xf32, #tpu.memory_space<vmem>> -> memref<16x1024xf32, #tpu.memory_space<vmem>>
    %dma_wait3A_2179 = arith.constant 0 : i32
    %dma_wait3A_2180 = tpu.memref_slice %arg4[%add3A_2060, %dma_wait3A_2179] : memref<16384x1024xf32, #tpu.memory_space<hbm>> -> memref<16x1024xf32, #tpu.memory_space<hbm>>
    %dma_wait3A_2181 = tpu.memref_slice %arg8[%dma_wait3A_2174] : memref<7x!tpu.dma_semaphore, #tpu.memory_space<semaphore_mem>> -> memref<1x!tpu.dma_semaphore, #tpu.memory_space<semaphore_mem>>
    %dma_wait3A_2182 = tpu.memref_squeeze %dma_wait3A_2181 : memref<1x!tpu.dma_semaphore, #tpu.memory_space<semaphore_mem>> -> memref<!tpu.dma_semaphore, #tpu.memory_space<semaphore_mem>>
    %dma_wait3A_2183 = arith.constant 0 : i32
    %dma_wait3A_2184 = tpu.memref_slice %arg4[%add3A_2060, %dma_wait3A_2183] : memref<16384x1024xf32, #tpu.memory_space<hbm>> -> memref<16x1024xf32, #tpu.memory_space<hbm>>
    %dma_wait3A_2185 = arith.constant 0 : i32
    %dma_wait3A_2186 = arith.constant 0 : i32
    %dma_wait3A_2187 = tpu.memref_slice %arg5[%dma_wait3A_2173, %dma_wait3A_2185, %dma_wait3A_2186] : memref<7x16x1024xf32, #tpu.memory_space<vmem>> -> memref<1x16x1024xf32, #tpu.memory_space<vmem>>
    %dma_wait3A_2188 = tpu.memref_squeeze %dma_wait3A_2187 : memref<1x16x1024xf32, #tpu.memory_space<vmem>> -> memref<16x1024xf32, #tpu.memory_space<vmem>>
    tpu.wait_dma2 semaphore(%dma_wait3A_2182 : memref<!tpu.dma_semaphore, #tpu.memory_space<semaphore_mem>>) src(%dma_wait3A_2188 : memref<16x1024xf32, #tpu.memory_space<vmem>>) dst(%dma_wait3A_2184 : memref<16x1024xf32, #tpu.memory_space<hbm>>)
    return
  }
}

</mosaic_0001>

<sc_bundles>
// kernel: kernel.3.cloned.1.call-start
scs
__scs_entry_jumppad:
0x0: {  	(pc) =	sbr.rel $0x88, $3  }
0x1: {  	(tag) =	ssettag $0x0;
	lr =	simm.s32 $0x1  }
0x2: {  	[smem:$0x3F9F] =	sst lr;
	_ =	strace $0xD0000000  }
0x3: {  	_ = 	snop  }
0x4: {  	_ = 	snop  }
0x5: {  	_ = 	snop  }
0x6: {  	_ = 	snop  }
0x7: {  	_ = 	snop  }
__scs_overlays_trampoline_lowered:
0x8: {  	[smem:$0x3FAE] =	sst s0  }
0x9: {  	[smem:$0x3FAF] =	sst s1  }
0xa: {  	[smem:$0x3FB0] =	sst s2  }
0xb: {  	[smem:$0x3FB1] =	sst s3  }
0xc: {  	[smem:$0x3FB2] =	sst s4  }
0xd: {  	[smem:$0x3FB3] =	sst s5  }
0xe: {  	[smem:$0x3FB4] =	sst s6  }
0xf: {  	[smem:$0x3FB5] =	sst s7  }
0x10: {  	[smem:$0x3FB6] =	sst s8  }
0x11: {  	[smem:$0x3FB7] =	sst s9;
	s0 =	simm.s32 @!p0 $0x0  }
0x12: {  	s1 =	sld [smem:$0x3F9D];
	s0 =	simm.s32 @p0 $0x1  }
0x13: {  	[smem:$0x3FB8] =	sst s0;
	s0 =	simm.s32 @!p1 $0x0  }
0x14: {  	s2 =	sld [smem:$0x3F9C];
	s0 =	simm.s32 @p1 $0x1  }
0x15: {  	[smem:$0x3FB9] =	sst s0;
	s0 =	simm.s32 @!p2 $0x0  }
0x16: {  	s3 =	sld [smem:$0x3FDB];
	s0 =	simm.s32 @p2 $0x1  }
0x17: {  	s4 =	simm.s32 $0x1BF5;
	[smem:$0x3FBB] =	sst s0  }
0x18: {  	s0 =	sld [smem:$0x3F9E];
	_ =	swait.ge [sflag:s4], $0x0  }
0x19: {  	s7 =	sld [smem:$0x3F9F]  }
0x1a: {  	s8 =	sadd.s32 $0xFFFFE003, lr  }
0x1b: {  	s9 =	sadd.s32 $0xFFFFFEF7, lr;
	s5 =	simm.s32 $0xFFFFFFFF;
	p2 =	slt.u32 s8, $0xFFFFF086  }
0x1c: {  	p1 =	slt.u32 s9, $0xF7A;
	s5 =	simm.s32 @!p2 $0x0  }
0x1d: {  	s5 =	simm.s32 @p1 $0x1;
	p0 =	seq.s32 s7, s2  }
0x1e: {  	s7 =	smul.u32 @!p0 $0xF7A, s2;
	p2 =	seq.s32 @!p0 s5, $0x0  }
0x1f: {  	s9 =	smul.u32 $0xF7A, s1;
	s8 =	simm.s32 @!p0 $0x1BF5;
	p2 =	por !p2, p0  }
0x20: {  	[sflag:s8] =	ssyncset.s32 @!p0 $0xFFFFF086;
	s6 =	sadd.s32 @!p0 s3, s7;
	s7 =	simm.s32 @!p0 $0x108  }
0x21: {  	s3 =	sadd.s32 s3, s9;
	s6 =	sadd.s32 @!p0 $0x88, s6;
	s7 =	simm.s32 @p2 $0x1082  }
0x22: {  	[simem:s7], [sflag:s8] =	dma.local @!p0 [hbm:s6], $0xF7A  }
0x23: {  	s9 =	sor.u32 $0xD0000000, s2;
	s6 =	simm.s32 $0x108;
	_ =	swait.ge @!p0 [sflag:s8], $0x0  }
0x24: {  	s3 =	sadd.s32 $0x88, s3;
	s6 =	simm.s32 @!p1 $0x1082;
	[sflag:s4] =	ssyncset.s32 $0xFFFFF086  }
0x25: {  	[simem:s6], [sflag:s4] =	dma.local [hbm:s3], $0xF7A  }
0x26: {  	[smem:$0x3F9F] =	sst s1;
	(tag) =	ssettag s2;
	_ =	strace s9  }
0x27: {  	s1 =	sld [smem:$0x3FAF]  }
0x28: {  	s2 =	sld [smem:$0x3FB0]  }
0x29: {  	s4 =	sld [smem:$0x3FB2]  }
0x2a: {  	p0 =	seq.s32 s5, $0x0;
	s5 =	sld [smem:$0x3FB3]  }
0x2b: {  	s6 =	sld [smem:$0x3FB4]  }
0x2c: {  	s7 =	sld [smem:$0x3FB5]  }
0x2d: {  	s3 =	simm.s32 $0x108;
	s8 =	sld [smem:$0x3FB6]  }
0x2e: {  	s3 =	simm.s32 @!p0 $0x1082;
	s9 =	sld [smem:$0x3FB7]  }
0x2f: {  	lr =	sadd.s32 s0, s3;
	s0 =	sld [smem:$0x3FAE]  }
0x30: {  	s3 =	sld [smem:$0x3FB1]  }
0x31: {  	[smem:$0x3FBA] =	sst s10  }
0x32: {  	s10 =	sld [smem:$0x3FB8];
	_ =	sdelay $0x3  }
0x33: {  	p0 =	seq.s32 s10, $0x1;
	s10 =	sld [smem:$0x3FBA];
	_ =	sdelay $0x3  }
0x34: {  	[smem:$0x3FBA] =	sst s10  }
0x35: {  	s10 =	sld [smem:$0x3FB9];
	_ =	sdelay $0x3  }
0x36: {  	p1 =	seq.s32 s10, $0x1;
	s10 =	sld [smem:$0x3FBA];
	_ =	sdelay $0x3  }
0x37: {  	[smem:$0x3FBA] =	sst s10  }
0x38: {  	s10 =	sld [smem:$0x3FBB]  }
0x39: {  	_ = 	snop;
	(pc) =	sbr.ind lr, $3  }
0x3a: {  	_ = 	snop  }
0x3b: {  	_ = 	snop  }
0x3c: {  	p2 =	seq.s32 s10, $0x1;
	s10 =	sld [smem:$0x3FBA]  }
0x3d: {  	_ =	shalt  }
0x3e: {  	_ =	shalt  }
0x3f: {  	_ =	shalt  }
0x40: {  	_ =	shalt  }
0x41: {  	_ =	shalt  }
0x42: {  	_ =	shalt  }
0x43: {  	_ =	shalt  }
0x44: {  	_ =	shalt  }
0x45: {  	_ =	shalt  }
0x46: {  	_ =	shalt  }
0x47: {  	_ =	shalt  }
0x48: {  	_ =	shalt  }
0x49: {  	_ =	shalt  }
0x4a: {  	_ =	shalt  }
0x4b: {  	_ =	shalt  }
0x4c: {  	_ =	shalt  }
0x4d: {  	_ =	shalt  }
0x4e: {  	_ =	shalt  }
0x4f: {  	_ =	shalt  }
0x50: {  	_ =	shalt  }
0x51: {  	_ =	shalt  }
0x52: {  	_ =	shalt  }
0x53: {  	_ =	shalt  }
0x54: {  	_ =	shalt  }
0x55: {  	_ =	shalt  }
0x56: {  	_ =	shalt  }
0x57: {  	_ =	shalt  }
0x58: {  	_ =	shalt  }
0x59: {  	_ =	shalt  }
0x5a: {  	_ =	shalt  }
0x5b: {  	_ =	shalt  }
0x5c: {  	_ =	shalt  }
0x5d: {  	_ =	shalt  }
0x5e: {  	_ =	shalt  }
0x5f: {  	_ =	shalt  }
0x60: {  	_ =	shalt  }
0x61: {  	_ =	shalt  }
0x62: {  	_ =	shalt  }
0x63: {  	_ =	shalt  }
0x64: {  	_ =	shalt  }
0x65: {  	_ =	shalt  }
0x66: {  	_ =	shalt  }
0x67: {  	_ =	shalt  }
0x68: {  	_ =	shalt  }
0x69: {  	_ =	shalt  }
0x6a: {  	_ =	shalt  }
0x6b: {  	_ =	shalt  }
0x6c: {  	_ =	shalt  }
0x6d: {  	_ =	shalt  }
0x6e: {  	_ =	shalt  }
0x6f: {  	_ =	shalt  }
0x70: {  	_ =	shalt  }
0x71: {  	_ =	shalt  }
0x72: {  	_ =	shalt  }
0x73: {  	_ =	shalt  }
0x74: {  	_ =	shalt  }
0x75: {  	_ =	shalt  }
0x76: {  	_ =	shalt  }
0x77: {  	_ =	shalt  }
0x78: {  	_ =	shalt  }
0x79: {  	_ =	shalt  }
0x7a: {  	_ =	shalt  }
0x7b: {  	_ =	shalt  }
0x7c: {  	_ =	shalt  }
0x7d: {  	_ =	shalt  }
0x7e: {  	_ =	shalt  }
0x7f: {  	_ =	shalt  }
0x80: {  	_ =	shalt  }
0x81: {  	_ =	shalt  }
0x82: {  	_ =	shalt  }
0x83: {  	_ =	shalt  }
0x84: {  	_ =	shalt  }
0x85: {  	_ =	shalt  }
0x86: {  	_ =	shalt  }
0x87: {  	_ =	shalt  }
.Lfunc_end0:
.L_simem_size_0:
called_computation_lowered:
.L_overlay_start_0:
0x88: {  	s2 =	sld [smem:$0x3FD9]  }
0x89: {  	s3 =	sld [smem:$0x3FFE];
	_ =	sdelay $0x1  }
0x8a: {  	s1 =	srdreg.scid  }
0x8b: {  	s0 =	sand.u32 $0x1, s1  }
0x8c: {  	s18 =	sshll.u32 s0, $0xA;
	s2 =	sadd.s32 s3, s2  }
0x8d: {  	s2 =	sadd.s32 s2, s18  }
0x8e: {  	[smem:$0x3FC6] =	sst s2  }
0x8f: {  	_ = 	snop  }
0x90: {  	s2 =	sld [smem:$0x3FC9]  }
0x91: {  	s19 =	sld [smem:$0x3FC8]  }
0x92: {  	s4 =	sld [smem:$0x3FD0];
	(tm) =	ssettm $0x1  }
0x93: {  	s5 =	sld [smem:$0x3FFB];
	_ =	sdelay $0x3  }
0x94: {  	_ =	strace s5  }
0x95: {  	s5 =	sld [smem:$0x3FFC];
	_ =	sdelay $0x3  }
0x96: {  	_ =	strace s5  }
0x97: {  	s5 =	sld [smem:$0x3FFD];
	_ =	sdelay $0x3  }
0x98: {  	_ =	strace s5  }
0x99: {  	_ =	strace $0x8FFFFFFF  }
0x9a: {  	s20 =	sld [smem:$0x3FDB];
	_ =	sdelay $0x1  }
0x9b: {  	s6 =	simm.s32 $_scs_section_size  }
0x9c: {  	s7 =	simm.s32 $_size__tile_overlayer_lowered;
	s8 =	simm.s32 $_tile_overlayer_lowered  }
0x9d: {  	s23 =	simm.s32 $0x1BFF;
	s22 =	sshll.u32 s8, $0x1;
	s5 =	sadd.s32 s6, s20  }
0x9e: {  	s9 =	simm.s32 $0x0;
	s21 =	sshll.u32 s7, $0x1;
	s7 =	sadd.s32 s22, s5  }
0x9f: {  	[timem:s9], [sflag:s23] =	dma.local [hbm:s7], s21  }
0xa0: {  	_ =	swait.ge [sflag:s23], s21  }
0xa1: {  	s6 =	ssub.s32 $0x0, s21;
	[sflag:s23] =	ssyncset.done $0x0  }
0xa2: {  	[sflag:s23] =	ssyncadd.s32 s6;
	_ =	sdelay $0x1  }
0xa3: {  	s24 =	simm.s32 $0x1B8B  }
0xa4: {  	_ =	swait.ge [sflag:s24], $0x1  }
0xa5: {  	[sflag:s24] =	ssyncset.done $0x0  }
0xa6: {  	s25 =	simm.s32 $0x1B8E;
	[sflag:s24] =	ssyncadd.s32 $0xFFFFFFFF  }
0xa7: {  	s26 =	simm.s32 $execute0_lowered;
	[smem:$0x3FD2] =	sst s25  }
0xa8: {  	s6 =	sshll.u32 s26, $0x1;
	_ =	strace $0x80000046;
	[dreg:$0x1] =	wrdreg $0xFFFFFFFF  }
0xa9: {  	s28 =	simm.s32 $_size_execute0_lowered;
	s5 =	sadd.s32 s5, s6;
	[dreg:$0x0] =	wrdreg $0x0  }
0xaa: {  	s6 =	sshll.u32 s28, $0x1;
	[dreg:$0x2] =	wrdreg s5  }
0xab: {  	[dreg:$0x3] =	wrdreg s6  }
0xac: {  	[dreg:$0x4] =	wrdreg $0xC0  }
0xad: {  	_ =	task [dreg:s9], $0x5FFFF  }
0xae: {  	[dreg:$0x1] =	wrdreg $0xFFFFFFFF  }
0xaf: {  	[dreg:$0x0] =	wrdreg $0x60  }
0xb0: {  	[dreg:$0x2] =	wrdreg s2  }
0xb1: {  	[dreg:$0x3] =	wrdreg s19  }
0xb2: {  	[dreg:$0x4] =	wrdreg s4  }
0xb3: {  	[dreg:$0x5] =	wrdreg $0x9  }
0xb4: {  	_ =	task.clear_ibuf [dreg:s9], $0x6FFFF;
	_ =	strace $0x90000046  }
0xb5: {  	s29 =	simm.s32 $0x9;
	_ =	strace $0x80000048  }
0xb6: {  	_ =	swait.ge [sflag:s29], $0x1  }
0xb7: {  	[sflag:s29] =	ssyncadd.s32 $0xFFFFFFFF  }
0xb8: {  	_ =	strace $0x90000048  }
0xb9: {  	_ =	sfence  }
0xba: {  	s30 =	sld [smem:$0x0];
	_ =	sdelay $0x2  }
0xbb: {  	s31 =	sshll.u32 s1, $0xD;
	s1 =	sshrl.u32 s1, $0x2  }
0xbc: {  	s3 =	sand.u32 $0x4000, s31;
	s1 =	sadd.s32 s1, s30  }
0xbd: {  	s0 =	sor.u32 s3, s0;
	s1 =	sshll.u32 s1, $0x11  }
0xbe: {  	s0 =	sor.u32 s1, s0  }
0xbf: {  	s0 =	sadd.s32 $0x8F2B, s0  }
0xc0: {  	[sflag:s0] =	ssyncadd.remote.s32 $0x1  }
0xc1: {  	_ =	sfence.sel $0xFFFF  }
0xc2: {  	[dreg:$0x0] =	wrdreg $0xFFFFFFFF;
	(pc) =	sbr.abs _section_cstart, $3  }
0xc3: {  	[dreg:$0x1] =	wrdreg $0xFFFFFFFF  }
0xc4: {  	_ =	task.clear_ibuf [dreg:s9], $0x2FFFF;
	_ =	strace $0x9FFFFFFF  }
0xc5: {  	(tm) =	ssettm $0x7FFFFFFF  }
tec
execute0_lowered:
.L_overlay_start_1:
0x0: {  	(tag) =	ssettag $0x1  }
0x1: {  	s0 =	srdreg.scid  }
0x2: {  	s1 =	stileid.u32;
	s2 =	sand.u32 $0x1, s0  }
0x3: {  	s1 =	sshll.u32 s1, $0xA;
	s3 =	sshll.u32 s2, $0x9  }
0x4: {  	s3 =	sor.u32 s3, s1  }
0x5: {  	s5 =	rddreg [dreg:$0x2];
	s4 =	ssub.s32 $0x2, s2;
	s2 =	sshll.u32 s3, $0x7  }
0x6: {  	s0 =	rddreg [dreg:$0x0];
	s1 =	simm.s32 $0x0;
	s8 =	sor.u32 $0x800, s2  }
0x7: {  	[smem:$0x7FF] =	sst s1;
	s15 =	sor.u32 $0x1000, s2;
	s14 =	sadd.s32 s0, s8  }
0x8: {  	s16 =	sor.u32 $0x1800, s2;
	s10 =	sadd.s32 s0, s15;
	[dreg:$0x4] =	wrdreg s14  }
0x9: {  	s9 =	sor.u32 $0x2000, s2;
	s17 =	sadd.s32 s0, s16;
	[dreg:$0x5] =	wrdreg s10  }
0xa: {  	s19 =	sor.u32 $0x2800, s2;
	s18 =	sadd.s32 s0, s9;
	[dreg:$0x6] =	wrdreg s17  }
0xb: {  	s11 =	sor.u32 $0x3000, s2;
	s13 =	sadd.s32 s0, s19;
	[dreg:$0x7] =	wrdreg s18  }
0xc: {  	s12 =	sor.u32 $0x3800, s2;
	s20 =	sadd.s32 s0, s11;
	[dreg:$0x8] =	wrdreg s13  }
0xd: {  	s21 =	sadd.s32 s0, s12;
	[dreg:$0x9] =	wrdreg s20  }
0xe: {  	s7 =	sand.u32 $0xE00, s3;
	s8 =	sadd.s32 s5, s8;
	[dreg:$0xa] =	wrdreg s21  }
0xf: {  	s23 =	sor.u32 $0x4800, s2;
	s3 =	sadd.s32 s5, s15;
	[dreg:$0xb] =	wrdreg s8  }
0x10: {  	s24 =	sadd.s32 s0, s23;
	[dreg:$0xd] =	wrdreg s3  }
0x11: {  	s25 =	sadd.s32 s5, s16;
	[dreg:$0xe] =	wrdreg s24  }
0x12: {  	s29 =	sadd.s32 s5, s9;
	[dreg:$0xf] =	wrdreg s25  }
0x13: {  	s22 =	sor.u32 $0x4000, s2;
	s9 =	sadd.s32 s5, s19;
	[dreg:$0x10] =	wrdreg s29  }
0x14: {  	s28 =	simm.s32 $0xE;
	s14 =	sadd.s32 s0, s22;
	[dreg:$0x11] =	wrdreg s9  }
0x15: {  	s30 =	simm.s32 $0x1C000;
	s10 =	sadd.s32 s5, s11;
	[dreg:$0xc] =	wrdreg s14  }
0x16: {  	s6 =	sshrl.u32 s4, $0x1;
	s11 =	sadd.s32 s5, s12;
	[dreg:$0x12] =	wrdreg s10  }
0x17: {  	s6 =	ssub.s32 s4, s6;
	s12 =	sadd.s32 s5, s22;
	[dreg:$0x13] =	wrdreg s11  }
0x18: {  	s26 =	sor.u32 $0x5000, s2;
	s13 =	sadd.s32 s5, s23;
	[dreg:$0x14] =	wrdreg s12  }
0x19: {  	s15 =	sor.u32 $0x5800, s2;
	s3 =	sadd.s32 s5, s26;
	[dreg:$0x15] =	wrdreg s13  }
0x1a: {  	s16 =	sor.u32 $0x6000, s2;
	s17 =	sadd.s32 s0, s15;
	[dreg:$0x17] =	wrdreg s3  }
0x1b: {  	p0 =	sne.s32 s7, $0x0;
	s18 =	sadd.s32 s0, s16;
	[dreg:$0x18] =	wrdreg s17  }
0x1c: {  	s6 =	smax.u32 s6, $0x1;
	s19 =	sadd.s32 s5, s16;
	[dreg:$0x1a] =	wrdreg s18  }
0x1d: {  	s7 =	simm.s32 $0x4000;
	s14 =	sadd.s32 s0, s26;
	[dreg:$0x1b] =	wrdreg s19  }
0x1e: {  	s20 =	sor.u32 $0x6800, s2;
	s3 =	sadd.s32 s5, s15;
	[dreg:$0x16] =	wrdreg s14  }
0x1f: {  	s21 =	sor.u32 $0x7000, s2;
	s22 =	sadd.s32 s0, s20;
	[dreg:$0x19] =	wrdreg s3  }
0x20: {  	s25 =	sor.u32 $0x7800, s2;
	s23 =	sadd.s32 s0, s21;
	[dreg:$0x1c] =	wrdreg s22  }
0x21: {  	s16 =	sor.u32 $0x9800, s2;
	s24 =	sadd.s32 s5, s21;
	[dreg:$0x1e] =	wrdreg s23  }
0x22: {  	s8 =	simm.s32 $0x8000;
	s29 =	sadd.s32 s0, s25;
	[dreg:$0x1f] =	wrdreg s24  }
0x23: {  	s26 =	sor.u32 $0x8000, s2;
	s18 =	sadd.s32 s0, s16;
	[smem:$0x7E0] =	sst s29  }
0x24: {  	s11 =	sor.u32 $0x8800, s2;
	s3 =	sadd.s32 s5, s20;
	[smem:$0x7E8] =	sst s18  }
0x25: {  	s12 =	sor.u32 $0x9000, s2;
	s9 =	sadd.s32 s0, s26;
	[dreg:$0x1d] =	wrdreg s3  }
0x26: {  	s17 =	sor.u32 $0xA000, s2;
	s10 =	sadd.s32 s5, s26;
	[smem:$0x7E2] =	sst s9  }
0x27: {  	s21 =	sor.u32 $0xA800, s2;
	s13 =	sadd.s32 s0, s11;
	[smem:$0x7E3] =	sst s10  }
0x28: {  	s14 =	sadd.s32 s0, s12;
	s15 =	sadd.s32 s5, s12;
	[smem:$0x7E4] =	sst s13  }
0x29: {  	s19 =	sadd.s32 s0, s17;
	s20 =	sadd.s32 s5, s17;
	[smem:$0x7E6] =	sst s14  }
0x2a: {  	s22 =	sor.u32 $0xB000, s2;
	s23 =	sadd.s32 s0, s21;
	[smem:$0x7E7] =	sst s15  }
0x2b: {  	s26 =	sor.u32 $0xB800, s2;
	s29 =	sor.u32 $0xC000, s2;
	[smem:$0x7EA] =	sst s19  }
0x2c: {  	s12 =	sadd.s32 s0, s2;
	s17 =	sor.u32 $0xE000, s2;
	[smem:$0x7EB] =	sst s20  }
0x2d: {  	s18 =	sor.u32 $0xE800, s2;
	s3 =	sadd.s32 s5, s25;
	[smem:$0x7EC] =	sst s23  }
0x2e: {  	s24 =	sadd.s32 s0, s22;
	s25 =	sadd.s32 s5, s22;
	[smem:$0x7F4] =	sst s12  }
0x2f: {  	s9 =	sadd.s32 s0, s26;
	s10 =	sadd.s32 s0, s29;
	[smem:$0x7E1] =	sst s3  }
0x30: {  	s13 =	sadd.s32 s5, s2;
	s14 =	sor.u32 $0xC800, s2;
	[smem:$0x7EE] =	sst s24  }
0x31: {  	s15 =	sor.u32 $0xD000, s2;
	s19 =	sor.u32 $0xF000, s2;
	[smem:$0x7EF] =	sst s25  }
0x32: {  	s20 =	sor.u32 $0xF800, s2;
	s12 =	simm.s32 $0x18000;
	[smem:$0x7F0] =	sst s9  }
0x33: {  	s3 =	sadd.s32 s5, s11;
	[smem:$0x7F2] =	sst s10;
	s11 =	sadd.s32 s5, s29  }
0x34: {  	[smem:$0x7F5] =	sst s13;
	s22 =	sadd.s32 s0, s15;
	s24 =	sadd.s32 s0, s17  }
0x35: {  	s25 =	sadd.s32 s0, s18;
	s29 =	sadd.s32 s5, s14;
	[smem:$0x7E5] =	sst s3  }
0x36: {  	s31 =	sadd.s32 s5, s15;
	s4 =	sadd.s32 s5, s19;
	[smem:$0x7F3] =	sst s11  }
0x37: {  	s9 =	simm.s32 $0xC000;
	s10 =	simm.s32 $0x10000;
	[smem:$0x7F7] =	sst s22  }
0x38: {  	s13 =	simm.s32 $0xF;
	s15 =	simm.s32 $0x8;
	[smem:$0x7F9] =	sst s24  }
0x39: {  	s3 =	sadd.s32 s5, s16;
	s16 =	sor.u32 $0xD800, s2;
	[smem:$0x7FA] =	sst s25  }
0x3a: {  	[smem:$0x7FD] =	sst s29;
	s2 =	sadd.s32 s5, s17;
	s11 =	simm.s32 $0x14000  }
0x3b: {  	s17 =	simm.s32 $0x9;
	s22 =	simm.s32 $0x5;
	s24 =	simm.s32 $0x6  }
0x3c: {  	s25 =	simm.s32 $0xD;
	[smem:$0x7E9] =	sst s3;
	s3 =	sadd.s32 s5, s21  }
0x3d: {  	s21 =	sadd.s32 s0, s14;
	s23 =	sadd.s32 s0, s16;
	[smem:$0x7ED] =	sst s3  }
0x3e: {  	s14 =	simm.s32 $0x1;
	s3 =	sadd.s32 s5, s26;
	[smem:$0x7F6] =	sst s21  }
0x3f: {  	[smem:$0x7F8] =	sst s23;
	s26 =	sadd.s32 s0, s19;
	s0 =	sadd.s32 s0, s20  }
.Ltmp0:
0x40: {  	s19 =	simm.s32 $0xA;
	[smem:$0x7F1] =	sst s3;
	(pc) =	sbr.rel .LBB2_1-.Ltmp0, $4  }
0x41: {  	s21 =	simm.s32 $0xB;
	s23 =	simm.s32 $0xC;
	[smem:$0x7FB] =	sst s26  }
0x42: {  	[smem:$0x7FC] =	sst s0;
	s0 =	sadd.s32 s5, s16;
	s3 =	sadd.s32 s5, s18  }
0x43: {  	s5 =	sadd.s32 s5, s20;
	s16 =	simm.s32 $0x2;
	s18 =	simm.s32 $0x3  }
0x44: {  	s20 =	simm.s32 $0x4;
	s26 =	simm.s32 $0x7;
	_ =	strace $0x80000047  }
.LBB2_3:
0x45: {  	s29 =	sld [smem:$0x7F5];
	_ =	sdelay $0x2  }
0x46: {  	[hbm4b:s29+s1] =	stream.linear.scatter [tilespmem:s1], [sflag:$0x8], $0x4000, $0x38;
	[tilespmem:$0x1C400] =	vst v63  }
0x47: {  	_ =	swait.ge [sflag:s15], $0x4000  }
0x48: {  	[sflag:s15] =	ssyncset.done $0x0  }
0x49: {  	s29 =	rddreg [dreg:$0xa];
	[sflag:s15] =	ssyncadd.s32 $0xFFFFC000  }
0x4a: {  	[tilespmem:s1], [sflag:$0x1] =	stream.linear.gather [hbm4b:s29+s1], $0x4000, $0x38;
	[tilespmem:$0x1C400] =	vst v63  }
0x4b: {  	_ =	swait.ge [sflag:s16], $0x4000  }
0x4c: {  	[sflag:s16] =	ssyncset.done $0x0  }
0x4d: {  	s29 =	rddreg [dreg:$0xb];
	[sflag:s16] =	ssyncadd.s32 $0xFFFFC000  }
0x4e: {  	[hbm4b:s29+s1] =	stream.linear.scatter [tilespmem:s7], [sflag:$0x9], $0x4000, $0x38;
	[tilespmem:$0x1C400] =	vst v63  }
0x4f: {  	_ =	swait.ge [sflag:s17], $0x4000  }
0x50: {  	[sflag:s17] =	ssyncset.done $0x0  }
0x51: {  	s29 =	rddreg [dreg:$0xc];
	[sflag:s17] =	ssyncadd.s32 $0xFFFFC000  }
0x52: {  	[tilespmem:s7], [sflag:$0x2] =	stream.linear.gather [hbm4b:s29+s1], $0x4000, $0x38;
	[tilespmem:$0x1C400] =	vst v63  }
0x53: {  	_ =	swait.ge [sflag:s18], $0x4000  }
0x54: {  	[sflag:s18] =	ssyncset.done $0x0  }
0x55: {  	s29 =	rddreg [dreg:$0xd];
	[sflag:s18] =	ssyncadd.s32 $0xFFFFC000  }
0x56: {  	[hbm4b:s29+s1] =	stream.linear.scatter [tilespmem:s8], [sflag:$0xA], $0x4000, $0x38;
	[tilespmem:$0x1C400] =	vst v63  }
0x57: {  	_ =	swait.ge [sflag:s19], $0x4000  }
0x58: {  	[sflag:s19] =	ssyncset.done $0x0  }
0x59: {  	s29 =	rddreg [dreg:$0xe];
	[sflag:s19] =	ssyncadd.s32 $0xFFFFC000  }
0x5a: {  	[tilespmem:s8], [sflag:$0x3] =	stream.linear.gather [hbm4b:s29+s1], $0x4000, $0x38;
	[tilespmem:$0x1C400] =	vst v63  }
0x5b: {  	_ =	swait.ge [sflag:s20], $0x4000  }
0x5c: {  	[sflag:s20] =	ssyncset.done $0x0  }
0x5d: {  	s29 =	rddreg [dreg:$0xf];
	[sflag:s20] =	ssyncadd.s32 $0xFFFFC000  }
0x5e: {  	[hbm4b:s29+s1] =	stream.linear.scatter [tilespmem:s9], [sflag:$0xB], $0x4000, $0x38;
	[tilespmem:$0x1C400] =	vst v63  }
0x5f: {  	_ =	swait.ge [sflag:s21], $0x4000  }
0x60: {  	[sflag:s21] =	ssyncset.done $0x0  }
0x61: {  	s29 =	rddreg [dreg:$0x16];
	[sflag:s21] =	ssyncadd.s32 $0xFFFFC000  }
0x62: {  	[tilespmem:s9], [sflag:$0x4] =	stream.linear.gather [hbm4b:s29+s1], $0x4000, $0x38;
	[tilespmem:$0x1C400] =	vst v63  }
0x63: {  	_ =	swait.ge [sflag:s22], $0x4000  }
0x64: {  	[sflag:s22] =	ssyncset.done $0x0  }
0x65: {  	s29 =	rddreg [dreg:$0x10];
	[sflag:s22] =	ssyncadd.s32 $0xFFFFC000  }
0x66: {  	[hbm4b:s29+s1] =	stream.linear.scatter [tilespmem:s10], [sflag:$0xC], $0x4000, $0x38;
	[tilespmem:$0x1C400] =	vst v63  }
0x67: {  	_ =	swait.ge [sflag:s23], $0x4000  }
0x68: {  	[sflag:s23] =	ssyncset.done $0x0  }
0x69: {  	s29 =	rddreg [dreg:$0x18];
	[sflag:s23] =	ssyncadd.s32 $0xFFFFC000  }
0x6a: {  	[tilespmem:s10], [sflag:$0x5] =	stream.linear.gather [hbm4b:s29+s1], $0x4000, $0x38;
	[tilespmem:$0x1C400] =	vst v63  }
0x6b: {  	_ =	swait.ge [sflag:s24], $0x4000  }
0x6c: {  	[sflag:s24] =	ssyncset.done $0x0  }
0x6d: {  	s29 =	rddreg [dreg:$0x11];
	[sflag:s24] =	ssyncadd.s32 $0xFFFFC000  }
0x6e: {  	[hbm4b:s29+s1] =	stream.linear.scatter [tilespmem:s11], [sflag:$0xD], $0x4000, $0x38;
	[tilespmem:$0x1C400] =	vst v63  }
0x6f: {  	_ =	swait.ge [sflag:s25], $0x4000  }
0x70: {  	[sflag:s25] =	ssyncset.done $0x0  }
0x71: {  	s29 =	rddreg [dreg:$0x1a];
	[sflag:s25] =	ssyncadd.s32 $0xFFFFC000  }
0x72: {  	[tilespmem:s11], [sflag:$0x6] =	stream.linear.gather [hbm4b:s29+s1], $0x4000, $0x38;
	[tilespmem:$0x1C400] =	vst v63  }
0x73: {  	_ =	swait.ge [sflag:s26], $0x4000  }
0x74: {  	[sflag:s26] =	ssyncset.done $0x0  }
0x75: {  	s29 =	rddreg [dreg:$0x12];
	[sflag:s26] =	ssyncadd.s32 $0xFFFFC000  }
0x76: {  	[hbm4b:s29+s1] =	stream.linear.scatter [tilespmem:s12], [sflag:$0xE], $0x4000, $0x38;
	[tilespmem:$0x1C400] =	vst v63  }
0x77: {  	_ =	swait.ge [sflag:s28], $0x4000  }
0x78: {  	[sflag:s28] =	ssyncset.done $0x0  }
0x79: {  	s29 =	rddreg [dreg:$0x1c];
	[sflag:s28] =	ssyncadd.s32 $0xFFFFC000  }
0x7a: {  	[tilespmem:s12], [sflag:$0x7] =	stream.linear.gather [hbm4b:s29+s1], $0x4000, $0x38;
	[tilespmem:$0x1C400] =	vst v63  }
0x7b: {  	_ =	swait.ge [sflag:s14], $0x4000  }
0x7c: {  	[sflag:s14] =	ssyncset.done $0x0  }
0x7d: {  	s29 =	rddreg [dreg:$0x13];
	[sflag:s14] =	ssyncadd.s32 $0xFFFFC000  }
0x7e: {  	[hbm4b:s29+s1] =	stream.linear.scatter [tilespmem:s1], [sflag:$0x8], $0x4000, $0x38;
	[tilespmem:$0x1C400] =	vst v63  }
0x7f: {  	_ =	swait.ge [sflag:s15], $0x4000  }
0x80: {  	[sflag:s15] =	ssyncset.done $0x0  }
0x81: {  	s29 =	rddreg [dreg:$0x1e];
	[sflag:s15] =	ssyncadd.s32 $0xFFFFC000  }
0x82: {  	[tilespmem:s1], [sflag:$0x1] =	stream.linear.gather [hbm4b:s29+s1], $0x4000, $0x38;
	[tilespmem:$0x1C400] =	vst v63  }
0x83: {  	_ =	swait.ge [sflag:s16], $0x4000  }
0x84: {  	[sflag:s16] =	ssyncset.done $0x0  }
0x85: {  	s29 =	rddreg [dreg:$0x14];
	[sflag:s16] =	ssyncadd.s32 $0xFFFFC000  }
0x86: {  	[hbm4b:s29+s1] =	stream.linear.scatter [tilespmem:s7], [sflag:$0x9], $0x4000, $0x38;
	[tilespmem:$0x1C400] =	vst v63  }
0x87: {  	_ =	swait.ge [sflag:s17], $0x4000  }
0x88: {  	s29 =	sld [smem:$0x7E0]  }
0x89: {  	[sflag:s17] =	ssyncset.done $0x0  }
0x8a: {  	[sflag:s17] =	ssyncadd.s32 $0xFFFFC000  }
0x8b: {  	[tilespmem:s7], [sflag:$0x2] =	stream.linear.gather [hbm4b:s29+s1], $0x4000, $0x38;
	[tilespmem:$0x1C400] =	vst v63  }
0x8c: {  	_ =	swait.ge [sflag:s18], $0x4000  }
0x8d: {  	[sflag:s18] =	ssyncset.done $0x0  }
0x8e: {  	s29 =	rddreg [dreg:$0x15];
	[sflag:s18] =	ssyncadd.s32 $0xFFFFC000  }
0x8f: {  	[hbm4b:s29+s1] =	stream.linear.scatter [tilespmem:s8], [sflag:$0xA], $0x4000, $0x38;
	[tilespmem:$0x1C400] =	vst v63  }
0x90: {  	_ =	swait.ge [sflag:s19], $0x4000  }
0x91: {  	s29 =	sld [smem:$0x7E2]  }
0x92: {  	[sflag:s19] =	ssyncset.done $0x0  }
0x93: {  	[sflag:s19] =	ssyncadd.s32 $0xFFFFC000  }
0x94: {  	[tilespmem:s8], [sflag:$0x3] =	stream.linear.gather [hbm4b:s29+s1], $0x4000, $0x38;
	[tilespmem:$0x1C400] =	vst v63  }
0x95: {  	_ =	swait.ge [sflag:s20], $0x4000  }
0x96: {  	[sflag:s20] =	ssyncset.done $0x0  }
0x97: {  	s29 =	rddreg [dreg:$0x17];
	[sflag:s20] =	ssyncadd.s32 $0xFFFFC000  }
0x98: {  	[hbm4b:s29+s1] =	stream.linear.scatter [tilespmem:s9], [sflag:$0xB], $0x4000, $0x38;
	[tilespmem:$0x1C400] =	vst v63  }
0x99: {  	_ =	swait.ge [sflag:s21], $0x4000  }
0x9a: {  	s29 =	sld [smem:$0x7E4]  }
0x9b: {  	[sflag:s21] =	ssyncset.done $0x0  }
0x9c: {  	[sflag:s21] =	ssyncadd.s32 $0xFFFFC000  }
0x9d: {  	[tilespmem:s9], [sflag:$0x4] =	stream.linear.gather [hbm4b:s29+s1], $0x4000, $0x38;
	[tilespmem:$0x1C400] =	vst v63  }
0x9e: {  	_ =	swait.ge [sflag:s22], $0x4000  }
0x9f: {  	[sflag:s22] =	ssyncset.done $0x0  }
0xa0: {  	s29 =	rddreg [dreg:$0x19];
	[sflag:s22] =	ssyncadd.s32 $0xFFFFC000  }
0xa1: {  	[hbm4b:s29+s1] =	stream.linear.scatter [tilespmem:s10], [sflag:$0xC], $0x4000, $0x38;
	[tilespmem:$0x1C400] =	vst v63  }
0xa2: {  	_ =	swait.ge [sflag:s23], $0x4000  }
0xa3: {  	s29 =	sld [smem:$0x7E6]  }
0xa4: {  	[sflag:s23] =	ssyncset.done $0x0  }
0xa5: {  	[sflag:s23] =	ssyncadd.s32 $0xFFFFC000  }
0xa6: {  	[tilespmem:s10], [sflag:$0x5] =	stream.linear.gather [hbm4b:s29+s1], $0x4000, $0x38;
	[tilespmem:$0x1C400] =	vst v63  }
0xa7: {  	_ =	swait.ge [sflag:s24], $0x4000  }
0xa8: {  	[sflag:s24] =	ssyncset.done $0x0  }
0xa9: {  	s29 =	rddreg [dreg:$0x1b];
	[sflag:s24] =	ssyncadd.s32 $0xFFFFC000  }
0xaa: {  	[hbm4b:s29+s1] =	stream.linear.scatter [tilespmem:s11], [sflag:$0xD], $0x4000, $0x38;
	[tilespmem:$0x1C400] =	vst v63  }
0xab: {  	_ =	swait.ge [sflag:s25], $0x4000  }
0xac: {  	s29 =	sld [smem:$0x7E8]  }
0xad: {  	[sflag:s25] =	ssyncset.done $0x0  }
0xae: {  	[sflag:s25] =	ssyncadd.s32 $0xFFFFC000  }
0xaf: {  	[tilespmem:s11], [sflag:$0x6] =	stream.linear.gather [hbm4b:s29+s1], $0x4000, $0x38;
	[tilespmem:$0x1C400] =	vst v63  }
0xb0: {  	_ =	swait.ge [sflag:s26], $0x4000  }
0xb1: {  	[sflag:s26] =	ssyncset.done $0x0  }
0xb2: {  	s29 =	rddreg [dreg:$0x1d];
	[sflag:s26] =	ssyncadd.s32 $0xFFFFC000  }
0xb3: {  	[hbm4b:s29+s1] =	stream.linear.scatter [tilespmem:s12], [sflag:$0xE], $0x4000, $0x38;
	[tilespmem:$0x1C400] =	vst v63  }
0xb4: {  	_ =	swait.ge [sflag:s28], $0x4000  }
0xb5: {  	s29 =	sld [smem:$0x7EA]  }
0xb6: {  	[sflag:s28] =	ssyncset.done $0x0  }
0xb7: {  	[sflag:s28] =	ssyncadd.s32 $0xFFFFC000  }
0xb8: {  	[tilespmem:s12], [sflag:$0x7] =	stream.linear.gather [hbm4b:s29+s1], $0x4000, $0x38;
	[tilespmem:$0x1C400] =	vst v63  }
0xb9: {  	_ =	swait.ge [sflag:s14], $0x4000  }
0xba: {  	[sflag:s14] =	ssyncset.done $0x0  }
0xbb: {  	s29 =	rddreg [dreg:$0x1f];
	[sflag:s14] =	ssyncadd.s32 $0xFFFFC000  }
0xbc: {  	[hbm4b:s29+s1] =	stream.linear.scatter [tilespmem:s1], [sflag:$0x8], $0x4000, $0x38;
	[tilespmem:$0x1C400] =	vst v63  }
0xbd: {  	_ =	swait.ge [sflag:s15], $0x4000  }
0xbe: {  	s29 =	sld [smem:$0x7EC]  }
0xbf: {  	[sflag:s15] =	ssyncset.done $0x0  }
0xc0: {  	[sflag:s15] =	ssyncadd.s32 $0xFFFFC000  }
0xc1: {  	[tilespmem:s1], [sflag:$0x1] =	stream.linear.gather [hbm4b:s29+s1], $0x4000, $0x38;
	[tilespmem:$0x1C400] =	vst v63  }
0xc2: {  	_ =	swait.ge [sflag:s16], $0x4000  }
0xc3: {  	s29 =	sld [smem:$0x7E1]  }
0xc4: {  	[sflag:s16] =	ssyncset.done $0x0  }
0xc5: {  	[sflag:s16] =	ssyncadd.s32 $0xFFFFC000  }
0xc6: {  	[hbm4b:s29+s1] =	stream.linear.scatter [tilespmem:s7], [sflag:$0x9], $0x4000, $0x38;
	[tilespmem:$0x1C400] =	vst v63  }
0xc7: {  	_ =	swait.ge [sflag:s17], $0x4000  }
0xc8: {  	s29 =	sld [smem:$0x7EE]  }
0xc9: {  	[sflag:s17] =	ssyncset.done $0x0  }
0xca: {  	[sflag:s17] =	ssyncadd.s32 $0xFFFFC000  }
0xcb: {  	[tilespmem:s7], [sflag:$0x2] =	stream.linear.gather [hbm4b:s29+s1], $0x4000, $0x38;
	[tilespmem:$0x1C400] =	vst v63  }
0xcc: {  	_ =	swait.ge [sflag:s18], $0x4000  }
0xcd: {  	s29 =	sld [smem:$0x7E3]  }
0xce: {  	[sflag:s18] =	ssyncset.done $0x0  }
0xcf: {  	[sflag:s18] =	ssyncadd.s32 $0xFFFFC000  }
0xd0: {  	[hbm4b:s29+s1] =	stream.linear.scatter [tilespmem:s8], [sflag:$0xA], $0x4000, $0x38;
	[tilespmem:$0x1C400] =	vst v63  }
0xd1: {  	_ =	swait.ge [sflag:s19], $0x4000  }
0xd2: {  	s29 =	sld [smem:$0x7F0]  }
0xd3: {  	[sflag:s19] =	ssyncset.done $0x0  }
0xd4: {  	[sflag:s19] =	ssyncadd.s32 $0xFFFFC000  }
0xd5: {  	[tilespmem:s8], [sflag:$0x3] =	stream.linear.gather [hbm4b:s29+s1], $0x4000, $0x38;
	[tilespmem:$0x1C400] =	vst v63  }
0xd6: {  	_ =	swait.ge [sflag:s20], $0x4000  }
0xd7: {  	s29 =	sld [smem:$0x7E5]  }
0xd8: {  	[sflag:s20] =	ssyncset.done $0x0  }
0xd9: {  	[sflag:s20] =	ssyncadd.s32 $0xFFFFC000  }
0xda: {  	[hbm4b:s29+s1] =	stream.linear.scatter [tilespmem:s9], [sflag:$0xB], $0x4000, $0x38;
	[tilespmem:$0x1C400] =	vst v63  }
0xdb: {  	_ =	swait.ge [sflag:s21], $0x4000  }
0xdc: {  	s29 =	sld [smem:$0x7F2]  }
0xdd: {  	[sflag:s21] =	ssyncset.done $0x0  }
0xde: {  	[sflag:s21] =	ssyncadd.s32 $0xFFFFC000  }
0xdf: {  	[tilespmem:s9], [sflag:$0x4] =	stream.linear.gather [hbm4b:s29+s1], $0x4000, $0x38;
	[tilespmem:$0x1C400] =	vst v63  }
0xe0: {  	_ =	swait.ge [sflag:s22], $0x4000  }
0xe1: {  	s29 =	sld [smem:$0x7E7]  }
0xe2: {  	[sflag:s22] =	ssyncset.done $0x0  }
0xe3: {  	[sflag:s22] =	ssyncadd.s32 $0xFFFFC000  }
0xe4: {  	[hbm4b:s29+s1] =	stream.linear.scatter [tilespmem:s10], [sflag:$0xC], $0x4000, $0x38;
	[tilespmem:$0x1C400] =	vst v63  }
0xe5: {  	_ =	swait.ge [sflag:s23], $0x4000  }
0xe6: {  	s29 =	sld [smem:$0x7F6]  }
0xe7: {  	[sflag:s23] =	ssyncset.done $0x0  }
0xe8: {  	[sflag:s23] =	ssyncadd.s32 $0xFFFFC000  }
0xe9: {  	[tilespmem:s10], [sflag:$0x5] =	stream.linear.gather [hbm4b:s29+s1], $0x4000, $0x38;
	[tilespmem:$0x1C400] =	vst v63  }
0xea: {  	_ =	swait.ge [sflag:s24], $0x4000  }
0xeb: {  	s29 =	sld [smem:$0x7E9]  }
0xec: {  	[sflag:s24] =	ssyncset.done $0x0  }
0xed: {  	[sflag:s24] =	ssyncadd.s32 $0xFFFFC000  }
0xee: {  	[hbm4b:s29+s1] =	stream.linear.scatter [tilespmem:s11], [sflag:$0xD], $0x4000, $0x38;
	[tilespmem:$0x1C400] =	vst v63  }
0xef: {  	_ =	swait.ge [sflag:s25], $0x4000  }
0xf0: {  	s29 =	sld [smem:$0x7F7]  }
0xf1: {  	[sflag:s25] =	ssyncset.done $0x0  }
0xf2: {  	[sflag:s25] =	ssyncadd.s32 $0xFFFFC000  }
0xf3: {  	[tilespmem:s11], [sflag:$0x6] =	stream.linear.gather [hbm4b:s29+s1], $0x4000, $0x38;
	[tilespmem:$0x1C400] =	vst v63  }
0xf4: {  	_ =	swait.ge [sflag:s26], $0x4000  }
0xf5: {  	s29 =	sld [smem:$0x7EB]  }
0xf6: {  	[sflag:s26] =	ssyncset.done $0x0  }
0xf7: {  	[sflag:s26] =	ssyncadd.s32 $0xFFFFC000  }
0xf8: {  	[hbm4b:s29+s1] =	stream.linear.scatter [tilespmem:s12], [sflag:$0xE], $0x4000, $0x38;
	[tilespmem:$0x1C400] =	vst v63  }
0xf9: {  	_ =	swait.ge [sflag:s28], $0x4000  }
0xfa: {  	s29 =	sld [smem:$0x7F8]  }
0xfb: {  	[sflag:s28] =	ssyncset.done $0x0  }
0xfc: {  	[sflag:s28] =	ssyncadd.s32 $0xFFFFC000  }
0xfd: {  	[tilespmem:s12], [sflag:$0x7] =	stream.linear.gather [hbm4b:s29+s1], $0x4000, $0x38;
	[tilespmem:$0x1C400] =	vst v63  }
0xfe: {  	_ =	swait.ge [sflag:s14], $0x4000  }
0xff: {  	s29 =	sld [smem:$0x7ED]  }
0x100: {  	[sflag:s14] =	ssyncset.done $0x0  }
0x101: {  	[sflag:s14] =	ssyncadd.s32 $0xFFFFC000  }
0x102: {  	[hbm4b:s29+s1] =	stream.linear.scatter [tilespmem:s1], [sflag:$0x8], $0x4000, $0x38;
	[tilespmem:$0x1C400] =	vst v63  }
0x103: {  	_ =	swait.ge [sflag:s15], $0x4000  }
0x104: {  	s29 =	sld [smem:$0x7F9]  }
0x105: {  	[sflag:s15] =	ssyncset.done $0x0  }
0x106: {  	[sflag:s15] =	ssyncadd.s32 $0xFFFFC000  }
0x107: {  	[tilespmem:s1], [sflag:$0x1] =	stream.linear.gather [hbm4b:s29+s1], $0x4000, $0x38;
	[tilespmem:$0x1C400] =	vst v63  }
0x108: {  	_ =	swait.ge [sflag:s16], $0x4000  }
0x109: {  	s29 =	sld [smem:$0x7EF]  }
0x10a: {  	[sflag:s16] =	ssyncset.done $0x0  }
0x10b: {  	[sflag:s16] =	ssyncadd.s32 $0xFFFFC000  }
0x10c: {  	[hbm4b:s29+s1] =	stream.linear.scatter [tilespmem:s7], [sflag:$0x9], $0x4000, $0x38;
	[tilespmem:$0x1C400] =	vst v63  }
0x10d: {  	_ =	swait.ge [sflag:s17], $0x4000  }
0x10e: {  	s29 =	sld [smem:$0x7FA]  }
0x10f: {  	[sflag:s17] =	ssyncset.done $0x0  }
0x110: {  	[sflag:s17] =	ssyncadd.s32 $0xFFFFC000  }
0x111: {  	[tilespmem:s7], [sflag:$0x2] =	stream.linear.gather [hbm4b:s29+s1], $0x4000, $0x38;
	[tilespmem:$0x1C400] =	vst v63  }
0x112: {  	_ =	swait.ge [sflag:s18], $0x4000  }
0x113: {  	s29 =	sld [smem:$0x7F1]  }
0x114: {  	[sflag:s18] =	ssyncset.done $0x0  }
0x115: {  	[sflag:s18] =	ssyncadd.s32 $0xFFFFC000  }
0x116: {  	[hbm4b:s29+s1] =	stream.linear.scatter [tilespmem:s8], [sflag:$0xA], $0x4000, $0x38;
	[tilespmem:$0x1C400] =	vst v63  }
0x117: {  	_ =	swait.ge [sflag:s19], $0x4000  }
0x118: {  	s29 =	sld [smem:$0x7FB]  }
0x119: {  	[sflag:s19] =	ssyncset.done $0x0  }
0x11a: {  	[sflag:s19] =	ssyncadd.s32 $0xFFFFC000  }
0x11b: {  	[tilespmem:s8], [sflag:$0x3] =	stream.linear.gather [hbm4b:s29+s1], $0x4000, $0x38;
	[tilespmem:$0x1C400] =	vst v63  }
0x11c: {  	_ =	swait.ge [sflag:s20], $0x4000  }
0x11d: {  	s29 =	sld [smem:$0x7F3]  }
0x11e: {  	[sflag:s20] =	ssyncset.done $0x0  }
0x11f: {  	[sflag:s20] =	ssyncadd.s32 $0xFFFFC000  }
0x120: {  	[hbm4b:s29+s1] =	stream.linear.scatter [tilespmem:s9], [sflag:$0xB], $0x4000, $0x38;
	[tilespmem:$0x1C400] =	vst v63  }
0x121: {  	_ =	swait.ge [sflag:s21], $0x4000  }
0x122: {  	s29 =	sld [smem:$0x7FC]  }
0x123: {  	[sflag:s21] =	ssyncset.done $0x0  }
0x124: {  	[sflag:s21] =	ssyncadd.s32 $0xFFFFC000  }
0x125: {  	[tilespmem:s9], [sflag:$0x4] =	stream.linear.gather [hbm4b:s29+s1], $0x4000, $0x38;
	[tilespmem:$0x1C400] =	vst v63  }
0x126: {  	_ =	swait.ge [sflag:s22], $0x4000  }
0x127: {  	s29 =	sld [smem:$0x7FD]  }
0x128: {  	[sflag:s22] =	ssyncset.done $0x0  }
0x129: {  	[sflag:s22] =	ssyncadd.s32 $0xFFFFC000  }
0x12a: {  	[hbm4b:s29+s1] =	stream.linear.scatter [tilespmem:s10], [sflag:$0xC], $0x4000, $0x38;
	[tilespmem:$0x1C400] =	vst v63  }
0x12b: {  	_ =	swait.ge [sflag:s24], $0x4000  }
0x12c: {  	[sflag:s24] =	ssyncset.done $0x0  }
0x12d: {  	[sflag:s24] =	ssyncadd.s32 $0xFFFFC000  }
0x12e: {  	[hbm4b:s31+s1] =	stream.linear.scatter [tilespmem:s11], [sflag:$0xD], $0x4000, $0x38;
	[tilespmem:$0x1C400] =	vst v63  }
0x12f: {  	_ =	swait.ge [sflag:s26], $0x4000  }
0x130: {  	[sflag:s26] =	ssyncset.done $0x0  }
0x131: {  	[sflag:s26] =	ssyncadd.s32 $0xFFFFC000  }
0x132: {  	[hbm4b:s0+s1] =	stream.linear.scatter [tilespmem:s12], [sflag:$0xE], $0x4000, $0x38;
	[tilespmem:$0x1C400] =	vst v63  }
0x133: {  	_ =	swait.ge [sflag:s14], $0x4000  }
0x134: {  	[sflag:s14] =	ssyncset.done $0x0  }
0x135: {  	[sflag:s14] =	ssyncadd.s32 $0xFFFFC000  }
0x136: {  	[hbm4b:s2+s1] =	stream.linear.scatter [tilespmem:s1], [sflag:$0x8], $0x4000, $0x38;
	[tilespmem:$0x1C400] =	vst v63  }
0x137: {  	_ =	swait.ge [sflag:s16], $0x4000  }
0x138: {  	[sflag:s16] =	ssyncset.done $0x0  }
0x139: {  	[sflag:s16] =	ssyncadd.s32 $0xFFFFC000  }
0x13a: {  	[hbm4b:s3+s1] =	stream.linear.scatter [tilespmem:s7], [sflag:$0x9], $0x4000, $0x38;
	[tilespmem:$0x1C400] =	vst v63  }
0x13b: {  	_ =	swait.ge [sflag:s18], $0x4000  }
0x13c: {  	[sflag:s18] =	ssyncset.done $0x0  }
0x13d: {  	[sflag:s18] =	ssyncadd.s32 $0xFFFFC000  }
0x13e: {  	[hbm4b:s4+s1] =	stream.linear.scatter [tilespmem:s8], [sflag:$0xA], $0x4000, $0x38;
	[tilespmem:$0x1C400] =	vst v63  }
0x13f: {  	_ =	swait.ge [sflag:s20], $0x4000  }
0x140: {  	[sflag:s20] =	ssyncset.done $0x0  }
0x141: {  	[sflag:s20] =	ssyncadd.s32 $0xFFFFC000  }
0x142: {  	[hbm4b:s5+s1] =	stream.linear.scatter [tilespmem:s9], [sflag:$0xB], $0x4000, $0x38;
	[tilespmem:$0x1C400] =	vst v63  }
0x143: {  	_ =	swait.ge [sflag:s23], $0x4000  }
0x144: {  	[sflag:s23] =	ssyncset.done $0x0  }
0x145: {  	[sflag:s23] =	ssyncadd.s32 $0xFFFFC000  }
0x146: {  	_ =	swait.ge [sflag:s25], $0x4000  }
0x147: {  	[sflag:s25] =	ssyncset.done $0x0  }
0x148: {  	[sflag:s25] =	ssyncadd.s32 $0xFFFFC000  }
0x149: {  	_ =	swait.ge [sflag:s28], $0x4000  }
0x14a: {  	[sflag:s28] =	ssyncset.done $0x0  }
0x14b: {  	[sflag:s28] =	ssyncadd.s32 $0xFFFFC000  }
0x14c: {  	_ =	swait.ge [sflag:s15], $0x4000  }
0x14d: {  	[sflag:s15] =	ssyncset.done $0x0  }
0x14e: {  	[sflag:s15] =	ssyncadd.s32 $0xFFFFC000  }
0x14f: {  	_ =	swait.ge [sflag:s17], $0x4000  }
0x150: {  	[sflag:s17] =	ssyncset.done $0x0  }
0x151: {  	s6 =	sadd.s32 $0xFFFFFFFF, s6;
	[sflag:s17] =	ssyncadd.s32 $0xFFFFC000  }
0x152: {  	p1 =	sne.s32 s6, $0x0;
	_ =	swait.ge [sflag:s19], $0x4000  }
.Ltmp1:
0x153: {  	[sflag:s19] =	ssyncset.done $0x0;
	(pc) =	sbr.rel @!p1 .LBB2_4-.Ltmp1, $4  }
0x154: {  	[sflag:s19] =	ssyncadd.s32 $0xFFFFC000  }
0x155: {  	_ =	swait.ge [sflag:s21], $0x4000  }
0x156: {  	[sflag:s21] =	ssyncset.done $0x0  }
0x157: {  	[sflag:s21] =	ssyncadd.s32 $0xFFFFC000  }
.LBB2_1:
0x158: {  	s29 =	rddreg [dreg:$0x1]  }
0x159: {  	[tilespmem:s30], [sflag:$0xF] =	stream.linear.gather [hbm4b:s29+s1], $0x400, $0x38;
	[tilespmem:$0x1C400] =	vst v63  }
0x15a: {  	s29 =	sld [smem:$0x7F4];
	_ =	sdelay $0x2  }
0x15b: {  	[tilespmem:s1], [sflag:$0x1] =	stream.linear.gather [hbm4b:s29+s1], $0x4000, $0x38;
	[tilespmem:$0x1C400] =	vst v63  }
0x15c: {  	s29 =	rddreg [dreg:$0x4]  }
0x15d: {  	[tilespmem:s7], [sflag:$0x2] =	stream.linear.gather [hbm4b:s29+s1], $0x4000, $0x38;
	[tilespmem:$0x1C400] =	vst v63  }
0x15e: {  	s29 =	rddreg [dreg:$0x5]  }
0x15f: {  	[tilespmem:s8], [sflag:$0x3] =	stream.linear.gather [hbm4b:s29+s1], $0x4000, $0x38;
	[tilespmem:$0x1C400] =	vst v63  }
0x160: {  	s29 =	rddreg [dreg:$0x6]  }
0x161: {  	[tilespmem:s9], [sflag:$0x4] =	stream.linear.gather [hbm4b:s29+s1], $0x4000, $0x38;
	[tilespmem:$0x1C400] =	vst v63  }
0x162: {  	s29 =	rddreg [dreg:$0x7]  }
0x163: {  	[tilespmem:s10], [sflag:$0x5] =	stream.linear.gather [hbm4b:s29+s1], $0x4000, $0x38;
	[tilespmem:$0x1C400] =	vst v63  }
0x164: {  	s29 =	rddreg [dreg:$0x8]  }
0x165: {  	[tilespmem:s11], [sflag:$0x6] =	stream.linear.gather [hbm4b:s29+s1], $0x4000, $0x38;
	[tilespmem:$0x1C400] =	vst v63  }
0x166: {  	s29 =	rddreg [dreg:$0x9]  }
0x167: {  	[tilespmem:s12], [sflag:$0x7] =	stream.linear.gather [hbm4b:s29+s1], $0x4000, $0x38;
	[tilespmem:$0x1C400] =	vst v63  }
0x168: {  	_ =	swait.ge [sflag:s13], $0x400  }
.Ltmp2:
0x169: {  	[sflag:s13] =	ssyncset.done $0x0;
	(pc) =	sbr.rel @p0 .LBB2_3-.Ltmp2, $4  }
0x16a: {  	[sflag:s13] =	ssyncadd.s32 $0xFFFFFC00  }
0x16b: {  	_ =	swait.ge [sflag:s14], $0x4000  }
0x16c: {  	[sflag:s14] =	ssyncset.done $0x0  }
0x16d: {  	[sflag:s14] =	ssyncadd.s32 $0xFFFFC000  }
0x16e: {  	v0 =	vld [tilespmem:$0x1C000]  }
0x16f: {  	v1 =	vld [tilespmem:$0x1C010]  }
0x170: {  	v2 =	vld [tilespmem:$0x1C020]  }
0x171: {  	v3 =	vld [tilespmem:$0x1C030]  }
0x172: {  	v4 =	vld [tilespmem:$0x1C040]  }
0x173: {  	v61 =	vld [tilespmem:$0x1C050];
	[tilespmem:$0x0] =	vst v0  }
0x174: {  	v62 =	vld [tilespmem:$0x1C060];
	[tilespmem:$0x10] =	vst v1  }
0x175: {  	v63 =	vld [tilespmem:$0x1C070];
	[tilespmem:$0x20] =	vst v2  }
0x176: {  	v8 =	vld [tilespmem:$0x1C080];
	[tilespmem:$0x30] =	vst v3  }
0x177: {  	v9 =	vld [tilespmem:$0x1C090];
	[tilespmem:$0x40] =	vst v4  }
0x178: {  	v10 =	vld [tilespmem:$0x1C0A0];
	[tilespmem:$0x50] =	vst v61  }
0x179: {  	v11 =	vld [tilespmem:$0x1C0B0];
	[tilespmem:$0x60] =	vst v62  }
0x17a: {  	v12 =	vld [tilespmem:$0x1C0C0];
	[tilespmem:$0x70] =	vst v63  }
0x17b: {  	v13 =	vld [tilespmem:$0x1C0D0];
	[tilespmem:$0x400] =	vst v8  }
0x17c: {  	v14 =	vld [tilespmem:$0x1C0E0];
	[tilespmem:$0x410] =	vst v9  }
0x17d: {  	v15 =	vld [tilespmem:$0x1C0F0];
	[tilespmem:$0x420] =	vst v10  }
0x17e: {  	v16 =	vld [tilespmem:$0x1C100];
	[tilespmem:$0x430] =	vst v11  }
0x17f: {  	v17 =	vld [tilespmem:$0x1C110];
	[tilespmem:$0x440] =	vst v12  }
0x180: {  	v18 =	vld [tilespmem:$0x1C120];
	[tilespmem:$0x450] =	vst v13  }
0x181: {  	v19 =	vld [tilespmem:$0x1C130];
	[tilespmem:$0x460] =	vst v14  }
0x182: {  	v20 =	vld [tilespmem:$0x1C140];
	[tilespmem:$0x470] =	vst v15  }
0x183: {  	v21 =	vld [tilespmem:$0x1C150];
	[tilespmem:$0x800] =	vst v16  }
0x184: {  	v22 =	vld [tilespmem:$0x1C160];
	[tilespmem:$0x810] =	vst v17  }
0x185: {  	v23 =	vld [tilespmem:$0x1C170];
	[tilespmem:$0x820] =	vst v18  }
0x186: {  	v24 =	vld [tilespmem:$0x1C180];
	[tilespmem:$0x830] =	vst v19  }
0x187: {  	v25 =	vld [tilespmem:$0x1C190];
	[tilespmem:$0x840] =	vst v20  }
0x188: {  	v26 =	vld [tilespmem:$0x1C1A0];
	[tilespmem:$0x850] =	vst v21  }
0x189: {  	v27 =	vld [tilespmem:$0x1C1B0];
	[tilespmem:$0x860] =	vst v22  }
0x18a: {  	v28 =	vld [tilespmem:$0x1C1C0];
	[tilespmem:$0x870] =	vst v23  }
0x18b: {  	v29 =	vld [tilespmem:$0x1C1D0];
	[tilespmem:$0xC00] =	vst v24  }
0x18c: {  	v30 =	vld [tilespmem:$0x1C1E0];
	[tilespmem:$0xC10] =	vst v25  }
0x18d: {  	v31 =	vld [tilespmem:$0x1C1F0];
	[tilespmem:$0xC20] =	vst v26  }
0x18e: {  	v32 =	vld [tilespmem:$0x1C200];
	[tilespmem:$0xC30] =	vst v27  }
0x18f: {  	v33 =	vld [tilespmem:$0x1C210];
	[tilespmem:$0xC40] =	vst v28  }
0x190: {  	v34 =	vld [tilespmem:$0x1C220];
	[tilespmem:$0xC50] =	vst v29  }
0x191: {  	v35 =	vld [tilespmem:$0x1C230];
	[tilespmem:$0xC60] =	vst v30  }
0x192: {  	v36 =	vld [tilespmem:$0x1C240];
	[tilespmem:$0xC70] =	vst v31  }
0x193: {  	v37 =	vld [tilespmem:$0x1C250];
	[tilespmem:$0x1000] =	vst v32  }
0x194: {  	v38 =	vld [tilespmem:$0x1C260];
	[tilespmem:$0x1010] =	vst v33  }
0x195: {  	v39 =	vld [tilespmem:$0x1C270];
	[tilespmem:$0x1020] =	vst v34  }
0x196: {  	v40 =	vld [tilespmem:$0x1C280];
	[tilespmem:$0x1030] =	vst v35  }
0x197: {  	v41 =	vld [tilespmem:$0x1C290];
	[tilespmem:$0x1040] =	vst v36  }
0x198: {  	v42 =	vld [tilespmem:$0x1C2A0];
	[tilespmem:$0x1050] =	vst v37  }
0x199: {  	v43 =	vld [tilespmem:$0x1C2B0];
	[tilespmem:$0x1060] =	vst v38  }
0x19a: {  	v44 =	vld [tilespmem:$0x1C2C0];
	[tilespmem:$0x1070] =	vst v39  }
0x19b: {  	v45 =	vld [tilespmem:$0x1C2D0];
	[tilespmem:$0x1400] =	vst v40  }
0x19c: {  	v46 =	vld [tilespmem:$0x1C2E0];
	[tilespmem:$0x1410] =	vst v41  }
0x19d: {  	v47 =	vld [tilespmem:$0x1C2F0];
	[tilespmem:$0x1420] =	vst v42  }
0x19e: {  	v48 =	vld [tilespmem:$0x1C300];
	[tilespmem:$0x1430] =	vst v43  }
0x19f: {  	v49 =	vld [tilespmem:$0x1C310];
	[tilespmem:$0x1440] =	vst v44  }
0x1a0: {  	v50 =	vld [tilespmem:$0x1C320];
	[tilespmem:$0x1450] =	vst v45  }
0x1a1: {  	v51 =	vld [tilespmem:$0x1C330];
	[tilespmem:$0x1460] =	vst v46  }
0x1a2: {  	v52 =	vld [tilespmem:$0x1C340];
	[tilespmem:$0x1470] =	vst v47  }
0x1a3: {  	v53 =	vld [tilespmem:$0x1C350];
	[tilespmem:$0x1800] =	vst v48  }
0x1a4: {  	v54 =	vld [tilespmem:$0x1C360];
	[tilespmem:$0x1810] =	vst v49  }
0x1a5: {  	v55 =	vld [tilespmem:$0x1C370];
	[tilespmem:$0x1820] =	vst v50  }
0x1a6: {  	v56 =	vld [tilespmem:$0x1C380];
	[tilespmem:$0x1830] =	vst v51  }
0x1a7: {  	v57 =	vld [tilespmem:$0x1C390];
	[tilespmem:$0x1840] =	vst v52  }
0x1a8: {  	v58 =	vld [tilespmem:$0x1C3A0];
	[tilespmem:$0x1850] =	vst v53  }
0x1a9: {  	v59 =	vld [tilespmem:$0x1C3B0];
	[tilespmem:$0x1860] =	vst v54  }
0x1aa: {  	v60 =	vld [tilespmem:$0x1C3C0];
	[tilespmem:$0x1870] =	vst v55  }
0x1ab: {  	[tilespmem:$0x1C00] =	vst v56;
	v61 =	vld [tilespmem:$0x1C3D0]  }
0x1ac: {  	[tilespmem:$0x1C10] =	vst v57;
	v62 =	vld [tilespmem:$0x1C3E0]  }
0x1ad: {  	[tilespmem:$0x1C20] =	vst v58;
	v63 =	vld [tilespmem:$0x1C3F0]  }
.Ltmp3:
0x1ae: {  	[tilespmem:$0x1C30] =	vst v59;
	(pc) =	sbr.rel .LBB2_3-.Ltmp3, $4  }
0x1af: {  	[tilespmem:$0x1C40] =	vst v60  }
0x1b0: {  	[tilespmem:$0x1C50] =	vst v61  }
0x1b1: {  	[tilespmem:$0x1C60] =	vst v62  }
0x1b2: {  	[tilespmem:$0x1C70] =	vst v63  }
.LBB2_4:
0x1b3: {  	_ =	sfence.sel $0x180000  }
0x1b4: {  	[bflag:$0x0] =	sbarrier.arrive $0xFFFF  }
0x1b5: {  	_ =	strace $0x90000047  }
0x1b6: {  	s0 =	stileid.u32;
	[bflag:$0x2] =	sbarrier.arrive $0xFFFF  }
0x1b7: {  	p0 =	sne.s32 s0, $0x0;
	s0 =	rddreg [dreg:$0x3]  }
0x1b8: {  	s0 =	sadd.s32 @!p0 $0x100000, s0  }
0x1b9: {  	[sflag:s0] =	ssyncadd.tile.s32 @!p0 $0x1;
	_ =	shalt  }
.Lfunc_end2:
_tile_overlayer_lowered:
.L_overlay_start_2:
0x1ba: {  	(tag) =	ssettag $0x2  }
0x1bb: {  	s0 =	rddreg [dreg:$0x0];
	s2 =	stileid.u32  }
0x1bc: {  	s1 =	rddreg [dreg:$0x1];
	p0 =	sne.s32 s2, $0x0  }
0x1bd: {  	s3 =	rddreg [dreg:$0x2];
	[bflag:$0x3] =	sbarrier.arrive $0xFFFF;
	s2 =	simm.s32 @!p0 $0x1C10  }
0x1be: {  	[timem:s3], [sflag:s2] =	dma.local @!p0 [hbm:s0], s1  }
0x1bf: {  	s0 =	simm.s32 @!p0 $0x10  }
0x1c0: {  	_ =	swait.ge @!p0 [sflag:s0], s1  }
0x1c1: {  	s1 =	ssub.s32 @!p0 $0x0, s1;
	[sflag:s0] =	ssyncset.done @!p0 $0x0  }
0x1c2: {  	[sflag:s0] =	ssyncadd.s32 @!p0 s1  }
0x1c3: {  	[bflag:$0x3] =	sbarrier.arrive $0xFFFF  }
0x1c4: {  	_ =	shalt  }

</sc_bundles>
